<compile_context>
chip_gen: v7x
topology: tpu7x:2x2x1
jax: 0.10.2.dev20260603
libtpu: 0.0.44.dev20260713+nightly
codegen_flags: <defaults>
</compile_context>

<pallas_src>
import functools

import jax
import jax.numpy as jnp
import numpy as np
from jax import lax
from jax.experimental import pallas as pl
from jax.experimental.pallas import tpu as pltpu
from jax.experimental.pallas import tpu_sc as plsc

_V = 100000
_D = 16
_F = 26
_B = 4096

_NW = 32
_RPW = _B // _NW
_NCHUNK = _RPW // 16
_NPAIR = (_F * (_F - 1)) // 2

_VT = 782
_VPAD = _VT * 128
_CPF = 98
_NCH = _F * _CPF
_RROWS = _F * _VPAD * _D // 128


def _relayout_body(embt_hbm, relay_hbm,
                   slab0_v, slab1_v, tr0_v, tr1_v,
                   isem0, isem1, osem0, osem1):
    cid = lax.axis_index("c")
    sid = lax.axis_index("s")
    wid = sid * 2 + cid

    slabs = (slab0_v, slab1_v)
    trs = (tr0_v, tr1_v)
    isems = (isem0, isem1)
    osems = (osem0, osem1)
    lanes = lax.iota(jnp.int32, 16)
    zero16i = jnp.zeros((16,), jnp.int32)

    def chunk_start(c):
        f = c // _CPF
        k = c - f * _CPF
        start = jnp.minimum(k * 1024, _VPAD - 1024)
        return f, pl.multiple_of(start, 128)

    def issue_in(c, b):
        f, start = chunk_start(c)
        pltpu.async_copy(
            embt_hbm.at[f, :, pl.ds(start, 1024)],
            slabs[b].at[:, pl.ds(0, 1024)], isems[b])

    def transpose_store(b):
        lane_lo16 = (lanes % 8) * 16
        half = lanes // 8

        def sub(s, carry):
            vbase = s * 128
            rbase = s * 16
            for g in range(4):
                cols = [plsc.load_gather(
                            slabs[b],
                            [lanes, jnp.full((16,), vbase + g * 16 + k,
                                             jnp.int32)])
                        for k in range(16)]
                for dq in range(4):
                    d = g * 4 + dq
                    lane_idx = lane_lo16 + d
                    for c in range(4):
                        seg = slabs[b][d, pl.ds(vbase + 64 + c * 16, 16)]
                        row_idx = half + (rbase + 8 + 2 * c)
                        plsc.store_scatter(trs[b], [row_idx, lane_idx], seg)
                row = rbase + 2 * g
                for k in range(16):
                    trs[b][row + k // 8, pl.ds((k % 8) * 16, 16)] = cols[k]
            return carry
        lax.fori_loop(0, 8, sub, 0)

    def issue_out(c, b):
        f, start = chunk_start(c)
        row = pl.multiple_of(f * (_VPAD // 8) + start // 8, 8)
        pltpu.async_copy(trs[b], relay_hbm.at[pl.ds(row, 128), :], osems[b])

    issue_in(wid, 0)

    nsteps = (_NCH + _NW - 1) // _NW
    def t_body(t, carry):
        for h in range(2):
            q = t * 2 + h
            c_cur = wid + q * _NW
            c_nxt = c_cur + _NW

            @pl.when(c_nxt < _NCH)
            def _():
                issue_in(c_nxt, 1 - h)

            @pl.when(c_cur < _NCH)
            def _():
                pltpu.make_async_copy(
                    embt_hbm.at[0, :, pl.ds(0, 1024)],
                    slabs[h].at[:, pl.ds(0, 1024)], isems[h]).wait()

                @pl.when(q >= 2)
                def _():
                    pltpu.make_async_copy(
                        trs[h], relay_hbm.at[pl.ds(0, 128), :],
                        osems[h]).wait()

                transpose_store(h)
                issue_out(c_cur, h)
        return carry

    lax.fori_loop(0, (nsteps + 1) // 2, t_body, 0)

    for b in range(2):
        @pl.when(jnp.int32(_NCH) > wid + b * _NW)
        def _():
            pltpu.make_async_copy(
                trs[b], relay_hbm.at[pl.ds(0, 128), :], osems[b]).wait()


@jax.jit
def _relayout(embt):
    mesh = plsc.VectorSubcoreMesh(core_axis_name="c", subcore_axis_name="s")
    fn = functools.partial(
        pl.kernel,
        mesh=mesh,
        out_type=jax.ShapeDtypeStruct((_RROWS, 128), jnp.float32),
        compiler_params=pltpu.CompilerParams(
            needs_layout_passes=False, use_tc_tiling_on_sc=True),
        scratch_types=[
            pltpu.VMEM((_D, 1025), jnp.float32),
            pltpu.VMEM((_D, 1025), jnp.float32),
            pltpu.VMEM((128, 128), jnp.float32),
            pltpu.VMEM((128, 128), jnp.float32),
            pltpu.SemaphoreType.DMA,
            pltpu.SemaphoreType.DMA,
            pltpu.SemaphoreType.DMA,
            pltpu.SemaphoreType.DMA,
        ],
    )(_relayout_body)
    return fn(embt)


def _ffm_body(xt_hbm, bias_hbm, w_hbm, emb_hbm, out_hbm,
              xt_v, bias_v,
              idxa1_v, idxa2_v, ga1_v, ga2_v,
              idxb1_v, idxb2_v, gb1_v, gb2_v,
              acc_v, wrows_v, out_v, sema, semb, wsem, xsem):
    cid = lax.axis_index("c")
    sid = lax.axis_index("s")
    wid = sid * 2 + cid
    base = wid * _RPW

    xhs = []
    for f in range(_F):
        xhs.append(pltpu.async_copy(
            xt_hbm.at[f, pl.ds(base, _RPW)], xt_v.at[f], xsem))
    pltpu.sync_copy(bias_hbm, bias_v)
    for h in xhs:
        h.wait()

    whs = []
    for f in range(_F):
        whs.append(pltpu.async_copy(w_hbm.at[xt_v.at[f]], wrows_v.at[f], wsem))

    bufs = ((idxa1_v, idxa2_v, ga1_v, ga2_v, sema),
            (idxb1_v, idxb2_v, gb1_v, gb2_v, semb))
    _NBUF = len(bufs)

    def build_issue(i, j, idx1, idx2, g1, g2, sem):
        off1 = i * _VPAD
        off2 = j * _VPAD
        for k in range(_NCHUNK):
            sl = pl.ds(k * 16, 16)
            idx1[sl] = xt_v[j, sl] + off1
            idx2[sl] = xt_v[i, sl] + off2
        pltpu.async_copy(emb_hbm.at[idx1], g1, sem)
        pltpu.async_copy(emb_hbm.at[idx2], g2, sem)

    def wait_compute(idx1, idx2, g1, g2, sem):
        pltpu.make_async_copy(emb_hbm.at[idx1], g1, sem).wait()
        pltpu.make_async_copy(emb_hbm.at[idx2], g2, sem).wait()

        for r0 in range(0, _RPW, 4):
            a = [g1[r0 + k] for k in range(4)]
            b = [g2[r0 + k] for k in range(4)]
            for k in range(4):
                plsc.addupdate(acc_v.at[r0 + k], a[k] * b[k])

    def advance(i, j):
        wrap = (j + 1) >= _F
        ni = jnp.where(wrap, i + 1, i)
        nj = jnp.where(wrap, i + 2, j + 1)
        return ni, nj

    bi, bj = 0, 1
    for q in range(_NBUF - 1):
        build_issue(bi, bj, *bufs[q])
        bi, bj = (bi, bj + 1) if bj + 1 < _F else (bi + 1, bi + 2)

    zeros16 = jnp.zeros((16,), jnp.float32)

    for r in range(_RPW):
        acc_v[r] = zeros16

    def t_body(t, carry):
        bi, bj = carry
        for h in range(_NBUF):
            p = t * _NBUF + h

            @pl.when(p + _NBUF - 1 < _NPAIR)
            def _():
                build_issue(bi, bj, *bufs[(h + _NBUF - 1) % _NBUF])

            @pl.when(p < _NPAIR)
            def _():
                wait_compute(*bufs[h])

            bi, bj = advance(bi, bj)
        return (bi, bj)

    nsteps = (_NPAIR + _NBUF - 1) // _NBUF
    lax.fori_loop(0, nsteps, t_body, (jnp.int32(bi), jnp.int32(bj)))

    for h in whs:
        h.wait()

    bvec = bias_v[...]
    lanes16 = lax.iota(jnp.int32, 16)
    for k in range(_NCHUNK):
        sl = pl.ds(k * 16, 16)
        rows = lanes16 + k * 16
        z = plsc.load_gather(acc_v, [rows, jnp.zeros((16,), jnp.int32)])
        for l in range(1, 16):
            z = z + plsc.load_gather(acc_v, [rows, jnp.full((16,), l, jnp.int32)])
        z = z + bvec
        for f in range(_F):
            z = z + wrows_v[f, sl]
        out_v[sl] = 1.0 / (1.0 + jnp.exp(-z))
    pltpu.sync_copy(out_v, out_hbm.at[pl.ds(base, _RPW)])


@jax.jit
def _ffm(xt, bias16, w_flat, emb_flat):
    mesh = plsc.VectorSubcoreMesh(core_axis_name="c", subcore_axis_name="s")
    fn = functools.partial(
        pl.kernel,
        mesh=mesh,
        out_type=jax.ShapeDtypeStruct((_B,), jnp.float32),
        compiler_params=pltpu.CompilerParams(
            needs_layout_passes=False, use_tc_tiling_on_sc=False),
        scratch_types=[
            pltpu.VMEM((_F, _RPW), jnp.int32),
            pltpu.VMEM((16,), jnp.float32),
            pltpu.VMEM((_RPW,), jnp.int32),
            pltpu.VMEM((_RPW,), jnp.int32),
            pltpu.VMEM((_RPW, _D), jnp.float32),
            pltpu.VMEM((_RPW, _D), jnp.float32),
            pltpu.VMEM((_RPW,), jnp.int32),
            pltpu.VMEM((_RPW,), jnp.int32),
            pltpu.VMEM((_RPW, _D), jnp.float32),
            pltpu.VMEM((_RPW, _D), jnp.float32),
            pltpu.VMEM((_RPW, _D), jnp.float32),
            pltpu.VMEM((_F, _RPW), jnp.float32),
            pltpu.VMEM((_RPW,), jnp.float32),
            pltpu.SemaphoreType.DMA,
            pltpu.SemaphoreType.DMA,
            pltpu.SemaphoreType.DMA,
            pltpu.SemaphoreType.DMA,
        ],
    )(_ffm_body)
    return fn(xt, bias16, w_flat, emb_flat)


def kernel(item_tag1, item_tag2, item_tag3, item_tag4, item_tag5, item_tag6,
           item_tag7, item_tag8, item_tag9, item_tag10, item_tag11,
           item_tag12, item_tag13, item_tag14, item_tag15, item_tag16,
           item_tag17, item_tag18, item_tag19, item_tag20, item_tag21,
           item_tag22, item_tag23, item_tag24, item_tag25, item_tag26,
           bias, w_table, emb_tables):
    tags = [item_tag1, item_tag2, item_tag3, item_tag4, item_tag5, item_tag6,
            item_tag7, item_tag8, item_tag9, item_tag10, item_tag11,
            item_tag12, item_tag13, item_tag14, item_tag15, item_tag16,
            item_tag17, item_tag18, item_tag19, item_tag20, item_tag21,
            item_tag22, item_tag23, item_tag24, item_tag25, item_tag26]
    xt = jnp.stack(tags, axis=0)
    embt = jnp.transpose(emb_tables, (0, 2, 1))
    relay = _relayout(embt)
    emb_flat = relay.reshape(_F * _VPAD, _D)
    w_flat = w_table.reshape(_V)
    bias16 = jnp.broadcast_to(bias, (16,))
    out = _ffm(xt, bias16, w_flat, emb_flat)
    return out.reshape(_B, 1)

# --- scband reference (transcript-rebuilt; emitter-appended) ---
"""Pipeline reference for scband-ffmranking-layer-11974368821308 (READ-ONLY COPY).

The authoritative reference and input builder live on the scoring server;
editing this copy changes nothing except your own understanding.
"""

import jax, jax.numpy as jnp
import numpy as np

V = 100000
D = 16
F = 26
B = 4096


def setup_inputs(seed: int = 0) -> dict:
    key = jax.random.key(seed)
    inp = {}
    for i in range(F):
        inp[f"item_tag{i+1}"] = jax.random.randint(jax.random.fold_in(key, i), (B,), 0, V, dtype=jnp.int32)
    inp["bias"] = jnp.zeros((1,), dtype=jnp.float32)
    inp["w_table"] = jax.random.normal(jax.random.fold_in(key, 100), (V, 1), dtype=jnp.float32) * 0.05
    inp["emb_tables"] = jax.random.normal(jax.random.fold_in(key, 101), (F, V, D), dtype=jnp.float32) * 0.05
    return inp


def reference(
    item_tag1, item_tag2, item_tag3, item_tag4, item_tag5, item_tag6,
    item_tag7, item_tag8, item_tag9, item_tag10, item_tag11, item_tag12,
    item_tag13, item_tag14, item_tag15, item_tag16, item_tag17, item_tag18,
    item_tag19, item_tag20, item_tag21, item_tag22, item_tag23, item_tag24,
    item_tag25, item_tag26, bias, w_table, emb_tables,
):
    tags = [
        item_tag1, item_tag2, item_tag3, item_tag4, item_tag5, item_tag6,
        item_tag7, item_tag8, item_tag9, item_tag10, item_tag11, item_tag12,
        item_tag13, item_tag14, item_tag15, item_tag16, item_tag17, item_tag18,
        item_tag19, item_tag20, item_tag21, item_tag22, item_tag23, item_tag24,
        item_tag25, item_tag26,
    ]
    # concat all field index columns -> X: [B, F]
    X = jnp.stack(tags, axis=1)
    # first order: w lookup over all F columns, summed over fields -> [B, 1]
    w_output = jnp.take(w_table, X, axis=0)  # [B, F, 1]
    first_order = jnp.sum(w_output, axis=1)  # [B, 1]
    # field-aware embeddings: each of the F tables looks up all F columns
    ebd_all = jnp.take(emb_tables, X, axis=1)  # [F, B, F, D]
    ii, jj = np.triu_indices(F, k=1)  # pairs (i < j), P = F*(F-1)/2
    # interactions[p] = ebd_out[i][:, j] * ebd_out[j][:, i]
    inter = ebd_all[ii, :, jj, :] * ebd_all[jj, :, ii, :]  # [P, B, D]
    second_order = jnp.sum(inter, axis=(0, 2))[:, None]  # [B, 1]
    output = jax.nn.sigmoid(bias + first_order + second_order)
    return output

if __name__ == "__main__":
    import jax
    _d = setup_inputs()
    print(jax.jit(kernel)(*tuple(_d.values())))

</pallas_src>

<mosaic_0001>
#map = affine_map<(d0, d1) -> (0, 0, 0)>
#map1 = affine_map<(d0, d1) -> (0, 0)>
module attributes {stable_mosaic.version = 14 : i64} {
  func.func @_relayout_body(%arg0: i32, %arg1: i32, %arg2: memref<26x16x100000xf32, #tpu.memory_space<hbm>>, %arg3: memref<325312x128xf32, #tpu.memory_space<hbm>>, %arg4: memref<16x1025xf32, #tpu.memory_space<vmem>>, %arg5: memref<16x1025xf32, #tpu.memory_space<vmem>>, %arg6: memref<128x128xf32, #tpu.memory_space<vmem>>, %arg7: memref<128x128xf32, #tpu.memory_space<vmem>>, %arg8: memref<!tpu.dma_semaphore, #tpu.memory_space<semaphore_mem>>, %arg9: memref<!tpu.dma_semaphore, #tpu.memory_space<semaphore_mem>>, %arg10: memref<!tpu.dma_semaphore, #tpu.memory_space<semaphore_mem>>, %arg11: memref<!tpu.dma_semaphore, #tpu.memory_space<semaphore_mem>>) attributes {dimension_semantics = [#tpu.dimension_semantics<core_parallel>, #tpu.dimension_semantics<subcore_parallel>], iteration_bounds = array<i64: 2, 16>, scalar_prefetch = 0 : i64, scratch_operands = 8 : i64, tpu.core_type = #tpu.core_type<sc_vector_subcore>, window_params = [{transform_indices = #map}, {transform_indices = #map1}]} {
    %mul3A = arith.constant 2 : i32
    %mul3A_0 = arith.muli %arg1, %mul3A : i32
    %add3A = arith.addi %mul3A_0, %arg0 : i32
    %iota3A = tpu.iota {dimensions = array<i32: 0>} : vector<16xi32>
    %broadcast_in_dim3A = arith.constant 0 : i32
    %broadcast_in_dim3A_1 = vector.broadcast %broadcast_in_dim3A : i32 to vector<16xi32>
    %jit3A = arith.constant 98 : i32
    %div3A = arith.divsi %add3A, %jit3A : i32
    %sign3A = arith.constant 0 : i32
    %sign3A_2 = arith.cmpi sgt, %add3A, %sign3A : i32
    %sign3A_3 = arith.extui %sign3A_2 : i1 to i32
    %sign3A_4 = arith.constant 0 : i32
    %sign3A_5 = arith.cmpi slt, %add3A, %sign3A_4 : i32
    %sign3A_6 = arith.extui %sign3A_5 : i1 to i32
    %sign3A_7 = arith.subi %sign3A_3, %sign3A_6 : i32
    %sign3A_8 = arith.constant 0 : i32
    %sign3A_9 = arith.cmpi sgt, %jit3A, %sign3A_8 : i32
    %sign3A_10 = arith.extui %sign3A_9 : i1 to i32
    %sign3A_11 = arith.constant 0 : i32
    %sign3A_12 = arith.cmpi slt, %jit3A, %sign3A_11 : i32
    %sign3A_13 = arith.extui %sign3A_12 : i1 to i32
    %sign3A_14 = arith.subi %sign3A_10, %sign3A_13 : i32
    %ne3A = arith.cmpi ne, %sign3A_7, %sign3A_14 : i32
    %rem3A = arith.remsi %add3A, %jit3A : i32
    %ne3A_15 = arith.constant 0 : i32
    %ne3A_16 = arith.cmpi ne, %rem3A, %ne3A_15 : i32
    %and3A = arith.andi %ne3A, %ne3A_16 : i1
    %sub3A = arith.constant 1 : i32
    %sub3A_17 = arith.subi %div3A, %sub3A : i32
    %select_n3A = arith.select %and3A, %sub3A_17, %div3A : i32
    %mul3A_18 = arith.constant 98 : i32
    %mul3A_19 = arith.muli %select_n3A, %mul3A_18 : i32
    %sub3A_20 = arith.subi %add3A, %mul3A_19 : i32
    %mul3A_21 = arith.constant 1024 : i32
    %mul3A_22 = arith.muli %sub3A_20, %mul3A_21 : i32
    %min3A = arith.constant 99072 : i32
    %min3A_23 = arith.minsi %mul3A_22, %min3A : i32
    %multiple_of3A = tpu.assume_multiple %min3A_23, 128 : i32
    %dma_start3A = arith.constant 0 : i32
    %dma_start3A_24 = arith.constant 0 : i32
    %dma_start3A_25 = tpu.memref_slice %arg4[%dma_start3A, %dma_start3A_24] : memref<16x1025xf32, #tpu.memory_space<vmem>> -> memref<16x1024xf32, #tpu.memory_space<vmem>>
    %dma_start3A_26 = arith.constant 0 : i32
    %dma_start3A_27 = tpu.memref_slice %arg2[%select_n3A, %dma_start3A_26, %multiple_of3A] : memref<26x16x100000xf32, #tpu.memory_space<hbm>> -> memref<1x16x1024xf32, #tpu.memory_space<hbm>>
    %dma_start3A_28 = tpu.memref_squeeze %dma_start3A_27 : memref<1x16x1024xf32, #tpu.memory_space<hbm>> -> memref<16x1024xf32, #tpu.memory_space<hbm>>
    %dma_start3A_29 = arith.constant 0 : i32
    %dma_start3A_30 = arith.constant 0 : i32
    %dma_start3A_31 = tpu.memref_slice %arg4[%dma_start3A_29, %dma_start3A_30] : memref<16x1025xf32, #tpu.memory_space<vmem>> -> memref<16x1024xf32, #tpu.memory_space<vmem>>
    %dma_start3A_32 = arith.constant 0 : i32
    %dma_start3A_33 = tpu.memref_slice %arg2[%select_n3A, %dma_start3A_32, %multiple_of3A] : memref<26x16x100000xf32, #tpu.memory_space<hbm>> -> memref<1x16x1024xf32, #tpu.memory_space<hbm>>
    %dma_start3A_34 = tpu.memref_squeeze %dma_start3A_33 : memref<1x16x1024xf32, #tpu.memory_space<hbm>> -> memref<16x1024xf32, #tpu.memory_space<hbm>>
    tpu.enqueue_dma source(%dma_start3A_34 : memref<16x1024xf32, #tpu.memory_space<hbm>>) target(%dma_start3A_31 : memref<16x1024xf32, #tpu.memory_space<vmem>>) target_semaphore(%arg8 : memref<!tpu.dma_semaphore, #tpu.memory_space<semaphore_mem>>)
    %scan3A = arith.constant 0 : i32
    %scan3A_35 = arith.constant 0 : i32
    %scan3A_36 = arith.constant 40 : i32
    %scan3A_37 = arith.addi %scan3A_35, %scan3A_36 : i32
    %scan3A_38 = arith.constant 1 : i32
    scf.for %scan3A_51 = %scan3A_35 to %scan3A_37 step %scan3A_38  : i32 {
      %mul3A_52 = arith.constant 2 : i32
      %mul3A_53 = arith.muli %scan3A_51, %mul3A_52 : i32
      %add3A_54 = arith.constant 0 : i32
      %add3A_55 = arith.addi %mul3A_53, %add3A_54 : i32
      %mul3A_56 = arith.constant 32 : i32
      %mul3A_57 = arith.muli %add3A_55, %mul3A_56 : i32
      %add3A_58 = arith.addi %add3A, %mul3A_57 : i32
      %add3A_59 = arith.constant 32 : i32
      %add3A_60 = arith.addi %add3A_58, %add3A_59 : i32
      %lt3A = arith.constant 2548 : i32
      %lt3A_61 = arith.cmpi slt, %add3A_60, %lt3A : i32
      %convert_element_type3A_62 = arith.extui %lt3A_61 : i1 to i32
      %cond3A_63 = arith.constant 0 : i32
      %cond3A_64 = arith.cmpi ne, %convert_element_type3A_62, %cond3A_63 : i32
      scf.if %cond3A_64 {
        %jit3A_89 = arith.constant 98 : i32
        %div3A_90 = arith.divsi %add3A_60, %jit3A_89 : i32
        %sign3A_91 = arith.constant 0 : i32
        %sign3A_92 = arith.cmpi sgt, %add3A_60, %sign3A_91 : i32
        %sign3A_93 = arith.extui %sign3A_92 : i1 to i32
        %sign3A_94 = arith.constant 0 : i32
        %sign3A_95 = arith.cmpi slt, %add3A_60, %sign3A_94 : i32
        %sign3A_96 = arith.extui %sign3A_95 : i1 to i32
        %sign3A_97 = arith.subi %sign3A_93, %sign3A_96 : i32
        %sign3A_98 = arith.constant 0 : i32
        %sign3A_99 = arith.cmpi sgt, %jit3A_89, %sign3A_98 : i32
        %sign3A_100 = arith.extui %sign3A_99 : i1 to i32
        %sign3A_101 = arith.constant 0 : i32
        %sign3A_102 = arith.cmpi slt, %jit3A_89, %sign3A_101 : i32
        %sign3A_103 = arith.extui %sign3A_102 : i1 to i32
        %sign3A_104 = arith.subi %sign3A_100, %sign3A_103 : i32
        %ne3A_105 = arith.cmpi ne, %sign3A_97, %sign3A_104 : i32
        %rem3A_106 = arith.remsi %add3A_60, %jit3A_89 : i32
        %ne3A_107 = arith.constant 0 : i32
        %ne3A_108 = arith.cmpi ne, %rem3A_106, %ne3A_107 : i32
        %and3A_109 = arith.andi %ne3A_105, %ne3A_108 : i1
        %sub3A_110 = arith.constant 1 : i32
        %sub3A_111 = arith.subi %div3A_90, %sub3A_110 : i32
        %select_n3A_112 = arith.select %and3A_109, %sub3A_111, %div3A_90 : i32
        %mul3A_113 = arith.constant 98 : i32
        %mul3A_114 = arith.muli %select_n3A_112, %mul3A_113 : i32
        %sub3A_115 = arith.subi %add3A_60, %mul3A_114 : i32
        %mul3A_116 = arith.constant 1024 : i32
        %mul3A_117 = arith.muli %sub3A_115, %mul3A_116 : i32
        %min3A_118 = arith.constant 99072 : i32
        %min3A_119 = arith.minsi %mul3A_117, %min3A_118 : i32
        %multiple_of3A_120 = tpu.assume_multiple %min3A_119, 128 : i32
        %dma_start3A_121 = arith.constant 0 : i32
        %dma_start3A_122 = arith.constant 0 : i32
        %dma_start3A_123 = tpu.memref_slice %arg5[%dma_start3A_121, %dma_start3A_122] : memref<16x1025xf32, #tpu.memory_space<vmem>> -> memref<16x1024xf32, #tpu.memory_space<vmem>>
        %dma_start3A_124 = arith.constant 0 : i32
        %dma_start3A_125 = tpu.memref_slice %arg2[%select_n3A_112, %dma_start3A_124, %multiple_of3A_120] : memref<26x16x100000xf32, #tpu.memory_space<hbm>> -> memref<1x16x1024xf32, #tpu.memory_space<hbm>>
        %dma_start3A_126 = tpu.memref_squeeze %dma_start3A_125 : memref<1x16x1024xf32, #tpu.memory_space<hbm>> -> memref<16x1024xf32, #tpu.memory_space<hbm>>
        %dma_start3A_127 = arith.constant 0 : i32
        %dma_start3A_128 = arith.constant 0 : i32
        %dma_start3A_129 = tpu.memref_slice %arg5[%dma_start3A_127, %dma_start3A_128] : memref<16x1025xf32, #tpu.memory_space<vmem>> -> memref<16x1024xf32, #tpu.memory_space<vmem>>
        %dma_start3A_130 = arith.constant 0 : i32
        %dma_start3A_131 = tpu.memref_slice %arg2[%select_n3A_112, %dma_start3A_130, %multiple_of3A_120] : memref<26x16x100000xf32, #tpu.memory_space<hbm>> -> memref<1x16x1024xf32, #tpu.memory_space<hbm>>
        %dma_start3A_132 = tpu.memref_squeeze %dma_start3A_131 : memref<1x16x1024xf32, #tpu.memory_space<hbm>> -> memref<16x1024xf32, #tpu.memory_space<hbm>>
        tpu.enqueue_dma source(%dma_start3A_132 : memref<16x1024xf32, #tpu.memory_space<hbm>>) target(%dma_start3A_129 : memref<16x1024xf32, #tpu.memory_space<vmem>>) target_semaphore(%arg9 : memref<!tpu.dma_semaphore, #tpu.memory_space<semaphore_mem>>)
      } else {
      }
      %lt3A_65 = arith.constant 2548 : i32
      %lt3A_66 = arith.cmpi slt, %add3A_58, %lt3A_65 : i32
      %convert_element_type3A_67 = arith.extui %lt3A_66 : i1 to i32
      %cond3A_68 = arith.constant 0 : i32
      %cond3A_69 = arith.cmpi ne, %convert_element_type3A_67, %cond3A_68 : i32
      scf.if %cond3A_69 {
        %dma_wait3A = arith.constant 0 : i32
        %dma_wait3A_89 = arith.constant 0 : i32
        %dma_wait3A_90 = arith.constant 0 : i32
        %dma_wait3A_91 = tpu.memref_slice %arg4[%dma_wait3A_89, %dma_wait3A_90] : memref<16x1025xf32, #tpu.memory_space<vmem>> -> memref<16x1024xf32, #tpu.memory_space<vmem>>
        %dma_wait3A_92 = arith.constant 0 : i32
        %dma_wait3A_93 = arith.constant 0 : i32
        %dma_wait3A_94 = tpu.memref_slice %arg2[%dma_wait3A, %dma_wait3A_92, %dma_wait3A_93] : memref<26x16x100000xf32, #tpu.memory_space<hbm>> -> memref<1x16x1024xf32, #tpu.memory_space<hbm>>
        %dma_wait3A_95 = tpu.memref_squeeze %dma_wait3A_94 : memref<1x16x1024xf32, #tpu.memory_space<hbm>> -> memref<16x1024xf32, #tpu.memory_space<hbm>>
        %dma_wait3A_96 = arith.constant 0 : i32
        %dma_wait3A_97 = arith.constant 0 : i32
        %dma_wait3A_98 = tpu.memref_slice %arg4[%dma_wait3A_96, %dma_wait3A_97] : memref<16x1025xf32, #tpu.memory_space<vmem>> -> memref<16x1024xf32, #tpu.memory_space<vmem>>
        %dma_wait3A_99 = arith.constant 0 : i32
        %dma_wait3A_100 = arith.constant 0 : i32
        %dma_wait3A_101 = tpu.memref_slice %arg2[%dma_wait3A, %dma_wait3A_99, %dma_wait3A_100] : memref<26x16x100000xf32, #tpu.memory_space<hbm>> -> memref<1x16x1024xf32, #tpu.memory_space<hbm>>
        %dma_wait3A_102 = tpu.memref_squeeze %dma_wait3A_101 : memref<1x16x1024xf32, #tpu.memory_space<hbm>> -> memref<16x1024xf32, #tpu.memory_space<hbm>>
        tpu.wait_dma2 semaphore(%arg8 : memref<!tpu.dma_semaphore, #tpu.memory_space<semaphore_mem>>) src(%dma_wait3A_102 : memref<16x1024xf32, #tpu.memory_space<hbm>>) dst(%dma_wait3A_98 : memref<16x1024xf32, #tpu.memory_space<vmem>>)
        %ge3A = arith.constant 2 : i32
        %ge3A_103 = arith.cmpi sge, %add3A_55, %ge3A : i32
        %convert_element_type3A_104 = arith.extui %ge3A_103 : i1 to i32
        %cond3A_105 = arith.constant 0 : i32
        %cond3A_106 = arith.cmpi ne, %convert_element_type3A_104, %cond3A_105 : i32
        scf.if %cond3A_106 {
          %dma_wait3A_232 = arith.constant 0 : i32
          %dma_wait3A_233 = arith.constant 0 : i32
          %dma_wait3A_234 = tpu.memref_slice %arg3[%dma_wait3A_232, %dma_wait3A_233] : memref<325312x128xf32, #tpu.memory_space<hbm>> -> memref<128x128xf32, #tpu.memory_space<hbm>>
          %dma_wait3A_235 = arith.constant 0 : i32
          %dma_wait3A_236 = arith.constant 0 : i32
          %dma_wait3A_237 = tpu.memref_slice %arg3[%dma_wait3A_235, %dma_wait3A_236] : memref<325312x128xf32, #tpu.memory_space<hbm>> -> memref<128x128xf32, #tpu.memory_space<hbm>>
          tpu.wait_dma2 semaphore(%arg10 : memref<!tpu.dma_semaphore, #tpu.memory_space<semaphore_mem>>) src(%arg6 : memref<128x128xf32, #tpu.memory_space<vmem>>) dst(%dma_wait3A_237 : memref<128x128xf32, #tpu.memory_space<hbm>>)
        } else {
        }
        %jit3A_107 = arith.constant 8 : i32
        %eq3A = arith.constant 0 : i32
        %eq3A_108 = arith.cmpi eq, %jit3A_107, %eq3A : i32
        %jit3A_109 = arith.constant 1 : i32
        %select_n3A_110 = arith.select %eq3A_108, %jit3A_109, %jit3A_107 : i32
        %rem3A_111 = vector.broadcast %select_n3A_110 : i32 to vector<16xi32>
        %rem3A_112 = arith.remsi %iota3A, %rem3A_111 : vector<16xi32>
        %ne3A_113 = arith.constant 0 : i32
        %ne3A_114 = vector.broadcast %ne3A_113 : i32 to vector<16xi32>
        %ne3A_115 = arith.cmpi ne, %rem3A_112, %ne3A_114 : vector<16xi32>
        %lt3A_116 = arith.constant 0 : i32
        %lt3A_117 = vector.broadcast %lt3A_116 : i32 to vector<16xi32>
        %lt3A_118 = arith.cmpi slt, %rem3A_112, %lt3A_117 : vector<16xi32>
        %lt3A_119 = arith.constant 0 : i32
        %lt3A_120 = arith.cmpi slt, %select_n3A_110, %lt3A_119 : i32
        %ne3A_121 = vector.broadcast %lt3A_120 : i1 to vector<16xi1>
        %ne3A_122 = vector.broadcast %ne3A_121 : vector<16xi1> to vector<16xi1>
        %ne3A_123 = arith.xori %lt3A_118, %ne3A_122 : vector<16xi1>
        %and3A_124 = arith.andi %ne3A_123, %ne3A_115 : vector<16xi1>
        %add3A_125 = vector.broadcast %select_n3A_110 : i32 to vector<16xi32>
        %add3A_126 = arith.addi %rem3A_112, %add3A_125 : vector<16xi32>
        %select_n3A_127 = arith.select %and3A_124, %add3A_126, %rem3A_112 : vector<16xi1>, vector<16xi32>
        %mul3A_128 = arith.constant 16 : i32
        %mul3A_129 = vector.broadcast %mul3A_128 : i32 to vector<16xi32>
        %mul3A_130 = arith.muli %select_n3A_127, %mul3A_129 : vector<16xi32>
        %jit3A_131 = arith.constant 8 : i32
        %div3A_132 = vector.broadcast %jit3A_131 : i32 to vector<16xi32>
        %div3A_133 = arith.divsi %iota3A, %div3A_132 : vector<16xi32>
        %sign3A_134 = arith.constant 0 : i32
        %sign3A_135 = vector.broadcast %sign3A_134 : i32 to vector<16xi32>
        %sign3A_136 = arith.cmpi sgt, %iota3A, %sign3A_135 : vector<16xi32>
        %sign3A_137 = arith.extui %sign3A_136 : vector<16xi1> to vector<16xi32>
        %sign3A_138 = arith.constant 0 : i32
        %sign3A_139 = vector.broadcast %sign3A_138 : i32 to vector<16xi32>
        %sign3A_140 = arith.cmpi slt, %iota3A, %sign3A_139 : vector<16xi32>
        %sign3A_141 = arith.extui %sign3A_140 : vector<16xi1> to vector<16xi32>
        %sign3A_142 = arith.subi %sign3A_137, %sign3A_141 : vector<16xi32>
        %sign3A_143 = arith.constant 0 : i32
        %sign3A_144 = arith.cmpi sgt, %jit3A_131, %sign3A_143 : i32
        %sign3A_145 = arith.extui %sign3A_144 : i1 to i32
        %sign3A_146 = arith.constant 0 : i32
        %sign3A_147 = arith.cmpi slt, %jit3A_131, %sign3A_146 : i32
        %sign3A_148 = arith.extui %sign3A_147 : i1 to i32
        %sign3A_149 = arith.subi %sign3A_145, %sign3A_148 : i32
        %ne3A_150 = vector.broadcast %sign3A_149 : i32 to vector<16xi32>
        %ne3A_151 = arith.cmpi ne, %sign3A_142, %ne3A_150 : vector<16xi32>
        %rem3A_152 = vector.broadcast %jit3A_131 : i32 to vector<16xi32>
        %rem3A_153 = arith.remsi %iota3A, %rem3A_152 : vector<16xi32>
        %ne3A_154 = arith.constant 0 : i32
        %ne3A_155 = vector.broadcast %ne3A_154 : i32 to vector<16xi32>
        %ne3A_156 = arith.cmpi ne, %rem3A_153, %ne3A_155 : vector<16xi32>
        %and3A_157 = arith.andi %ne3A_151, %ne3A_156 : vector<16xi1>
        %sub3A_158 = arith.constant 1 : i32
        %sub3A_159 = vector.broadcast %sub3A_158 : i32 to vector<16xi32>
        %sub3A_160 = arith.subi %div3A_133, %sub3A_159 : vector<16xi32>
        %select_n3A_161 = arith.select %and3A_157, %sub3A_160, %div3A_133 : vector<16xi1>, vector<16xi32>
        %scan3A_162 = arith.constant 0 : i32
        %scan3A_163 = arith.constant 0 : i32
        %scan3A_164 = arith.constant 8 : i32
        %scan3A_165 = arith.addi %scan3A_163, %scan3A_164 : i32
        %scan3A_166 = arith.constant 1 : i32
        scf.for %scan3A_232 = %scan3A_163 to %scan3A_165 step %scan3A_166  : i32 {
          %mul3A_233 = arith.constant 128 : i32
          %mul3A_234 = arith.muli %scan3A_232, %mul3A_233 : i32
          %mul3A_235 = arith.constant 16 : i32
          %mul3A_236 = arith.muli %scan3A_232, %mul3A_235 : i32
          %add3A_237 = arith.constant 0 : i32
          %add3A_238 = arith.addi %mul3A_234, %add3A_237 : i32
          %add3A_239 = arith.constant 0 : i32
          %add3A_240 = arith.addi %add3A_238, %add3A_239 : i32
          %broadcast_in_dim3A_241 = vector.broadcast %add3A_240 : i32 to vector<16xi32>
          %gather3A = tpu.vector_load_idx %arg4[%iota3A, %broadcast_in_dim3A_241] : memref<16x1025xf32, #tpu.memory_space<vmem>>[vector<16xi32>, vector<16xi32>], vector<16xf32>,
          %add3A_242 = arith.constant 0 : i32
          %add3A_243 = arith.addi %mul3A_234, %add3A_242 : i32
          %add3A_244 = arith.constant 1 : i32
          %add3A_245 = arith.addi %add3A_243, %add3A_244 : i32
          %broadcast_in_dim3A_246 = vector.broadcast %add3A_245 : i32 to vector<16xi32>
          %gather3A_247 = tpu.vector_load_idx %arg4[%iota3A, %broadcast_in_dim3A_246] : memref<16x1025xf32, #tpu.memory_space<vmem>>[vector<16xi32>, vector<16xi32>], vector<16xf32>,
          %add3A_248 = arith.constant 0 : i32
          %add3A_249 = arith.addi %mul3A_234, %add3A_248 : i32
          %add3A_250 = arith.constant 2 : i32
          %add3A_251 = arith.addi %add3A_249, %add3A_250 : i32
          %broadcast_in_dim3A_252 = vector.broadcast %add3A_251 : i32 to vector<16xi32>
          %gather3A_253 = tpu.vector_load_idx %arg4[%iota3A, %broadcast_in_dim3A_252] : memref<16x1025xf32, #tpu.memory_space<vmem>>[vector<16xi32>, vector<16xi32>], vector<16xf32>,
          %add3A_254 = arith.constant 0 : i32
          %add3A_255 = arith.addi %mul3A_234, %add3A_254 : i32
          %add3A_256 = arith.constant 3 : i32
          %add3A_257 = arith.addi %add3A_255, %add3A_256 : i32
          %broadcast_in_dim3A_258 = vector.broadcast %add3A_257 : i32 to vector<16xi32>
          %gather3A_259 = tpu.vector_load_idx %arg4[%iota3A, %broadcast_in_dim3A_258] : memref<16x1025xf32, #tpu.memory_space<vmem>>[vector<16xi32>, vector<16xi32>], vector<16xf32>,
          %add3A_260 = arith.constant 0 : i32
          %add3A_261 = arith.addi %mul3A_234, %add3A_260 : i32
          %add3A_262 = arith.constant 4 : i32
          %add3A_263 = arith.addi %add3A_261, %add3A_262 : i32
          %broadcast_in_dim3A_264 = vector.broadcast %add3A_263 : i32 to vector<16xi32>
          %gather3A_265 = tpu.vector_load_idx %arg4[%iota3A, %broadcast_in_dim3A_264] : memref<16x1025xf32, #tpu.memory_space<vmem>>[vector<16xi32>, vector<16xi32>], vector<16xf32>,
          %add3A_266 = arith.constant 0 : i32
          %add3A_267 = arith.addi %mul3A_234, %add3A_266 : i32
          %add3A_268 = arith.constant 5 : i32
          %add3A_269 = arith.addi %add3A_267, %add3A_268 : i32
          %broadcast_in_dim3A_270 = vector.broadcast %add3A_269 : i32 to vector<16xi32>
          %gather3A_271 = tpu.vector_load_idx %arg4[%iota3A, %broadcast_in_dim3A_270] : memref<16x1025xf32, #tpu.memory_space<vmem>>[vector<16xi32>, vector<16xi32>], vector<16xf32>,
          %add3A_272 = arith.constant 0 : i32
          %add3A_273 = arith.addi %mul3A_234, %add3A_272 : i32
          %add3A_274 = arith.constant 6 : i32
          %add3A_275 = arith.addi %add3A_273, %add3A_274 : i32
          %broadcast_in_dim3A_276 = vector.broadcast %add3A_275 : i32 to vector<16xi32>
          %gather3A_277 = tpu.vector_load_idx %arg4[%iota3A, %broadcast_in_dim3A_276] : memref<16x1025xf32, #tpu.memory_space<vmem>>[vector<16xi32>, vector<16xi32>], vector<16xf32>,
          %add3A_278 = arith.constant 0 : i32
          %add3A_279 = arith.addi %mul3A_234, %add3A_278 : i32
          %add3A_280 = arith.constant 7 : i32
          %add3A_281 = arith.addi %add3A_279, %add3A_280 : i32
          %broadcast_in_dim3A_282 = vector.broadcast %add3A_281 : i32 to vector<16xi32>
          %gather3A_283 = tpu.vector_load_idx %arg4[%iota3A, %broadcast_in_dim3A_282] : memref<16x1025xf32, #tpu.memory_space<vmem>>[vector<16xi32>, vector<16xi32>], vector<16xf32>,
          %add3A_284 = arith.constant 0 : i32
          %add3A_285 = arith.addi %mul3A_234, %add3A_284 : i32
          %add3A_286 = arith.constant 8 : i32
          %add3A_287 = arith.addi %add3A_285, %add3A_286 : i32
          %broadcast_in_dim3A_288 = vector.broadcast %add3A_287 : i32 to vector<16xi32>
          %gather3A_289 = tpu.vector_load_idx %arg4[%iota3A, %broadcast_in_dim3A_288] : memref<16x1025xf32, #tpu.memory_space<vmem>>[vector<16xi32>, vector<16xi32>], vector<16xf32>,
          %add3A_290 = arith.constant 0 : i32
          %add3A_291 = arith.addi %mul3A_234, %add3A_290 : i32
          %add3A_292 = arith.constant 9 : i32
          %add3A_293 = arith.addi %add3A_291, %add3A_292 : i32
          %broadcast_in_dim3A_294 = vector.broadcast %add3A_293 : i32 to vector<16xi32>
          %gather3A_295 = tpu.vector_load_idx %arg4[%iota3A, %broadcast_in_dim3A_294] : memref<16x1025xf32, #tpu.memory_space<vmem>>[vector<16xi32>, vector<16xi32>], vector<16xf32>,
          %add3A_296 = arith.constant 0 : i32
          %add3A_297 = arith.addi %mul3A_234, %add3A_296 : i32
          %add3A_298 = arith.constant 10 : i32
          %add3A_299 = arith.addi %add3A_297, %add3A_298 : i32
          %broadcast_in_dim3A_300 = vector.broadcast %add3A_299 : i32 to vector<16xi32>
          %gather3A_301 = tpu.vector_load_idx %arg4[%iota3A, %broadcast_in_dim3A_300] : memref<16x1025xf32, #tpu.memory_space<vmem>>[vector<16xi32>, vector<16xi32>], vector<16xf32>,
          %add3A_302 = arith.constant 0 : i32
          %add3A_303 = arith.addi %mul3A_234, %add3A_302 : i32
          %add3A_304 = arith.constant 11 : i32
          %add3A_305 = arith.addi %add3A_303, %add3A_304 : i32
          %broadcast_in_dim3A_306 = vector.broadcast %add3A_305 : i32 to vector<16xi32>
          %gather3A_307 = tpu.vector_load_idx %arg4[%iota3A, %broadcast_in_dim3A_306] : memref<16x1025xf32, #tpu.memory_space<vmem>>[vector<16xi32>, vector<16xi32>], vector<16xf32>,
          %add3A_308 = arith.constant 0 : i32
          %add3A_309 = arith.addi %mul3A_234, %add3A_308 : i32
          %add3A_310 = arith.constant 12 : i32
          %add3A_311 = arith.addi %add3A_309, %add3A_310 : i32
          %broadcast_in_dim3A_312 = vector.broadcast %add3A_311 : i32 to vector<16xi32>
          %gather3A_313 = tpu.vector_load_idx %arg4[%iota3A, %broadcast_in_dim3A_312] : memref<16x1025xf32, #tpu.memory_space<vmem>>[vector<16xi32>, vector<16xi32>], vector<16xf32>,
          %add3A_314 = arith.constant 0 : i32
          %add3A_315 = arith.addi %mul3A_234, %add3A_314 : i32
          %add3A_316 = arith.constant 13 : i32
          %add3A_317 = arith.addi %add3A_315, %add3A_316 : i32
          %broadcast_in_dim3A_318 = vector.broadcast %add3A_317 : i32 to vector<16xi32>
          %gather3A_319 = tpu.vector_load_idx %arg4[%iota3A, %broadcast_in_dim3A_318] : memref<16x1025xf32, #tpu.memory_space<vmem>>[vector<16xi32>, vector<16xi32>], vector<16xf32>,
          %add3A_320 = arith.constant 0 : i32
          %add3A_321 = arith.addi %mul3A_234, %add3A_320 : i32
          %add3A_322 = arith.constant 14 : i32
          %add3A_323 = arith.addi %add3A_321, %add3A_322 : i32
          %broadcast_in_dim3A_324 = vector.broadcast %add3A_323 : i32 to vector<16xi32>
          %gather3A_325 = tpu.vector_load_idx %arg4[%iota3A, %broadcast_in_dim3A_324] : memref<16x1025xf32, #tpu.memory_space<vmem>>[vector<16xi32>, vector<16xi32>], vector<16xf32>,
          %add3A_326 = arith.constant 0 : i32
          %add3A_327 = arith.addi %mul3A_234, %add3A_326 : i32
          %add3A_328 = arith.constant 15 : i32
          %add3A_329 = arith.addi %add3A_327, %add3A_328 : i32
          %broadcast_in_dim3A_330 = vector.broadcast %add3A_329 : i32 to vector<16xi32>
          %gather3A_331 = tpu.vector_load_idx %arg4[%iota3A, %broadcast_in_dim3A_330] : memref<16x1025xf32, #tpu.memory_space<vmem>>[vector<16xi32>, vector<16xi32>], vector<16xf32>,
          %add3A_332 = arith.constant 0 : i32
          %add3A_333 = vector.broadcast %add3A_332 : i32 to vector<16xi32>
          %add3A_334 = arith.addi %mul3A_130, %add3A_333 : vector<16xi32>
          %add3A_335 = arith.constant 64 : i32
          %add3A_336 = arith.addi %mul3A_234, %add3A_335 : i32
          %add3A_337 = arith.constant 0 : i32
          %add3A_338 = arith.addi %add3A_336, %add3A_337 : i32
          %get3A = arith.constant 0 : i32
          %get3A_339 = arith.index_cast %get3A : i32 to index
          %get3A_340 = arith.index_cast %add3A_338 : i32 to index
          %get3A_341 = tpu.vector_load %arg4[%get3A_339, %get3A_340] {strides = array<i32>} : memref<16x1025xf32, #tpu.memory_space<vmem>>, vector<16xf32>,
          %add3A_342 = arith.constant 8 : i32
          %add3A_343 = arith.addi %mul3A_236, %add3A_342 : i32
          %add3A_344 = arith.constant 0 : i32
          %add3A_345 = arith.addi %add3A_343, %add3A_344 : i32
          %add3A_346 = vector.broadcast %add3A_345 : i32 to vector<16xi32>
          %add3A_347 = arith.addi %select_n3A_161, %add3A_346 : vector<16xi32>
          tpu.vector_store_idx %arg6[%add3A_347, %add3A_334], %get3A_341 : memref<128x128xf32, #tpu.memory_space<vmem>>[vector<16xi32>, vector<16xi32>], vector<16xf32>,
          %add3A_348 = arith.constant 64 : i32
          %add3A_349 = arith.addi %mul3A_234, %add3A_348 : i32
          %add3A_350 = arith.constant 16 : i32
          %add3A_351 = arith.addi %add3A_349, %add3A_350 : i32
          %get3A_352 = arith.constant 0 : i32
          %get3A_353 = arith.index_cast %get3A_352 : i32 to index
          %get3A_354 = arith.index_cast %add3A_351 : i32 to index
          %get3A_355 = tpu.vector_load %arg4[%get3A_353, %get3A_354] {strides = array<i32>} : memref<16x1025xf32, #tpu.memory_space<vmem>>, vector<16xf32>,
          %add3A_356 = arith.constant 8 : i32
          %add3A_357 = arith.addi %mul3A_236, %add3A_356 : i32
          %add3A_358 = arith.constant 2 : i32
          %add3A_359 = arith.addi %add3A_357, %add3A_358 : i32
          %add3A_360 = vector.broadcast %add3A_359 : i32 to vector<16xi32>
          %add3A_361 = arith.addi %select_n3A_161, %add3A_360 : vector<16xi32>
          tpu.vector_store_idx %arg6[%add3A_361, %add3A_334], %get3A_355 : memref<128x128xf32, #tpu.memory_space<vmem>>[vector<16xi32>, vector<16xi32>], vector<16xf32>,
          %add3A_362 = arith.constant 64 : i32
          %add3A_363 = arith.addi %mul3A_234, %add3A_362 : i32
          %add3A_364 = arith.constant 32 : i32
          %add3A_365 = arith.addi %add3A_363, %add3A_364 : i32
          %get3A_366 = arith.constant 0 : i32
          %get3A_367 = arith.index_cast %get3A_366 : i32 to index
          %get3A_368 = arith.index_cast %add3A_365 : i32 to index
          %get3A_369 = tpu.vector_load %arg4[%get3A_367, %get3A_368] {strides = array<i32>} : memref<16x1025xf32, #tpu.memory_space<vmem>>, vector<16xf32>,
          %add3A_370 = arith.constant 8 : i32
          %add3A_371 = arith.addi %mul3A_236, %add3A_370 : i32
          %add3A_372 = arith.constant 4 : i32
          %add3A_373 = arith.addi %add3A_371, %add3A_372 : i32
          %add3A_374 = vector.broadcast %add3A_373 : i32 to vector<16xi32>
          %add3A_375 = arith.addi %select_n3A_161, %add3A_374 : vector<16xi32>
          tpu.vector_store_idx %arg6[%add3A_375, %add3A_334], %get3A_369 : memref<128x128xf32, #tpu.memory_space<vmem>>[vector<16xi32>, vector<16xi32>], vector<16xf32>,
          %add3A_376 = arith.constant 64 : i32
          %add3A_377 = arith.addi %mul3A_234, %add3A_376 : i32
          %add3A_378 = arith.constant 48 : i32
          %add3A_379 = arith.addi %add3A_377, %add3A_378 : i32
          %get3A_380 = arith.constant 0 : i32
          %get3A_381 = arith.index_cast %get3A_380 : i32 to index
          %get3A_382 = arith.index_cast %add3A_379 : i32 to index
          %get3A_383 = tpu.vector_load %arg4[%get3A_381, %get3A_382] {strides = array<i32>} : memref<16x1025xf32, #tpu.memory_space<vmem>>, vector<16xf32>,
          %add3A_384 = arith.constant 8 : i32
          %add3A_385 = arith.addi %mul3A_236, %add3A_384 : i32
          %add3A_386 = arith.constant 6 : i32
          %add3A_387 = arith.addi %add3A_385, %add3A_386 : i32
          %add3A_388 = vector.broadcast %add3A_387 : i32 to vector<16xi32>
          %add3A_389 = arith.addi %select_n3A_161, %add3A_388 : vector<16xi32>
          tpu.vector_store_idx %arg6[%add3A_389, %add3A_334], %get3A_383 : memref<128x128xf32, #tpu.memory_space<vmem>>[vector<16xi32>, vector<16xi32>], vector<16xf32>,
          %add3A_390 = arith.constant 1 : i32
          %add3A_391 = vector.broadcast %add3A_390 : i32 to vector<16xi32>
          %add3A_392 = arith.addi %mul3A_130, %add3A_391 : vector<16xi32>
          %add3A_393 = arith.constant 64 : i32
          %add3A_394 = arith.addi %mul3A_234, %add3A_393 : i32
          %add3A_395 = arith.constant 0 : i32
          %add3A_396 = arith.addi %add3A_394, %add3A_395 : i32
          %get3A_397 = arith.constant 1 : i32
          %get3A_398 = arith.index_cast %get3A_397 : i32 to index
          %get3A_399 = arith.index_cast %add3A_396 : i32 to index
          %get3A_400 = tpu.vector_load %arg4[%get3A_398, %get3A_399] {strides = array<i32>} : memref<16x1025xf32, #tpu.memory_space<vmem>>, vector<16xf32>,
          %add3A_401 = arith.constant 8 : i32
          %add3A_402 = arith.addi %mul3A_236, %add3A_401 : i32
          %add3A_403 = arith.constant 0 : i32
          %add3A_404 = arith.addi %add3A_402, %add3A_403 : i32
          %add3A_405 = vector.broadcast %add3A_404 : i32 to vector<16xi32>
          %add3A_406 = arith.addi %select_n3A_161, %add3A_405 : vector<16xi32>
          tpu.vector_store_idx %arg6[%add3A_406, %add3A_392], %get3A_400 : memref<128x128xf32, #tpu.memory_space<vmem>>[vector<16xi32>, vector<16xi32>], vector<16xf32>,
          %add3A_407 = arith.constant 64 : i32
          %add3A_408 = arith.addi %mul3A_234, %add3A_407 : i32
          %add3A_409 = arith.constant 16 : i32
          %add3A_410 = arith.addi %add3A_408, %add3A_409 : i32
          %get3A_411 = arith.constant 1 : i32
          %get3A_412 = arith.index_cast %get3A_411 : i32 to index
          %get3A_413 = arith.index_cast %add3A_410 : i32 to index
          %get3A_414 = tpu.vector_load %arg4[%get3A_412, %get3A_413] {strides = array<i32>} : memref<16x1025xf32, #tpu.memory_space<vmem>>, vector<16xf32>,
          %add3A_415 = arith.constant 8 : i32
          %add3A_416 = arith.addi %mul3A_236, %add3A_415 : i32
          %add3A_417 = arith.constant 2 : i32
          %add3A_418 = arith.addi %add3A_416, %add3A_417 : i32
          %add3A_419 = vector.broadcast %add3A_418 : i32 to vector<16xi32>
          %add3A_420 = arith.addi %select_n3A_161, %add3A_419 : vector<16xi32>
          tpu.vector_store_idx %arg6[%add3A_420, %add3A_392], %get3A_414 : memref<128x128xf32, #tpu.memory_space<vmem>>[vector<16xi32>, vector<16xi32>], vector<16xf32>,
          %add3A_421 = arith.constant 64 : i32
          %add3A_422 = arith.addi %mul3A_234, %add3A_421 : i32
          %add3A_423 = arith.constant 32 : i32
          %add3A_424 = arith.addi %add3A_422, %add3A_423 : i32
          %get3A_425 = arith.constant 1 : i32
          %get3A_426 = arith.index_cast %get3A_425 : i32 to index
          %get3A_427 = arith.index_cast %add3A_424 : i32 to index
          %get3A_428 = tpu.vector_load %arg4[%get3A_426, %get3A_427] {strides = array<i32>} : memref<16x1025xf32, #tpu.memory_space<vmem>>, vector<16xf32>,
          %add3A_429 = arith.constant 8 : i32
          %add3A_430 = arith.addi %mul3A_236, %add3A_429 : i32
          %add3A_431 = arith.constant 4 : i32
          %add3A_432 = arith.addi %add3A_430, %add3A_431 : i32
          %add3A_433 = vector.broadcast %add3A_432 : i32 to vector<16xi32>
          %add3A_434 = arith.addi %select_n3A_161, %add3A_433 : vector<16xi32>
          tpu.vector_store_idx %arg6[%add3A_434, %add3A_392], %get3A_428 : memref<128x128xf32, #tpu.memory_space<vmem>>[vector<16xi32>, vector<16xi32>], vector<16xf32>,
          %add3A_435 = arith.constant 64 : i32
          %add3A_436 = arith.addi %mul3A_234, %add3A_435 : i32
          %add3A_437 = arith.constant 48 : i32
          %add3A_438 = arith.addi %add3A_436, %add3A_437 : i32
          %get3A_439 = arith.constant 1 : i32
          %get3A_440 = arith.index_cast %get3A_439 : i32 to index
          %get3A_441 = arith.index_cast %add3A_438 : i32 to index
          %get3A_442 = tpu.vector_load %arg4[%get3A_440, %get3A_441] {strides = array<i32>} : memref<16x1025xf32, #tpu.memory_space<vmem>>, vector<16xf32>,
          %add3A_443 = arith.constant 8 : i32
          %add3A_444 = arith.addi %mul3A_236, %add3A_443 : i32
          %add3A_445 = arith.constant 6 : i32
          %add3A_446 = arith.addi %add3A_444, %add3A_445 : i32
          %add3A_447 = vector.broadcast %add3A_446 : i32 to vector<16xi32>
          %add3A_448 = arith.addi %select_n3A_161, %add3A_447 : vector<16xi32>
          tpu.vector_store_idx %arg6[%add3A_448, %add3A_392], %get3A_442 : memref<128x128xf32, #tpu.memory_space<vmem>>[vector<16xi32>, vector<16xi32>], vector<16xf32>,
          %add3A_449 = arith.constant 2 : i32
          %add3A_450 = vector.broadcast %add3A_449 : i32 to vector<16xi32>
          %add3A_451 = arith.addi %mul3A_130, %add3A_450 : vector<16xi32>
          %add3A_452 = arith.constant 64 : i32
          %add3A_453 = arith.addi %mul3A_234, %add3A_452 : i32
          %add3A_454 = arith.constant 0 : i32
          %add3A_455 = arith.addi %add3A_453, %add3A_454 : i32
          %get3A_456 = arith.constant 2 : i32
          %get3A_457 = arith.index_cast %get3A_456 : i32 to index
          %get3A_458 = arith.index_cast %add3A_455 : i32 to index
          %get3A_459 = tpu.vector_load %arg4[%get3A_457, %get3A_458] {strides = array<i32>} : memref<16x1025xf32, #tpu.memory_space<vmem>>, vector<16xf32>,
          %add3A_460 = arith.constant 8 : i32
          %add3A_461 = arith.addi %mul3A_236, %add3A_460 : i32
          %add3A_462 = arith.constant 0 : i32
          %add3A_463 = arith.addi %add3A_461, %add3A_462 : i32
          %add3A_464 = vector.broadcast %add3A_463 : i32 to vector<16xi32>
          %add3A_465 = arith.addi %select_n3A_161, %add3A_464 : vector<16xi32>
          tpu.vector_store_idx %arg6[%add3A_465, %add3A_451], %get3A_459 : memref<128x128xf32, #tpu.memory_space<vmem>>[vector<16xi32>, vector<16xi32>], vector<16xf32>,
          %add3A_466 = arith.constant 64 : i32
          %add3A_467 = arith.addi %mul3A_234, %add3A_466 : i32
          %add3A_468 = arith.constant 16 : i32
          %add3A_469 = arith.addi %add3A_467, %add3A_468 : i32
          %get3A_470 = arith.constant 2 : i32
          %get3A_471 = arith.index_cast %get3A_470 : i32 to index
          %get3A_472 = arith.index_cast %add3A_469 : i32 to index
          %get3A_473 = tpu.vector_load %arg4[%get3A_471, %get3A_472] {strides = array<i32>} : memref<16x1025xf32, #tpu.memory_space<vmem>>, vector<16xf32>,
          %add3A_474 = arith.constant 8 : i32
          %add3A_475 = arith.addi %mul3A_236, %add3A_474 : i32
          %add3A_476 = arith.constant 2 : i32
          %add3A_477 = arith.addi %add3A_475, %add3A_476 : i32
          %add3A_478 = vector.broadcast %add3A_477 : i32 to vector<16xi32>
          %add3A_479 = arith.addi %select_n3A_161, %add3A_478 : vector<16xi32>
          tpu.vector_store_idx %arg6[%add3A_479, %add3A_451], %get3A_473 : memref<128x128xf32, #tpu.memory_space<vmem>>[vector<16xi32>, vector<16xi32>], vector<16xf32>,
          %add3A_480 = arith.constant 64 : i32
          %add3A_481 = arith.addi %mul3A_234, %add3A_480 : i32
          %add3A_482 = arith.constant 32 : i32
          %add3A_483 = arith.addi %add3A_481, %add3A_482 : i32
          %get3A_484 = arith.constant 2 : i32
          %get3A_485 = arith.index_cast %get3A_484 : i32 to index
          %get3A_486 = arith.index_cast %add3A_483 : i32 to index
          %get3A_487 = tpu.vector_load %arg4[%get3A_485, %get3A_486] {strides = array<i32>} : memref<16x1025xf32, #tpu.memory_space<vmem>>, vector<16xf32>,
          %add3A_488 = arith.constant 8 : i32
          %add3A_489 = arith.addi %mul3A_236, %add3A_488 : i32
          %add3A_490 = arith.constant 4 : i32
          %add3A_491 = arith.addi %add3A_489, %add3A_490 : i32
          %add3A_492 = vector.broadcast %add3A_491 : i32 to vector<16xi32>
          %add3A_493 = arith.addi %select_n3A_161, %add3A_492 : vector<16xi32>
          tpu.vector_store_idx %arg6[%add3A_493, %add3A_451], %get3A_487 : memref<128x128xf32, #tpu.memory_space<vmem>>[vector<16xi32>, vector<16xi32>], vector<16xf32>,
          %add3A_494 = arith.constant 64 : i32
          %add3A_495 = arith.addi %mul3A_234, %add3A_494 : i32
          %add3A_496 = arith.constant 48 : i32
          %add3A_497 = arith.addi %add3A_495, %add3A_496 : i32
          %get3A_498 = arith.constant 2 : i32
          %get3A_499 = arith.index_cast %get3A_498 : i32 to index
          %get3A_500 = arith.index_cast %add3A_497 : i32 to index
          %get3A_501 = tpu.vector_load %arg4[%get3A_499, %get3A_500] {strides = array<i32>} : memref<16x1025xf32, #tpu.memory_space<vmem>>, vector<16xf32>,
          %add3A_502 = arith.constant 8 : i32
          %add3A_503 = arith.addi %mul3A_236, %add3A_502 : i32
          %add3A_504 = arith.constant 6 : i32
          %add3A_505 = arith.addi %add3A_503, %add3A_504 : i32
          %add3A_506 = vector.broadcast %add3A_505 : i32 to vector<16xi32>
          %add3A_507 = arith.addi %select_n3A_161, %add3A_506 : vector<16xi32>
          tpu.vector_store_idx %arg6[%add3A_507, %add3A_451], %get3A_501 : memref<128x128xf32, #tpu.memory_space<vmem>>[vector<16xi32>, vector<16xi32>], vector<16xf32>,
          %add3A_508 = arith.constant 3 : i32
          %add3A_509 = vector.broadcast %add3A_508 : i32 to vector<16xi32>
          %add3A_510 = arith.addi %mul3A_130, %add3A_509 : vector<16xi32>
          %add3A_511 = arith.constant 64 : i32
          %add3A_512 = arith.addi %mul3A_234, %add3A_511 : i32
          %add3A_513 = arith.constant 0 : i32
          %add3A_514 = arith.addi %add3A_512, %add3A_513 : i32
          %get3A_515 = arith.constant 3 : i32
          %get3A_516 = arith.index_cast %get3A_515 : i32 to index
          %get3A_517 = arith.index_cast %add3A_514 : i32 to index
          %get3A_518 = tpu.vector_load %arg4[%get3A_516, %get3A_517] {strides = array<i32>} : memref<16x1025xf32, #tpu.memory_space<vmem>>, vector<16xf32>,
          %add3A_519 = arith.constant 8 : i32
          %add3A_520 = arith.addi %mul3A_236, %add3A_519 : i32
          %add3A_521 = arith.constant 0 : i32
          %add3A_522 = arith.addi %add3A_520, %add3A_521 : i32
          %add3A_523 = vector.broadcast %add3A_522 : i32 to vector<16xi32>
          %add3A_524 = arith.addi %select_n3A_161, %add3A_523 : vector<16xi32>
          tpu.vector_store_idx %arg6[%add3A_524, %add3A_510], %get3A_518 : memref<128x128xf32, #tpu.memory_space<vmem>>[vector<16xi32>, vector<16xi32>], vector<16xf32>,
          %add3A_525 = arith.constant 64 : i32
          %add3A_526 = arith.addi %mul3A_234, %add3A_525 : i32
          %add3A_527 = arith.constant 16 : i32
          %add3A_528 = arith.addi %add3A_526, %add3A_527 : i32
          %get3A_529 = arith.constant 3 : i32
          %get3A_530 = arith.index_cast %get3A_529 : i32 to index
          %get3A_531 = arith.index_cast %add3A_528 : i32 to index
          %get3A_532 = tpu.vector_load %arg4[%get3A_530, %get3A_531] {strides = array<i32>} : memref<16x1025xf32, #tpu.memory_space<vmem>>, vector<16xf32>,
          %add3A_533 = arith.constant 8 : i32
          %add3A_534 = arith.addi %mul3A_236, %add3A_533 : i32
          %add3A_535 = arith.constant 2 : i32
          %add3A_536 = arith.addi %add3A_534, %add3A_535 : i32
          %add3A_537 = vector.broadcast %add3A_536 : i32 to vector<16xi32>
          %add3A_538 = arith.addi %select_n3A_161, %add3A_537 : vector<16xi32>
          tpu.vector_store_idx %arg6[%add3A_538, %add3A_510], %get3A_532 : memref<128x128xf32, #tpu.memory_space<vmem>>[vector<16xi32>, vector<16xi32>], vector<16xf32>,
          %add3A_539 = arith.constant 64 : i32
          %add3A_540 = arith.addi %mul3A_234, %add3A_539 : i32
          %add3A_541 = arith.constant 32 : i32
          %add3A_542 = arith.addi %add3A_540, %add3A_541 : i32
          %get3A_543 = arith.constant 3 : i32
          %get3A_544 = arith.index_cast %get3A_543 : i32 to index
          %get3A_545 = arith.index_cast %add3A_542 : i32 to index
          %get3A_546 = tpu.vector_load %arg4[%get3A_544, %get3A_545] {strides = array<i32>} : memref<16x1025xf32, #tpu.memory_space<vmem>>, vector<16xf32>,
          %add3A_547 = arith.constant 8 : i32
          %add3A_548 = arith.addi %mul3A_236, %add3A_547 : i32
          %add3A_549 = arith.constant 4 : i32
          %add3A_550 = arith.addi %add3A_548, %add3A_549 : i32
          %add3A_551 = vector.broadcast %add3A_550 : i32 to vector<16xi32>
          %add3A_552 = arith.addi %select_n3A_161, %add3A_551 : vector<16xi32>
          tpu.vector_store_idx %arg6[%add3A_552, %add3A_510], %get3A_546 : memref<128x128xf32, #tpu.memory_space<vmem>>[vector<16xi32>, vector<16xi32>], vector<16xf32>,
          %add3A_553 = arith.constant 64 : i32
          %add3A_554 = arith.addi %mul3A_234, %add3A_553 : i32
          %add3A_555 = arith.constant 48 : i32
          %add3A_556 = arith.addi %add3A_554, %add3A_555 : i32
          %get3A_557 = arith.constant 3 : i32
          %get3A_558 = arith.index_cast %get3A_557 : i32 to index
          %get3A_559 = arith.index_cast %add3A_556 : i32 to index
          %get3A_560 = tpu.vector_load %arg4[%get3A_558, %get3A_559] {strides = array<i32>} : memref<16x1025xf32, #tpu.memory_space<vmem>>, vector<16xf32>,
          %add3A_561 = arith.constant 8 : i32
          %add3A_562 = arith.addi %mul3A_236, %add3A_561 : i32
          %add3A_563 = arith.constant 6 : i32
          %add3A_564 = arith.addi %add3A_562, %add3A_563 : i32
          %add3A_565 = vector.broadcast %add3A_564 : i32 to vector<16xi32>
          %add3A_566 = arith.addi %select_n3A_161, %add3A_565 : vector<16xi32>
          tpu.vector_store_idx %arg6[%add3A_566, %add3A_510], %get3A_560 : memref<128x128xf32, #tpu.memory_space<vmem>>[vector<16xi32>, vector<16xi32>], vector<16xf32>,
          %add3A_567 = arith.constant 0 : i32
          %add3A_568 = arith.addi %mul3A_236, %add3A_567 : i32
          %add3A_569 = arith.constant 0 : i32
          %add3A_570 = arith.addi %add3A_568, %add3A_569 : i32
          %swap3A = arith.index_cast %add3A_570 : i32 to index
          %swap3A_571 = arith.constant 0 : index
          %swap3A_572 = tpu.vector_load %arg6[%swap3A, %swap3A_571] {strides = array<i32>} : memref<128x128xf32, #tpu.memory_space<vmem>>, vector<16xf32>,
          tpu.vector_store %arg6[%swap3A, %swap3A_571], %gather3A {strides = array<i32>} : memref<128x128xf32, #tpu.memory_space<vmem>>, vector<16xf32>,
          %add3A_573 = arith.constant 0 : i32
          %add3A_574 = arith.addi %add3A_568, %add3A_573 : i32
          %swap3A_575 = arith.index_cast %add3A_574 : i32 to index
          %swap3A_576 = arith.constant 16 : index
          %swap3A_577 = tpu.vector_load %arg6[%swap3A_575, %swap3A_576] {strides = array<i32>} : memref<128x128xf32, #tpu.memory_space<vmem>>, vector<16xf32>,
          tpu.vector_store %arg6[%swap3A_575, %swap3A_576], %gather3A_247 {strides = array<i32>} : memref<128x128xf32, #tpu.memory_space<vmem>>, vector<16xf32>,
          %add3A_578 = arith.constant 0 : i32
          %add3A_579 = arith.addi %add3A_568, %add3A_578 : i32
          %swap3A_580 = arith.index_cast %add3A_579 : i32 to index
          %swap3A_581 = arith.constant 32 : index
          %swap3A_582 = tpu.vector_load %arg6[%swap3A_580, %swap3A_581] {strides = array<i32>} : memref<128x128xf32, #tpu.memory_space<vmem>>, vector<16xf32>,
          tpu.vector_store %arg6[%swap3A_580, %swap3A_581], %gather3A_253 {strides = array<i32>} : memref<128x128xf32, #tpu.memory_space<vmem>>, vector<16xf32>,
          %add3A_583 = arith.constant 0 : i32
          %add3A_584 = arith.addi %add3A_568, %add3A_583 : i32
          %swap3A_585 = arith.index_cast %add3A_584 : i32 to index
          %swap3A_586 = arith.constant 48 : index
          %swap3A_587 = tpu.vector_load %arg6[%swap3A_585, %swap3A_586] {strides = array<i32>} : memref<128x128xf32, #tpu.memory_space<vmem>>, vector<16xf32>,
          tpu.vector_store %arg6[%swap3A_585, %swap3A_586], %gather3A_259 {strides = array<i32>} : memref<128x128xf32, #tpu.memory_space<vmem>>, vector<16xf32>,
          %add3A_588 = arith.constant 0 : i32
          %add3A_589 = arith.addi %add3A_568, %add3A_588 : i32
          %swap3A_590 = arith.index_cast %add3A_589 : i32 to index
          %swap3A_591 = arith.constant 64 : index
          %swap3A_592 = tpu.vector_load %arg6[%swap3A_590, %swap3A_591] {strides = array<i32>} : memref<128x128xf32, #tpu.memory_space<vmem>>, vector<16xf32>,
          tpu.vector_store %arg6[%swap3A_590, %swap3A_591], %gather3A_265 {strides = array<i32>} : memref<128x128xf32, #tpu.memory_space<vmem>>, vector<16xf32>,
          %add3A_593 = arith.constant 0 : i32
          %add3A_594 = arith.addi %add3A_568, %add3A_593 : i32
          %swap3A_595 = arith.index_cast %add3A_594 : i32 to index
          %swap3A_596 = arith.constant 80 : index
          %swap3A_597 = tpu.vector_load %arg6[%swap3A_595, %swap3A_596] {strides = array<i32>} : memref<128x128xf32, #tpu.memory_space<vmem>>, vector<16xf32>,
          tpu.vector_store %arg6[%swap3A_595, %swap3A_596], %gather3A_271 {strides = array<i32>} : memref<128x128xf32, #tpu.memory_space<vmem>>, vector<16xf32>,
          %add3A_598 = arith.constant 0 : i32
          %add3A_599 = arith.addi %add3A_568, %add3A_598 : i32
          %swap3A_600 = arith.index_cast %add3A_599 : i32 to index
          %swap3A_601 = arith.constant 96 : index
          %swap3A_602 = tpu.vector_load %arg6[%swap3A_600, %swap3A_601] {strides = array<i32>} : memref<128x128xf32, #tpu.memory_space<vmem>>, vector<16xf32>,
          tpu.vector_store %arg6[%swap3A_600, %swap3A_601], %gather3A_277 {strides = array<i32>} : memref<128x128xf32, #tpu.memory_space<vmem>>, vector<16xf32>,
          %add3A_603 = arith.constant 0 : i32
          %add3A_604 = arith.addi %add3A_568, %add3A_603 : i32
          %swap3A_605 = arith.index_cast %add3A_604 : i32 to index
          %swap3A_606 = arith.constant 112 : index
          %swap3A_607 = tpu.vector_load %arg6[%swap3A_605, %swap3A_606] {strides = array<i32>} : memref<128x128xf32, #tpu.memory_space<vmem>>, vector<16xf32>,
          tpu.vector_store %arg6[%swap3A_605, %swap3A_606], %gather3A_283 {strides = array<i32>} : memref<128x128xf32, #tpu.memory_space<vmem>>, vector<16xf32>,
          %add3A_608 = arith.constant 1 : i32
          %add3A_609 = arith.addi %add3A_568, %add3A_608 : i32
          %swap3A_610 = arith.index_cast %add3A_609 : i32 to index
          %swap3A_611 = arith.constant 0 : index
          %swap3A_612 = tpu.vector_load %arg6[%swap3A_610, %swap3A_611] {strides = array<i32>} : memref<128x128xf32, #tpu.memory_space<vmem>>, vector<16xf32>,
          tpu.vector_store %arg6[%swap3A_610, %swap3A_611], %gather3A_289 {strides = array<i32>} : memref<128x128xf32, #tpu.memory_space<vmem>>, vector<16xf32>,
          %add3A_613 = arith.constant 1 : i32
          %add3A_614 = arith.addi %add3A_568, %add3A_613 : i32
          %swap3A_615 = arith.index_cast %add3A_614 : i32 to index
          %swap3A_616 = arith.constant 16 : index
          %swap3A_617 = tpu.vector_load %arg6[%swap3A_615, %swap3A_616] {strides = array<i32>} : memref<128x128xf32, #tpu.memory_space<vmem>>, vector<16xf32>,
          tpu.vector_store %arg6[%swap3A_615, %swap3A_616], %gather3A_295 {strides = array<i32>} : memref<128x128xf32, #tpu.memory_space<vmem>>, vector<16xf32>,
          %add3A_618 = arith.constant 1 : i32
          %add3A_619 = arith.addi %add3A_568, %add3A_618 : i32
          %swap3A_620 = arith.index_cast %add3A_619 : i32 to index
          %swap3A_621 = arith.constant 32 : index
          %swap3A_622 = tpu.vector_load %arg6[%swap3A_620, %swap3A_621] {strides = array<i32>} : memref<128x128xf32, #tpu.memory_space<vmem>>, vector<16xf32>,
          tpu.vector_store %arg6[%swap3A_620, %swap3A_621], %gather3A_301 {strides = array<i32>} : memref<128x128xf32, #tpu.memory_space<vmem>>, vector<16xf32>,
          %add3A_623 = arith.constant 1 : i32
          %add3A_624 = arith.addi %add3A_568, %add3A_623 : i32
          %swap3A_625 = arith.index_cast %add3A_624 : i32 to index
          %swap3A_626 = arith.constant 48 : index
          %swap3A_627 = tpu.vector_load %arg6[%swap3A_625, %swap3A_626] {strides = array<i32>} : memref<128x128xf32, #tpu.memory_space<vmem>>, vector<16xf32>,
          tpu.vector_store %arg6[%swap3A_625, %swap3A_626], %gather3A_307 {strides = array<i32>} : memref<128x128xf32, #tpu.memory_space<vmem>>, vector<16xf32>,
          %add3A_628 = arith.constant 1 : i32
          %add3A_629 = arith.addi %add3A_568, %add3A_628 : i32
          %swap3A_630 = arith.index_cast %add3A_629 : i32 to index
          %swap3A_631 = arith.constant 64 : index
          %swap3A_632 = tpu.vector_load %arg6[%swap3A_630, %swap3A_631] {strides = array<i32>} : memref<128x128xf32, #tpu.memory_space<vmem>>, vector<16xf32>,
          tpu.vector_store %arg6[%swap3A_630, %swap3A_631], %gather3A_313 {strides = array<i32>} : memref<128x128xf32, #tpu.memory_space<vmem>>, vector<16xf32>,
          %add3A_633 = arith.constant 1 : i32
          %add3A_634 = arith.addi %add3A_568, %add3A_633 : i32
          %swap3A_635 = arith.index_cast %add3A_634 : i32 to index
          %swap3A_636 = arith.constant 80 : index
          %swap3A_637 = tpu.vector_load %arg6[%swap3A_635, %swap3A_636] {strides = array<i32>} : memref<128x128xf32, #tpu.memory_space<vmem>>, vector<16xf32>,
          tpu.vector_store %arg6[%swap3A_635, %swap3A_636], %gather3A_319 {strides = array<i32>} : memref<128x128xf32, #tpu.memory_space<vmem>>, vector<16xf32>,
          %add3A_638 = arith.constant 1 : i32
          %add3A_639 = arith.addi %add3A_568, %add3A_638 : i32
          %swap3A_640 = arith.index_cast %add3A_639 : i32 to index
          %swap3A_641 = arith.constant 96 : index
          %swap3A_642 = tpu.vector_load %arg6[%swap3A_640, %swap3A_641] {strides = array<i32>} : memref<128x128xf32, #tpu.memory_space<vmem>>, vector<16xf32>,
          tpu.vector_store %arg6[%swap3A_640, %swap3A_641], %gather3A_325 {strides = array<i32>} : memref<128x128xf32, #tpu.memory_space<vmem>>, vector<16xf32>,
          %add3A_643 = arith.constant 1 : i32
          %add3A_644 = arith.addi %add3A_568, %add3A_643 : i32
          %swap3A_645 = arith.index_cast %add3A_644 : i32 to index
          %swap3A_646 = arith.constant 112 : index
          %swap3A_647 = tpu.vector_load %arg6[%swap3A_645, %swap3A_646] {strides = array<i32>} : memref<128x128xf32, #tpu.memory_space<vmem>>, vector<16xf32>,
          tpu.vector_store %arg6[%swap3A_645, %swap3A_646], %gather3A_331 {strides = array<i32>} : memref<128x128xf32, #tpu.memory_space<vmem>>, vector<16xf32>,
          %add3A_648 = arith.constant 16 : i32
          %add3A_649 = arith.addi %mul3A_234, %add3A_648 : i32
          %add3A_650 = arith.constant 0 : i32
          %add3A_651 = arith.addi %add3A_649, %add3A_650 : i32
          %broadcast_in_dim3A_652 = vector.broadcast %add3A_651 : i32 to vector<16xi32>
          %gather3A_653 = tpu.vector_load_idx %arg4[%iota3A, %broadcast_in_dim3A_652] : memref<16x1025xf32, #tpu.memory_space<vmem>>[vector<16xi32>, vector<16xi32>], vector<16xf32>,
          %add3A_654 = arith.constant 16 : i32
          %add3A_655 = arith.addi %mul3A_234, %add3A_654 : i32
          %add3A_656 = arith.constant 1 : i32
          %add3A_657 = arith.addi %add3A_655, %add3A_656 : i32
          %broadcast_in_dim3A_658 = vector.broadcast %add3A_657 : i32 to vector<16xi32>
          %gather3A_659 = tpu.vector_load_idx %arg4[%iota3A, %broadcast_in_dim3A_658] : memref<16x1025xf32, #tpu.memory_space<vmem>>[vector<16xi32>, vector<16xi32>], vector<16xf32>,
          %add3A_660 = arith.constant 16 : i32
          %add3A_661 = arith.addi %mul3A_234, %add3A_660 : i32
          %add3A_662 = arith.constant 2 : i32
          %add3A_663 = arith.addi %add3A_661, %add3A_662 : i32
          %broadcast_in_dim3A_664 = vector.broadcast %add3A_663 : i32 to vector<16xi32>
          %gather3A_665 = tpu.vector_load_idx %arg4[%iota3A, %broadcast_in_dim3A_664] : memref<16x1025xf32, #tpu.memory_space<vmem>>[vector<16xi32>, vector<16xi32>], vector<16xf32>,
          %add3A_666 = arith.constant 16 : i32
          %add3A_667 = arith.addi %mul3A_234, %add3A_666 : i32
          %add3A_668 = arith.constant 3 : i32
          %add3A_669 = arith.addi %add3A_667, %add3A_668 : i32
          %broadcast_in_dim3A_670 = vector.broadcast %add3A_669 : i32 to vector<16xi32>
          %gather3A_671 = tpu.vector_load_idx %arg4[%iota3A, %broadcast_in_dim3A_670] : memref<16x1025xf32, #tpu.memory_space<vmem>>[vector<16xi32>, vector<16xi32>], vector<16xf32>,
          %add3A_672 = arith.constant 16 : i32
          %add3A_673 = arith.addi %mul3A_234, %add3A_672 : i32
          %add3A_674 = arith.constant 4 : i32
          %add3A_675 = arith.addi %add3A_673, %add3A_674 : i32
          %broadcast_in_dim3A_676 = vector.broadcast %add3A_675 : i32 to vector<16xi32>
          %gather3A_677 = tpu.vector_load_idx %arg4[%iota3A, %broadcast_in_dim3A_676] : memref<16x1025xf32, #tpu.memory_space<vmem>>[vector<16xi32>, vector<16xi32>], vector<16xf32>,
          %add3A_678 = arith.constant 16 : i32
          %add3A_679 = arith.addi %mul3A_234, %add3A_678 : i32
          %add3A_680 = arith.constant 5 : i32
          %add3A_681 = arith.addi %add3A_679, %add3A_680 : i32
          %broadcast_in_dim3A_682 = vector.broadcast %add3A_681 : i32 to vector<16xi32>
          %gather3A_683 = tpu.vector_load_idx %arg4[%iota3A, %broadcast_in_dim3A_682] : memref<16x1025xf32, #tpu.memory_space<vmem>>[vector<16xi32>, vector<16xi32>], vector<16xf32>,
          %add3A_684 = arith.constant 16 : i32
          %add3A_685 = arith.addi %mul3A_234, %add3A_684 : i32
          %add3A_686 = arith.constant 6 : i32
          %add3A_687 = arith.addi %add3A_685, %add3A_686 : i32
          %broadcast_in_dim3A_688 = vector.broadcast %add3A_687 : i32 to vector<16xi32>
          %gather3A_689 = tpu.vector_load_idx %arg4[%iota3A, %broadcast_in_dim3A_688] : memref<16x1025xf32, #tpu.memory_space<vmem>>[vector<16xi32>, vector<16xi32>], vector<16xf32>,
          %add3A_690 = arith.constant 16 : i32
          %add3A_691 = arith.addi %mul3A_234, %add3A_690 : i32
          %add3A_692 = arith.constant 7 : i32
          %add3A_693 = arith.addi %add3A_691, %add3A_692 : i32
          %broadcast_in_dim3A_694 = vector.broadcast %add3A_693 : i32 to vector<16xi32>
          %gather3A_695 = tpu.vector_load_idx %arg4[%iota3A, %broadcast_in_dim3A_694] : memref<16x1025xf32, #tpu.memory_space<vmem>>[vector<16xi32>, vector<16xi32>], vector<16xf32>,
          %add3A_696 = arith.constant 16 : i32
          %add3A_697 = arith.addi %mul3A_234, %add3A_696 : i32
          %add3A_698 = arith.constant 8 : i32
          %add3A_699 = arith.addi %add3A_697, %add3A_698 : i32
          %broadcast_in_dim3A_700 = vector.broadcast %add3A_699 : i32 to vector<16xi32>
          %gather3A_701 = tpu.vector_load_idx %arg4[%iota3A, %broadcast_in_dim3A_700] : memref<16x1025xf32, #tpu.memory_space<vmem>>[vector<16xi32>, vector<16xi32>], vector<16xf32>,
          %add3A_702 = arith.constant 16 : i32
          %add3A_703 = arith.addi %mul3A_234, %add3A_702 : i32
          %add3A_704 = arith.constant 9 : i32
          %add3A_705 = arith.addi %add3A_703, %add3A_704 : i32
          %broadcast_in_dim3A_706 = vector.broadcast %add3A_705 : i32 to vector<16xi32>
          %gather3A_707 = tpu.vector_load_idx %arg4[%iota3A, %broadcast_in_dim3A_706] : memref<16x1025xf32, #tpu.memory_space<vmem>>[vector<16xi32>, vector<16xi32>], vector<16xf32>,
          %add3A_708 = arith.constant 16 : i32
          %add3A_709 = arith.addi %mul3A_234, %add3A_708 : i32
          %add3A_710 = arith.constant 10 : i32
          %add3A_711 = arith.addi %add3A_709, %add3A_710 : i32
          %broadcast_in_dim3A_712 = vector.broadcast %add3A_711 : i32 to vector<16xi32>
          %gather3A_713 = tpu.vector_load_idx %arg4[%iota3A, %broadcast_in_dim3A_712] : memref<16x1025xf32, #tpu.memory_space<vmem>>[vector<16xi32>, vector<16xi32>], vector<16xf32>,
          %add3A_714 = arith.constant 16 : i32
          %add3A_715 = arith.addi %mul3A_234, %add3A_714 : i32
          %add3A_716 = arith.constant 11 : i32
          %add3A_717 = arith.addi %add3A_715, %add3A_716 : i32
          %broadcast_in_dim3A_718 = vector.broadcast %add3A_717 : i32 to vector<16xi32>
          %gather3A_719 = tpu.vector_load_idx %arg4[%iota3A, %broadcast_in_dim3A_718] : memref<16x1025xf32, #tpu.memory_space<vmem>>[vector<16xi32>, vector<16xi32>], vector<16xf32>,
          %add3A_720 = arith.constant 16 : i32
          %add3A_721 = arith.addi %mul3A_234, %add3A_720 : i32
          %add3A_722 = arith.constant 12 : i32
          %add3A_723 = arith.addi %add3A_721, %add3A_722 : i32
          %broadcast_in_dim3A_724 = vector.broadcast %add3A_723 : i32 to vector<16xi32>
          %gather3A_725 = tpu.vector_load_idx %arg4[%iota3A, %broadcast_in_dim3A_724] : memref<16x1025xf32, #tpu.memory_space<vmem>>[vector<16xi32>, vector<16xi32>], vector<16xf32>,
          %add3A_726 = arith.constant 16 : i32
          %add3A_727 = arith.addi %mul3A_234, %add3A_726 : i32
          %add3A_728 = arith.constant 13 : i32
          %add3A_729 = arith.addi %add3A_727, %add3A_728 : i32
          %broadcast_in_dim3A_730 = vector.broadcast %add3A_729 : i32 to vector<16xi32>
          %gather3A_731 = tpu.vector_load_idx %arg4[%iota3A, %broadcast_in_dim3A_730] : memref<16x1025xf32, #tpu.memory_space<vmem>>[vector<16xi32>, vector<16xi32>], vector<16xf32>,
          %add3A_732 = arith.constant 16 : i32
          %add3A_733 = arith.addi %mul3A_234, %add3A_732 : i32
          %add3A_734 = arith.constant 14 : i32
          %add3A_735 = arith.addi %add3A_733, %add3A_734 : i32
          %broadcast_in_dim3A_736 = vector.broadcast %add3A_735 : i32 to vector<16xi32>
          %gather3A_737 = tpu.vector_load_idx %arg4[%iota3A, %broadcast_in_dim3A_736] : memref<16x1025xf32, #tpu.memory_space<vmem>>[vector<16xi32>, vector<16xi32>], vector<16xf32>,
          %add3A_738 = arith.constant 16 : i32
          %add3A_739 = arith.addi %mul3A_234, %add3A_738 : i32
          %add3A_740 = arith.constant 15 : i32
          %add3A_741 = arith.addi %add3A_739, %add3A_740 : i32
          %broadcast_in_dim3A_742 = vector.broadcast %add3A_741 : i32 to vector<16xi32>
          %gather3A_743 = tpu.vector_load_idx %arg4[%iota3A, %broadcast_in_dim3A_742] : memref<16x1025xf32, #tpu.memory_space<vmem>>[vector<16xi32>, vector<16xi32>], vector<16xf32>,
          %add3A_744 = arith.constant 4 : i32
          %add3A_745 = vector.broadcast %add3A_744 : i32 to vector<16xi32>
          %add3A_746 = arith.addi %mul3A_130, %add3A_745 : vector<16xi32>
          %add3A_747 = arith.constant 64 : i32
          %add3A_748 = arith.addi %mul3A_234, %add3A_747 : i32
          %add3A_749 = arith.constant 0 : i32
          %add3A_750 = arith.addi %add3A_748, %add3A_749 : i32
          %get3A_751 = arith.constant 4 : i32
          %get3A_752 = arith.index_cast %get3A_751 : i32 to index
          %get3A_753 = arith.index_cast %add3A_750 : i32 to index
          %get3A_754 = tpu.vector_load %arg4[%get3A_752, %get3A_753] {strides = array<i32>} : memref<16x1025xf32, #tpu.memory_space<vmem>>, vector<16xf32>,
          %add3A_755 = arith.constant 8 : i32
          %add3A_756 = arith.addi %mul3A_236, %add3A_755 : i32
          %add3A_757 = arith.constant 0 : i32
          %add3A_758 = arith.addi %add3A_756, %add3A_757 : i32
          %add3A_759 = vector.broadcast %add3A_758 : i32 to vector<16xi32>
          %add3A_760 = arith.addi %select_n3A_161, %add3A_759 : vector<16xi32>
          tpu.vector_store_idx %arg6[%add3A_760, %add3A_746], %get3A_754 : memref<128x128xf32, #tpu.memory_space<vmem>>[vector<16xi32>, vector<16xi32>], vector<16xf32>,
          %add3A_761 = arith.constant 64 : i32
          %add3A_762 = arith.addi %mul3A_234, %add3A_761 : i32
          %add3A_763 = arith.constant 16 : i32
          %add3A_764 = arith.addi %add3A_762, %add3A_763 : i32
          %get3A_765 = arith.constant 4 : i32
          %get3A_766 = arith.index_cast %get3A_765 : i32 to index
          %get3A_767 = arith.index_cast %add3A_764 : i32 to index
          %get3A_768 = tpu.vector_load %arg4[%get3A_766, %get3A_767] {strides = array<i32>} : memref<16x1025xf32, #tpu.memory_space<vmem>>, vector<16xf32>,
          %add3A_769 = arith.constant 8 : i32
          %add3A_770 = arith.addi %mul3A_236, %add3A_769 : i32
          %add3A_771 = arith.constant 2 : i32
          %add3A_772 = arith.addi %add3A_770, %add3A_771 : i32
          %add3A_773 = vector.broadcast %add3A_772 : i32 to vector<16xi32>
          %add3A_774 = arith.addi %select_n3A_161, %add3A_773 : vector<16xi32>
          tpu.vector_store_idx %arg6[%add3A_774, %add3A_746], %get3A_768 : memref<128x128xf32, #tpu.memory_space<vmem>>[vector<16xi32>, vector<16xi32>], vector<16xf32>,
          %add3A_775 = arith.constant 64 : i32
          %add3A_776 = arith.addi %mul3A_234, %add3A_775 : i32
          %add3A_777 = arith.constant 32 : i32
          %add3A_778 = arith.addi %add3A_776, %add3A_777 : i32
          %get3A_779 = arith.constant 4 : i32
          %get3A_780 = arith.index_cast %get3A_779 : i32 to index
          %get3A_781 = arith.index_cast %add3A_778 : i32 to index
          %get3A_782 = tpu.vector_load %arg4[%get3A_780, %get3A_781] {strides = array<i32>} : memref<16x1025xf32, #tpu.memory_space<vmem>>, vector<16xf32>,
          %add3A_783 = arith.constant 8 : i32
          %add3A_784 = arith.addi %mul3A_236, %add3A_783 : i32
          %add3A_785 = arith.constant 4 : i32
          %add3A_786 = arith.addi %add3A_784, %add3A_785 : i32
          %add3A_787 = vector.broadcast %add3A_786 : i32 to vector<16xi32>
          %add3A_788 = arith.addi %select_n3A_161, %add3A_787 : vector<16xi32>
          tpu.vector_store_idx %arg6[%add3A_788, %add3A_746], %get3A_782 : memref<128x128xf32, #tpu.memory_space<vmem>>[vector<16xi32>, vector<16xi32>], vector<16xf32>,
          %add3A_789 = arith.constant 64 : i32
          %add3A_790 = arith.addi %mul3A_234, %add3A_789 : i32
          %add3A_791 = arith.constant 48 : i32
          %add3A_792 = arith.addi %add3A_790, %add3A_791 : i32
          %get3A_793 = arith.constant 4 : i32
          %get3A_794 = arith.index_cast %get3A_793 : i32 to index
          %get3A_795 = arith.index_cast %add3A_792 : i32 to index
          %get3A_796 = tpu.vector_load %arg4[%get3A_794, %get3A_795] {strides = array<i32>} : memref<16x1025xf32, #tpu.memory_space<vmem>>, vector<16xf32>,
          %add3A_797 = arith.constant 8 : i32
          %add3A_798 = arith.addi %mul3A_236, %add3A_797 : i32
          %add3A_799 = arith.constant 6 : i32
          %add3A_800 = arith.addi %add3A_798, %add3A_799 : i32
          %add3A_801 = vector.broadcast %add3A_800 : i32 to vector<16xi32>
          %add3A_802 = arith.addi %select_n3A_161, %add3A_801 : vector<16xi32>
          tpu.vector_store_idx %arg6[%add3A_802, %add3A_746], %get3A_796 : memref<128x128xf32, #tpu.memory_space<vmem>>[vector<16xi32>, vector<16xi32>], vector<16xf32>,
          %add3A_803 = arith.constant 5 : i32
          %add3A_804 = vector.broadcast %add3A_803 : i32 to vector<16xi32>
          %add3A_805 = arith.addi %mul3A_130, %add3A_804 : vector<16xi32>
          %add3A_806 = arith.constant 64 : i32
          %add3A_807 = arith.addi %mul3A_234, %add3A_806 : i32
          %add3A_808 = arith.constant 0 : i32
          %add3A_809 = arith.addi %add3A_807, %add3A_808 : i32
          %get3A_810 = arith.constant 5 : i32
          %get3A_811 = arith.index_cast %get3A_810 : i32 to index
          %get3A_812 = arith.index_cast %add3A_809 : i32 to index
          %get3A_813 = tpu.vector_load %arg4[%get3A_811, %get3A_812] {strides = array<i32>} : memref<16x1025xf32, #tpu.memory_space<vmem>>, vector<16xf32>,
          %add3A_814 = arith.constant 8 : i32
          %add3A_815 = arith.addi %mul3A_236, %add3A_814 : i32
          %add3A_816 = arith.constant 0 : i32
          %add3A_817 = arith.addi %add3A_815, %add3A_816 : i32
          %add3A_818 = vector.broadcast %add3A_817 : i32 to vector<16xi32>
          %add3A_819 = arith.addi %select_n3A_161, %add3A_818 : vector<16xi32>
          tpu.vector_store_idx %arg6[%add3A_819, %add3A_805], %get3A_813 : memref<128x128xf32, #tpu.memory_space<vmem>>[vector<16xi32>, vector<16xi32>], vector<16xf32>,
          %add3A_820 = arith.constant 64 : i32
          %add3A_821 = arith.addi %mul3A_234, %add3A_820 : i32
          %add3A_822 = arith.constant 16 : i32
          %add3A_823 = arith.addi %add3A_821, %add3A_822 : i32
          %get3A_824 = arith.constant 5 : i32
          %get3A_825 = arith.index_cast %get3A_824 : i32 to index
          %get3A_826 = arith.index_cast %add3A_823 : i32 to index
          %get3A_827 = tpu.vector_load %arg4[%get3A_825, %get3A_826] {strides = array<i32>} : memref<16x1025xf32, #tpu.memory_space<vmem>>, vector<16xf32>,
          %add3A_828 = arith.constant 8 : i32
          %add3A_829 = arith.addi %mul3A_236, %add3A_828 : i32
          %add3A_830 = arith.constant 2 : i32
          %add3A_831 = arith.addi %add3A_829, %add3A_830 : i32
          %add3A_832 = vector.broadcast %add3A_831 : i32 to vector<16xi32>
          %add3A_833 = arith.addi %select_n3A_161, %add3A_832 : vector<16xi32>
          tpu.vector_store_idx %arg6[%add3A_833, %add3A_805], %get3A_827 : memref<128x128xf32, #tpu.memory_space<vmem>>[vector<16xi32>, vector<16xi32>], vector<16xf32>,
          %add3A_834 = arith.constant 64 : i32
          %add3A_835 = arith.addi %mul3A_234, %add3A_834 : i32
          %add3A_836 = arith.constant 32 : i32
          %add3A_837 = arith.addi %add3A_835, %add3A_836 : i32
          %get3A_838 = arith.constant 5 : i32
          %get3A_839 = arith.index_cast %get3A_838 : i32 to index
          %get3A_840 = arith.index_cast %add3A_837 : i32 to index
          %get3A_841 = tpu.vector_load %arg4[%get3A_839, %get3A_840] {strides = array<i32>} : memref<16x1025xf32, #tpu.memory_space<vmem>>, vector<16xf32>,
          %add3A_842 = arith.constant 8 : i32
          %add3A_843 = arith.addi %mul3A_236, %add3A_842 : i32
          %add3A_844 = arith.constant 4 : i32
          %add3A_845 = arith.addi %add3A_843, %add3A_844 : i32
          %add3A_846 = vector.broadcast %add3A_845 : i32 to vector<16xi32>
          %add3A_847 = arith.addi %select_n3A_161, %add3A_846 : vector<16xi32>
          tpu.vector_store_idx %arg6[%add3A_847, %add3A_805], %get3A_841 : memref<128x128xf32, #tpu.memory_space<vmem>>[vector<16xi32>, vector<16xi32>], vector<16xf32>,
          %add3A_848 = arith.constant 64 : i32
          %add3A_849 = arith.addi %mul3A_234, %add3A_848 : i32
          %add3A_850 = arith.constant 48 : i32
          %add3A_851 = arith.addi %add3A_849, %add3A_850 : i32
          %get3A_852 = arith.constant 5 : i32
          %get3A_853 = arith.index_cast %get3A_852 : i32 to index
          %get3A_854 = arith.index_cast %add3A_851 : i32 to index
          %get3A_855 = tpu.vector_load %arg4[%get3A_853, %get3A_854] {strides = array<i32>} : memref<16x1025xf32, #tpu.memory_space<vmem>>, vector<16xf32>,
          %add3A_856 = arith.constant 8 : i32
          %add3A_857 = arith.addi %mul3A_236, %add3A_856 : i32
          %add3A_858 = arith.constant 6 : i32
          %add3A_859 = arith.addi %add3A_857, %add3A_858 : i32
          %add3A_860 = vector.broadcast %add3A_859 : i32 to vector<16xi32>
          %add3A_861 = arith.addi %select_n3A_161, %add3A_860 : vector<16xi32>
          tpu.vector_store_idx %arg6[%add3A_861, %add3A_805], %get3A_855 : memref<128x128xf32, #tpu.memory_space<vmem>>[vector<16xi32>, vector<16xi32>], vector<16xf32>,
          %add3A_862 = arith.constant 6 : i32
          %add3A_863 = vector.broadcast %add3A_862 : i32 to vector<16xi32>
          %add3A_864 = arith.addi %mul3A_130, %add3A_863 : vector<16xi32>
          %add3A_865 = arith.constant 64 : i32
          %add3A_866 = arith.addi %mul3A_234, %add3A_865 : i32
          %add3A_867 = arith.constant 0 : i32
          %add3A_868 = arith.addi %add3A_866, %add3A_867 : i32
          %get3A_869 = arith.constant 6 : i32
          %get3A_870 = arith.index_cast %get3A_869 : i32 to index
          %get3A_871 = arith.index_cast %add3A_868 : i32 to index
          %get3A_872 = tpu.vector_load %arg4[%get3A_870, %get3A_871] {strides = array<i32>} : memref<16x1025xf32, #tpu.memory_space<vmem>>, vector<16xf32>,
          %add3A_873 = arith.constant 8 : i32
          %add3A_874 = arith.addi %mul3A_236, %add3A_873 : i32
          %add3A_875 = arith.constant 0 : i32
          %add3A_876 = arith.addi %add3A_874, %add3A_875 : i32
          %add3A_877 = vector.broadcast %add3A_876 : i32 to vector<16xi32>
          %add3A_878 = arith.addi %select_n3A_161, %add3A_877 : vector<16xi32>
          tpu.vector_store_idx %arg6[%add3A_878, %add3A_864], %get3A_872 : memref<128x128xf32, #tpu.memory_space<vmem>>[vector<16xi32>, vector<16xi32>], vector<16xf32>,
          %add3A_879 = arith.constant 64 : i32
          %add3A_880 = arith.addi %mul3A_234, %add3A_879 : i32
          %add3A_881 = arith.constant 16 : i32
          %add3A_882 = arith.addi %add3A_880, %add3A_881 : i32
          %get3A_883 = arith.constant 6 : i32
          %get3A_884 = arith.index_cast %get3A_883 : i32 to index
          %get3A_885 = arith.index_cast %add3A_882 : i32 to index
          %get3A_886 = tpu.vector_load %arg4[%get3A_884, %get3A_885] {strides = array<i32>} : memref<16x1025xf32, #tpu.memory_space<vmem>>, vector<16xf32>,
          %add3A_887 = arith.constant 8 : i32
          %add3A_888 = arith.addi %mul3A_236, %add3A_887 : i32
          %add3A_889 = arith.constant 2 : i32
          %add3A_890 = arith.addi %add3A_888, %add3A_889 : i32
          %add3A_891 = vector.broadcast %add3A_890 : i32 to vector<16xi32>
          %add3A_892 = arith.addi %select_n3A_161, %add3A_891 : vector<16xi32>
          tpu.vector_store_idx %arg6[%add3A_892, %add3A_864], %get3A_886 : memref<128x128xf32, #tpu.memory_space<vmem>>[vector<16xi32>, vector<16xi32>], vector<16xf32>,
          %add3A_893 = arith.constant 64 : i32
          %add3A_894 = arith.addi %mul3A_234, %add3A_893 : i32
          %add3A_895 = arith.constant 32 : i32
          %add3A_896 = arith.addi %add3A_894, %add3A_895 : i32
          %get3A_897 = arith.constant 6 : i32
          %get3A_898 = arith.index_cast %get3A_897 : i32 to index
          %get3A_899 = arith.index_cast %add3A_896 : i32 to index
          %get3A_900 = tpu.vector_load %arg4[%get3A_898, %get3A_899] {strides = array<i32>} : memref<16x1025xf32, #tpu.memory_space<vmem>>, vector<16xf32>,
          %add3A_901 = arith.constant 8 : i32
          %add3A_902 = arith.addi %mul3A_236, %add3A_901 : i32
          %add3A_903 = arith.constant 4 : i32
          %add3A_904 = arith.addi %add3A_902, %add3A_903 : i32
          %add3A_905 = vector.broadcast %add3A_904 : i32 to vector<16xi32>
          %add3A_906 = arith.addi %select_n3A_161, %add3A_905 : vector<16xi32>
          tpu.vector_store_idx %arg6[%add3A_906, %add3A_864], %get3A_900 : memref<128x128xf32, #tpu.memory_space<vmem>>[vector<16xi32>, vector<16xi32>], vector<16xf32>,
          %add3A_907 = arith.constant 64 : i32
          %add3A_908 = arith.addi %mul3A_234, %add3A_907 : i32
          %add3A_909 = arith.constant 48 : i32
          %add3A_910 = arith.addi %add3A_908, %add3A_909 : i32
          %get3A_911 = arith.constant 6 : i32
          %get3A_912 = arith.index_cast %get3A_911 : i32 to index
          %get3A_913 = arith.index_cast %add3A_910 : i32 to index
          %get3A_914 = tpu.vector_load %arg4[%get3A_912, %get3A_913] {strides = array<i32>} : memref<16x1025xf32, #tpu.memory_space<vmem>>, vector<16xf32>,
          %add3A_915 = arith.constant 8 : i32
          %add3A_916 = arith.addi %mul3A_236, %add3A_915 : i32
          %add3A_917 = arith.constant 6 : i32
          %add3A_918 = arith.addi %add3A_916, %add3A_917 : i32
          %add3A_919 = vector.broadcast %add3A_918 : i32 to vector<16xi32>
          %add3A_920 = arith.addi %select_n3A_161, %add3A_919 : vector<16xi32>
          tpu.vector_store_idx %arg6[%add3A_920, %add3A_864], %get3A_914 : memref<128x128xf32, #tpu.memory_space<vmem>>[vector<16xi32>, vector<16xi32>], vector<16xf32>,
          %add3A_921 = arith.constant 7 : i32
          %add3A_922 = vector.broadcast %add3A_921 : i32 to vector<16xi32>
          %add3A_923 = arith.addi %mul3A_130, %add3A_922 : vector<16xi32>
          %add3A_924 = arith.constant 64 : i32
          %add3A_925 = arith.addi %mul3A_234, %add3A_924 : i32
          %add3A_926 = arith.constant 0 : i32
          %add3A_927 = arith.addi %add3A_925, %add3A_926 : i32
          %get3A_928 = arith.constant 7 : i32
          %get3A_929 = arith.index_cast %get3A_928 : i32 to index
          %get3A_930 = arith.index_cast %add3A_927 : i32 to index
          %get3A_931 = tpu.vector_load %arg4[%get3A_929, %get3A_930] {strides = array<i32>} : memref<16x1025xf32, #tpu.memory_space<vmem>>, vector<16xf32>,
          %add3A_932 = arith.constant 8 : i32
          %add3A_933 = arith.addi %mul3A_236, %add3A_932 : i32
          %add3A_934 = arith.constant 0 : i32
          %add3A_935 = arith.addi %add3A_933, %add3A_934 : i32
          %add3A_936 = vector.broadcast %add3A_935 : i32 to vector<16xi32>
          %add3A_937 = arith.addi %select_n3A_161, %add3A_936 : vector<16xi32>
          tpu.vector_store_idx %arg6[%add3A_937, %add3A_923], %get3A_931 : memref<128x128xf32, #tpu.memory_space<vmem>>[vector<16xi32>, vector<16xi32>], vector<16xf32>,
          %add3A_938 = arith.constant 64 : i32
          %add3A_939 = arith.addi %mul3A_234, %add3A_938 : i32
          %add3A_940 = arith.constant 16 : i32
          %add3A_941 = arith.addi %add3A_939, %add3A_940 : i32
          %get3A_942 = arith.constant 7 : i32
          %get3A_943 = arith.index_cast %get3A_942 : i32 to index
          %get3A_944 = arith.index_cast %add3A_941 : i32 to index
          %get3A_945 = tpu.vector_load %arg4[%get3A_943, %get3A_944] {strides = array<i32>} : memref<16x1025xf32, #tpu.memory_space<vmem>>, vector<16xf32>,
          %add3A_946 = arith.constant 8 : i32
          %add3A_947 = arith.addi %mul3A_236, %add3A_946 : i32
          %add3A_948 = arith.constant 2 : i32
          %add3A_949 = arith.addi %add3A_947, %add3A_948 : i32
          %add3A_950 = vector.broadcast %add3A_949 : i32 to vector<16xi32>
          %add3A_951 = arith.addi %select_n3A_161, %add3A_950 : vector<16xi32>
          tpu.vector_store_idx %arg6[%add3A_951, %add3A_923], %get3A_945 : memref<128x128xf32, #tpu.memory_space<vmem>>[vector<16xi32>, vector<16xi32>], vector<16xf32>,
          %add3A_952 = arith.constant 64 : i32
          %add3A_953 = arith.addi %mul3A_234, %add3A_952 : i32
          %add3A_954 = arith.constant 32 : i32
          %add3A_955 = arith.addi %add3A_953, %add3A_954 : i32
          %get3A_956 = arith.constant 7 : i32
          %get3A_957 = arith.index_cast %get3A_956 : i32 to index
          %get3A_958 = arith.index_cast %add3A_955 : i32 to index
          %get3A_959 = tpu.vector_load %arg4[%get3A_957, %get3A_958] {strides = array<i32>} : memref<16x1025xf32, #tpu.memory_space<vmem>>, vector<16xf32>,
          %add3A_960 = arith.constant 8 : i32
          %add3A_961 = arith.addi %mul3A_236, %add3A_960 : i32
          %add3A_962 = arith.constant 4 : i32
          %add3A_963 = arith.addi %add3A_961, %add3A_962 : i32
          %add3A_964 = vector.broadcast %add3A_963 : i32 to vector<16xi32>
          %add3A_965 = arith.addi %select_n3A_161, %add3A_964 : vector<16xi32>
          tpu.vector_store_idx %arg6[%add3A_965, %add3A_923], %get3A_959 : memref<128x128xf32, #tpu.memory_space<vmem>>[vector<16xi32>, vector<16xi32>], vector<16xf32>,
          %add3A_966 = arith.constant 64 : i32
          %add3A_967 = arith.addi %mul3A_234, %add3A_966 : i32
          %add3A_968 = arith.constant 48 : i32
          %add3A_969 = arith.addi %add3A_967, %add3A_968 : i32
          %get3A_970 = arith.constant 7 : i32
          %get3A_971 = arith.index_cast %get3A_970 : i32 to index
          %get3A_972 = arith.index_cast %add3A_969 : i32 to index
          %get3A_973 = tpu.vector_load %arg4[%get3A_971, %get3A_972] {strides = array<i32>} : memref<16x1025xf32, #tpu.memory_space<vmem>>, vector<16xf32>,
          %add3A_974 = arith.constant 8 : i32
          %add3A_975 = arith.addi %mul3A_236, %add3A_974 : i32
          %add3A_976 = arith.constant 6 : i32
          %add3A_977 = arith.addi %add3A_975, %add3A_976 : i32
          %add3A_978 = vector.broadcast %add3A_977 : i32 to vector<16xi32>
          %add3A_979 = arith.addi %select_n3A_161, %add3A_978 : vector<16xi32>
          tpu.vector_store_idx %arg6[%add3A_979, %add3A_923], %get3A_973 : memref<128x128xf32, #tpu.memory_space<vmem>>[vector<16xi32>, vector<16xi32>], vector<16xf32>,
          %add3A_980 = arith.constant 2 : i32
          %add3A_981 = arith.addi %mul3A_236, %add3A_980 : i32
          %add3A_982 = arith.constant 0 : i32
          %add3A_983 = arith.addi %add3A_981, %add3A_982 : i32
          %swap3A_984 = arith.index_cast %add3A_983 : i32 to index
          %swap3A_985 = arith.constant 0 : index
          %swap3A_986 = tpu.vector_load %arg6[%swap3A_984, %swap3A_985] {strides = array<i32>} : memref<128x128xf32, #tpu.memory_space<vmem>>, vector<16xf32>,
          tpu.vector_store %arg6[%swap3A_984, %swap3A_985], %gather3A_653 {strides = array<i32>} : memref<128x128xf32, #tpu.memory_space<vmem>>, vector<16xf32>,
          %add3A_987 = arith.constant 0 : i32
          %add3A_988 = arith.addi %add3A_981, %add3A_987 : i32
          %swap3A_989 = arith.index_cast %add3A_988 : i32 to index
          %swap3A_990 = arith.constant 16 : index
          %swap3A_991 = tpu.vector_load %arg6[%swap3A_989, %swap3A_990] {strides = array<i32>} : memref<128x128xf32, #tpu.memory_space<vmem>>, vector<16xf32>,
          tpu.vector_store %arg6[%swap3A_989, %swap3A_990], %gather3A_659 {strides = array<i32>} : memref<128x128xf32, #tpu.memory_space<vmem>>, vector<16xf32>,
          %add3A_992 = arith.constant 0 : i32
          %add3A_993 = arith.addi %add3A_981, %add3A_992 : i32
          %swap3A_994 = arith.index_cast %add3A_993 : i32 to index
          %swap3A_995 = arith.constant 32 : index
          %swap3A_996 = tpu.vector_load %arg6[%swap3A_994, %swap3A_995] {strides = array<i32>} : memref<128x128xf32, #tpu.memory_space<vmem>>, vector<16xf32>,
          tpu.vector_store %arg6[%swap3A_994, %swap3A_995], %gather3A_665 {strides = array<i32>} : memref<128x128xf32, #tpu.memory_space<vmem>>, vector<16xf32>,
          %add3A_997 = arith.constant 0 : i32
          %add3A_998 = arith.addi %add3A_981, %add3A_997 : i32
          %swap3A_999 = arith.index_cast %add3A_998 : i32 to index
          %swap3A_1000 = arith.constant 48 : index
          %swap3A_1001 = tpu.vector_load %arg6[%swap3A_999, %swap3A_1000] {strides = array<i32>} : memref<128x128xf32, #tpu.memory_space<vmem>>, vector<16xf32>,
          tpu.vector_store %arg6[%swap3A_999, %swap3A_1000], %gather3A_671 {strides = array<i32>} : memref<128x128xf32, #tpu.memory_space<vmem>>, vector<16xf32>,
          %add3A_1002 = arith.constant 0 : i32
          %add3A_1003 = arith.addi %add3A_981, %add3A_1002 : i32
          %swap3A_1004 = arith.index_cast %add3A_1003 : i32 to index
          %swap3A_1005 = arith.constant 64 : index
          %swap3A_1006 = tpu.vector_load %arg6[%swap3A_1004, %swap3A_1005] {strides = array<i32>} : memref<128x128xf32, #tpu.memory_space<vmem>>, vector<16xf32>,
          tpu.vector_store %arg6[%swap3A_1004, %swap3A_1005], %gather3A_677 {strides = array<i32>} : memref<128x128xf32, #tpu.memory_space<vmem>>, vector<16xf32>,
          %add3A_1007 = arith.constant 0 : i32
          %add3A_1008 = arith.addi %add3A_981, %add3A_1007 : i32
          %swap3A_1009 = arith.index_cast %add3A_1008 : i32 to index
          %swap3A_1010 = arith.constant 80 : index
          %swap3A_1011 = tpu.vector_load %arg6[%swap3A_1009, %swap3A_1010] {strides = array<i32>} : memref<128x128xf32, #tpu.memory_space<vmem>>, vector<16xf32>,
          tpu.vector_store %arg6[%swap3A_1009, %swap3A_1010], %gather3A_683 {strides = array<i32>} : memref<128x128xf32, #tpu.memory_space<vmem>>, vector<16xf32>,
          %add3A_1012 = arith.constant 0 : i32
          %add3A_1013 = arith.addi %add3A_981, %add3A_1012 : i32
          %swap3A_1014 = arith.index_cast %add3A_1013 : i32 to index
          %swap3A_1015 = arith.constant 96 : index
          %swap3A_1016 = tpu.vector_load %arg6[%swap3A_1014, %swap3A_1015] {strides = array<i32>} : memref<128x128xf32, #tpu.memory_space<vmem>>, vector<16xf32>,
          tpu.vector_store %arg6[%swap3A_1014, %swap3A_1015], %gather3A_689 {strides = array<i32>} : memref<128x128xf32, #tpu.memory_space<vmem>>, vector<16xf32>,
          %add3A_1017 = arith.constant 0 : i32
          %add3A_1018 = arith.addi %add3A_981, %add3A_1017 : i32
          %swap3A_1019 = arith.index_cast %add3A_1018 : i32 to index
          %swap3A_1020 = arith.constant 112 : index
          %swap3A_1021 = tpu.vector_load %arg6[%swap3A_1019, %swap3A_1020] {strides = array<i32>} : memref<128x128xf32, #tpu.memory_space<vmem>>, vector<16xf32>,
          tpu.vector_store %arg6[%swap3A_1019, %swap3A_1020], %gather3A_695 {strides = array<i32>} : memref<128x128xf32, #tpu.memory_space<vmem>>, vector<16xf32>,
          %add3A_1022 = arith.constant 1 : i32
          %add3A_1023 = arith.addi %add3A_981, %add3A_1022 : i32
          %swap3A_1024 = arith.index_cast %add3A_1023 : i32 to index
          %swap3A_1025 = arith.constant 0 : index
          %swap3A_1026 = tpu.vector_load %arg6[%swap3A_1024, %swap3A_1025] {strides = array<i32>} : memref<128x128xf32, #tpu.memory_space<vmem>>, vector<16xf32>,
          tpu.vector_store %arg6[%swap3A_1024, %swap3A_1025], %gather3A_701 {strides = array<i32>} : memref<128x128xf32, #tpu.memory_space<vmem>>, vector<16xf32>,
          %add3A_1027 = arith.constant 1 : i32
          %add3A_1028 = arith.addi %add3A_981, %add3A_1027 : i32
          %swap3A_1029 = arith.index_cast %add3A_1028 : i32 to index
          %swap3A_1030 = arith.constant 16 : index
          %swap3A_1031 = tpu.vector_load %arg6[%swap3A_1029, %swap3A_1030] {strides = array<i32>} : memref<128x128xf32, #tpu.memory_space<vmem>>, vector<16xf32>,
          tpu.vector_store %arg6[%swap3A_1029, %swap3A_1030], %gather3A_707 {strides = array<i32>} : memref<128x128xf32, #tpu.memory_space<vmem>>, vector<16xf32>,
          %add3A_1032 = arith.constant 1 : i32
          %add3A_1033 = arith.addi %add3A_981, %add3A_1032 : i32
          %swap3A_1034 = arith.index_cast %add3A_1033 : i32 to index
          %swap3A_1035 = arith.constant 32 : index
          %swap3A_1036 = tpu.vector_load %arg6[%swap3A_1034, %swap3A_1035] {strides = array<i32>} : memref<128x128xf32, #tpu.memory_space<vmem>>, vector<16xf32>,
          tpu.vector_store %arg6[%swap3A_1034, %swap3A_1035], %gather3A_713 {strides = array<i32>} : memref<128x128xf32, #tpu.memory_space<vmem>>, vector<16xf32>,
          %add3A_1037 = arith.constant 1 : i32
          %add3A_1038 = arith.addi %add3A_981, %add3A_1037 : i32
          %swap3A_1039 = arith.index_cast %add3A_1038 : i32 to index
          %swap3A_1040 = arith.constant 48 : index
          %swap3A_1041 = tpu.vector_load %arg6[%swap3A_1039, %swap3A_1040] {strides = array<i32>} : memref<128x128xf32, #tpu.memory_space<vmem>>, vector<16xf32>,
          tpu.vector_store %arg6[%swap3A_1039, %swap3A_1040], %gather3A_719 {strides = array<i32>} : memref<128x128xf32, #tpu.memory_space<vmem>>, vector<16xf32>,
          %add3A_1042 = arith.constant 1 : i32
          %add3A_1043 = arith.addi %add3A_981, %add3A_1042 : i32
          %swap3A_1044 = arith.index_cast %add3A_1043 : i32 to index
          %swap3A_1045 = arith.constant 64 : index
          %swap3A_1046 = tpu.vector_load %arg6[%swap3A_1044, %swap3A_1045] {strides = array<i32>} : memref<128x128xf32, #tpu.memory_space<vmem>>, vector<16xf32>,
          tpu.vector_store %arg6[%swap3A_1044, %swap3A_1045], %gather3A_725 {strides = array<i32>} : memref<128x128xf32, #tpu.memory_space<vmem>>, vector<16xf32>,
          %add3A_1047 = arith.constant 1 : i32
          %add3A_1048 = arith.addi %add3A_981, %add3A_1047 : i32
          %swap3A_1049 = arith.index_cast %add3A_1048 : i32 to index
          %swap3A_1050 = arith.constant 80 : index
          %swap3A_1051 = tpu.vector_load %arg6[%swap3A_1049, %swap3A_1050] {strides = array<i32>} : memref<128x128xf32, #tpu.memory_space<vmem>>, vector<16xf32>,
          tpu.vector_store %arg6[%swap3A_1049, %swap3A_1050], %gather3A_731 {strides = array<i32>} : memref<128x128xf32, #tpu.memory_space<vmem>>, vector<16xf32>,
          %add3A_1052 = arith.constant 1 : i32
          %add3A_1053 = arith.addi %add3A_981, %add3A_1052 : i32
          %swap3A_1054 = arith.index_cast %add3A_1053 : i32 to index
          %swap3A_1055 = arith.constant 96 : index
          %swap3A_1056 = tpu.vector_load %arg6[%swap3A_1054, %swap3A_1055] {strides = array<i32>} : memref<128x128xf32, #tpu.memory_space<vmem>>, vector<16xf32>,
          tpu.vector_store %arg6[%swap3A_1054, %swap3A_1055], %gather3A_737 {strides = array<i32>} : memref<128x128xf32, #tpu.memory_space<vmem>>, vector<16xf32>,
          %add3A_1057 = arith.constant 1 : i32
          %add3A_1058 = arith.addi %add3A_981, %add3A_1057 : i32
          %swap3A_1059 = arith.index_cast %add3A_1058 : i32 to index
          %swap3A_1060 = arith.constant 112 : index
          %swap3A_1061 = tpu.vector_load %arg6[%swap3A_1059, %swap3A_1060] {strides = array<i32>} : memref<128x128xf32, #tpu.memory_space<vmem>>, vector<16xf32>,
          tpu.vector_store %arg6[%swap3A_1059, %swap3A_1060], %gather3A_743 {strides = array<i32>} : memref<128x128xf32, #tpu.memory_space<vmem>>, vector<16xf32>,
          %add3A_1062 = arith.constant 32 : i32
          %add3A_1063 = arith.addi %mul3A_234, %add3A_1062 : i32
          %add3A_1064 = arith.constant 0 : i32
          %add3A_1065 = arith.addi %add3A_1063, %add3A_1064 : i32
          %broadcast_in_dim3A_1066 = vector.broadcast %add3A_1065 : i32 to vector<16xi32>
          %gather3A_1067 = tpu.vector_load_idx %arg4[%iota3A, %broadcast_in_dim3A_1066] : memref<16x1025xf32, #tpu.memory_space<vmem>>[vector<16xi32>, vector<16xi32>], vector<16xf32>,
          %add3A_1068 = arith.constant 32 : i32
          %add3A_1069 = arith.addi %mul3A_234, %add3A_1068 : i32
          %add3A_1070 = arith.constant 1 : i32
          %add3A_1071 = arith.addi %add3A_1069, %add3A_1070 : i32
          %broadcast_in_dim3A_1072 = vector.broadcast %add3A_1071 : i32 to vector<16xi32>
          %gather3A_1073 = tpu.vector_load_idx %arg4[%iota3A, %broadcast_in_dim3A_1072] : memref<16x1025xf32, #tpu.memory_space<vmem>>[vector<16xi32>, vector<16xi32>], vector<16xf32>,
          %add3A_1074 = arith.constant 32 : i32
          %add3A_1075 = arith.addi %mul3A_234, %add3A_1074 : i32
          %add3A_1076 = arith.constant 2 : i32
          %add3A_1077 = arith.addi %add3A_1075, %add3A_1076 : i32
          %broadcast_in_dim3A_1078 = vector.broadcast %add3A_1077 : i32 to vector<16xi32>
          %gather3A_1079 = tpu.vector_load_idx %arg4[%iota3A, %broadcast_in_dim3A_1078] : memref<16x1025xf32, #tpu.memory_space<vmem>>[vector<16xi32>, vector<16xi32>], vector<16xf32>,
          %add3A_1080 = arith.constant 32 : i32
          %add3A_1081 = arith.addi %mul3A_234, %add3A_1080 : i32
          %add3A_1082 = arith.constant 3 : i32
          %add3A_1083 = arith.addi %add3A_1081, %add3A_1082 : i32
          %broadcast_in_dim3A_1084 = vector.broadcast %add3A_1083 : i32 to vector<16xi32>
          %gather3A_1085 = tpu.vector_load_idx %arg4[%iota3A, %broadcast_in_dim3A_1084] : memref<16x1025xf32, #tpu.memory_space<vmem>>[vector<16xi32>, vector<16xi32>], vector<16xf32>,
          %add3A_1086 = arith.constant 32 : i32
          %add3A_1087 = arith.addi %mul3A_234, %add3A_1086 : i32
          %add3A_1088 = arith.constant 4 : i32
          %add3A_1089 = arith.addi %add3A_1087, %add3A_1088 : i32
          %broadcast_in_dim3A_1090 = vector.broadcast %add3A_1089 : i32 to vector<16xi32>
          %gather3A_1091 = tpu.vector_load_idx %arg4[%iota3A, %broadcast_in_dim3A_1090] : memref<16x1025xf32, #tpu.memory_space<vmem>>[vector<16xi32>, vector<16xi32>], vector<16xf32>,
          %add3A_1092 = arith.constant 32 : i32
          %add3A_1093 = arith.addi %mul3A_234, %add3A_1092 : i32
          %add3A_1094 = arith.constant 5 : i32
          %add3A_1095 = arith.addi %add3A_1093, %add3A_1094 : i32
          %broadcast_in_dim3A_1096 = vector.broadcast %add3A_1095 : i32 to vector<16xi32>
          %gather3A_1097 = tpu.vector_load_idx %arg4[%iota3A, %broadcast_in_dim3A_1096] : memref<16x1025xf32, #tpu.memory_space<vmem>>[vector<16xi32>, vector<16xi32>], vector<16xf32>,
          %add3A_1098 = arith.constant 32 : i32
          %add3A_1099 = arith.addi %mul3A_234, %add3A_1098 : i32
          %add3A_1100 = arith.constant 6 : i32
          %add3A_1101 = arith.addi %add3A_1099, %add3A_1100 : i32
          %broadcast_in_dim3A_1102 = vector.broadcast %add3A_1101 : i32 to vector<16xi32>
          %gather3A_1103 = tpu.vector_load_idx %arg4[%iota3A, %broadcast_in_dim3A_1102] : memref<16x1025xf32, #tpu.memory_space<vmem>>[vector<16xi32>, vector<16xi32>], vector<16xf32>,
          %add3A_1104 = arith.constant 32 : i32
          %add3A_1105 = arith.addi %mul3A_234, %add3A_1104 : i32
          %add3A_1106 = arith.constant 7 : i32
          %add3A_1107 = arith.addi %add3A_1105, %add3A_1106 : i32
          %broadcast_in_dim3A_1108 = vector.broadcast %add3A_1107 : i32 to vector<16xi32>
          %gather3A_1109 = tpu.vector_load_idx %arg4[%iota3A, %broadcast_in_dim3A_1108] : memref<16x1025xf32, #tpu.memory_space<vmem>>[vector<16xi32>, vector<16xi32>], vector<16xf32>,
          %add3A_1110 = arith.constant 32 : i32
          %add3A_1111 = arith.addi %mul3A_234, %add3A_1110 : i32
          %add3A_1112 = arith.constant 8 : i32
          %add3A_1113 = arith.addi %add3A_1111, %add3A_1112 : i32
          %broadcast_in_dim3A_1114 = vector.broadcast %add3A_1113 : i32 to vector<16xi32>
          %gather3A_1115 = tpu.vector_load_idx %arg4[%iota3A, %broadcast_in_dim3A_1114] : memref<16x1025xf32, #tpu.memory_space<vmem>>[vector<16xi32>, vector<16xi32>], vector<16xf32>,
          %add3A_1116 = arith.constant 32 : i32
          %add3A_1117 = arith.addi %mul3A_234, %add3A_1116 : i32
          %add3A_1118 = arith.constant 9 : i32
          %add3A_1119 = arith.addi %add3A_1117, %add3A_1118 : i32
          %broadcast_in_dim3A_1120 = vector.broadcast %add3A_1119 : i32 to vector<16xi32>
          %gather3A_1121 = tpu.vector_load_idx %arg4[%iota3A, %broadcast_in_dim3A_1120] : memref<16x1025xf32, #tpu.memory_space<vmem>>[vector<16xi32>, vector<16xi32>], vector<16xf32>,
          %add3A_1122 = arith.constant 32 : i32
          %add3A_1123 = arith.addi %mul3A_234, %add3A_1122 : i32
          %add3A_1124 = arith.constant 10 : i32
          %add3A_1125 = arith.addi %add3A_1123, %add3A_1124 : i32
          %broadcast_in_dim3A_1126 = vector.broadcast %add3A_1125 : i32 to vector<16xi32>
          %gather3A_1127 = tpu.vector_load_idx %arg4[%iota3A, %broadcast_in_dim3A_1126] : memref<16x1025xf32, #tpu.memory_space<vmem>>[vector<16xi32>, vector<16xi32>], vector<16xf32>,
          %add3A_1128 = arith.constant 32 : i32
          %add3A_1129 = arith.addi %mul3A_234, %add3A_1128 : i32
          %add3A_1130 = arith.constant 11 : i32
          %add3A_1131 = arith.addi %add3A_1129, %add3A_1130 : i32
          %broadcast_in_dim3A_1132 = vector.broadcast %add3A_1131 : i32 to vector<16xi32>
          %gather3A_1133 = tpu.vector_load_idx %arg4[%iota3A, %broadcast_in_dim3A_1132] : memref<16x1025xf32, #tpu.memory_space<vmem>>[vector<16xi32>, vector<16xi32>], vector<16xf32>,
          %add3A_1134 = arith.constant 32 : i32
          %add3A_1135 = arith.addi %mul3A_234, %add3A_1134 : i32
          %add3A_1136 = arith.constant 12 : i32
          %add3A_1137 = arith.addi %add3A_1135, %add3A_1136 : i32
          %broadcast_in_dim3A_1138 = vector.broadcast %add3A_1137 : i32 to vector<16xi32>
          %gather3A_1139 = tpu.vector_load_idx %arg4[%iota3A, %broadcast_in_dim3A_1138] : memref<16x1025xf32, #tpu.memory_space<vmem>>[vector<16xi32>, vector<16xi32>], vector<16xf32>,
          %add3A_1140 = arith.constant 32 : i32
          %add3A_1141 = arith.addi %mul3A_234, %add3A_1140 : i32
          %add3A_1142 = arith.constant 13 : i32
          %add3A_1143 = arith.addi %add3A_1141, %add3A_1142 : i32
          %broadcast_in_dim3A_1144 = vector.broadcast %add3A_1143 : i32 to vector<16xi32>
          %gather3A_1145 = tpu.vector_load_idx %arg4[%iota3A, %broadcast_in_dim3A_1144] : memref<16x1025xf32, #tpu.memory_space<vmem>>[vector<16xi32>, vector<16xi32>], vector<16xf32>,
          %add3A_1146 = arith.constant 32 : i32
          %add3A_1147 = arith.addi %mul3A_234, %add3A_1146 : i32
          %add3A_1148 = arith.constant 14 : i32
          %add3A_1149 = arith.addi %add3A_1147, %add3A_1148 : i32
          %broadcast_in_dim3A_1150 = vector.broadcast %add3A_1149 : i32 to vector<16xi32>
          %gather3A_1151 = tpu.vector_load_idx %arg4[%iota3A, %broadcast_in_dim3A_1150] : memref<16x1025xf32, #tpu.memory_space<vmem>>[vector<16xi32>, vector<16xi32>], vector<16xf32>,
          %add3A_1152 = arith.constant 32 : i32
          %add3A_1153 = arith.addi %mul3A_234, %add3A_1152 : i32
          %add3A_1154 = arith.constant 15 : i32
          %add3A_1155 = arith.addi %add3A_1153, %add3A_1154 : i32
          %broadcast_in_dim3A_1156 = vector.broadcast %add3A_1155 : i32 to vector<16xi32>
          %gather3A_1157 = tpu.vector_load_idx %arg4[%iota3A, %broadcast_in_dim3A_1156] : memref<16x1025xf32, #tpu.memory_space<vmem>>[vector<16xi32>, vector<16xi32>], vector<16xf32>,
          %add3A_1158 = arith.constant 8 : i32
          %add3A_1159 = vector.broadcast %add3A_1158 : i32 to vector<16xi32>
          %add3A_1160 = arith.addi %mul3A_130, %add3A_1159 : vector<16xi32>
          %add3A_1161 = arith.constant 64 : i32
          %add3A_1162 = arith.addi %mul3A_234, %add3A_1161 : i32
          %add3A_1163 = arith.constant 0 : i32
          %add3A_1164 = arith.addi %add3A_1162, %add3A_1163 : i32
          %get3A_1165 = arith.constant 8 : i32
          %get3A_1166 = arith.index_cast %get3A_1165 : i32 to index
          %get3A_1167 = arith.index_cast %add3A_1164 : i32 to index
          %get3A_1168 = tpu.vector_load %arg4[%get3A_1166, %get3A_1167] {strides = array<i32>} : memref<16x1025xf32, #tpu.memory_space<vmem>>, vector<16xf32>,
          %add3A_1169 = arith.constant 8 : i32
          %add3A_1170 = arith.addi %mul3A_236, %add3A_1169 : i32
          %add3A_1171 = arith.constant 0 : i32
          %add3A_1172 = arith.addi %add3A_1170, %add3A_1171 : i32
          %add3A_1173 = vector.broadcast %add3A_1172 : i32 to vector<16xi32>
          %add3A_1174 = arith.addi %select_n3A_161, %add3A_1173 : vector<16xi32>
          tpu.vector_store_idx %arg6[%add3A_1174, %add3A_1160], %get3A_1168 : memref<128x128xf32, #tpu.memory_space<vmem>>[vector<16xi32>, vector<16xi32>], vector<16xf32>,
          %add3A_1175 = arith.constant 64 : i32
          %add3A_1176 = arith.addi %mul3A_234, %add3A_1175 : i32
          %add3A_1177 = arith.constant 16 : i32
          %add3A_1178 = arith.addi %add3A_1176, %add3A_1177 : i32
          %get3A_1179 = arith.constant 8 : i32
          %get3A_1180 = arith.index_cast %get3A_1179 : i32 to index
          %get3A_1181 = arith.index_cast %add3A_1178 : i32 to index
          %get3A_1182 = tpu.vector_load %arg4[%get3A_1180, %get3A_1181] {strides = array<i32>} : memref<16x1025xf32, #tpu.memory_space<vmem>>, vector<16xf32>,
          %add3A_1183 = arith.constant 8 : i32
          %add3A_1184 = arith.addi %mul3A_236, %add3A_1183 : i32
          %add3A_1185 = arith.constant 2 : i32
          %add3A_1186 = arith.addi %add3A_1184, %add3A_1185 : i32
          %add3A_1187 = vector.broadcast %add3A_1186 : i32 to vector<16xi32>
          %add3A_1188 = arith.addi %select_n3A_161, %add3A_1187 : vector<16xi32>
          tpu.vector_store_idx %arg6[%add3A_1188, %add3A_1160], %get3A_1182 : memref<128x128xf32, #tpu.memory_space<vmem>>[vector<16xi32>, vector<16xi32>], vector<16xf32>,
          %add3A_1189 = arith.constant 64 : i32
          %add3A_1190 = arith.addi %mul3A_234, %add3A_1189 : i32
          %add3A_1191 = arith.constant 32 : i32
          %add3A_1192 = arith.addi %add3A_1190, %add3A_1191 : i32
          %get3A_1193 = arith.constant 8 : i32
          %get3A_1194 = arith.index_cast %get3A_1193 : i32 to index
          %get3A_1195 = arith.index_cast %add3A_1192 : i32 to index
          %get3A_1196 = tpu.vector_load %arg4[%get3A_1194, %get3A_1195] {strides = array<i32>} : memref<16x1025xf32, #tpu.memory_space<vmem>>, vector<16xf32>,
          %add3A_1197 = arith.constant 8 : i32
          %add3A_1198 = arith.addi %mul3A_236, %add3A_1197 : i32
          %add3A_1199 = arith.constant 4 : i32
          %add3A_1200 = arith.addi %add3A_1198, %add3A_1199 : i32
          %add3A_1201 = vector.broadcast %add3A_1200 : i32 to vector<16xi32>
          %add3A_1202 = arith.addi %select_n3A_161, %add3A_1201 : vector<16xi32>
          tpu.vector_store_idx %arg6[%add3A_1202, %add3A_1160], %get3A_1196 : memref<128x128xf32, #tpu.memory_space<vmem>>[vector<16xi32>, vector<16xi32>], vector<16xf32>,
          %add3A_1203 = arith.constant 64 : i32
          %add3A_1204 = arith.addi %mul3A_234, %add3A_1203 : i32
          %add3A_1205 = arith.constant 48 : i32
          %add3A_1206 = arith.addi %add3A_1204, %add3A_1205 : i32
          %get3A_1207 = arith.constant 8 : i32
          %get3A_1208 = arith.index_cast %get3A_1207 : i32 to index
          %get3A_1209 = arith.index_cast %add3A_1206 : i32 to index
          %get3A_1210 = tpu.vector_load %arg4[%get3A_1208, %get3A_1209] {strides = array<i32>} : memref<16x1025xf32, #tpu.memory_space<vmem>>, vector<16xf32>,
          %add3A_1211 = arith.constant 8 : i32
          %add3A_1212 = arith.addi %mul3A_236, %add3A_1211 : i32
          %add3A_1213 = arith.constant 6 : i32
          %add3A_1214 = arith.addi %add3A_1212, %add3A_1213 : i32
          %add3A_1215 = vector.broadcast %add3A_1214 : i32 to vector<16xi32>
          %add3A_1216 = arith.addi %select_n3A_161, %add3A_1215 : vector<16xi32>
          tpu.vector_store_idx %arg6[%add3A_1216, %add3A_1160], %get3A_1210 : memref<128x128xf32, #tpu.memory_space<vmem>>[vector<16xi32>, vector<16xi32>], vector<16xf32>,
          %add3A_1217 = arith.constant 9 : i32
          %add3A_1218 = vector.broadcast %add3A_1217 : i32 to vector<16xi32>
          %add3A_1219 = arith.addi %mul3A_130, %add3A_1218 : vector<16xi32>
          %add3A_1220 = arith.constant 64 : i32
          %add3A_1221 = arith.addi %mul3A_234, %add3A_1220 : i32
          %add3A_1222 = arith.constant 0 : i32
          %add3A_1223 = arith.addi %add3A_1221, %add3A_1222 : i32
          %get3A_1224 = arith.constant 9 : i32
          %get3A_1225 = arith.index_cast %get3A_1224 : i32 to index
          %get3A_1226 = arith.index_cast %add3A_1223 : i32 to index
          %get3A_1227 = tpu.vector_load %arg4[%get3A_1225, %get3A_1226] {strides = array<i32>} : memref<16x1025xf32, #tpu.memory_space<vmem>>, vector<16xf32>,
          %add3A_1228 = arith.constant 8 : i32
          %add3A_1229 = arith.addi %mul3A_236, %add3A_1228 : i32
          %add3A_1230 = arith.constant 0 : i32
          %add3A_1231 = arith.addi %add3A_1229, %add3A_1230 : i32
          %add3A_1232 = vector.broadcast %add3A_1231 : i32 to vector<16xi32>
          %add3A_1233 = arith.addi %select_n3A_161, %add3A_1232 : vector<16xi32>
          tpu.vector_store_idx %arg6[%add3A_1233, %add3A_1219], %get3A_1227 : memref<128x128xf32, #tpu.memory_space<vmem>>[vector<16xi32>, vector<16xi32>], vector<16xf32>,
          %add3A_1234 = arith.constant 64 : i32
          %add3A_1235 = arith.addi %mul3A_234, %add3A_1234 : i32
          %add3A_1236 = arith.constant 16 : i32
          %add3A_1237 = arith.addi %add3A_1235, %add3A_1236 : i32
          %get3A_1238 = arith.constant 9 : i32
          %get3A_1239 = arith.index_cast %get3A_1238 : i32 to index
          %get3A_1240 = arith.index_cast %add3A_1237 : i32 to index
          %get3A_1241 = tpu.vector_load %arg4[%get3A_1239, %get3A_1240] {strides = array<i32>} : memref<16x1025xf32, #tpu.memory_space<vmem>>, vector<16xf32>,
          %add3A_1242 = arith.constant 8 : i32
          %add3A_1243 = arith.addi %mul3A_236, %add3A_1242 : i32
          %add3A_1244 = arith.constant 2 : i32
          %add3A_1245 = arith.addi %add3A_1243, %add3A_1244 : i32
          %add3A_1246 = vector.broadcast %add3A_1245 : i32 to vector<16xi32>
          %add3A_1247 = arith.addi %select_n3A_161, %add3A_1246 : vector<16xi32>
          tpu.vector_store_idx %arg6[%add3A_1247, %add3A_1219], %get3A_1241 : memref<128x128xf32, #tpu.memory_space<vmem>>[vector<16xi32>, vector<16xi32>], vector<16xf32>,
          %add3A_1248 = arith.constant 64 : i32
          %add3A_1249 = arith.addi %mul3A_234, %add3A_1248 : i32
          %add3A_1250 = arith.constant 32 : i32
          %add3A_1251 = arith.addi %add3A_1249, %add3A_1250 : i32
          %get3A_1252 = arith.constant 9 : i32
          %get3A_1253 = arith.index_cast %get3A_1252 : i32 to index
          %get3A_1254 = arith.index_cast %add3A_1251 : i32 to index
          %get3A_1255 = tpu.vector_load %arg4[%get3A_1253, %get3A_1254] {strides = array<i32>} : memref<16x1025xf32, #tpu.memory_space<vmem>>, vector<16xf32>,
          %add3A_1256 = arith.constant 8 : i32
          %add3A_1257 = arith.addi %mul3A_236, %add3A_1256 : i32
          %add3A_1258 = arith.constant 4 : i32
          %add3A_1259 = arith.addi %add3A_1257, %add3A_1258 : i32
          %add3A_1260 = vector.broadcast %add3A_1259 : i32 to vector<16xi32>
          %add3A_1261 = arith.addi %select_n3A_161, %add3A_1260 : vector<16xi32>
          tpu.vector_store_idx %arg6[%add3A_1261, %add3A_1219], %get3A_1255 : memref<128x128xf32, #tpu.memory_space<vmem>>[vector<16xi32>, vector<16xi32>], vector<16xf32>,
          %add3A_1262 = arith.constant 64 : i32
          %add3A_1263 = arith.addi %mul3A_234, %add3A_1262 : i32
          %add3A_1264 = arith.constant 48 : i32
          %add3A_1265 = arith.addi %add3A_1263, %add3A_1264 : i32
          %get3A_1266 = arith.constant 9 : i32
          %get3A_1267 = arith.index_cast %get3A_1266 : i32 to index
          %get3A_1268 = arith.index_cast %add3A_1265 : i32 to index
          %get3A_1269 = tpu.vector_load %arg4[%get3A_1267, %get3A_1268] {strides = array<i32>} : memref<16x1025xf32, #tpu.memory_space<vmem>>, vector<16xf32>,
          %add3A_1270 = arith.constant 8 : i32
          %add3A_1271 = arith.addi %mul3A_236, %add3A_1270 : i32
          %add3A_1272 = arith.constant 6 : i32
          %add3A_1273 = arith.addi %add3A_1271, %add3A_1272 : i32
          %add3A_1274 = vector.broadcast %add3A_1273 : i32 to vector<16xi32>
          %add3A_1275 = arith.addi %select_n3A_161, %add3A_1274 : vector<16xi32>
          tpu.vector_store_idx %arg6[%add3A_1275, %add3A_1219], %get3A_1269 : memref<128x128xf32, #tpu.memory_space<vmem>>[vector<16xi32>, vector<16xi32>], vector<16xf32>,
          %add3A_1276 = arith.constant 10 : i32
          %add3A_1277 = vector.broadcast %add3A_1276 : i32 to vector<16xi32>
          %add3A_1278 = arith.addi %mul3A_130, %add3A_1277 : vector<16xi32>
          %add3A_1279 = arith.constant 64 : i32
          %add3A_1280 = arith.addi %mul3A_234, %add3A_1279 : i32
          %add3A_1281 = arith.constant 0 : i32
          %add3A_1282 = arith.addi %add3A_1280, %add3A_1281 : i32
          %get3A_1283 = arith.constant 10 : i32
          %get3A_1284 = arith.index_cast %get3A_1283 : i32 to index
          %get3A_1285 = arith.index_cast %add3A_1282 : i32 to index
          %get3A_1286 = tpu.vector_load %arg4[%get3A_1284, %get3A_1285] {strides = array<i32>} : memref<16x1025xf32, #tpu.memory_space<vmem>>, vector<16xf32>,
          %add3A_1287 = arith.constant 8 : i32
          %add3A_1288 = arith.addi %mul3A_236, %add3A_1287 : i32
          %add3A_1289 = arith.constant 0 : i32
          %add3A_1290 = arith.addi %add3A_1288, %add3A_1289 : i32
          %add3A_1291 = vector.broadcast %add3A_1290 : i32 to vector<16xi32>
          %add3A_1292 = arith.addi %select_n3A_161, %add3A_1291 : vector<16xi32>
          tpu.vector_store_idx %arg6[%add3A_1292, %add3A_1278], %get3A_1286 : memref<128x128xf32, #tpu.memory_space<vmem>>[vector<16xi32>, vector<16xi32>], vector<16xf32>,
          %add3A_1293 = arith.constant 64 : i32
          %add3A_1294 = arith.addi %mul3A_234, %add3A_1293 : i32
          %add3A_1295 = arith.constant 16 : i32
          %add3A_1296 = arith.addi %add3A_1294, %add3A_1295 : i32
          %get3A_1297 = arith.constant 10 : i32
          %get3A_1298 = arith.index_cast %get3A_1297 : i32 to index
          %get3A_1299 = arith.index_cast %add3A_1296 : i32 to index
          %get3A_1300 = tpu.vector_load %arg4[%get3A_1298, %get3A_1299] {strides = array<i32>} : memref<16x1025xf32, #tpu.memory_space<vmem>>, vector<16xf32>,
          %add3A_1301 = arith.constant 8 : i32
          %add3A_1302 = arith.addi %mul3A_236, %add3A_1301 : i32
          %add3A_1303 = arith.constant 2 : i32
          %add3A_1304 = arith.addi %add3A_1302, %add3A_1303 : i32
          %add3A_1305 = vector.broadcast %add3A_1304 : i32 to vector<16xi32>
          %add3A_1306 = arith.addi %select_n3A_161, %add3A_1305 : vector<16xi32>
          tpu.vector_store_idx %arg6[%add3A_1306, %add3A_1278], %get3A_1300 : memref<128x128xf32, #tpu.memory_space<vmem>>[vector<16xi32>, vector<16xi32>], vector<16xf32>,
          %add3A_1307 = arith.constant 64 : i32
          %add3A_1308 = arith.addi %mul3A_234, %add3A_1307 : i32
          %add3A_1309 = arith.constant 32 : i32
          %add3A_1310 = arith.addi %add3A_1308, %add3A_1309 : i32
          %get3A_1311 = arith.constant 10 : i32
          %get3A_1312 = arith.index_cast %get3A_1311 : i32 to index
          %get3A_1313 = arith.index_cast %add3A_1310 : i32 to index
          %get3A_1314 = tpu.vector_load %arg4[%get3A_1312, %get3A_1313] {strides = array<i32>} : memref<16x1025xf32, #tpu.memory_space<vmem>>, vector<16xf32>,
          %add3A_1315 = arith.constant 8 : i32
          %add3A_1316 = arith.addi %mul3A_236, %add3A_1315 : i32
          %add3A_1317 = arith.constant 4 : i32
          %add3A_1318 = arith.addi %add3A_1316, %add3A_1317 : i32
          %add3A_1319 = vector.broadcast %add3A_1318 : i32 to vector<16xi32>
          %add3A_1320 = arith.addi %select_n3A_161, %add3A_1319 : vector<16xi32>
          tpu.vector_store_idx %arg6[%add3A_1320, %add3A_1278], %get3A_1314 : memref<128x128xf32, #tpu.memory_space<vmem>>[vector<16xi32>, vector<16xi32>], vector<16xf32>,
          %add3A_1321 = arith.constant 64 : i32
          %add3A_1322 = arith.addi %mul3A_234, %add3A_1321 : i32
          %add3A_1323 = arith.constant 48 : i32
          %add3A_1324 = arith.addi %add3A_1322, %add3A_1323 : i32
          %get3A_1325 = arith.constant 10 : i32
          %get3A_1326 = arith.index_cast %get3A_1325 : i32 to index
          %get3A_1327 = arith.index_cast %add3A_1324 : i32 to index
          %get3A_1328 = tpu.vector_load %arg4[%get3A_1326, %get3A_1327] {strides = array<i32>} : memref<16x1025xf32, #tpu.memory_space<vmem>>, vector<16xf32>,
          %add3A_1329 = arith.constant 8 : i32
          %add3A_1330 = arith.addi %mul3A_236, %add3A_1329 : i32
          %add3A_1331 = arith.constant 6 : i32
          %add3A_1332 = arith.addi %add3A_1330, %add3A_1331 : i32
          %add3A_1333 = vector.broadcast %add3A_1332 : i32 to vector<16xi32>
          %add3A_1334 = arith.addi %select_n3A_161, %add3A_1333 : vector<16xi32>
          tpu.vector_store_idx %arg6[%add3A_1334, %add3A_1278], %get3A_1328 : memref<128x128xf32, #tpu.memory_space<vmem>>[vector<16xi32>, vector<16xi32>], vector<16xf32>,
          %add3A_1335 = arith.constant 11 : i32
          %add3A_1336 = vector.broadcast %add3A_1335 : i32 to vector<16xi32>
          %add3A_1337 = arith.addi %mul3A_130, %add3A_1336 : vector<16xi32>
          %add3A_1338 = arith.constant 64 : i32
          %add3A_1339 = arith.addi %mul3A_234, %add3A_1338 : i32
          %add3A_1340 = arith.constant 0 : i32
          %add3A_1341 = arith.addi %add3A_1339, %add3A_1340 : i32
          %get3A_1342 = arith.constant 11 : i32
          %get3A_1343 = arith.index_cast %get3A_1342 : i32 to index
          %get3A_1344 = arith.index_cast %add3A_1341 : i32 to index
          %get3A_1345 = tpu.vector_load %arg4[%get3A_1343, %get3A_1344] {strides = array<i32>} : memref<16x1025xf32, #tpu.memory_space<vmem>>, vector<16xf32>,
          %add3A_1346 = arith.constant 8 : i32
          %add3A_1347 = arith.addi %mul3A_236, %add3A_1346 : i32
          %add3A_1348 = arith.constant 0 : i32
          %add3A_1349 = arith.addi %add3A_1347, %add3A_1348 : i32
          %add3A_1350 = vector.broadcast %add3A_1349 : i32 to vector<16xi32>
          %add3A_1351 = arith.addi %select_n3A_161, %add3A_1350 : vector<16xi32>
          tpu.vector_store_idx %arg6[%add3A_1351, %add3A_1337], %get3A_1345 : memref<128x128xf32, #tpu.memory_space<vmem>>[vector<16xi32>, vector<16xi32>], vector<16xf32>,
          %add3A_1352 = arith.constant 64 : i32
          %add3A_1353 = arith.addi %mul3A_234, %add3A_1352 : i32
          %add3A_1354 = arith.constant 16 : i32
          %add3A_1355 = arith.addi %add3A_1353, %add3A_1354 : i32
          %get3A_1356 = arith.constant 11 : i32
          %get3A_1357 = arith.index_cast %get3A_1356 : i32 to index
          %get3A_1358 = arith.index_cast %add3A_1355 : i32 to index
          %get3A_1359 = tpu.vector_load %arg4[%get3A_1357, %get3A_1358] {strides = array<i32>} : memref<16x1025xf32, #tpu.memory_space<vmem>>, vector<16xf32>,
          %add3A_1360 = arith.constant 8 : i32
          %add3A_1361 = arith.addi %mul3A_236, %add3A_1360 : i32
          %add3A_1362 = arith.constant 2 : i32
          %add3A_1363 = arith.addi %add3A_1361, %add3A_1362 : i32
          %add3A_1364 = vector.broadcast %add3A_1363 : i32 to vector<16xi32>
          %add3A_1365 = arith.addi %select_n3A_161, %add3A_1364 : vector<16xi32>
          tpu.vector_store_idx %arg6[%add3A_1365, %add3A_1337], %get3A_1359 : memref<128x128xf32, #tpu.memory_space<vmem>>[vector<16xi32>, vector<16xi32>], vector<16xf32>,
          %add3A_1366 = arith.constant 64 : i32
          %add3A_1367 = arith.addi %mul3A_234, %add3A_1366 : i32
          %add3A_1368 = arith.constant 32 : i32
          %add3A_1369 = arith.addi %add3A_1367, %add3A_1368 : i32
          %get3A_1370 = arith.constant 11 : i32
          %get3A_1371 = arith.index_cast %get3A_1370 : i32 to index
          %get3A_1372 = arith.index_cast %add3A_1369 : i32 to index
          %get3A_1373 = tpu.vector_load %arg4[%get3A_1371, %get3A_1372] {strides = array<i32>} : memref<16x1025xf32, #tpu.memory_space<vmem>>, vector<16xf32>,
          %add3A_1374 = arith.constant 8 : i32
          %add3A_1375 = arith.addi %mul3A_236, %add3A_1374 : i32
          %add3A_1376 = arith.constant 4 : i32
          %add3A_1377 = arith.addi %add3A_1375, %add3A_1376 : i32
          %add3A_1378 = vector.broadcast %add3A_1377 : i32 to vector<16xi32>
          %add3A_1379 = arith.addi %select_n3A_161, %add3A_1378 : vector<16xi32>
          tpu.vector_store_idx %arg6[%add3A_1379, %add3A_1337], %get3A_1373 : memref<128x128xf32, #tpu.memory_space<vmem>>[vector<16xi32>, vector<16xi32>], vector<16xf32>,
          %add3A_1380 = arith.constant 64 : i32
          %add3A_1381 = arith.addi %mul3A_234, %add3A_1380 : i32
          %add3A_1382 = arith.constant 48 : i32
          %add3A_1383 = arith.addi %add3A_1381, %add3A_1382 : i32
          %get3A_1384 = arith.constant 11 : i32
          %get3A_1385 = arith.index_cast %get3A_1384 : i32 to index
          %get3A_1386 = arith.index_cast %add3A_1383 : i32 to index
          %get3A_1387 = tpu.vector_load %arg4[%get3A_1385, %get3A_1386] {strides = array<i32>} : memref<16x1025xf32, #tpu.memory_space<vmem>>, vector<16xf32>,
          %add3A_1388 = arith.constant 8 : i32
          %add3A_1389 = arith.addi %mul3A_236, %add3A_1388 : i32
          %add3A_1390 = arith.constant 6 : i32
          %add3A_1391 = arith.addi %add3A_1389, %add3A_1390 : i32
          %add3A_1392 = vector.broadcast %add3A_1391 : i32 to vector<16xi32>
          %add3A_1393 = arith.addi %select_n3A_161, %add3A_1392 : vector<16xi32>
          tpu.vector_store_idx %arg6[%add3A_1393, %add3A_1337], %get3A_1387 : memref<128x128xf32, #tpu.memory_space<vmem>>[vector<16xi32>, vector<16xi32>], vector<16xf32>,
          %add3A_1394 = arith.constant 4 : i32
          %add3A_1395 = arith.addi %mul3A_236, %add3A_1394 : i32
          %add3A_1396 = arith.constant 0 : i32
          %add3A_1397 = arith.addi %add3A_1395, %add3A_1396 : i32
          %swap3A_1398 = arith.index_cast %add3A_1397 : i32 to index
          %swap3A_1399 = arith.constant 0 : index
          %swap3A_1400 = tpu.vector_load %arg6[%swap3A_1398, %swap3A_1399] {strides = array<i32>} : memref<128x128xf32, #tpu.memory_space<vmem>>, vector<16xf32>,
          tpu.vector_store %arg6[%swap3A_1398, %swap3A_1399], %gather3A_1067 {strides = array<i32>} : memref<128x128xf32, #tpu.memory_space<vmem>>, vector<16xf32>,
          %add3A_1401 = arith.constant 0 : i32
          %add3A_1402 = arith.addi %add3A_1395, %add3A_1401 : i32
          %swap3A_1403 = arith.index_cast %add3A_1402 : i32 to index
          %swap3A_1404 = arith.constant 16 : index
          %swap3A_1405 = tpu.vector_load %arg6[%swap3A_1403, %swap3A_1404] {strides = array<i32>} : memref<128x128xf32, #tpu.memory_space<vmem>>, vector<16xf32>,
          tpu.vector_store %arg6[%swap3A_1403, %swap3A_1404], %gather3A_1073 {strides = array<i32>} : memref<128x128xf32, #tpu.memory_space<vmem>>, vector<16xf32>,
          %add3A_1406 = arith.constant 0 : i32
          %add3A_1407 = arith.addi %add3A_1395, %add3A_1406 : i32
          %swap3A_1408 = arith.index_cast %add3A_1407 : i32 to index
          %swap3A_1409 = arith.constant 32 : index
          %swap3A_1410 = tpu.vector_load %arg6[%swap3A_1408, %swap3A_1409] {strides = array<i32>} : memref<128x128xf32, #tpu.memory_space<vmem>>, vector<16xf32>,
          tpu.vector_store %arg6[%swap3A_1408, %swap3A_1409], %gather3A_1079 {strides = array<i32>} : memref<128x128xf32, #tpu.memory_space<vmem>>, vector<16xf32>,
          %add3A_1411 = arith.constant 0 : i32
          %add3A_1412 = arith.addi %add3A_1395, %add3A_1411 : i32
          %swap3A_1413 = arith.index_cast %add3A_1412 : i32 to index
          %swap3A_1414 = arith.constant 48 : index
          %swap3A_1415 = tpu.vector_load %arg6[%swap3A_1413, %swap3A_1414] {strides = array<i32>} : memref<128x128xf32, #tpu.memory_space<vmem>>, vector<16xf32>,
          tpu.vector_store %arg6[%swap3A_1413, %swap3A_1414], %gather3A_1085 {strides = array<i32>} : memref<128x128xf32, #tpu.memory_space<vmem>>, vector<16xf32>,
          %add3A_1416 = arith.constant 0 : i32
          %add3A_1417 = arith.addi %add3A_1395, %add3A_1416 : i32
          %swap3A_1418 = arith.index_cast %add3A_1417 : i32 to index
          %swap3A_1419 = arith.constant 64 : index
          %swap3A_1420 = tpu.vector_load %arg6[%swap3A_1418, %swap3A_1419] {strides = array<i32>} : memref<128x128xf32, #tpu.memory_space<vmem>>, vector<16xf32>,
          tpu.vector_store %arg6[%swap3A_1418, %swap3A_1419], %gather3A_1091 {strides = array<i32>} : memref<128x128xf32, #tpu.memory_space<vmem>>, vector<16xf32>,
          %add3A_1421 = arith.constant 0 : i32
          %add3A_1422 = arith.addi %add3A_1395, %add3A_1421 : i32
          %swap3A_1423 = arith.index_cast %add3A_1422 : i32 to index
          %swap3A_1424 = arith.constant 80 : index
          %swap3A_1425 = tpu.vector_load %arg6[%swap3A_1423, %swap3A_1424] {strides = array<i32>} : memref<128x128xf32, #tpu.memory_space<vmem>>, vector<16xf32>,
          tpu.vector_store %arg6[%swap3A_1423, %swap3A_1424], %gather3A_1097 {strides = array<i32>} : memref<128x128xf32, #tpu.memory_space<vmem>>, vector<16xf32>,
          %add3A_1426 = arith.constant 0 : i32
          %add3A_1427 = arith.addi %add3A_1395, %add3A_1426 : i32
          %swap3A_1428 = arith.index_cast %add3A_1427 : i32 to index
          %swap3A_1429 = arith.constant 96 : index
          %swap3A_1430 = tpu.vector_load %arg6[%swap3A_1428, %swap3A_1429] {strides = array<i32>} : memref<128x128xf32, #tpu.memory_space<vmem>>, vector<16xf32>,
          tpu.vector_store %arg6[%swap3A_1428, %swap3A_1429], %gather3A_1103 {strides = array<i32>} : memref<128x128xf32, #tpu.memory_space<vmem>>, vector<16xf32>,
          %add3A_1431 = arith.constant 0 : i32
          %add3A_1432 = arith.addi %add3A_1395, %add3A_1431 : i32
          %swap3A_1433 = arith.index_cast %add3A_1432 : i32 to index
          %swap3A_1434 = arith.constant 112 : index
          %swap3A_1435 = tpu.vector_load %arg6[%swap3A_1433, %swap3A_1434] {strides = array<i32>} : memref<128x128xf32, #tpu.memory_space<vmem>>, vector<16xf32>,
          tpu.vector_store %arg6[%swap3A_1433, %swap3A_1434], %gather3A_1109 {strides = array<i32>} : memref<128x128xf32, #tpu.memory_space<vmem>>, vector<16xf32>,
          %add3A_1436 = arith.constant 1 : i32
          %add3A_1437 = arith.addi %add3A_1395, %add3A_1436 : i32
          %swap3A_1438 = arith.index_cast %add3A_1437 : i32 to index
          %swap3A_1439 = arith.constant 0 : index
          %swap3A_1440 = tpu.vector_load %arg6[%swap3A_1438, %swap3A_1439] {strides = array<i32>} : memref<128x128xf32, #tpu.memory_space<vmem>>, vector<16xf32>,
          tpu.vector_store %arg6[%swap3A_1438, %swap3A_1439], %gather3A_1115 {strides = array<i32>} : memref<128x128xf32, #tpu.memory_space<vmem>>, vector<16xf32>,
          %add3A_1441 = arith.constant 1 : i32
          %add3A_1442 = arith.addi %add3A_1395, %add3A_1441 : i32
          %swap3A_1443 = arith.index_cast %add3A_1442 : i32 to index
          %swap3A_1444 = arith.constant 16 : index
          %swap3A_1445 = tpu.vector_load %arg6[%swap3A_1443, %swap3A_1444] {strides = array<i32>} : memref<128x128xf32, #tpu.memory_space<vmem>>, vector<16xf32>,
          tpu.vector_store %arg6[%swap3A_1443, %swap3A_1444], %gather3A_1121 {strides = array<i32>} : memref<128x128xf32, #tpu.memory_space<vmem>>, vector<16xf32>,
          %add3A_1446 = arith.constant 1 : i32
          %add3A_1447 = arith.addi %add3A_1395, %add3A_1446 : i32
          %swap3A_1448 = arith.index_cast %add3A_1447 : i32 to index
          %swap3A_1449 = arith.constant 32 : index
          %swap3A_1450 = tpu.vector_load %arg6[%swap3A_1448, %swap3A_1449] {strides = array<i32>} : memref<128x128xf32, #tpu.memory_space<vmem>>, vector<16xf32>,
          tpu.vector_store %arg6[%swap3A_1448, %swap3A_1449], %gather3A_1127 {strides = array<i32>} : memref<128x128xf32, #tpu.memory_space<vmem>>, vector<16xf32>,
          %add3A_1451 = arith.constant 1 : i32
          %add3A_1452 = arith.addi %add3A_1395, %add3A_1451 : i32
          %swap3A_1453 = arith.index_cast %add3A_1452 : i32 to index
          %swap3A_1454 = arith.constant 48 : index
          %swap3A_1455 = tpu.vector_load %arg6[%swap3A_1453, %swap3A_1454] {strides = array<i32>} : memref<128x128xf32, #tpu.memory_space<vmem>>, vector<16xf32>,
          tpu.vector_store %arg6[%swap3A_1453, %swap3A_1454], %gather3A_1133 {strides = array<i32>} : memref<128x128xf32, #tpu.memory_space<vmem>>, vector<16xf32>,
          %add3A_1456 = arith.constant 1 : i32
          %add3A_1457 = arith.addi %add3A_1395, %add3A_1456 : i32
          %swap3A_1458 = arith.index_cast %add3A_1457 : i32 to index
          %swap3A_1459 = arith.constant 64 : index
          %swap3A_1460 = tpu.vector_load %arg6[%swap3A_1458, %swap3A_1459] {strides = array<i32>} : memref<128x128xf32, #tpu.memory_space<vmem>>, vector<16xf32>,
          tpu.vector_store %arg6[%swap3A_1458, %swap3A_1459], %gather3A_1139 {strides = array<i32>} : memref<128x128xf32, #tpu.memory_space<vmem>>, vector<16xf32>,
          %add3A_1461 = arith.constant 1 : i32
          %add3A_1462 = arith.addi %add3A_1395, %add3A_1461 : i32
          %swap3A_1463 = arith.index_cast %add3A_1462 : i32 to index
          %swap3A_1464 = arith.constant 80 : index
          %swap3A_1465 = tpu.vector_load %arg6[%swap3A_1463, %swap3A_1464] {strides = array<i32>} : memref<128x128xf32, #tpu.memory_space<vmem>>, vector<16xf32>,
          tpu.vector_store %arg6[%swap3A_1463, %swap3A_1464], %gather3A_1145 {strides = array<i32>} : memref<128x128xf32, #tpu.memory_space<vmem>>, vector<16xf32>,
          %add3A_1466 = arith.constant 1 : i32
          %add3A_1467 = arith.addi %add3A_1395, %add3A_1466 : i32
          %swap3A_1468 = arith.index_cast %add3A_1467 : i32 to index
          %swap3A_1469 = arith.constant 96 : index
          %swap3A_1470 = tpu.vector_load %arg6[%swap3A_1468, %swap3A_1469] {strides = array<i32>} : memref<128x128xf32, #tpu.memory_space<vmem>>, vector<16xf32>,
          tpu.vector_store %arg6[%swap3A_1468, %swap3A_1469], %gather3A_1151 {strides = array<i32>} : memref<128x128xf32, #tpu.memory_space<vmem>>, vector<16xf32>,
          %add3A_1471 = arith.constant 1 : i32
          %add3A_1472 = arith.addi %add3A_1395, %add3A_1471 : i32
          %swap3A_1473 = arith.index_cast %add3A_1472 : i32 to index
          %swap3A_1474 = arith.constant 112 : index
          %swap3A_1475 = tpu.vector_load %arg6[%swap3A_1473, %swap3A_1474] {strides = array<i32>} : memref<128x128xf32, #tpu.memory_space<vmem>>, vector<16xf32>,
          tpu.vector_store %arg6[%swap3A_1473, %swap3A_1474], %gather3A_1157 {strides = array<i32>} : memref<128x128xf32, #tpu.memory_space<vmem>>, vector<16xf32>,
          %add3A_1476 = arith.constant 48 : i32
          %add3A_1477 = arith.addi %mul3A_234, %add3A_1476 : i32
          %add3A_1478 = arith.constant 0 : i32
          %add3A_1479 = arith.addi %add3A_1477, %add3A_1478 : i32
          %broadcast_in_dim3A_1480 = vector.broadcast %add3A_1479 : i32 to vector<16xi32>
          %gather3A_1481 = tpu.vector_load_idx %arg4[%iota3A, %broadcast_in_dim3A_1480] : memref<16x1025xf32, #tpu.memory_space<vmem>>[vector<16xi32>, vector<16xi32>], vector<16xf32>,
          %add3A_1482 = arith.constant 48 : i32
          %add3A_1483 = arith.addi %mul3A_234, %add3A_1482 : i32
          %add3A_1484 = arith.constant 1 : i32
          %add3A_1485 = arith.addi %add3A_1483, %add3A_1484 : i32
          %broadcast_in_dim3A_1486 = vector.broadcast %add3A_1485 : i32 to vector<16xi32>
          %gather3A_1487 = tpu.vector_load_idx %arg4[%iota3A, %broadcast_in_dim3A_1486] : memref<16x1025xf32, #tpu.memory_space<vmem>>[vector<16xi32>, vector<16xi32>], vector<16xf32>,
          %add3A_1488 = arith.constant 48 : i32
          %add3A_1489 = arith.addi %mul3A_234, %add3A_1488 : i32
          %add3A_1490 = arith.constant 2 : i32
          %add3A_1491 = arith.addi %add3A_1489, %add3A_1490 : i32
          %broadcast_in_dim3A_1492 = vector.broadcast %add3A_1491 : i32 to vector<16xi32>
          %gather3A_1493 = tpu.vector_load_idx %arg4[%iota3A, %broadcast_in_dim3A_1492] : memref<16x1025xf32, #tpu.memory_space<vmem>>[vector<16xi32>, vector<16xi32>], vector<16xf32>,
          %add3A_1494 = arith.constant 48 : i32
          %add3A_1495 = arith.addi %mul3A_234, %add3A_1494 : i32
          %add3A_1496 = arith.constant 3 : i32
          %add3A_1497 = arith.addi %add3A_1495, %add3A_1496 : i32
          %broadcast_in_dim3A_1498 = vector.broadcast %add3A_1497 : i32 to vector<16xi32>
          %gather3A_1499 = tpu.vector_load_idx %arg4[%iota3A, %broadcast_in_dim3A_1498] : memref<16x1025xf32, #tpu.memory_space<vmem>>[vector<16xi32>, vector<16xi32>], vector<16xf32>,
          %add3A_1500 = arith.constant 48 : i32
          %add3A_1501 = arith.addi %mul3A_234, %add3A_1500 : i32
          %add3A_1502 = arith.constant 4 : i32
          %add3A_1503 = arith.addi %add3A_1501, %add3A_1502 : i32
          %broadcast_in_dim3A_1504 = vector.broadcast %add3A_1503 : i32 to vector<16xi32>
          %gather3A_1505 = tpu.vector_load_idx %arg4[%iota3A, %broadcast_in_dim3A_1504] : memref<16x1025xf32, #tpu.memory_space<vmem>>[vector<16xi32>, vector<16xi32>], vector<16xf32>,
          %add3A_1506 = arith.constant 48 : i32
          %add3A_1507 = arith.addi %mul3A_234, %add3A_1506 : i32
          %add3A_1508 = arith.constant 5 : i32
          %add3A_1509 = arith.addi %add3A_1507, %add3A_1508 : i32
          %broadcast_in_dim3A_1510 = vector.broadcast %add3A_1509 : i32 to vector<16xi32>
          %gather3A_1511 = tpu.vector_load_idx %arg4[%iota3A, %broadcast_in_dim3A_1510] : memref<16x1025xf32, #tpu.memory_space<vmem>>[vector<16xi32>, vector<16xi32>], vector<16xf32>,
          %add3A_1512 = arith.constant 48 : i32
          %add3A_1513 = arith.addi %mul3A_234, %add3A_1512 : i32
          %add3A_1514 = arith.constant 6 : i32
          %add3A_1515 = arith.addi %add3A_1513, %add3A_1514 : i32
          %broadcast_in_dim3A_1516 = vector.broadcast %add3A_1515 : i32 to vector<16xi32>
          %gather3A_1517 = tpu.vector_load_idx %arg4[%iota3A, %broadcast_in_dim3A_1516] : memref<16x1025xf32, #tpu.memory_space<vmem>>[vector<16xi32>, vector<16xi32>], vector<16xf32>,
          %add3A_1518 = arith.constant 48 : i32
          %add3A_1519 = arith.addi %mul3A_234, %add3A_1518 : i32
          %add3A_1520 = arith.constant 7 : i32
          %add3A_1521 = arith.addi %add3A_1519, %add3A_1520 : i32
          %broadcast_in_dim3A_1522 = vector.broadcast %add3A_1521 : i32 to vector<16xi32>
          %gather3A_1523 = tpu.vector_load_idx %arg4[%iota3A, %broadcast_in_dim3A_1522] : memref<16x1025xf32, #tpu.memory_space<vmem>>[vector<16xi32>, vector<16xi32>], vector<16xf32>,
          %add3A_1524 = arith.constant 48 : i32
          %add3A_1525 = arith.addi %mul3A_234, %add3A_1524 : i32
          %add3A_1526 = arith.constant 8 : i32
          %add3A_1527 = arith.addi %add3A_1525, %add3A_1526 : i32
          %broadcast_in_dim3A_1528 = vector.broadcast %add3A_1527 : i32 to vector<16xi32>
          %gather3A_1529 = tpu.vector_load_idx %arg4[%iota3A, %broadcast_in_dim3A_1528] : memref<16x1025xf32, #tpu.memory_space<vmem>>[vector<16xi32>, vector<16xi32>], vector<16xf32>,
          %add3A_1530 = arith.constant 48 : i32
          %add3A_1531 = arith.addi %mul3A_234, %add3A_1530 : i32
          %add3A_1532 = arith.constant 9 : i32
          %add3A_1533 = arith.addi %add3A_1531, %add3A_1532 : i32
          %broadcast_in_dim3A_1534 = vector.broadcast %add3A_1533 : i32 to vector<16xi32>
          %gather3A_1535 = tpu.vector_load_idx %arg4[%iota3A, %broadcast_in_dim3A_1534] : memref<16x1025xf32, #tpu.memory_space<vmem>>[vector<16xi32>, vector<16xi32>], vector<16xf32>,
          %add3A_1536 = arith.constant 48 : i32
          %add3A_1537 = arith.addi %mul3A_234, %add3A_1536 : i32
          %add3A_1538 = arith.constant 10 : i32
          %add3A_1539 = arith.addi %add3A_1537, %add3A_1538 : i32
          %broadcast_in_dim3A_1540 = vector.broadcast %add3A_1539 : i32 to vector<16xi32>
          %gather3A_1541 = tpu.vector_load_idx %arg4[%iota3A, %broadcast_in_dim3A_1540] : memref<16x1025xf32, #tpu.memory_space<vmem>>[vector<16xi32>, vector<16xi32>], vector<16xf32>,
          %add3A_1542 = arith.constant 48 : i32
          %add3A_1543 = arith.addi %mul3A_234, %add3A_1542 : i32
          %add3A_1544 = arith.constant 11 : i32
          %add3A_1545 = arith.addi %add3A_1543, %add3A_1544 : i32
          %broadcast_in_dim3A_1546 = vector.broadcast %add3A_1545 : i32 to vector<16xi32>
          %gather3A_1547 = tpu.vector_load_idx %arg4[%iota3A, %broadcast_in_dim3A_1546] : memref<16x1025xf32, #tpu.memory_space<vmem>>[vector<16xi32>, vector<16xi32>], vector<16xf32>,
          %add3A_1548 = arith.constant 48 : i32
          %add3A_1549 = arith.addi %mul3A_234, %add3A_1548 : i32
          %add3A_1550 = arith.constant 12 : i32
          %add3A_1551 = arith.addi %add3A_1549, %add3A_1550 : i32
          %broadcast_in_dim3A_1552 = vector.broadcast %add3A_1551 : i32 to vector<16xi32>
          %gather3A_1553 = tpu.vector_load_idx %arg4[%iota3A, %broadcast_in_dim3A_1552] : memref<16x1025xf32, #tpu.memory_space<vmem>>[vector<16xi32>, vector<16xi32>], vector<16xf32>,
          %add3A_1554 = arith.constant 48 : i32
          %add3A_1555 = arith.addi %mul3A_234, %add3A_1554 : i32
          %add3A_1556 = arith.constant 13 : i32
          %add3A_1557 = arith.addi %add3A_1555, %add3A_1556 : i32
          %broadcast_in_dim3A_1558 = vector.broadcast %add3A_1557 : i32 to vector<16xi32>
          %gather3A_1559 = tpu.vector_load_idx %arg4[%iota3A, %broadcast_in_dim3A_1558] : memref<16x1025xf32, #tpu.memory_space<vmem>>[vector<16xi32>, vector<16xi32>], vector<16xf32>,
          %add3A_1560 = arith.constant 48 : i32
          %add3A_1561 = arith.addi %mul3A_234, %add3A_1560 : i32
          %add3A_1562 = arith.constant 14 : i32
          %add3A_1563 = arith.addi %add3A_1561, %add3A_1562 : i32
          %broadcast_in_dim3A_1564 = vector.broadcast %add3A_1563 : i32 to vector<16xi32>
          %gather3A_1565 = tpu.vector_load_idx %arg4[%iota3A, %broadcast_in_dim3A_1564] : memref<16x1025xf32, #tpu.memory_space<vmem>>[vector<16xi32>, vector<16xi32>], vector<16xf32>,
          %add3A_1566 = arith.constant 48 : i32
          %add3A_1567 = arith.addi %mul3A_234, %add3A_1566 : i32
          %add3A_1568 = arith.constant 15 : i32
          %add3A_1569 = arith.addi %add3A_1567, %add3A_1568 : i32
          %broadcast_in_dim3A_1570 = vector.broadcast %add3A_1569 : i32 to vector<16xi32>
          %gather3A_1571 = tpu.vector_load_idx %arg4[%iota3A, %broadcast_in_dim3A_1570] : memref<16x1025xf32, #tpu.memory_space<vmem>>[vector<16xi32>, vector<16xi32>], vector<16xf32>,
          %add3A_1572 = arith.constant 12 : i32
          %add3A_1573 = vector.broadcast %add3A_1572 : i32 to vector<16xi32>
          %add3A_1574 = arith.addi %mul3A_130, %add3A_1573 : vector<16xi32>
          %add3A_1575 = arith.constant 64 : i32
          %add3A_1576 = arith.addi %mul3A_234, %add3A_1575 : i32
          %add3A_1577 = arith.constant 0 : i32
          %add3A_1578 = arith.addi %add3A_1576, %add3A_1577 : i32
          %get3A_1579 = arith.constant 12 : i32
          %get3A_1580 = arith.index_cast %get3A_1579 : i32 to index
          %get3A_1581 = arith.index_cast %add3A_1578 : i32 to index
          %get3A_1582 = tpu.vector_load %arg4[%get3A_1580, %get3A_1581] {strides = array<i32>} : memref<16x1025xf32, #tpu.memory_space<vmem>>, vector<16xf32>,
          %add3A_1583 = arith.constant 8 : i32
          %add3A_1584 = arith.addi %mul3A_236, %add3A_1583 : i32
          %add3A_1585 = arith.constant 0 : i32
          %add3A_1586 = arith.addi %add3A_1584, %add3A_1585 : i32
          %add3A_1587 = vector.broadcast %add3A_1586 : i32 to vector<16xi32>
          %add3A_1588 = arith.addi %select_n3A_161, %add3A_1587 : vector<16xi32>
          tpu.vector_store_idx %arg6[%add3A_1588, %add3A_1574], %get3A_1582 : memref<128x128xf32, #tpu.memory_space<vmem>>[vector<16xi32>, vector<16xi32>], vector<16xf32>,
          %add3A_1589 = arith.constant 64 : i32
          %add3A_1590 = arith.addi %mul3A_234, %add3A_1589 : i32
          %add3A_1591 = arith.constant 16 : i32
          %add3A_1592 = arith.addi %add3A_1590, %add3A_1591 : i32
          %get3A_1593 = arith.constant 12 : i32
          %get3A_1594 = arith.index_cast %get3A_1593 : i32 to index
          %get3A_1595 = arith.index_cast %add3A_1592 : i32 to index
          %get3A_1596 = tpu.vector_load %arg4[%get3A_1594, %get3A_1595] {strides = array<i32>} : memref<16x1025xf32, #tpu.memory_space<vmem>>, vector<16xf32>,
          %add3A_1597 = arith.constant 8 : i32
          %add3A_1598 = arith.addi %mul3A_236, %add3A_1597 : i32
          %add3A_1599 = arith.constant 2 : i32
          %add3A_1600 = arith.addi %add3A_1598, %add3A_1599 : i32
          %add3A_1601 = vector.broadcast %add3A_1600 : i32 to vector<16xi32>
          %add3A_1602 = arith.addi %select_n3A_161, %add3A_1601 : vector<16xi32>
          tpu.vector_store_idx %arg6[%add3A_1602, %add3A_1574], %get3A_1596 : memref<128x128xf32, #tpu.memory_space<vmem>>[vector<16xi32>, vector<16xi32>], vector<16xf32>,
          %add3A_1603 = arith.constant 64 : i32
          %add3A_1604 = arith.addi %mul3A_234, %add3A_1603 : i32
          %add3A_1605 = arith.constant 32 : i32
          %add3A_1606 = arith.addi %add3A_1604, %add3A_1605 : i32
          %get3A_1607 = arith.constant 12 : i32
          %get3A_1608 = arith.index_cast %get3A_1607 : i32 to index
          %get3A_1609 = arith.index_cast %add3A_1606 : i32 to index
          %get3A_1610 = tpu.vector_load %arg4[%get3A_1608, %get3A_1609] {strides = array<i32>} : memref<16x1025xf32, #tpu.memory_space<vmem>>, vector<16xf32>,
          %add3A_1611 = arith.constant 8 : i32
          %add3A_1612 = arith.addi %mul3A_236, %add3A_1611 : i32
          %add3A_1613 = arith.constant 4 : i32
          %add3A_1614 = arith.addi %add3A_1612, %add3A_1613 : i32
          %add3A_1615 = vector.broadcast %add3A_1614 : i32 to vector<16xi32>
          %add3A_1616 = arith.addi %select_n3A_161, %add3A_1615 : vector<16xi32>
          tpu.vector_store_idx %arg6[%add3A_1616, %add3A_1574], %get3A_1610 : memref<128x128xf32, #tpu.memory_space<vmem>>[vector<16xi32>, vector<16xi32>], vector<16xf32>,
          %add3A_1617 = arith.constant 64 : i32
          %add3A_1618 = arith.addi %mul3A_234, %add3A_1617 : i32
          %add3A_1619 = arith.constant 48 : i32
          %add3A_1620 = arith.addi %add3A_1618, %add3A_1619 : i32
          %get3A_1621 = arith.constant 12 : i32
          %get3A_1622 = arith.index_cast %get3A_1621 : i32 to index
          %get3A_1623 = arith.index_cast %add3A_1620 : i32 to index
          %get3A_1624 = tpu.vector_load %arg4[%get3A_1622, %get3A_1623] {strides = array<i32>} : memref<16x1025xf32, #tpu.memory_space<vmem>>, vector<16xf32>,
          %add3A_1625 = arith.constant 8 : i32
          %add3A_1626 = arith.addi %mul3A_236, %add3A_1625 : i32
          %add3A_1627 = arith.constant 6 : i32
          %add3A_1628 = arith.addi %add3A_1626, %add3A_1627 : i32
          %add3A_1629 = vector.broadcast %add3A_1628 : i32 to vector<16xi32>
          %add3A_1630 = arith.addi %select_n3A_161, %add3A_1629 : vector<16xi32>
          tpu.vector_store_idx %arg6[%add3A_1630, %add3A_1574], %get3A_1624 : memref<128x128xf32, #tpu.memory_space<vmem>>[vector<16xi32>, vector<16xi32>], vector<16xf32>,
          %add3A_1631 = arith.constant 13 : i32
          %add3A_1632 = vector.broadcast %add3A_1631 : i32 to vector<16xi32>
          %add3A_1633 = arith.addi %mul3A_130, %add3A_1632 : vector<16xi32>
          %add3A_1634 = arith.constant 64 : i32
          %add3A_1635 = arith.addi %mul3A_234, %add3A_1634 : i32
          %add3A_1636 = arith.constant 0 : i32
          %add3A_1637 = arith.addi %add3A_1635, %add3A_1636 : i32
          %get3A_1638 = arith.constant 13 : i32
          %get3A_1639 = arith.index_cast %get3A_1638 : i32 to index
          %get3A_1640 = arith.index_cast %add3A_1637 : i32 to index
          %get3A_1641 = tpu.vector_load %arg4[%get3A_1639, %get3A_1640] {strides = array<i32>} : memref<16x1025xf32, #tpu.memory_space<vmem>>, vector<16xf32>,
          %add3A_1642 = arith.constant 8 : i32
          %add3A_1643 = arith.addi %mul3A_236, %add3A_1642 : i32
          %add3A_1644 = arith.constant 0 : i32
          %add3A_1645 = arith.addi %add3A_1643, %add3A_1644 : i32
          %add3A_1646 = vector.broadcast %add3A_1645 : i32 to vector<16xi32>
          %add3A_1647 = arith.addi %select_n3A_161, %add3A_1646 : vector<16xi32>
          tpu.vector_store_idx %arg6[%add3A_1647, %add3A_1633], %get3A_1641 : memref<128x128xf32, #tpu.memory_space<vmem>>[vector<16xi32>, vector<16xi32>], vector<16xf32>,
          %add3A_1648 = arith.constant 64 : i32
          %add3A_1649 = arith.addi %mul3A_234, %add3A_1648 : i32
          %add3A_1650 = arith.constant 16 : i32
          %add3A_1651 = arith.addi %add3A_1649, %add3A_1650 : i32
          %get3A_1652 = arith.constant 13 : i32
          %get3A_1653 = arith.index_cast %get3A_1652 : i32 to index
          %get3A_1654 = arith.index_cast %add3A_1651 : i32 to index
          %get3A_1655 = tpu.vector_load %arg4[%get3A_1653, %get3A_1654] {strides = array<i32>} : memref<16x1025xf32, #tpu.memory_space<vmem>>, vector<16xf32>,
          %add3A_1656 = arith.constant 8 : i32
          %add3A_1657 = arith.addi %mul3A_236, %add3A_1656 : i32
          %add3A_1658 = arith.constant 2 : i32
          %add3A_1659 = arith.addi %add3A_1657, %add3A_1658 : i32
          %add3A_1660 = vector.broadcast %add3A_1659 : i32 to vector<16xi32>
          %add3A_1661 = arith.addi %select_n3A_161, %add3A_1660 : vector<16xi32>
          tpu.vector_store_idx %arg6[%add3A_1661, %add3A_1633], %get3A_1655 : memref<128x128xf32, #tpu.memory_space<vmem>>[vector<16xi32>, vector<16xi32>], vector<16xf32>,
          %add3A_1662 = arith.constant 64 : i32
          %add3A_1663 = arith.addi %mul3A_234, %add3A_1662 : i32
          %add3A_1664 = arith.constant 32 : i32
          %add3A_1665 = arith.addi %add3A_1663, %add3A_1664 : i32
          %get3A_1666 = arith.constant 13 : i32
          %get3A_1667 = arith.index_cast %get3A_1666 : i32 to index
          %get3A_1668 = arith.index_cast %add3A_1665 : i32 to index
          %get3A_1669 = tpu.vector_load %arg4[%get3A_1667, %get3A_1668] {strides = array<i32>} : memref<16x1025xf32, #tpu.memory_space<vmem>>, vector<16xf32>,
          %add3A_1670 = arith.constant 8 : i32
          %add3A_1671 = arith.addi %mul3A_236, %add3A_1670 : i32
          %add3A_1672 = arith.constant 4 : i32
          %add3A_1673 = arith.addi %add3A_1671, %add3A_1672 : i32
          %add3A_1674 = vector.broadcast %add3A_1673 : i32 to vector<16xi32>
          %add3A_1675 = arith.addi %select_n3A_161, %add3A_1674 : vector<16xi32>
          tpu.vector_store_idx %arg6[%add3A_1675, %add3A_1633], %get3A_1669 : memref<128x128xf32, #tpu.memory_space<vmem>>[vector<16xi32>, vector<16xi32>], vector<16xf32>,
          %add3A_1676 = arith.constant 64 : i32
          %add3A_1677 = arith.addi %mul3A_234, %add3A_1676 : i32
          %add3A_1678 = arith.constant 48 : i32
          %add3A_1679 = arith.addi %add3A_1677, %add3A_1678 : i32
          %get3A_1680 = arith.constant 13 : i32
          %get3A_1681 = arith.index_cast %get3A_1680 : i32 to index
          %get3A_1682 = arith.index_cast %add3A_1679 : i32 to index
          %get3A_1683 = tpu.vector_load %arg4[%get3A_1681, %get3A_1682] {strides = array<i32>} : memref<16x1025xf32, #tpu.memory_space<vmem>>, vector<16xf32>,
          %add3A_1684 = arith.constant 8 : i32
          %add3A_1685 = arith.addi %mul3A_236, %add3A_1684 : i32
          %add3A_1686 = arith.constant 6 : i32
          %add3A_1687 = arith.addi %add3A_1685, %add3A_1686 : i32
          %add3A_1688 = vector.broadcast %add3A_1687 : i32 to vector<16xi32>
          %add3A_1689 = arith.addi %select_n3A_161, %add3A_1688 : vector<16xi32>
          tpu.vector_store_idx %arg6[%add3A_1689, %add3A_1633], %get3A_1683 : memref<128x128xf32, #tpu.memory_space<vmem>>[vector<16xi32>, vector<16xi32>], vector<16xf32>,
          %add3A_1690 = arith.constant 14 : i32
          %add3A_1691 = vector.broadcast %add3A_1690 : i32 to vector<16xi32>
          %add3A_1692 = arith.addi %mul3A_130, %add3A_1691 : vector<16xi32>
          %add3A_1693 = arith.constant 64 : i32
          %add3A_1694 = arith.addi %mul3A_234, %add3A_1693 : i32
          %add3A_1695 = arith.constant 0 : i32
          %add3A_1696 = arith.addi %add3A_1694, %add3A_1695 : i32
          %get3A_1697 = arith.constant 14 : i32
          %get3A_1698 = arith.index_cast %get3A_1697 : i32 to index
          %get3A_1699 = arith.index_cast %add3A_1696 : i32 to index
          %get3A_1700 = tpu.vector_load %arg4[%get3A_1698, %get3A_1699] {strides = array<i32>} : memref<16x1025xf32, #tpu.memory_space<vmem>>, vector<16xf32>,
          %add3A_1701 = arith.constant 8 : i32
          %add3A_1702 = arith.addi %mul3A_236, %add3A_1701 : i32
          %add3A_1703 = arith.constant 0 : i32
          %add3A_1704 = arith.addi %add3A_1702, %add3A_1703 : i32
          %add3A_1705 = vector.broadcast %add3A_1704 : i32 to vector<16xi32>
          %add3A_1706 = arith.addi %select_n3A_161, %add3A_1705 : vector<16xi32>
          tpu.vector_store_idx %arg6[%add3A_1706, %add3A_1692], %get3A_1700 : memref<128x128xf32, #tpu.memory_space<vmem>>[vector<16xi32>, vector<16xi32>], vector<16xf32>,
          %add3A_1707 = arith.constant 64 : i32
          %add3A_1708 = arith.addi %mul3A_234, %add3A_1707 : i32
          %add3A_1709 = arith.constant 16 : i32
          %add3A_1710 = arith.addi %add3A_1708, %add3A_1709 : i32
          %get3A_1711 = arith.constant 14 : i32
          %get3A_1712 = arith.index_cast %get3A_1711 : i32 to index
          %get3A_1713 = arith.index_cast %add3A_1710 : i32 to index
          %get3A_1714 = tpu.vector_load %arg4[%get3A_1712, %get3A_1713] {strides = array<i32>} : memref<16x1025xf32, #tpu.memory_space<vmem>>, vector<16xf32>,
          %add3A_1715 = arith.constant 8 : i32
          %add3A_1716 = arith.addi %mul3A_236, %add3A_1715 : i32
          %add3A_1717 = arith.constant 2 : i32
          %add3A_1718 = arith.addi %add3A_1716, %add3A_1717 : i32
          %add3A_1719 = vector.broadcast %add3A_1718 : i32 to vector<16xi32>
          %add3A_1720 = arith.addi %select_n3A_161, %add3A_1719 : vector<16xi32>
          tpu.vector_store_idx %arg6[%add3A_1720, %add3A_1692], %get3A_1714 : memref<128x128xf32, #tpu.memory_space<vmem>>[vector<16xi32>, vector<16xi32>], vector<16xf32>,
          %add3A_1721 = arith.constant 64 : i32
          %add3A_1722 = arith.addi %mul3A_234, %add3A_1721 : i32
          %add3A_1723 = arith.constant 32 : i32
          %add3A_1724 = arith.addi %add3A_1722, %add3A_1723 : i32
          %get3A_1725 = arith.constant 14 : i32
          %get3A_1726 = arith.index_cast %get3A_1725 : i32 to index
          %get3A_1727 = arith.index_cast %add3A_1724 : i32 to index
          %get3A_1728 = tpu.vector_load %arg4[%get3A_1726, %get3A_1727] {strides = array<i32>} : memref<16x1025xf32, #tpu.memory_space<vmem>>, vector<16xf32>,
          %add3A_1729 = arith.constant 8 : i32
          %add3A_1730 = arith.addi %mul3A_236, %add3A_1729 : i32
          %add3A_1731 = arith.constant 4 : i32
          %add3A_1732 = arith.addi %add3A_1730, %add3A_1731 : i32
          %add3A_1733 = vector.broadcast %add3A_1732 : i32 to vector<16xi32>
          %add3A_1734 = arith.addi %select_n3A_161, %add3A_1733 : vector<16xi32>
          tpu.vector_store_idx %arg6[%add3A_1734, %add3A_1692], %get3A_1728 : memref<128x128xf32, #tpu.memory_space<vmem>>[vector<16xi32>, vector<16xi32>], vector<16xf32>,
          %add3A_1735 = arith.constant 64 : i32
          %add3A_1736 = arith.addi %mul3A_234, %add3A_1735 : i32
          %add3A_1737 = arith.constant 48 : i32
          %add3A_1738 = arith.addi %add3A_1736, %add3A_1737 : i32
          %get3A_1739 = arith.constant 14 : i32
          %get3A_1740 = arith.index_cast %get3A_1739 : i32 to index
          %get3A_1741 = arith.index_cast %add3A_1738 : i32 to index
          %get3A_1742 = tpu.vector_load %arg4[%get3A_1740, %get3A_1741] {strides = array<i32>} : memref<16x1025xf32, #tpu.memory_space<vmem>>, vector<16xf32>,
          %add3A_1743 = arith.constant 8 : i32
          %add3A_1744 = arith.addi %mul3A_236, %add3A_1743 : i32
          %add3A_1745 = arith.constant 6 : i32
          %add3A_1746 = arith.addi %add3A_1744, %add3A_1745 : i32
          %add3A_1747 = vector.broadcast %add3A_1746 : i32 to vector<16xi32>
          %add3A_1748 = arith.addi %select_n3A_161, %add3A_1747 : vector<16xi32>
          tpu.vector_store_idx %arg6[%add3A_1748, %add3A_1692], %get3A_1742 : memref<128x128xf32, #tpu.memory_space<vmem>>[vector<16xi32>, vector<16xi32>], vector<16xf32>,
          %add3A_1749 = arith.constant 15 : i32
          %add3A_1750 = vector.broadcast %add3A_1749 : i32 to vector<16xi32>
          %add3A_1751 = arith.addi %mul3A_130, %add3A_1750 : vector<16xi32>
          %add3A_1752 = arith.constant 64 : i32
          %add3A_1753 = arith.addi %mul3A_234, %add3A_1752 : i32
          %add3A_1754 = arith.constant 0 : i32
          %add3A_1755 = arith.addi %add3A_1753, %add3A_1754 : i32
          %get3A_1756 = arith.constant 15 : i32
          %get3A_1757 = arith.index_cast %get3A_1756 : i32 to index
          %get3A_1758 = arith.index_cast %add3A_1755 : i32 to index
          %get3A_1759 = tpu.vector_load %arg4[%get3A_1757, %get3A_1758] {strides = array<i32>} : memref<16x1025xf32, #tpu.memory_space<vmem>>, vector<16xf32>,
          %add3A_1760 = arith.constant 8 : i32
          %add3A_1761 = arith.addi %mul3A_236, %add3A_1760 : i32
          %add3A_1762 = arith.constant 0 : i32
          %add3A_1763 = arith.addi %add3A_1761, %add3A_1762 : i32
          %add3A_1764 = vector.broadcast %add3A_1763 : i32 to vector<16xi32>
          %add3A_1765 = arith.addi %select_n3A_161, %add3A_1764 : vector<16xi32>
          tpu.vector_store_idx %arg6[%add3A_1765, %add3A_1751], %get3A_1759 : memref<128x128xf32, #tpu.memory_space<vmem>>[vector<16xi32>, vector<16xi32>], vector<16xf32>,
          %add3A_1766 = arith.constant 64 : i32
          %add3A_1767 = arith.addi %mul3A_234, %add3A_1766 : i32
          %add3A_1768 = arith.constant 16 : i32
          %add3A_1769 = arith.addi %add3A_1767, %add3A_1768 : i32
          %get3A_1770 = arith.constant 15 : i32
          %get3A_1771 = arith.index_cast %get3A_1770 : i32 to index
          %get3A_1772 = arith.index_cast %add3A_1769 : i32 to index
          %get3A_1773 = tpu.vector_load %arg4[%get3A_1771, %get3A_1772] {strides = array<i32>} : memref<16x1025xf32, #tpu.memory_space<vmem>>, vector<16xf32>,
          %add3A_1774 = arith.constant 8 : i32
          %add3A_1775 = arith.addi %mul3A_236, %add3A_1774 : i32
          %add3A_1776 = arith.constant 2 : i32
          %add3A_1777 = arith.addi %add3A_1775, %add3A_1776 : i32
          %add3A_1778 = vector.broadcast %add3A_1777 : i32 to vector<16xi32>
          %add3A_1779 = arith.addi %select_n3A_161, %add3A_1778 : vector<16xi32>
          tpu.vector_store_idx %arg6[%add3A_1779, %add3A_1751], %get3A_1773 : memref<128x128xf32, #tpu.memory_space<vmem>>[vector<16xi32>, vector<16xi32>], vector<16xf32>,
          %add3A_1780 = arith.constant 64 : i32
          %add3A_1781 = arith.addi %mul3A_234, %add3A_1780 : i32
          %add3A_1782 = arith.constant 32 : i32
          %add3A_1783 = arith.addi %add3A_1781, %add3A_1782 : i32
          %get3A_1784 = arith.constant 15 : i32
          %get3A_1785 = arith.index_cast %get3A_1784 : i32 to index
          %get3A_1786 = arith.index_cast %add3A_1783 : i32 to index
          %get3A_1787 = tpu.vector_load %arg4[%get3A_1785, %get3A_1786] {strides = array<i32>} : memref<16x1025xf32, #tpu.memory_space<vmem>>, vector<16xf32>,
          %add3A_1788 = arith.constant 8 : i32
          %add3A_1789 = arith.addi %mul3A_236, %add3A_1788 : i32
          %add3A_1790 = arith.constant 4 : i32
          %add3A_1791 = arith.addi %add3A_1789, %add3A_1790 : i32
          %add3A_1792 = vector.broadcast %add3A_1791 : i32 to vector<16xi32>
          %add3A_1793 = arith.addi %select_n3A_161, %add3A_1792 : vector<16xi32>
          tpu.vector_store_idx %arg6[%add3A_1793, %add3A_1751], %get3A_1787 : memref<128x128xf32, #tpu.memory_space<vmem>>[vector<16xi32>, vector<16xi32>], vector<16xf32>,
          %add3A_1794 = arith.constant 64 : i32
          %add3A_1795 = arith.addi %mul3A_234, %add3A_1794 : i32
          %add3A_1796 = arith.constant 48 : i32
          %add3A_1797 = arith.addi %add3A_1795, %add3A_1796 : i32
          %get3A_1798 = arith.constant 15 : i32
          %get3A_1799 = arith.index_cast %get3A_1798 : i32 to index
          %get3A_1800 = arith.index_cast %add3A_1797 : i32 to index
          %get3A_1801 = tpu.vector_load %arg4[%get3A_1799, %get3A_1800] {strides = array<i32>} : memref<16x1025xf32, #tpu.memory_space<vmem>>, vector<16xf32>,
          %add3A_1802 = arith.constant 8 : i32
          %add3A_1803 = arith.addi %mul3A_236, %add3A_1802 : i32
          %add3A_1804 = arith.constant 6 : i32
          %add3A_1805 = arith.addi %add3A_1803, %add3A_1804 : i32
          %add3A_1806 = vector.broadcast %add3A_1805 : i32 to vector<16xi32>
          %add3A_1807 = arith.addi %select_n3A_161, %add3A_1806 : vector<16xi32>
          tpu.vector_store_idx %arg6[%add3A_1807, %add3A_1751], %get3A_1801 : memref<128x128xf32, #tpu.memory_space<vmem>>[vector<16xi32>, vector<16xi32>], vector<16xf32>,
          %add3A_1808 = arith.constant 6 : i32
          %add3A_1809 = arith.addi %mul3A_236, %add3A_1808 : i32
          %add3A_1810 = arith.constant 0 : i32
          %add3A_1811 = arith.addi %add3A_1809, %add3A_1810 : i32
          %swap3A_1812 = arith.index_cast %add3A_1811 : i32 to index
          %swap3A_1813 = arith.constant 0 : index
          %swap3A_1814 = tpu.vector_load %arg6[%swap3A_1812, %swap3A_1813] {strides = array<i32>} : memref<128x128xf32, #tpu.memory_space<vmem>>, vector<16xf32>,
          tpu.vector_store %arg6[%swap3A_1812, %swap3A_1813], %gather3A_1481 {strides = array<i32>} : memref<128x128xf32, #tpu.memory_space<vmem>>, vector<16xf32>,
          %add3A_1815 = arith.constant 0 : i32
          %add3A_1816 = arith.addi %add3A_1809, %add3A_1815 : i32
          %swap3A_1817 = arith.index_cast %add3A_1816 : i32 to index
          %swap3A_1818 = arith.constant 16 : index
          %swap3A_1819 = tpu.vector_load %arg6[%swap3A_1817, %swap3A_1818] {strides = array<i32>} : memref<128x128xf32, #tpu.memory_space<vmem>>, vector<16xf32>,
          tpu.vector_store %arg6[%swap3A_1817, %swap3A_1818], %gather3A_1487 {strides = array<i32>} : memref<128x128xf32, #tpu.memory_space<vmem>>, vector<16xf32>,
          %add3A_1820 = arith.constant 0 : i32
          %add3A_1821 = arith.addi %add3A_1809, %add3A_1820 : i32
          %swap3A_1822 = arith.index_cast %add3A_1821 : i32 to index
          %swap3A_1823 = arith.constant 32 : index
          %swap3A_1824 = tpu.vector_load %arg6[%swap3A_1822, %swap3A_1823] {strides = array<i32>} : memref<128x128xf32, #tpu.memory_space<vmem>>, vector<16xf32>,
          tpu.vector_store %arg6[%swap3A_1822, %swap3A_1823], %gather3A_1493 {strides = array<i32>} : memref<128x128xf32, #tpu.memory_space<vmem>>, vector<16xf32>,
          %add3A_1825 = arith.constant 0 : i32
          %add3A_1826 = arith.addi %add3A_1809, %add3A_1825 : i32
          %swap3A_1827 = arith.index_cast %add3A_1826 : i32 to index
          %swap3A_1828 = arith.constant 48 : index
          %swap3A_1829 = tpu.vector_load %arg6[%swap3A_1827, %swap3A_1828] {strides = array<i32>} : memref<128x128xf32, #tpu.memory_space<vmem>>, vector<16xf32>,
          tpu.vector_store %arg6[%swap3A_1827, %swap3A_1828], %gather3A_1499 {strides = array<i32>} : memref<128x128xf32, #tpu.memory_space<vmem>>, vector<16xf32>,
          %add3A_1830 = arith.constant 0 : i32
          %add3A_1831 = arith.addi %add3A_1809, %add3A_1830 : i32
          %swap3A_1832 = arith.index_cast %add3A_1831 : i32 to index
          %swap3A_1833 = arith.constant 64 : index
          %swap3A_1834 = tpu.vector_load %arg6[%swap3A_1832, %swap3A_1833] {strides = array<i32>} : memref<128x128xf32, #tpu.memory_space<vmem>>, vector<16xf32>,
          tpu.vector_store %arg6[%swap3A_1832, %swap3A_1833], %gather3A_1505 {strides = array<i32>} : memref<128x128xf32, #tpu.memory_space<vmem>>, vector<16xf32>,
          %add3A_1835 = arith.constant 0 : i32
          %add3A_1836 = arith.addi %add3A_1809, %add3A_1835 : i32
          %swap3A_1837 = arith.index_cast %add3A_1836 : i32 to index
          %swap3A_1838 = arith.constant 80 : index
          %swap3A_1839 = tpu.vector_load %arg6[%swap3A_1837, %swap3A_1838] {strides = array<i32>} : memref<128x128xf32, #tpu.memory_space<vmem>>, vector<16xf32>,
          tpu.vector_store %arg6[%swap3A_1837, %swap3A_1838], %gather3A_1511 {strides = array<i32>} : memref<128x128xf32, #tpu.memory_space<vmem>>, vector<16xf32>,
          %add3A_1840 = arith.constant 0 : i32
          %add3A_1841 = arith.addi %add3A_1809, %add3A_1840 : i32
          %swap3A_1842 = arith.index_cast %add3A_1841 : i32 to index
          %swap3A_1843 = arith.constant 96 : index
          %swap3A_1844 = tpu.vector_load %arg6[%swap3A_1842, %swap3A_1843] {strides = array<i32>} : memref<128x128xf32, #tpu.memory_space<vmem>>, vector<16xf32>,
          tpu.vector_store %arg6[%swap3A_1842, %swap3A_1843], %gather3A_1517 {strides = array<i32>} : memref<128x128xf32, #tpu.memory_space<vmem>>, vector<16xf32>,
          %add3A_1845 = arith.constant 0 : i32
          %add3A_1846 = arith.addi %add3A_1809, %add3A_1845 : i32
          %swap3A_1847 = arith.index_cast %add3A_1846 : i32 to index
          %swap3A_1848 = arith.constant 112 : index
          %swap3A_1849 = tpu.vector_load %arg6[%swap3A_1847, %swap3A_1848] {strides = array<i32>} : memref<128x128xf32, #tpu.memory_space<vmem>>, vector<16xf32>,
          tpu.vector_store %arg6[%swap3A_1847, %swap3A_1848], %gather3A_1523 {strides = array<i32>} : memref<128x128xf32, #tpu.memory_space<vmem>>, vector<16xf32>,
          %add3A_1850 = arith.constant 1 : i32
          %add3A_1851 = arith.addi %add3A_1809, %add3A_1850 : i32
          %swap3A_1852 = arith.index_cast %add3A_1851 : i32 to index
          %swap3A_1853 = arith.constant 0 : index
          %swap3A_1854 = tpu.vector_load %arg6[%swap3A_1852, %swap3A_1853] {strides = array<i32>} : memref<128x128xf32, #tpu.memory_space<vmem>>, vector<16xf32>,
          tpu.vector_store %arg6[%swap3A_1852, %swap3A_1853], %gather3A_1529 {strides = array<i32>} : memref<128x128xf32, #tpu.memory_space<vmem>>, vector<16xf32>,
          %add3A_1855 = arith.constant 1 : i32
          %add3A_1856 = arith.addi %add3A_1809, %add3A_1855 : i32
          %swap3A_1857 = arith.index_cast %add3A_1856 : i32 to index
          %swap3A_1858 = arith.constant 16 : index
          %swap3A_1859 = tpu.vector_load %arg6[%swap3A_1857, %swap3A_1858] {strides = array<i32>} : memref<128x128xf32, #tpu.memory_space<vmem>>, vector<16xf32>,
          tpu.vector_store %arg6[%swap3A_1857, %swap3A_1858], %gather3A_1535 {strides = array<i32>} : memref<128x128xf32, #tpu.memory_space<vmem>>, vector<16xf32>,
          %add3A_1860 = arith.constant 1 : i32
          %add3A_1861 = arith.addi %add3A_1809, %add3A_1860 : i32
          %swap3A_1862 = arith.index_cast %add3A_1861 : i32 to index
          %swap3A_1863 = arith.constant 32 : index
          %swap3A_1864 = tpu.vector_load %arg6[%swap3A_1862, %swap3A_1863] {strides = array<i32>} : memref<128x128xf32, #tpu.memory_space<vmem>>, vector<16xf32>,
          tpu.vector_store %arg6[%swap3A_1862, %swap3A_1863], %gather3A_1541 {strides = array<i32>} : memref<128x128xf32, #tpu.memory_space<vmem>>, vector<16xf32>,
          %add3A_1865 = arith.constant 1 : i32
          %add3A_1866 = arith.addi %add3A_1809, %add3A_1865 : i32
          %swap3A_1867 = arith.index_cast %add3A_1866 : i32 to index
          %swap3A_1868 = arith.constant 48 : index
          %swap3A_1869 = tpu.vector_load %arg6[%swap3A_1867, %swap3A_1868] {strides = array<i32>} : memref<128x128xf32, #tpu.memory_space<vmem>>, vector<16xf32>,
          tpu.vector_store %arg6[%swap3A_1867, %swap3A_1868], %gather3A_1547 {strides = array<i32>} : memref<128x128xf32, #tpu.memory_space<vmem>>, vector<16xf32>,
          %add3A_1870 = arith.constant 1 : i32
          %add3A_1871 = arith.addi %add3A_1809, %add3A_1870 : i32
          %swap3A_1872 = arith.index_cast %add3A_1871 : i32 to index
          %swap3A_1873 = arith.constant 64 : index
          %swap3A_1874 = tpu.vector_load %arg6[%swap3A_1872, %swap3A_1873] {strides = array<i32>} : memref<128x128xf32, #tpu.memory_space<vmem>>, vector<16xf32>,
          tpu.vector_store %arg6[%swap3A_1872, %swap3A_1873], %gather3A_1553 {strides = array<i32>} : memref<128x128xf32, #tpu.memory_space<vmem>>, vector<16xf32>,
          %add3A_1875 = arith.constant 1 : i32
          %add3A_1876 = arith.addi %add3A_1809, %add3A_1875 : i32
          %swap3A_1877 = arith.index_cast %add3A_1876 : i32 to index
          %swap3A_1878 = arith.constant 80 : index
          %swap3A_1879 = tpu.vector_load %arg6[%swap3A_1877, %swap3A_1878] {strides = array<i32>} : memref<128x128xf32, #tpu.memory_space<vmem>>, vector<16xf32>,
          tpu.vector_store %arg6[%swap3A_1877, %swap3A_1878], %gather3A_1559 {strides = array<i32>} : memref<128x128xf32, #tpu.memory_space<vmem>>, vector<16xf32>,
          %add3A_1880 = arith.constant 1 : i32
          %add3A_1881 = arith.addi %add3A_1809, %add3A_1880 : i32
          %swap3A_1882 = arith.index_cast %add3A_1881 : i32 to index
          %swap3A_1883 = arith.constant 96 : index
          %swap3A_1884 = tpu.vector_load %arg6[%swap3A_1882, %swap3A_1883] {strides = array<i32>} : memref<128x128xf32, #tpu.memory_space<vmem>>, vector<16xf32>,
          tpu.vector_store %arg6[%swap3A_1882, %swap3A_1883], %gather3A_1565 {strides = array<i32>} : memref<128x128xf32, #tpu.memory_space<vmem>>, vector<16xf32>,
          %add3A_1885 = arith.constant 1 : i32
          %add3A_1886 = arith.addi %add3A_1809, %add3A_1885 : i32
          %swap3A_1887 = arith.index_cast %add3A_1886 : i32 to index
          %swap3A_1888 = arith.constant 112 : index
          %swap3A_1889 = tpu.vector_load %arg6[%swap3A_1887, %swap3A_1888] {strides = array<i32>} : memref<128x128xf32, #tpu.memory_space<vmem>>, vector<16xf32>,
          tpu.vector_store %arg6[%swap3A_1887, %swap3A_1888], %gather3A_1571 {strides = array<i32>} : memref<128x128xf32, #tpu.memory_space<vmem>>, vector<16xf32>,
        }
        %scan3A_167 = arith.constant 8 : i32
        %jit3A_168 = arith.constant 98 : i32
        %div3A_169 = arith.divsi %add3A_58, %jit3A_168 : i32
        %sign3A_170 = arith.constant 0 : i32
        %sign3A_171 = arith.cmpi sgt, %add3A_58, %sign3A_170 : i32
        %sign3A_172 = arith.extui %sign3A_171 : i1 to i32
        %sign3A_173 = arith.constant 0 : i32
        %sign3A_174 = arith.cmpi slt, %add3A_58, %sign3A_173 : i32
        %sign3A_175 = arith.extui %sign3A_174 : i1 to i32
        %sign3A_176 = arith.subi %sign3A_172, %sign3A_175 : i32
        %sign3A_177 = arith.constant 0 : i32
        %sign3A_178 = arith.cmpi sgt, %jit3A_168, %sign3A_177 : i32
        %sign3A_179 = arith.extui %sign3A_178 : i1 to i32
        %sign3A_180 = arith.constant 0 : i32
        %sign3A_181 = arith.cmpi slt, %jit3A_168, %sign3A_180 : i32
        %sign3A_182 = arith.extui %sign3A_181 : i1 to i32
        %sign3A_183 = arith.subi %sign3A_179, %sign3A_182 : i32
        %ne3A_184 = arith.cmpi ne, %sign3A_176, %sign3A_183 : i32
        %rem3A_185 = arith.remsi %add3A_58, %jit3A_168 : i32
        %ne3A_186 = arith.constant 0 : i32
        %ne3A_187 = arith.cmpi ne, %rem3A_185, %ne3A_186 : i32
        %and3A_188 = arith.andi %ne3A_184, %ne3A_187 : i1
        %sub3A_189 = arith.constant 1 : i32
        %sub3A_190 = arith.subi %div3A_169, %sub3A_189 : i32
        %select_n3A_191 = arith.select %and3A_188, %sub3A_190, %div3A_169 : i32
        %mul3A_192 = arith.constant 98 : i32
        %mul3A_193 = arith.muli %select_n3A_191, %mul3A_192 : i32
        %sub3A_194 = arith.subi %add3A_58, %mul3A_193 : i32
        %mul3A_195 = arith.constant 1024 : i32
        %mul3A_196 = arith.muli %sub3A_194, %mul3A_195 : i32
        %min3A_197 = arith.constant 99072 : i32
        %min3A_198 = arith.minsi %mul3A_196, %min3A_197 : i32
        %multiple_of3A_199 = tpu.assume_multiple %min3A_198, 128 : i32
        %mul3A_200 = arith.constant 12512 : i32
        %mul3A_201 = arith.muli %select_n3A_191, %mul3A_200 : i32
        %jit3A_202 = arith.constant 8 : i32
        %div3A_203 = arith.divsi %multiple_of3A_199, %jit3A_202 : i32
        %sign3A_204 = arith.constant 0 : i32
        %sign3A_205 = arith.cmpi sgt, %multiple_of3A_199, %sign3A_204 : i32
        %sign3A_206 = arith.extui %sign3A_205 : i1 to i32
        %sign3A_207 = arith.constant 0 : i32
        %sign3A_208 = arith.cmpi slt, %multiple_of3A_199, %sign3A_207 : i32
        %sign3A_209 = arith.extui %sign3A_208 : i1 to i32
        %sign3A_210 = arith.subi %sign3A_206, %sign3A_209 : i32
        %sign3A_211 = arith.constant 0 : i32
        %sign3A_212 = arith.cmpi sgt, %jit3A_202, %sign3A_211 : i32
        %sign3A_213 = arith.extui %sign3A_212 : i1 to i32
        %sign3A_214 = arith.constant 0 : i32
        %sign3A_215 = arith.cmpi slt, %jit3A_202, %sign3A_214 : i32
        %sign3A_216 = arith.extui %sign3A_215 : i1 to i32
        %sign3A_217 = arith.subi %sign3A_213, %sign3A_216 : i32
        %ne3A_218 = arith.cmpi ne, %sign3A_210, %sign3A_217 : i32
        %rem3A_219 = arith.remsi %multiple_of3A_199, %jit3A_202 : i32
        %ne3A_220 = arith.constant 0 : i32
        %ne3A_221 = arith.cmpi ne, %rem3A_219, %ne3A_220 : i32
        %and3A_222 = arith.andi %ne3A_218, %ne3A_221 : i1
        %sub3A_223 = arith.constant 1 : i32
        %sub3A_224 = arith.subi %div3A_203, %sub3A_223 : i32
        %select_n3A_225 = arith.select %and3A_222, %sub3A_224, %div3A_203 : i32
        %add3A_226 = arith.addi %mul3A_201, %select_n3A_225 : i32
        %multiple_of3A_227 = tpu.assume_multiple %add3A_226, 8 : i32
        %dma_start3A_228 = arith.constant 0 : i32
        %dma_start3A_229 = tpu.memref_slice %arg3[%multiple_of3A_227, %dma_start3A_228] : memref<325312x128xf32, #tpu.memory_space<hbm>> -> memref<128x128xf32, #tpu.memory_space<hbm>>
        %dma_start3A_230 = arith.constant 0 : i32
        %dma_start3A_231 = tpu.memref_slice %arg3[%multiple_of3A_227, %dma_start3A_230] : memref<325312x128xf32, #tpu.memory_space<hbm>> -> memref<128x128xf32, #tpu.memory_space<hbm>>
        tpu.enqueue_dma source(%arg6 : memref<128x128xf32, #tpu.memory_space<vmem>>) target(%dma_start3A_231 : memref<128x128xf32, #tpu.memory_space<hbm>>) target_semaphore(%arg10 : memref<!tpu.dma_semaphore, #tpu.memory_space<semaphore_mem>>)
      } else {
      }
      %mul3A_70 = arith.constant 2 : i32
      %mul3A_71 = arith.muli %scan3A_51, %mul3A_70 : i32
      %add3A_72 = arith.constant 1 : i32
      %add3A_73 = arith.addi %mul3A_71, %add3A_72 : i32
      %mul3A_74 = arith.constant 32 : i32
      %mul3A_75 = arith.muli %add3A_73, %mul3A_74 : i32
      %add3A_76 = arith.addi %add3A, %mul3A_75 : i32
      %add3A_77 = arith.constant 32 : i32
      %add3A_78 = arith.addi %add3A_76, %add3A_77 : i32
      %lt3A_79 = arith.constant 2548 : i32
      %lt3A_80 = arith.cmpi slt, %add3A_78, %lt3A_79 : i32
      %convert_element_type3A_81 = arith.extui %lt3A_80 : i1 to i32
      %cond3A_82 = arith.constant 0 : i32
      %cond3A_83 = arith.cmpi ne, %convert_element_type3A_81, %cond3A_82 : i32
      scf.if %cond3A_83 {
        %jit3A_89 = arith.constant 98 : i32
        %div3A_90 = arith.divsi %add3A_78, %jit3A_89 : i32
        %sign3A_91 = arith.constant 0 : i32
        %sign3A_92 = arith.cmpi sgt, %add3A_78, %sign3A_91 : i32
        %sign3A_93 = arith.extui %sign3A_92 : i1 to i32
        %sign3A_94 = arith.constant 0 : i32
        %sign3A_95 = arith.cmpi slt, %add3A_78, %sign3A_94 : i32
        %sign3A_96 = arith.extui %sign3A_95 : i1 to i32
        %sign3A_97 = arith.subi %sign3A_93, %sign3A_96 : i32
        %sign3A_98 = arith.constant 0 : i32
        %sign3A_99 = arith.cmpi sgt, %jit3A_89, %sign3A_98 : i32
        %sign3A_100 = arith.extui %sign3A_99 : i1 to i32
        %sign3A_101 = arith.constant 0 : i32
        %sign3A_102 = arith.cmpi slt, %jit3A_89, %sign3A_101 : i32
        %sign3A_103 = arith.extui %sign3A_102 : i1 to i32
        %sign3A_104 = arith.subi %sign3A_100, %sign3A_103 : i32
        %ne3A_105 = arith.cmpi ne, %sign3A_97, %sign3A_104 : i32
        %rem3A_106 = arith.remsi %add3A_78, %jit3A_89 : i32
        %ne3A_107 = arith.constant 0 : i32
        %ne3A_108 = arith.cmpi ne, %rem3A_106, %ne3A_107 : i32
        %and3A_109 = arith.andi %ne3A_105, %ne3A_108 : i1
        %sub3A_110 = arith.constant 1 : i32
        %sub3A_111 = arith.subi %div3A_90, %sub3A_110 : i32
        %select_n3A_112 = arith.select %and3A_109, %sub3A_111, %div3A_90 : i32
        %mul3A_113 = arith.constant 98 : i32
        %mul3A_114 = arith.muli %select_n3A_112, %mul3A_113 : i32
        %sub3A_115 = arith.subi %add3A_78, %mul3A_114 : i32
        %mul3A_116 = arith.constant 1024 : i32
        %mul3A_117 = arith.muli %sub3A_115, %mul3A_116 : i32
        %min3A_118 = arith.constant 99072 : i32
        %min3A_119 = arith.minsi %mul3A_117, %min3A_118 : i32
        %multiple_of3A_120 = tpu.assume_multiple %min3A_119, 128 : i32
        %dma_start3A_121 = arith.constant 0 : i32
        %dma_start3A_122 = arith.constant 0 : i32
        %dma_start3A_123 = tpu.memref_slice %arg4[%dma_start3A_121, %dma_start3A_122] : memref<16x1025xf32, #tpu.memory_space<vmem>> -> memref<16x1024xf32, #tpu.memory_space<vmem>>
        %dma_start3A_124 = arith.constant 0 : i32
        %dma_start3A_125 = tpu.memref_slice %arg2[%select_n3A_112, %dma_start3A_124, %multiple_of3A_120] : memref<26x16x100000xf32, #tpu.memory_space<hbm>> -> memref<1x16x1024xf32, #tpu.memory_space<hbm>>
        %dma_start3A_126 = tpu.memref_squeeze %dma_start3A_125 : memref<1x16x1024xf32, #tpu.memory_space<hbm>> -> memref<16x1024xf32, #tpu.memory_space<hbm>>
        %dma_start3A_127 = arith.constant 0 : i32
        %dma_start3A_128 = arith.constant 0 : i32
        %dma_start3A_129 = tpu.memref_slice %arg4[%dma_start3A_127, %dma_start3A_128] : memref<16x1025xf32, #tpu.memory_space<vmem>> -> memref<16x1024xf32, #tpu.memory_space<vmem>>
        %dma_start3A_130 = arith.constant 0 : i32
        %dma_start3A_131 = tpu.memref_slice %arg2[%select_n3A_112, %dma_start3A_130, %multiple_of3A_120] : memref<26x16x100000xf32, #tpu.memory_space<hbm>> -> memref<1x16x1024xf32, #tpu.memory_space<hbm>>
        %dma_start3A_132 = tpu.memref_squeeze %dma_start3A_131 : memref<1x16x1024xf32, #tpu.memory_space<hbm>> -> memref<16x1024xf32, #tpu.memory_space<hbm>>
        tpu.enqueue_dma source(%dma_start3A_132 : memref<16x1024xf32, #tpu.memory_space<hbm>>) target(%dma_start3A_129 : memref<16x1024xf32, #tpu.memory_space<vmem>>) target_semaphore(%arg8 : memref<!tpu.dma_semaphore, #tpu.memory_space<semaphore_mem>>)
      } else {
      }
      %lt3A_84 = arith.constant 2548 : i32
      %lt3A_85 = arith.cmpi slt, %add3A_76, %lt3A_84 : i32
      %convert_element_type3A_86 = arith.extui %lt3A_85 : i1 to i32
      %cond3A_87 = arith.constant 0 : i32
      %cond3A_88 = arith.cmpi ne, %convert_element_type3A_86, %cond3A_87 : i32
      scf.if %cond3A_88 {
        %dma_wait3A = arith.constant 0 : i32
        %dma_wait3A_89 = arith.constant 0 : i32
        %dma_wait3A_90 = arith.constant 0 : i32
        %dma_wait3A_91 = tpu.memref_slice %arg5[%dma_wait3A_89, %dma_wait3A_90] : memref<16x1025xf32, #tpu.memory_space<vmem>> -> memref<16x1024xf32, #tpu.memory_space<vmem>>
        %dma_wait3A_92 = arith.constant 0 : i32
        %dma_wait3A_93 = arith.constant 0 : i32
        %dma_wait3A_94 = tpu.memref_slice %arg2[%dma_wait3A, %dma_wait3A_92, %dma_wait3A_93] : memref<26x16x100000xf32, #tpu.memory_space<hbm>> -> memref<1x16x1024xf32, #tpu.memory_space<hbm>>
        %dma_wait3A_95 = tpu.memref_squeeze %dma_wait3A_94 : memref<1x16x1024xf32, #tpu.memory_space<hbm>> -> memref<16x1024xf32, #tpu.memory_space<hbm>>
        %dma_wait3A_96 = arith.constant 0 : i32
        %dma_wait3A_97 = arith.constant 0 : i32
        %dma_wait3A_98 = tpu.memref_slice %arg5[%dma_wait3A_96, %dma_wait3A_97] : memref<16x1025xf32, #tpu.memory_space<vmem>> -> memref<16x1024xf32, #tpu.memory_space<vmem>>
        %dma_wait3A_99 = arith.constant 0 : i32
        %dma_wait3A_100 = arith.constant 0 : i32
        %dma_wait3A_101 = tpu.memref_slice %arg2[%dma_wait3A, %dma_wait3A_99, %dma_wait3A_100] : memref<26x16x100000xf32, #tpu.memory_space<hbm>> -> memref<1x16x1024xf32, #tpu.memory_space<hbm>>
        %dma_wait3A_102 = tpu.memref_squeeze %dma_wait3A_101 : memref<1x16x1024xf32, #tpu.memory_space<hbm>> -> memref<16x1024xf32, #tpu.memory_space<hbm>>
        tpu.wait_dma2 semaphore(%arg9 : memref<!tpu.dma_semaphore, #tpu.memory_space<semaphore_mem>>) src(%dma_wait3A_102 : memref<16x1024xf32, #tpu.memory_space<hbm>>) dst(%dma_wait3A_98 : memref<16x1024xf32, #tpu.memory_space<vmem>>)
        %ge3A = arith.constant 2 : i32
        %ge3A_103 = arith.cmpi sge, %add3A_73, %ge3A : i32
        %convert_element_type3A_104 = arith.extui %ge3A_103 : i1 to i32
        %cond3A_105 = arith.constant 0 : i32
        %cond3A_106 = arith.cmpi ne, %convert_element_type3A_104, %cond3A_105 : i32
        scf.if %cond3A_106 {
          %dma_wait3A_232 = arith.constant 0 : i32
          %dma_wait3A_233 = arith.constant 0 : i32
          %dma_wait3A_234 = tpu.memref_slice %arg3[%dma_wait3A_232, %dma_wait3A_233] : memref<325312x128xf32, #tpu.memory_space<hbm>> -> memref<128x128xf32, #tpu.memory_space<hbm>>
          %dma_wait3A_235 = arith.constant 0 : i32
          %dma_wait3A_236 = arith.constant 0 : i32
          %dma_wait3A_237 = tpu.memref_slice %arg3[%dma_wait3A_235, %dma_wait3A_236] : memref<325312x128xf32, #tpu.memory_space<hbm>> -> memref<128x128xf32, #tpu.memory_space<hbm>>
          tpu.wait_dma2 semaphore(%arg11 : memref<!tpu.dma_semaphore, #tpu.memory_space<semaphore_mem>>) src(%arg7 : memref<128x128xf32, #tpu.memory_space<vmem>>) dst(%dma_wait3A_237 : memref<128x128xf32, #tpu.memory_space<hbm>>)
        } else {
        }
        %jit3A_107 = arith.constant 8 : i32
        %eq3A = arith.constant 0 : i32
        %eq3A_108 = arith.cmpi eq, %jit3A_107, %eq3A : i32
        %jit3A_109 = arith.constant 1 : i32
        %select_n3A_110 = arith.select %eq3A_108, %jit3A_109, %jit3A_107 : i32
        %rem3A_111 = vector.broadcast %select_n3A_110 : i32 to vector<16xi32>
        %rem3A_112 = arith.remsi %iota3A, %rem3A_111 : vector<16xi32>
        %ne3A_113 = arith.constant 0 : i32
        %ne3A_114 = vector.broadcast %ne3A_113 : i32 to vector<16xi32>
        %ne3A_115 = arith.cmpi ne, %rem3A_112, %ne3A_114 : vector<16xi32>
        %lt3A_116 = arith.constant 0 : i32
        %lt3A_117 = vector.broadcast %lt3A_116 : i32 to vector<16xi32>
        %lt3A_118 = arith.cmpi slt, %rem3A_112, %lt3A_117 : vector<16xi32>
        %lt3A_119 = arith.constant 0 : i32
        %lt3A_120 = arith.cmpi slt, %select_n3A_110, %lt3A_119 : i32
        %ne3A_121 = vector.broadcast %lt3A_120 : i1 to vector<16xi1>
        %ne3A_122 = vector.broadcast %ne3A_121 : vector<16xi1> to vector<16xi1>
        %ne3A_123 = arith.xori %lt3A_118, %ne3A_122 : vector<16xi1>
        %and3A_124 = arith.andi %ne3A_123, %ne3A_115 : vector<16xi1>
        %add3A_125 = vector.broadcast %select_n3A_110 : i32 to vector<16xi32>
        %add3A_126 = arith.addi %rem3A_112, %add3A_125 : vector<16xi32>
        %select_n3A_127 = arith.select %and3A_124, %add3A_126, %rem3A_112 : vector<16xi1>, vector<16xi32>
        %mul3A_128 = arith.constant 16 : i32
        %mul3A_129 = vector.broadcast %mul3A_128 : i32 to vector<16xi32>
        %mul3A_130 = arith.muli %select_n3A_127, %mul3A_129 : vector<16xi32>
        %jit3A_131 = arith.constant 8 : i32
        %div3A_132 = vector.broadcast %jit3A_131 : i32 to vector<16xi32>
        %div3A_133 = arith.divsi %iota3A, %div3A_132 : vector<16xi32>
        %sign3A_134 = arith.constant 0 : i32
        %sign3A_135 = vector.broadcast %sign3A_134 : i32 to vector<16xi32>
        %sign3A_136 = arith.cmpi sgt, %iota3A, %sign3A_135 : vector<16xi32>
        %sign3A_137 = arith.extui %sign3A_136 : vector<16xi1> to vector<16xi32>
        %sign3A_138 = arith.constant 0 : i32
        %sign3A_139 = vector.broadcast %sign3A_138 : i32 to vector<16xi32>
        %sign3A_140 = arith.cmpi slt, %iota3A, %sign3A_139 : vector<16xi32>
        %sign3A_141 = arith.extui %sign3A_140 : vector<16xi1> to vector<16xi32>
        %sign3A_142 = arith.subi %sign3A_137, %sign3A_141 : vector<16xi32>
        %sign3A_143 = arith.constant 0 : i32
        %sign3A_144 = arith.cmpi sgt, %jit3A_131, %sign3A_143 : i32
        %sign3A_145 = arith.extui %sign3A_144 : i1 to i32
        %sign3A_146 = arith.constant 0 : i32
        %sign3A_147 = arith.cmpi slt, %jit3A_131, %sign3A_146 : i32
        %sign3A_148 = arith.extui %sign3A_147 : i1 to i32
        %sign3A_149 = arith.subi %sign3A_145, %sign3A_148 : i32
        %ne3A_150 = vector.broadcast %sign3A_149 : i32 to vector<16xi32>
        %ne3A_151 = arith.cmpi ne, %sign3A_142, %ne3A_150 : vector<16xi32>
        %rem3A_152 = vector.broadcast %jit3A_131 : i32 to vector<16xi32>
        %rem3A_153 = arith.remsi %iota3A, %rem3A_152 : vector<16xi32>
        %ne3A_154 = arith.constant 0 : i32
        %ne3A_155 = vector.broadcast %ne3A_154 : i32 to vector<16xi32>
        %ne3A_156 = arith.cmpi ne, %rem3A_153, %ne3A_155 : vector<16xi32>
        %and3A_157 = arith.andi %ne3A_151, %ne3A_156 : vector<16xi1>
        %sub3A_158 = arith.constant 1 : i32
        %sub3A_159 = vector.broadcast %sub3A_158 : i32 to vector<16xi32>
        %sub3A_160 = arith.subi %div3A_133, %sub3A_159 : vector<16xi32>
        %select_n3A_161 = arith.select %and3A_157, %sub3A_160, %div3A_133 : vector<16xi1>, vector<16xi32>
        %scan3A_162 = arith.constant 0 : i32
        %scan3A_163 = arith.constant 0 : i32
        %scan3A_164 = arith.constant 8 : i32
        %scan3A_165 = arith.addi %scan3A_163, %scan3A_164 : i32
        %scan3A_166 = arith.constant 1 : i32
        scf.for %scan3A_232 = %scan3A_163 to %scan3A_165 step %scan3A_166  : i32 {
          %mul3A_233 = arith.constant 128 : i32
          %mul3A_234 = arith.muli %scan3A_232, %mul3A_233 : i32
          %mul3A_235 = arith.constant 16 : i32
          %mul3A_236 = arith.muli %scan3A_232, %mul3A_235 : i32
          %add3A_237 = arith.constant 0 : i32
          %add3A_238 = arith.addi %mul3A_234, %add3A_237 : i32
          %add3A_239 = arith.constant 0 : i32
          %add3A_240 = arith.addi %add3A_238, %add3A_239 : i32
          %broadcast_in_dim3A_241 = vector.broadcast %add3A_240 : i32 to vector<16xi32>
          %gather3A = tpu.vector_load_idx %arg5[%iota3A, %broadcast_in_dim3A_241] : memref<16x1025xf32, #tpu.memory_space<vmem>>[vector<16xi32>, vector<16xi32>], vector<16xf32>,
          %add3A_242 = arith.constant 0 : i32
          %add3A_243 = arith.addi %mul3A_234, %add3A_242 : i32
          %add3A_244 = arith.constant 1 : i32
          %add3A_245 = arith.addi %add3A_243, %add3A_244 : i32
          %broadcast_in_dim3A_246 = vector.broadcast %add3A_245 : i32 to vector<16xi32>
          %gather3A_247 = tpu.vector_load_idx %arg5[%iota3A, %broadcast_in_dim3A_246] : memref<16x1025xf32, #tpu.memory_space<vmem>>[vector<16xi32>, vector<16xi32>], vector<16xf32>,
          %add3A_248 = arith.constant 0 : i32
          %add3A_249 = arith.addi %mul3A_234, %add3A_248 : i32
          %add3A_250 = arith.constant 2 : i32
          %add3A_251 = arith.addi %add3A_249, %add3A_250 : i32
          %broadcast_in_dim3A_252 = vector.broadcast %add3A_251 : i32 to vector<16xi32>
          %gather3A_253 = tpu.vector_load_idx %arg5[%iota3A, %broadcast_in_dim3A_252] : memref<16x1025xf32, #tpu.memory_space<vmem>>[vector<16xi32>, vector<16xi32>], vector<16xf32>,
          %add3A_254 = arith.constant 0 : i32
          %add3A_255 = arith.addi %mul3A_234, %add3A_254 : i32
          %add3A_256 = arith.constant 3 : i32
          %add3A_257 = arith.addi %add3A_255, %add3A_256 : i32
          %broadcast_in_dim3A_258 = vector.broadcast %add3A_257 : i32 to vector<16xi32>
          %gather3A_259 = tpu.vector_load_idx %arg5[%iota3A, %broadcast_in_dim3A_258] : memref<16x1025xf32, #tpu.memory_space<vmem>>[vector<16xi32>, vector<16xi32>], vector<16xf32>,
          %add3A_260 = arith.constant 0 : i32
          %add3A_261 = arith.addi %mul3A_234, %add3A_260 : i32
          %add3A_262 = arith.constant 4 : i32
          %add3A_263 = arith.addi %add3A_261, %add3A_262 : i32
          %broadcast_in_dim3A_264 = vector.broadcast %add3A_263 : i32 to vector<16xi32>
          %gather3A_265 = tpu.vector_load_idx %arg5[%iota3A, %broadcast_in_dim3A_264] : memref<16x1025xf32, #tpu.memory_space<vmem>>[vector<16xi32>, vector<16xi32>], vector<16xf32>,
          %add3A_266 = arith.constant 0 : i32
          %add3A_267 = arith.addi %mul3A_234, %add3A_266 : i32
          %add3A_268 = arith.constant 5 : i32
          %add3A_269 = arith.addi %add3A_267, %add3A_268 : i32
          %broadcast_in_dim3A_270 = vector.broadcast %add3A_269 : i32 to vector<16xi32>
          %gather3A_271 = tpu.vector_load_idx %arg5[%iota3A, %broadcast_in_dim3A_270] : memref<16x1025xf32, #tpu.memory_space<vmem>>[vector<16xi32>, vector<16xi32>], vector<16xf32>,
          %add3A_272 = arith.constant 0 : i32
          %add3A_273 = arith.addi %mul3A_234, %add3A_272 : i32
          %add3A_274 = arith.constant 6 : i32
          %add3A_275 = arith.addi %add3A_273, %add3A_274 : i32
          %broadcast_in_dim3A_276 = vector.broadcast %add3A_275 : i32 to vector<16xi32>
          %gather3A_277 = tpu.vector_load_idx %arg5[%iota3A, %broadcast_in_dim3A_276] : memref<16x1025xf32, #tpu.memory_space<vmem>>[vector<16xi32>, vector<16xi32>], vector<16xf32>,
          %add3A_278 = arith.constant 0 : i32
          %add3A_279 = arith.addi %mul3A_234, %add3A_278 : i32
          %add3A_280 = arith.constant 7 : i32
          %add3A_281 = arith.addi %add3A_279, %add3A_280 : i32
          %broadcast_in_dim3A_282 = vector.broadcast %add3A_281 : i32 to vector<16xi32>
          %gather3A_283 = tpu.vector_load_idx %arg5[%iota3A, %broadcast_in_dim3A_282] : memref<16x1025xf32, #tpu.memory_space<vmem>>[vector<16xi32>, vector<16xi32>], vector<16xf32>,
          %add3A_284 = arith.constant 0 : i32
          %add3A_285 = arith.addi %mul3A_234, %add3A_284 : i32
          %add3A_286 = arith.constant 8 : i32
          %add3A_287 = arith.addi %add3A_285, %add3A_286 : i32
          %broadcast_in_dim3A_288 = vector.broadcast %add3A_287 : i32 to vector<16xi32>
          %gather3A_289 = tpu.vector_load_idx %arg5[%iota3A, %broadcast_in_dim3A_288] : memref<16x1025xf32, #tpu.memory_space<vmem>>[vector<16xi32>, vector<16xi32>], vector<16xf32>,
          %add3A_290 = arith.constant 0 : i32
          %add3A_291 = arith.addi %mul3A_234, %add3A_290 : i32
          %add3A_292 = arith.constant 9 : i32
          %add3A_293 = arith.addi %add3A_291, %add3A_292 : i32
          %broadcast_in_dim3A_294 = vector.broadcast %add3A_293 : i32 to vector<16xi32>
          %gather3A_295 = tpu.vector_load_idx %arg5[%iota3A, %broadcast_in_dim3A_294] : memref<16x1025xf32, #tpu.memory_space<vmem>>[vector<16xi32>, vector<16xi32>], vector<16xf32>,
          %add3A_296 = arith.constant 0 : i32
          %add3A_297 = arith.addi %mul3A_234, %add3A_296 : i32
          %add3A_298 = arith.constant 10 : i32
          %add3A_299 = arith.addi %add3A_297, %add3A_298 : i32
          %broadcast_in_dim3A_300 = vector.broadcast %add3A_299 : i32 to vector<16xi32>
          %gather3A_301 = tpu.vector_load_idx %arg5[%iota3A, %broadcast_in_dim3A_300] : memref<16x1025xf32, #tpu.memory_space<vmem>>[vector<16xi32>, vector<16xi32>], vector<16xf32>,
          %add3A_302 = arith.constant 0 : i32
          %add3A_303 = arith.addi %mul3A_234, %add3A_302 : i32
          %add3A_304 = arith.constant 11 : i32
          %add3A_305 = arith.addi %add3A_303, %add3A_304 : i32
          %broadcast_in_dim3A_306 = vector.broadcast %add3A_305 : i32 to vector<16xi32>
          %gather3A_307 = tpu.vector_load_idx %arg5[%iota3A, %broadcast_in_dim3A_306] : memref<16x1025xf32, #tpu.memory_space<vmem>>[vector<16xi32>, vector<16xi32>], vector<16xf32>,
          %add3A_308 = arith.constant 0 : i32
          %add3A_309 = arith.addi %mul3A_234, %add3A_308 : i32
          %add3A_310 = arith.constant 12 : i32
          %add3A_311 = arith.addi %add3A_309, %add3A_310 : i32
          %broadcast_in_dim3A_312 = vector.broadcast %add3A_311 : i32 to vector<16xi32>
          %gather3A_313 = tpu.vector_load_idx %arg5[%iota3A, %broadcast_in_dim3A_312] : memref<16x1025xf32, #tpu.memory_space<vmem>>[vector<16xi32>, vector<16xi32>], vector<16xf32>,
          %add3A_314 = arith.constant 0 : i32
          %add3A_315 = arith.addi %mul3A_234, %add3A_314 : i32
          %add3A_316 = arith.constant 13 : i32
          %add3A_317 = arith.addi %add3A_315, %add3A_316 : i32
          %broadcast_in_dim3A_318 = vector.broadcast %add3A_317 : i32 to vector<16xi32>
          %gather3A_319 = tpu.vector_load_idx %arg5[%iota3A, %broadcast_in_dim3A_318] : memref<16x1025xf32, #tpu.memory_space<vmem>>[vector<16xi32>, vector<16xi32>], vector<16xf32>,
          %add3A_320 = arith.constant 0 : i32
          %add3A_321 = arith.addi %mul3A_234, %add3A_320 : i32
          %add3A_322 = arith.constant 14 : i32
          %add3A_323 = arith.addi %add3A_321, %add3A_322 : i32
          %broadcast_in_dim3A_324 = vector.broadcast %add3A_323 : i32 to vector<16xi32>
          %gather3A_325 = tpu.vector_load_idx %arg5[%iota3A, %broadcast_in_dim3A_324] : memref<16x1025xf32, #tpu.memory_space<vmem>>[vector<16xi32>, vector<16xi32>], vector<16xf32>,
          %add3A_326 = arith.constant 0 : i32
          %add3A_327 = arith.addi %mul3A_234, %add3A_326 : i32
          %add3A_328 = arith.constant 15 : i32
          %add3A_329 = arith.addi %add3A_327, %add3A_328 : i32
          %broadcast_in_dim3A_330 = vector.broadcast %add3A_329 : i32 to vector<16xi32>
          %gather3A_331 = tpu.vector_load_idx %arg5[%iota3A, %broadcast_in_dim3A_330] : memref<16x1025xf32, #tpu.memory_space<vmem>>[vector<16xi32>, vector<16xi32>], vector<16xf32>,
          %add3A_332 = arith.constant 0 : i32
          %add3A_333 = vector.broadcast %add3A_332 : i32 to vector<16xi32>
          %add3A_334 = arith.addi %mul3A_130, %add3A_333 : vector<16xi32>
          %add3A_335 = arith.constant 64 : i32
          %add3A_336 = arith.addi %mul3A_234, %add3A_335 : i32
          %add3A_337 = arith.constant 0 : i32
          %add3A_338 = arith.addi %add3A_336, %add3A_337 : i32
          %get3A = arith.constant 0 : i32
          %get3A_339 = arith.index_cast %get3A : i32 to index
          %get3A_340 = arith.index_cast %add3A_338 : i32 to index
          %get3A_341 = tpu.vector_load %arg5[%get3A_339, %get3A_340] {strides = array<i32>} : memref<16x1025xf32, #tpu.memory_space<vmem>>, vector<16xf32>,
          %add3A_342 = arith.constant 8 : i32
          %add3A_343 = arith.addi %mul3A_236, %add3A_342 : i32
          %add3A_344 = arith.constant 0 : i32
          %add3A_345 = arith.addi %add3A_343, %add3A_344 : i32
          %add3A_346 = vector.broadcast %add3A_345 : i32 to vector<16xi32>
          %add3A_347 = arith.addi %select_n3A_161, %add3A_346 : vector<16xi32>
          tpu.vector_store_idx %arg7[%add3A_347, %add3A_334], %get3A_341 : memref<128x128xf32, #tpu.memory_space<vmem>>[vector<16xi32>, vector<16xi32>], vector<16xf32>,
          %add3A_348 = arith.constant 64 : i32
          %add3A_349 = arith.addi %mul3A_234, %add3A_348 : i32
          %add3A_350 = arith.constant 16 : i32
          %add3A_351 = arith.addi %add3A_349, %add3A_350 : i32
          %get3A_352 = arith.constant 0 : i32
          %get3A_353 = arith.index_cast %get3A_352 : i32 to index
          %get3A_354 = arith.index_cast %add3A_351 : i32 to index
          %get3A_355 = tpu.vector_load %arg5[%get3A_353, %get3A_354] {strides = array<i32>} : memref<16x1025xf32, #tpu.memory_space<vmem>>, vector<16xf32>,
          %add3A_356 = arith.constant 8 : i32
          %add3A_357 = arith.addi %mul3A_236, %add3A_356 : i32
          %add3A_358 = arith.constant 2 : i32
          %add3A_359 = arith.addi %add3A_357, %add3A_358 : i32
          %add3A_360 = vector.broadcast %add3A_359 : i32 to vector<16xi32>
          %add3A_361 = arith.addi %select_n3A_161, %add3A_360 : vector<16xi32>
          tpu.vector_store_idx %arg7[%add3A_361, %add3A_334], %get3A_355 : memref<128x128xf32, #tpu.memory_space<vmem>>[vector<16xi32>, vector<16xi32>], vector<16xf32>,
          %add3A_362 = arith.constant 64 : i32
          %add3A_363 = arith.addi %mul3A_234, %add3A_362 : i32
          %add3A_364 = arith.constant 32 : i32
          %add3A_365 = arith.addi %add3A_363, %add3A_364 : i32
          %get3A_366 = arith.constant 0 : i32
          %get3A_367 = arith.index_cast %get3A_366 : i32 to index
          %get3A_368 = arith.index_cast %add3A_365 : i32 to index
          %get3A_369 = tpu.vector_load %arg5[%get3A_367, %get3A_368] {strides = array<i32>} : memref<16x1025xf32, #tpu.memory_space<vmem>>, vector<16xf32>,
          %add3A_370 = arith.constant 8 : i32
          %add3A_371 = arith.addi %mul3A_236, %add3A_370 : i32
          %add3A_372 = arith.constant 4 : i32
          %add3A_373 = arith.addi %add3A_371, %add3A_372 : i32
          %add3A_374 = vector.broadcast %add3A_373 : i32 to vector<16xi32>
          %add3A_375 = arith.addi %select_n3A_161, %add3A_374 : vector<16xi32>
          tpu.vector_store_idx %arg7[%add3A_375, %add3A_334], %get3A_369 : memref<128x128xf32, #tpu.memory_space<vmem>>[vector<16xi32>, vector<16xi32>], vector<16xf32>,
          %add3A_376 = arith.constant 64 : i32
          %add3A_377 = arith.addi %mul3A_234, %add3A_376 : i32
          %add3A_378 = arith.constant 48 : i32
          %add3A_379 = arith.addi %add3A_377, %add3A_378 : i32
          %get3A_380 = arith.constant 0 : i32
          %get3A_381 = arith.index_cast %get3A_380 : i32 to index
          %get3A_382 = arith.index_cast %add3A_379 : i32 to index
          %get3A_383 = tpu.vector_load %arg5[%get3A_381, %get3A_382] {strides = array<i32>} : memref<16x1025xf32, #tpu.memory_space<vmem>>, vector<16xf32>,
          %add3A_384 = arith.constant 8 : i32
          %add3A_385 = arith.addi %mul3A_236, %add3A_384 : i32
          %add3A_386 = arith.constant 6 : i32
          %add3A_387 = arith.addi %add3A_385, %add3A_386 : i32
          %add3A_388 = vector.broadcast %add3A_387 : i32 to vector<16xi32>
          %add3A_389 = arith.addi %select_n3A_161, %add3A_388 : vector<16xi32>
          tpu.vector_store_idx %arg7[%add3A_389, %add3A_334], %get3A_383 : memref<128x128xf32, #tpu.memory_space<vmem>>[vector<16xi32>, vector<16xi32>], vector<16xf32>,
          %add3A_390 = arith.constant 1 : i32
          %add3A_391 = vector.broadcast %add3A_390 : i32 to vector<16xi32>
          %add3A_392 = arith.addi %mul3A_130, %add3A_391 : vector<16xi32>
          %add3A_393 = arith.constant 64 : i32
          %add3A_394 = arith.addi %mul3A_234, %add3A_393 : i32
          %add3A_395 = arith.constant 0 : i32
          %add3A_396 = arith.addi %add3A_394, %add3A_395 : i32
          %get3A_397 = arith.constant 1 : i32
          %get3A_398 = arith.index_cast %get3A_397 : i32 to index
          %get3A_399 = arith.index_cast %add3A_396 : i32 to index
          %get3A_400 = tpu.vector_load %arg5[%get3A_398, %get3A_399] {strides = array<i32>} : memref<16x1025xf32, #tpu.memory_space<vmem>>, vector<16xf32>,
          %add3A_401 = arith.constant 8 : i32
          %add3A_402 = arith.addi %mul3A_236, %add3A_401 : i32
          %add3A_403 = arith.constant 0 : i32
          %add3A_404 = arith.addi %add3A_402, %add3A_403 : i32
          %add3A_405 = vector.broadcast %add3A_404 : i32 to vector<16xi32>
          %add3A_406 = arith.addi %select_n3A_161, %add3A_405 : vector<16xi32>
          tpu.vector_store_idx %arg7[%add3A_406, %add3A_392], %get3A_400 : memref<128x128xf32, #tpu.memory_space<vmem>>[vector<16xi32>, vector<16xi32>], vector<16xf32>,
          %add3A_407 = arith.constant 64 : i32
          %add3A_408 = arith.addi %mul3A_234, %add3A_407 : i32
          %add3A_409 = arith.constant 16 : i32
          %add3A_410 = arith.addi %add3A_408, %add3A_409 : i32
          %get3A_411 = arith.constant 1 : i32
          %get3A_412 = arith.index_cast %get3A_411 : i32 to index
          %get3A_413 = arith.index_cast %add3A_410 : i32 to index
          %get3A_414 = tpu.vector_load %arg5[%get3A_412, %get3A_413] {strides = array<i32>} : memref<16x1025xf32, #tpu.memory_space<vmem>>, vector<16xf32>,
          %add3A_415 = arith.constant 8 : i32
          %add3A_416 = arith.addi %mul3A_236, %add3A_415 : i32
          %add3A_417 = arith.constant 2 : i32
          %add3A_418 = arith.addi %add3A_416, %add3A_417 : i32
          %add3A_419 = vector.broadcast %add3A_418 : i32 to vector<16xi32>
          %add3A_420 = arith.addi %select_n3A_161, %add3A_419 : vector<16xi32>
          tpu.vector_store_idx %arg7[%add3A_420, %add3A_392], %get3A_414 : memref<128x128xf32, #tpu.memory_space<vmem>>[vector<16xi32>, vector<16xi32>], vector<16xf32>,
          %add3A_421 = arith.constant 64 : i32
          %add3A_422 = arith.addi %mul3A_234, %add3A_421 : i32
          %add3A_423 = arith.constant 32 : i32
          %add3A_424 = arith.addi %add3A_422, %add3A_423 : i32
          %get3A_425 = arith.constant 1 : i32
          %get3A_426 = arith.index_cast %get3A_425 : i32 to index
          %get3A_427 = arith.index_cast %add3A_424 : i32 to index
          %get3A_428 = tpu.vector_load %arg5[%get3A_426, %get3A_427] {strides = array<i32>} : memref<16x1025xf32, #tpu.memory_space<vmem>>, vector<16xf32>,
          %add3A_429 = arith.constant 8 : i32
          %add3A_430 = arith.addi %mul3A_236, %add3A_429 : i32
          %add3A_431 = arith.constant 4 : i32
          %add3A_432 = arith.addi %add3A_430, %add3A_431 : i32
          %add3A_433 = vector.broadcast %add3A_432 : i32 to vector<16xi32>
          %add3A_434 = arith.addi %select_n3A_161, %add3A_433 : vector<16xi32>
          tpu.vector_store_idx %arg7[%add3A_434, %add3A_392], %get3A_428 : memref<128x128xf32, #tpu.memory_space<vmem>>[vector<16xi32>, vector<16xi32>], vector<16xf32>,
          %add3A_435 = arith.constant 64 : i32
          %add3A_436 = arith.addi %mul3A_234, %add3A_435 : i32
          %add3A_437 = arith.constant 48 : i32
          %add3A_438 = arith.addi %add3A_436, %add3A_437 : i32
          %get3A_439 = arith.constant 1 : i32
          %get3A_440 = arith.index_cast %get3A_439 : i32 to index
          %get3A_441 = arith.index_cast %add3A_438 : i32 to index
          %get3A_442 = tpu.vector_load %arg5[%get3A_440, %get3A_441] {strides = array<i32>} : memref<16x1025xf32, #tpu.memory_space<vmem>>, vector<16xf32>,
          %add3A_443 = arith.constant 8 : i32
          %add3A_444 = arith.addi %mul3A_236, %add3A_443 : i32
          %add3A_445 = arith.constant 6 : i32
          %add3A_446 = arith.addi %add3A_444, %add3A_445 : i32
          %add3A_447 = vector.broadcast %add3A_446 : i32 to vector<16xi32>
          %add3A_448 = arith.addi %select_n3A_161, %add3A_447 : vector<16xi32>
          tpu.vector_store_idx %arg7[%add3A_448, %add3A_392], %get3A_442 : memref<128x128xf32, #tpu.memory_space<vmem>>[vector<16xi32>, vector<16xi32>], vector<16xf32>,
          %add3A_449 = arith.constant 2 : i32
          %add3A_450 = vector.broadcast %add3A_449 : i32 to vector<16xi32>
          %add3A_451 = arith.addi %mul3A_130, %add3A_450 : vector<16xi32>
          %add3A_452 = arith.constant 64 : i32
          %add3A_453 = arith.addi %mul3A_234, %add3A_452 : i32
          %add3A_454 = arith.constant 0 : i32
          %add3A_455 = arith.addi %add3A_453, %add3A_454 : i32
          %get3A_456 = arith.constant 2 : i32
          %get3A_457 = arith.index_cast %get3A_456 : i32 to index
          %get3A_458 = arith.index_cast %add3A_455 : i32 to index
          %get3A_459 = tpu.vector_load %arg5[%get3A_457, %get3A_458] {strides = array<i32>} : memref<16x1025xf32, #tpu.memory_space<vmem>>, vector<16xf32>,
          %add3A_460 = arith.constant 8 : i32
          %add3A_461 = arith.addi %mul3A_236, %add3A_460 : i32
          %add3A_462 = arith.constant 0 : i32
          %add3A_463 = arith.addi %add3A_461, %add3A_462 : i32
          %add3A_464 = vector.broadcast %add3A_463 : i32 to vector<16xi32>
          %add3A_465 = arith.addi %select_n3A_161, %add3A_464 : vector<16xi32>
          tpu.vector_store_idx %arg7[%add3A_465, %add3A_451], %get3A_459 : memref<128x128xf32, #tpu.memory_space<vmem>>[vector<16xi32>, vector<16xi32>], vector<16xf32>,
          %add3A_466 = arith.constant 64 : i32
          %add3A_467 = arith.addi %mul3A_234, %add3A_466 : i32
          %add3A_468 = arith.constant 16 : i32
          %add3A_469 = arith.addi %add3A_467, %add3A_468 : i32
          %get3A_470 = arith.constant 2 : i32
          %get3A_471 = arith.index_cast %get3A_470 : i32 to index
          %get3A_472 = arith.index_cast %add3A_469 : i32 to index
          %get3A_473 = tpu.vector_load %arg5[%get3A_471, %get3A_472] {strides = array<i32>} : memref<16x1025xf32, #tpu.memory_space<vmem>>, vector<16xf32>,
          %add3A_474 = arith.constant 8 : i32
          %add3A_475 = arith.addi %mul3A_236, %add3A_474 : i32
          %add3A_476 = arith.constant 2 : i32
          %add3A_477 = arith.addi %add3A_475, %add3A_476 : i32
          %add3A_478 = vector.broadcast %add3A_477 : i32 to vector<16xi32>
          %add3A_479 = arith.addi %select_n3A_161, %add3A_478 : vector<16xi32>
          tpu.vector_store_idx %arg7[%add3A_479, %add3A_451], %get3A_473 : memref<128x128xf32, #tpu.memory_space<vmem>>[vector<16xi32>, vector<16xi32>], vector<16xf32>,
          %add3A_480 = arith.constant 64 : i32
          %add3A_481 = arith.addi %mul3A_234, %add3A_480 : i32
          %add3A_482 = arith.constant 32 : i32
          %add3A_483 = arith.addi %add3A_481, %add3A_482 : i32
          %get3A_484 = arith.constant 2 : i32
          %get3A_485 = arith.index_cast %get3A_484 : i32 to index
          %get3A_486 = arith.index_cast %add3A_483 : i32 to index
          %get3A_487 = tpu.vector_load %arg5[%get3A_485, %get3A_486] {strides = array<i32>} : memref<16x1025xf32, #tpu.memory_space<vmem>>, vector<16xf32>,
          %add3A_488 = arith.constant 8 : i32
          %add3A_489 = arith.addi %mul3A_236, %add3A_488 : i32
          %add3A_490 = arith.constant 4 : i32
          %add3A_491 = arith.addi %add3A_489, %add3A_490 : i32
          %add3A_492 = vector.broadcast %add3A_491 : i32 to vector<16xi32>
          %add3A_493 = arith.addi %select_n3A_161, %add3A_492 : vector<16xi32>
          tpu.vector_store_idx %arg7[%add3A_493, %add3A_451], %get3A_487 : memref<128x128xf32, #tpu.memory_space<vmem>>[vector<16xi32>, vector<16xi32>], vector<16xf32>,
          %add3A_494 = arith.constant 64 : i32
          %add3A_495 = arith.addi %mul3A_234, %add3A_494 : i32
          %add3A_496 = arith.constant 48 : i32
          %add3A_497 = arith.addi %add3A_495, %add3A_496 : i32
          %get3A_498 = arith.constant 2 : i32
          %get3A_499 = arith.index_cast %get3A_498 : i32 to index
          %get3A_500 = arith.index_cast %add3A_497 : i32 to index
          %get3A_501 = tpu.vector_load %arg5[%get3A_499, %get3A_500] {strides = array<i32>} : memref<16x1025xf32, #tpu.memory_space<vmem>>, vector<16xf32>,
          %add3A_502 = arith.constant 8 : i32
          %add3A_503 = arith.addi %mul3A_236, %add3A_502 : i32
          %add3A_504 = arith.constant 6 : i32
          %add3A_505 = arith.addi %add3A_503, %add3A_504 : i32
          %add3A_506 = vector.broadcast %add3A_505 : i32 to vector<16xi32>
          %add3A_507 = arith.addi %select_n3A_161, %add3A_506 : vector<16xi32>
          tpu.vector_store_idx %arg7[%add3A_507, %add3A_451], %get3A_501 : memref<128x128xf32, #tpu.memory_space<vmem>>[vector<16xi32>, vector<16xi32>], vector<16xf32>,
          %add3A_508 = arith.constant 3 : i32
          %add3A_509 = vector.broadcast %add3A_508 : i32 to vector<16xi32>
          %add3A_510 = arith.addi %mul3A_130, %add3A_509 : vector<16xi32>
          %add3A_511 = arith.constant 64 : i32
          %add3A_512 = arith.addi %mul3A_234, %add3A_511 : i32
          %add3A_513 = arith.constant 0 : i32
          %add3A_514 = arith.addi %add3A_512, %add3A_513 : i32
          %get3A_515 = arith.constant 3 : i32
          %get3A_516 = arith.index_cast %get3A_515 : i32 to index
          %get3A_517 = arith.index_cast %add3A_514 : i32 to index
          %get3A_518 = tpu.vector_load %arg5[%get3A_516, %get3A_517] {strides = array<i32>} : memref<16x1025xf32, #tpu.memory_space<vmem>>, vector<16xf32>,
          %add3A_519 = arith.constant 8 : i32
          %add3A_520 = arith.addi %mul3A_236, %add3A_519 : i32
          %add3A_521 = arith.constant 0 : i32
          %add3A_522 = arith.addi %add3A_520, %add3A_521 : i32
          %add3A_523 = vector.broadcast %add3A_522 : i32 to vector<16xi32>
          %add3A_524 = arith.addi %select_n3A_161, %add3A_523 : vector<16xi32>
          tpu.vector_store_idx %arg7[%add3A_524, %add3A_510], %get3A_518 : memref<128x128xf32, #tpu.memory_space<vmem>>[vector<16xi32>, vector<16xi32>], vector<16xf32>,
          %add3A_525 = arith.constant 64 : i32
          %add3A_526 = arith.addi %mul3A_234, %add3A_525 : i32
          %add3A_527 = arith.constant 16 : i32
          %add3A_528 = arith.addi %add3A_526, %add3A_527 : i32
          %get3A_529 = arith.constant 3 : i32
          %get3A_530 = arith.index_cast %get3A_529 : i32 to index
          %get3A_531 = arith.index_cast %add3A_528 : i32 to index
          %get3A_532 = tpu.vector_load %arg5[%get3A_530, %get3A_531] {strides = array<i32>} : memref<16x1025xf32, #tpu.memory_space<vmem>>, vector<16xf32>,
          %add3A_533 = arith.constant 8 : i32
          %add3A_534 = arith.addi %mul3A_236, %add3A_533 : i32
          %add3A_535 = arith.constant 2 : i32
          %add3A_536 = arith.addi %add3A_534, %add3A_535 : i32
          %add3A_537 = vector.broadcast %add3A_536 : i32 to vector<16xi32>
          %add3A_538 = arith.addi %select_n3A_161, %add3A_537 : vector<16xi32>
          tpu.vector_store_idx %arg7[%add3A_538, %add3A_510], %get3A_532 : memref<128x128xf32, #tpu.memory_space<vmem>>[vector<16xi32>, vector<16xi32>], vector<16xf32>,
          %add3A_539 = arith.constant 64 : i32
          %add3A_540 = arith.addi %mul3A_234, %add3A_539 : i32
          %add3A_541 = arith.constant 32 : i32
          %add3A_542 = arith.addi %add3A_540, %add3A_541 : i32
          %get3A_543 = arith.constant 3 : i32
          %get3A_544 = arith.index_cast %get3A_543 : i32 to index
          %get3A_545 = arith.index_cast %add3A_542 : i32 to index
          %get3A_546 = tpu.vector_load %arg5[%get3A_544, %get3A_545] {strides = array<i32>} : memref<16x1025xf32, #tpu.memory_space<vmem>>, vector<16xf32>,
          %add3A_547 = arith.constant 8 : i32
          %add3A_548 = arith.addi %mul3A_236, %add3A_547 : i32
          %add3A_549 = arith.constant 4 : i32
          %add3A_550 = arith.addi %add3A_548, %add3A_549 : i32
          %add3A_551 = vector.broadcast %add3A_550 : i32 to vector<16xi32>
          %add3A_552 = arith.addi %select_n3A_161, %add3A_551 : vector<16xi32>
          tpu.vector_store_idx %arg7[%add3A_552, %add3A_510], %get3A_546 : memref<128x128xf32, #tpu.memory_space<vmem>>[vector<16xi32>, vector<16xi32>], vector<16xf32>,
          %add3A_553 = arith.constant 64 : i32
          %add3A_554 = arith.addi %mul3A_234, %add3A_553 : i32
          %add3A_555 = arith.constant 48 : i32
          %add3A_556 = arith.addi %add3A_554, %add3A_555 : i32
          %get3A_557 = arith.constant 3 : i32
          %get3A_558 = arith.index_cast %get3A_557 : i32 to index
          %get3A_559 = arith.index_cast %add3A_556 : i32 to index
          %get3A_560 = tpu.vector_load %arg5[%get3A_558, %get3A_559] {strides = array<i32>} : memref<16x1025xf32, #tpu.memory_space<vmem>>, vector<16xf32>,
          %add3A_561 = arith.constant 8 : i32
          %add3A_562 = arith.addi %mul3A_236, %add3A_561 : i32
          %add3A_563 = arith.constant 6 : i32
          %add3A_564 = arith.addi %add3A_562, %add3A_563 : i32
          %add3A_565 = vector.broadcast %add3A_564 : i32 to vector<16xi32>
          %add3A_566 = arith.addi %select_n3A_161, %add3A_565 : vector<16xi32>
          tpu.vector_store_idx %arg7[%add3A_566, %add3A_510], %get3A_560 : memref<128x128xf32, #tpu.memory_space<vmem>>[vector<16xi32>, vector<16xi32>], vector<16xf32>,
          %add3A_567 = arith.constant 0 : i32
          %add3A_568 = arith.addi %mul3A_236, %add3A_567 : i32
          %add3A_569 = arith.constant 0 : i32
          %add3A_570 = arith.addi %add3A_568, %add3A_569 : i32
          %swap3A = arith.index_cast %add3A_570 : i32 to index
          %swap3A_571 = arith.constant 0 : index
          %swap3A_572 = tpu.vector_load %arg7[%swap3A, %swap3A_571] {strides = array<i32>} : memref<128x128xf32, #tpu.memory_space<vmem>>, vector<16xf32>,
          tpu.vector_store %arg7[%swap3A, %swap3A_571], %gather3A {strides = array<i32>} : memref<128x128xf32, #tpu.memory_space<vmem>>, vector<16xf32>,
          %add3A_573 = arith.constant 0 : i32
          %add3A_574 = arith.addi %add3A_568, %add3A_573 : i32
          %swap3A_575 = arith.index_cast %add3A_574 : i32 to index
          %swap3A_576 = arith.constant 16 : index
          %swap3A_577 = tpu.vector_load %arg7[%swap3A_575, %swap3A_576] {strides = array<i32>} : memref<128x128xf32, #tpu.memory_space<vmem>>, vector<16xf32>,
          tpu.vector_store %arg7[%swap3A_575, %swap3A_576], %gather3A_247 {strides = array<i32>} : memref<128x128xf32, #tpu.memory_space<vmem>>, vector<16xf32>,
          %add3A_578 = arith.constant 0 : i32
          %add3A_579 = arith.addi %add3A_568, %add3A_578 : i32
          %swap3A_580 = arith.index_cast %add3A_579 : i32 to index
          %swap3A_581 = arith.constant 32 : index
          %swap3A_582 = tpu.vector_load %arg7[%swap3A_580, %swap3A_581] {strides = array<i32>} : memref<128x128xf32, #tpu.memory_space<vmem>>, vector<16xf32>,
          tpu.vector_store %arg7[%swap3A_580, %swap3A_581], %gather3A_253 {strides = array<i32>} : memref<128x128xf32, #tpu.memory_space<vmem>>, vector<16xf32>,
          %add3A_583 = arith.constant 0 : i32
          %add3A_584 = arith.addi %add3A_568, %add3A_583 : i32
          %swap3A_585 = arith.index_cast %add3A_584 : i32 to index
          %swap3A_586 = arith.constant 48 : index
          %swap3A_587 = tpu.vector_load %arg7[%swap3A_585, %swap3A_586] {strides = array<i32>} : memref<128x128xf32, #tpu.memory_space<vmem>>, vector<16xf32>,
          tpu.vector_store %arg7[%swap3A_585, %swap3A_586], %gather3A_259 {strides = array<i32>} : memref<128x128xf32, #tpu.memory_space<vmem>>, vector<16xf32>,
          %add3A_588 = arith.constant 0 : i32
          %add3A_589 = arith.addi %add3A_568, %add3A_588 : i32
          %swap3A_590 = arith.index_cast %add3A_589 : i32 to index
          %swap3A_591 = arith.constant 64 : index
          %swap3A_592 = tpu.vector_load %arg7[%swap3A_590, %swap3A_591] {strides = array<i32>} : memref<128x128xf32, #tpu.memory_space<vmem>>, vector<16xf32>,
          tpu.vector_store %arg7[%swap3A_590, %swap3A_591], %gather3A_265 {strides = array<i32>} : memref<128x128xf32, #tpu.memory_space<vmem>>, vector<16xf32>,
          %add3A_593 = arith.constant 0 : i32
          %add3A_594 = arith.addi %add3A_568, %add3A_593 : i32
          %swap3A_595 = arith.index_cast %add3A_594 : i32 to index
          %swap3A_596 = arith.constant 80 : index
          %swap3A_597 = tpu.vector_load %arg7[%swap3A_595, %swap3A_596] {strides = array<i32>} : memref<128x128xf32, #tpu.memory_space<vmem>>, vector<16xf32>,
          tpu.vector_store %arg7[%swap3A_595, %swap3A_596], %gather3A_271 {strides = array<i32>} : memref<128x128xf32, #tpu.memory_space<vmem>>, vector<16xf32>,
          %add3A_598 = arith.constant 0 : i32
          %add3A_599 = arith.addi %add3A_568, %add3A_598 : i32
          %swap3A_600 = arith.index_cast %add3A_599 : i32 to index
          %swap3A_601 = arith.constant 96 : index
          %swap3A_602 = tpu.vector_load %arg7[%swap3A_600, %swap3A_601] {strides = array<i32>} : memref<128x128xf32, #tpu.memory_space<vmem>>, vector<16xf32>,
          tpu.vector_store %arg7[%swap3A_600, %swap3A_601], %gather3A_277 {strides = array<i32>} : memref<128x128xf32, #tpu.memory_space<vmem>>, vector<16xf32>,
          %add3A_603 = arith.constant 0 : i32
          %add3A_604 = arith.addi %add3A_568, %add3A_603 : i32
          %swap3A_605 = arith.index_cast %add3A_604 : i32 to index
          %swap3A_606 = arith.constant 112 : index
          %swap3A_607 = tpu.vector_load %arg7[%swap3A_605, %swap3A_606] {strides = array<i32>} : memref<128x128xf32, #tpu.memory_space<vmem>>, vector<16xf32>,
          tpu.vector_store %arg7[%swap3A_605, %swap3A_606], %gather3A_283 {strides = array<i32>} : memref<128x128xf32, #tpu.memory_space<vmem>>, vector<16xf32>,
          %add3A_608 = arith.constant 1 : i32
          %add3A_609 = arith.addi %add3A_568, %add3A_608 : i32
          %swap3A_610 = arith.index_cast %add3A_609 : i32 to index
          %swap3A_611 = arith.constant 0 : index
          %swap3A_612 = tpu.vector_load %arg7[%swap3A_610, %swap3A_611] {strides = array<i32>} : memref<128x128xf32, #tpu.memory_space<vmem>>, vector<16xf32>,
          tpu.vector_store %arg7[%swap3A_610, %swap3A_611], %gather3A_289 {strides = array<i32>} : memref<128x128xf32, #tpu.memory_space<vmem>>, vector<16xf32>,
          %add3A_613 = arith.constant 1 : i32
          %add3A_614 = arith.addi %add3A_568, %add3A_613 : i32
          %swap3A_615 = arith.index_cast %add3A_614 : i32 to index
          %swap3A_616 = arith.constant 16 : index
          %swap3A_617 = tpu.vector_load %arg7[%swap3A_615, %swap3A_616] {strides = array<i32>} : memref<128x128xf32, #tpu.memory_space<vmem>>, vector<16xf32>,
          tpu.vector_store %arg7[%swap3A_615, %swap3A_616], %gather3A_295 {strides = array<i32>} : memref<128x128xf32, #tpu.memory_space<vmem>>, vector<16xf32>,
          %add3A_618 = arith.constant 1 : i32
          %add3A_619 = arith.addi %add3A_568, %add3A_618 : i32
          %swap3A_620 = arith.index_cast %add3A_619 : i32 to index
          %swap3A_621 = arith.constant 32 : index
          %swap3A_622 = tpu.vector_load %arg7[%swap3A_620, %swap3A_621] {strides = array<i32>} : memref<128x128xf32, #tpu.memory_space<vmem>>, vector<16xf32>,
          tpu.vector_store %arg7[%swap3A_620, %swap3A_621], %gather3A_301 {strides = array<i32>} : memref<128x128xf32, #tpu.memory_space<vmem>>, vector<16xf32>,
          %add3A_623 = arith.constant 1 : i32
          %add3A_624 = arith.addi %add3A_568, %add3A_623 : i32
          %swap3A_625 = arith.index_cast %add3A_624 : i32 to index
          %swap3A_626 = arith.constant 48 : index
          %swap3A_627 = tpu.vector_load %arg7[%swap3A_625, %swap3A_626] {strides = array<i32>} : memref<128x128xf32, #tpu.memory_space<vmem>>, vector<16xf32>,
          tpu.vector_store %arg7[%swap3A_625, %swap3A_626], %gather3A_307 {strides = array<i32>} : memref<128x128xf32, #tpu.memory_space<vmem>>, vector<16xf32>,
          %add3A_628 = arith.constant 1 : i32
          %add3A_629 = arith.addi %add3A_568, %add3A_628 : i32
          %swap3A_630 = arith.index_cast %add3A_629 : i32 to index
          %swap3A_631 = arith.constant 64 : index
          %swap3A_632 = tpu.vector_load %arg7[%swap3A_630, %swap3A_631] {strides = array<i32>} : memref<128x128xf32, #tpu.memory_space<vmem>>, vector<16xf32>,
          tpu.vector_store %arg7[%swap3A_630, %swap3A_631], %gather3A_313 {strides = array<i32>} : memref<128x128xf32, #tpu.memory_space<vmem>>, vector<16xf32>,
          %add3A_633 = arith.constant 1 : i32
          %add3A_634 = arith.addi %add3A_568, %add3A_633 : i32
          %swap3A_635 = arith.index_cast %add3A_634 : i32 to index
          %swap3A_636 = arith.constant 80 : index
          %swap3A_637 = tpu.vector_load %arg7[%swap3A_635, %swap3A_636] {strides = array<i32>} : memref<128x128xf32, #tpu.memory_space<vmem>>, vector<16xf32>,
          tpu.vector_store %arg7[%swap3A_635, %swap3A_636], %gather3A_319 {strides = array<i32>} : memref<128x128xf32, #tpu.memory_space<vmem>>, vector<16xf32>,
          %add3A_638 = arith.constant 1 : i32
          %add3A_639 = arith.addi %add3A_568, %add3A_638 : i32
          %swap3A_640 = arith.index_cast %add3A_639 : i32 to index
          %swap3A_641 = arith.constant 96 : index
          %swap3A_642 = tpu.vector_load %arg7[%swap3A_640, %swap3A_641] {strides = array<i32>} : memref<128x128xf32, #tpu.memory_space<vmem>>, vector<16xf32>,
          tpu.vector_store %arg7[%swap3A_640, %swap3A_641], %gather3A_325 {strides = array<i32>} : memref<128x128xf32, #tpu.memory_space<vmem>>, vector<16xf32>,
          %add3A_643 = arith.constant 1 : i32
          %add3A_644 = arith.addi %add3A_568, %add3A_643 : i32
          %swap3A_645 = arith.index_cast %add3A_644 : i32 to index
          %swap3A_646 = arith.constant 112 : index
          %swap3A_647 = tpu.vector_load %arg7[%swap3A_645, %swap3A_646] {strides = array<i32>} : memref<128x128xf32, #tpu.memory_space<vmem>>, vector<16xf32>,
          tpu.vector_store %arg7[%swap3A_645, %swap3A_646], %gather3A_331 {strides = array<i32>} : memref<128x128xf32, #tpu.memory_space<vmem>>, vector<16xf32>,
          %add3A_648 = arith.constant 16 : i32
          %add3A_649 = arith.addi %mul3A_234, %add3A_648 : i32
          %add3A_650 = arith.constant 0 : i32
          %add3A_651 = arith.addi %add3A_649, %add3A_650 : i32
          %broadcast_in_dim3A_652 = vector.broadcast %add3A_651 : i32 to vector<16xi32>
          %gather3A_653 = tpu.vector_load_idx %arg5[%iota3A, %broadcast_in_dim3A_652] : memref<16x1025xf32, #tpu.memory_space<vmem>>[vector<16xi32>, vector<16xi32>], vector<16xf32>,
          %add3A_654 = arith.constant 16 : i32
          %add3A_655 = arith.addi %mul3A_234, %add3A_654 : i32
          %add3A_656 = arith.constant 1 : i32
          %add3A_657 = arith.addi %add3A_655, %add3A_656 : i32
          %broadcast_in_dim3A_658 = vector.broadcast %add3A_657 : i32 to vector<16xi32>
          %gather3A_659 = tpu.vector_load_idx %arg5[%iota3A, %broadcast_in_dim3A_658] : memref<16x1025xf32, #tpu.memory_space<vmem>>[vector<16xi32>, vector<16xi32>], vector<16xf32>,
          %add3A_660 = arith.constant 16 : i32
          %add3A_661 = arith.addi %mul3A_234, %add3A_660 : i32
          %add3A_662 = arith.constant 2 : i32
          %add3A_663 = arith.addi %add3A_661, %add3A_662 : i32
          %broadcast_in_dim3A_664 = vector.broadcast %add3A_663 : i32 to vector<16xi32>
          %gather3A_665 = tpu.vector_load_idx %arg5[%iota3A, %broadcast_in_dim3A_664] : memref<16x1025xf32, #tpu.memory_space<vmem>>[vector<16xi32>, vector<16xi32>], vector<16xf32>,
          %add3A_666 = arith.constant 16 : i32
          %add3A_667 = arith.addi %mul3A_234, %add3A_666 : i32
          %add3A_668 = arith.constant 3 : i32
          %add3A_669 = arith.addi %add3A_667, %add3A_668 : i32
          %broadcast_in_dim3A_670 = vector.broadcast %add3A_669 : i32 to vector<16xi32>
          %gather3A_671 = tpu.vector_load_idx %arg5[%iota3A, %broadcast_in_dim3A_670] : memref<16x1025xf32, #tpu.memory_space<vmem>>[vector<16xi32>, vector<16xi32>], vector<16xf32>,
          %add3A_672 = arith.constant 16 : i32
          %add3A_673 = arith.addi %mul3A_234, %add3A_672 : i32
          %add3A_674 = arith.constant 4 : i32
          %add3A_675 = arith.addi %add3A_673, %add3A_674 : i32
          %broadcast_in_dim3A_676 = vector.broadcast %add3A_675 : i32 to vector<16xi32>
          %gather3A_677 = tpu.vector_load_idx %arg5[%iota3A, %broadcast_in_dim3A_676] : memref<16x1025xf32, #tpu.memory_space<vmem>>[vector<16xi32>, vector<16xi32>], vector<16xf32>,
          %add3A_678 = arith.constant 16 : i32
          %add3A_679 = arith.addi %mul3A_234, %add3A_678 : i32
          %add3A_680 = arith.constant 5 : i32
          %add3A_681 = arith.addi %add3A_679, %add3A_680 : i32
          %broadcast_in_dim3A_682 = vector.broadcast %add3A_681 : i32 to vector<16xi32>
          %gather3A_683 = tpu.vector_load_idx %arg5[%iota3A, %broadcast_in_dim3A_682] : memref<16x1025xf32, #tpu.memory_space<vmem>>[vector<16xi32>, vector<16xi32>], vector<16xf32>,
          %add3A_684 = arith.constant 16 : i32
          %add3A_685 = arith.addi %mul3A_234, %add3A_684 : i32
          %add3A_686 = arith.constant 6 : i32
          %add3A_687 = arith.addi %add3A_685, %add3A_686 : i32
          %broadcast_in_dim3A_688 = vector.broadcast %add3A_687 : i32 to vector<16xi32>
          %gather3A_689 = tpu.vector_load_idx %arg5[%iota3A, %broadcast_in_dim3A_688] : memref<16x1025xf32, #tpu.memory_space<vmem>>[vector<16xi32>, vector<16xi32>], vector<16xf32>,
          %add3A_690 = arith.constant 16 : i32
          %add3A_691 = arith.addi %mul3A_234, %add3A_690 : i32
          %add3A_692 = arith.constant 7 : i32
          %add3A_693 = arith.addi %add3A_691, %add3A_692 : i32
          %broadcast_in_dim3A_694 = vector.broadcast %add3A_693 : i32 to vector<16xi32>
          %gather3A_695 = tpu.vector_load_idx %arg5[%iota3A, %broadcast_in_dim3A_694] : memref<16x1025xf32, #tpu.memory_space<vmem>>[vector<16xi32>, vector<16xi32>], vector<16xf32>,
          %add3A_696 = arith.constant 16 : i32
          %add3A_697 = arith.addi %mul3A_234, %add3A_696 : i32
          %add3A_698 = arith.constant 8 : i32
          %add3A_699 = arith.addi %add3A_697, %add3A_698 : i32
          %broadcast_in_dim3A_700 = vector.broadcast %add3A_699 : i32 to vector<16xi32>
          %gather3A_701 = tpu.vector_load_idx %arg5[%iota3A, %broadcast_in_dim3A_700] : memref<16x1025xf32, #tpu.memory_space<vmem>>[vector<16xi32>, vector<16xi32>], vector<16xf32>,
          %add3A_702 = arith.constant 16 : i32
          %add3A_703 = arith.addi %mul3A_234, %add3A_702 : i32
          %add3A_704 = arith.constant 9 : i32
          %add3A_705 = arith.addi %add3A_703, %add3A_704 : i32
          %broadcast_in_dim3A_706 = vector.broadcast %add3A_705 : i32 to vector<16xi32>
          %gather3A_707 = tpu.vector_load_idx %arg5[%iota3A, %broadcast_in_dim3A_706] : memref<16x1025xf32, #tpu.memory_space<vmem>>[vector<16xi32>, vector<16xi32>], vector<16xf32>,
          %add3A_708 = arith.constant 16 : i32
          %add3A_709 = arith.addi %mul3A_234, %add3A_708 : i32
          %add3A_710 = arith.constant 10 : i32
          %add3A_711 = arith.addi %add3A_709, %add3A_710 : i32
          %broadcast_in_dim3A_712 = vector.broadcast %add3A_711 : i32 to vector<16xi32>
          %gather3A_713 = tpu.vector_load_idx %arg5[%iota3A, %broadcast_in_dim3A_712] : memref<16x1025xf32, #tpu.memory_space<vmem>>[vector<16xi32>, vector<16xi32>], vector<16xf32>,
          %add3A_714 = arith.constant 16 : i32
          %add3A_715 = arith.addi %mul3A_234, %add3A_714 : i32
          %add3A_716 = arith.constant 11 : i32
          %add3A_717 = arith.addi %add3A_715, %add3A_716 : i32
          %broadcast_in_dim3A_718 = vector.broadcast %add3A_717 : i32 to vector<16xi32>
          %gather3A_719 = tpu.vector_load_idx %arg5[%iota3A, %broadcast_in_dim3A_718] : memref<16x1025xf32, #tpu.memory_space<vmem>>[vector<16xi32>, vector<16xi32>], vector<16xf32>,
          %add3A_720 = arith.constant 16 : i32
          %add3A_721 = arith.addi %mul3A_234, %add3A_720 : i32
          %add3A_722 = arith.constant 12 : i32
          %add3A_723 = arith.addi %add3A_721, %add3A_722 : i32
          %broadcast_in_dim3A_724 = vector.broadcast %add3A_723 : i32 to vector<16xi32>
          %gather3A_725 = tpu.vector_load_idx %arg5[%iota3A, %broadcast_in_dim3A_724] : memref<16x1025xf32, #tpu.memory_space<vmem>>[vector<16xi32>, vector<16xi32>], vector<16xf32>,
          %add3A_726 = arith.constant 16 : i32
          %add3A_727 = arith.addi %mul3A_234, %add3A_726 : i32
          %add3A_728 = arith.constant 13 : i32
          %add3A_729 = arith.addi %add3A_727, %add3A_728 : i32
          %broadcast_in_dim3A_730 = vector.broadcast %add3A_729 : i32 to vector<16xi32>
          %gather3A_731 = tpu.vector_load_idx %arg5[%iota3A, %broadcast_in_dim3A_730] : memref<16x1025xf32, #tpu.memory_space<vmem>>[vector<16xi32>, vector<16xi32>], vector<16xf32>,
          %add3A_732 = arith.constant 16 : i32
          %add3A_733 = arith.addi %mul3A_234, %add3A_732 : i32
          %add3A_734 = arith.constant 14 : i32
          %add3A_735 = arith.addi %add3A_733, %add3A_734 : i32
          %broadcast_in_dim3A_736 = vector.broadcast %add3A_735 : i32 to vector<16xi32>
          %gather3A_737 = tpu.vector_load_idx %arg5[%iota3A, %broadcast_in_dim3A_736] : memref<16x1025xf32, #tpu.memory_space<vmem>>[vector<16xi32>, vector<16xi32>], vector<16xf32>,
          %add3A_738 = arith.constant 16 : i32
          %add3A_739 = arith.addi %mul3A_234, %add3A_738 : i32
          %add3A_740 = arith.constant 15 : i32
          %add3A_741 = arith.addi %add3A_739, %add3A_740 : i32
          %broadcast_in_dim3A_742 = vector.broadcast %add3A_741 : i32 to vector<16xi32>
          %gather3A_743 = tpu.vector_load_idx %arg5[%iota3A, %broadcast_in_dim3A_742] : memref<16x1025xf32, #tpu.memory_space<vmem>>[vector<16xi32>, vector<16xi32>], vector<16xf32>,
          %add3A_744 = arith.constant 4 : i32
          %add3A_745 = vector.broadcast %add3A_744 : i32 to vector<16xi32>
          %add3A_746 = arith.addi %mul3A_130, %add3A_745 : vector<16xi32>
          %add3A_747 = arith.constant 64 : i32
          %add3A_748 = arith.addi %mul3A_234, %add3A_747 : i32
          %add3A_749 = arith.constant 0 : i32
          %add3A_750 = arith.addi %add3A_748, %add3A_749 : i32
          %get3A_751 = arith.constant 4 : i32
          %get3A_752 = arith.index_cast %get3A_751 : i32 to index
          %get3A_753 = arith.index_cast %add3A_750 : i32 to index
          %get3A_754 = tpu.vector_load %arg5[%get3A_752, %get3A_753] {strides = array<i32>} : memref<16x1025xf32, #tpu.memory_space<vmem>>, vector<16xf32>,
          %add3A_755 = arith.constant 8 : i32
          %add3A_756 = arith.addi %mul3A_236, %add3A_755 : i32
          %add3A_757 = arith.constant 0 : i32
          %add3A_758 = arith.addi %add3A_756, %add3A_757 : i32
          %add3A_759 = vector.broadcast %add3A_758 : i32 to vector<16xi32>
          %add3A_760 = arith.addi %select_n3A_161, %add3A_759 : vector<16xi32>
          tpu.vector_store_idx %arg7[%add3A_760, %add3A_746], %get3A_754 : memref<128x128xf32, #tpu.memory_space<vmem>>[vector<16xi32>, vector<16xi32>], vector<16xf32>,
          %add3A_761 = arith.constant 64 : i32
          %add3A_762 = arith.addi %mul3A_234, %add3A_761 : i32
          %add3A_763 = arith.constant 16 : i32
          %add3A_764 = arith.addi %add3A_762, %add3A_763 : i32
          %get3A_765 = arith.constant 4 : i32
          %get3A_766 = arith.index_cast %get3A_765 : i32 to index
          %get3A_767 = arith.index_cast %add3A_764 : i32 to index
          %get3A_768 = tpu.vector_load %arg5[%get3A_766, %get3A_767] {strides = array<i32>} : memref<16x1025xf32, #tpu.memory_space<vmem>>, vector<16xf32>,
          %add3A_769 = arith.constant 8 : i32
          %add3A_770 = arith.addi %mul3A_236, %add3A_769 : i32
          %add3A_771 = arith.constant 2 : i32
          %add3A_772 = arith.addi %add3A_770, %add3A_771 : i32
          %add3A_773 = vector.broadcast %add3A_772 : i32 to vector<16xi32>
          %add3A_774 = arith.addi %select_n3A_161, %add3A_773 : vector<16xi32>
          tpu.vector_store_idx %arg7[%add3A_774, %add3A_746], %get3A_768 : memref<128x128xf32, #tpu.memory_space<vmem>>[vector<16xi32>, vector<16xi32>], vector<16xf32>,
          %add3A_775 = arith.constant 64 : i32
          %add3A_776 = arith.addi %mul3A_234, %add3A_775 : i32
          %add3A_777 = arith.constant 32 : i32
          %add3A_778 = arith.addi %add3A_776, %add3A_777 : i32
          %get3A_779 = arith.constant 4 : i32
          %get3A_780 = arith.index_cast %get3A_779 : i32 to index
          %get3A_781 = arith.index_cast %add3A_778 : i32 to index
          %get3A_782 = tpu.vector_load %arg5[%get3A_780, %get3A_781] {strides = array<i32>} : memref<16x1025xf32, #tpu.memory_space<vmem>>, vector<16xf32>,
          %add3A_783 = arith.constant 8 : i32
          %add3A_784 = arith.addi %mul3A_236, %add3A_783 : i32
          %add3A_785 = arith.constant 4 : i32
          %add3A_786 = arith.addi %add3A_784, %add3A_785 : i32
          %add3A_787 = vector.broadcast %add3A_786 : i32 to vector<16xi32>
          %add3A_788 = arith.addi %select_n3A_161, %add3A_787 : vector<16xi32>
          tpu.vector_store_idx %arg7[%add3A_788, %add3A_746], %get3A_782 : memref<128x128xf32, #tpu.memory_space<vmem>>[vector<16xi32>, vector<16xi32>], vector<16xf32>,
          %add3A_789 = arith.constant 64 : i32
          %add3A_790 = arith.addi %mul3A_234, %add3A_789 : i32
          %add3A_791 = arith.constant 48 : i32
          %add3A_792 = arith.addi %add3A_790, %add3A_791 : i32
          %get3A_793 = arith.constant 4 : i32
          %get3A_794 = arith.index_cast %get3A_793 : i32 to index
          %get3A_795 = arith.index_cast %add3A_792 : i32 to index
          %get3A_796 = tpu.vector_load %arg5[%get3A_794, %get3A_795] {strides = array<i32>} : memref<16x1025xf32, #tpu.memory_space<vmem>>, vector<16xf32>,
          %add3A_797 = arith.constant 8 : i32
          %add3A_798 = arith.addi %mul3A_236, %add3A_797 : i32
          %add3A_799 = arith.constant 6 : i32
          %add3A_800 = arith.addi %add3A_798, %add3A_799 : i32
          %add3A_801 = vector.broadcast %add3A_800 : i32 to vector<16xi32>
          %add3A_802 = arith.addi %select_n3A_161, %add3A_801 : vector<16xi32>
          tpu.vector_store_idx %arg7[%add3A_802, %add3A_746], %get3A_796 : memref<128x128xf32, #tpu.memory_space<vmem>>[vector<16xi32>, vector<16xi32>], vector<16xf32>,
          %add3A_803 = arith.constant 5 : i32
          %add3A_804 = vector.broadcast %add3A_803 : i32 to vector<16xi32>
          %add3A_805 = arith.addi %mul3A_130, %add3A_804 : vector<16xi32>
          %add3A_806 = arith.constant 64 : i32
          %add3A_807 = arith.addi %mul3A_234, %add3A_806 : i32
          %add3A_808 = arith.constant 0 : i32
          %add3A_809 = arith.addi %add3A_807, %add3A_808 : i32
          %get3A_810 = arith.constant 5 : i32
          %get3A_811 = arith.index_cast %get3A_810 : i32 to index
          %get3A_812 = arith.index_cast %add3A_809 : i32 to index
          %get3A_813 = tpu.vector_load %arg5[%get3A_811, %get3A_812] {strides = array<i32>} : memref<16x1025xf32, #tpu.memory_space<vmem>>, vector<16xf32>,
          %add3A_814 = arith.constant 8 : i32
          %add3A_815 = arith.addi %mul3A_236, %add3A_814 : i32
          %add3A_816 = arith.constant 0 : i32
          %add3A_817 = arith.addi %add3A_815, %add3A_816 : i32
          %add3A_818 = vector.broadcast %add3A_817 : i32 to vector<16xi32>
          %add3A_819 = arith.addi %select_n3A_161, %add3A_818 : vector<16xi32>
          tpu.vector_store_idx %arg7[%add3A_819, %add3A_805], %get3A_813 : memref<128x128xf32, #tpu.memory_space<vmem>>[vector<16xi32>, vector<16xi32>], vector<16xf32>,
          %add3A_820 = arith.constant 64 : i32
          %add3A_821 = arith.addi %mul3A_234, %add3A_820 : i32
          %add3A_822 = arith.constant 16 : i32
          %add3A_823 = arith.addi %add3A_821, %add3A_822 : i32
          %get3A_824 = arith.constant 5 : i32
          %get3A_825 = arith.index_cast %get3A_824 : i32 to index
          %get3A_826 = arith.index_cast %add3A_823 : i32 to index
          %get3A_827 = tpu.vector_load %arg5[%get3A_825, %get3A_826] {strides = array<i32>} : memref<16x1025xf32, #tpu.memory_space<vmem>>, vector<16xf32>,
          %add3A_828 = arith.constant 8 : i32
          %add3A_829 = arith.addi %mul3A_236, %add3A_828 : i32
          %add3A_830 = arith.constant 2 : i32
          %add3A_831 = arith.addi %add3A_829, %add3A_830 : i32
          %add3A_832 = vector.broadcast %add3A_831 : i32 to vector<16xi32>
          %add3A_833 = arith.addi %select_n3A_161, %add3A_832 : vector<16xi32>
          tpu.vector_store_idx %arg7[%add3A_833, %add3A_805], %get3A_827 : memref<128x128xf32, #tpu.memory_space<vmem>>[vector<16xi32>, vector<16xi32>], vector<16xf32>,
          %add3A_834 = arith.constant 64 : i32
          %add3A_835 = arith.addi %mul3A_234, %add3A_834 : i32
          %add3A_836 = arith.constant 32 : i32
          %add3A_837 = arith.addi %add3A_835, %add3A_836 : i32
          %get3A_838 = arith.constant 5 : i32
          %get3A_839 = arith.index_cast %get3A_838 : i32 to index
          %get3A_840 = arith.index_cast %add3A_837 : i32 to index
          %get3A_841 = tpu.vector_load %arg5[%get3A_839, %get3A_840] {strides = array<i32>} : memref<16x1025xf32, #tpu.memory_space<vmem>>, vector<16xf32>,
          %add3A_842 = arith.constant 8 : i32
          %add3A_843 = arith.addi %mul3A_236, %add3A_842 : i32
          %add3A_844 = arith.constant 4 : i32
          %add3A_845 = arith.addi %add3A_843, %add3A_844 : i32
          %add3A_846 = vector.broadcast %add3A_845 : i32 to vector<16xi32>
          %add3A_847 = arith.addi %select_n3A_161, %add3A_846 : vector<16xi32>
          tpu.vector_store_idx %arg7[%add3A_847, %add3A_805], %get3A_841 : memref<128x128xf32, #tpu.memory_space<vmem>>[vector<16xi32>, vector<16xi32>], vector<16xf32>,
          %add3A_848 = arith.constant 64 : i32
          %add3A_849 = arith.addi %mul3A_234, %add3A_848 : i32
          %add3A_850 = arith.constant 48 : i32
          %add3A_851 = arith.addi %add3A_849, %add3A_850 : i32
          %get3A_852 = arith.constant 5 : i32
          %get3A_853 = arith.index_cast %get3A_852 : i32 to index
          %get3A_854 = arith.index_cast %add3A_851 : i32 to index
          %get3A_855 = tpu.vector_load %arg5[%get3A_853, %get3A_854] {strides = array<i32>} : memref<16x1025xf32, #tpu.memory_space<vmem>>, vector<16xf32>,
          %add3A_856 = arith.constant 8 : i32
          %add3A_857 = arith.addi %mul3A_236, %add3A_856 : i32
          %add3A_858 = arith.constant 6 : i32
          %add3A_859 = arith.addi %add3A_857, %add3A_858 : i32
          %add3A_860 = vector.broadcast %add3A_859 : i32 to vector<16xi32>
          %add3A_861 = arith.addi %select_n3A_161, %add3A_860 : vector<16xi32>
          tpu.vector_store_idx %arg7[%add3A_861, %add3A_805], %get3A_855 : memref<128x128xf32, #tpu.memory_space<vmem>>[vector<16xi32>, vector<16xi32>], vector<16xf32>,
          %add3A_862 = arith.constant 6 : i32
          %add3A_863 = vector.broadcast %add3A_862 : i32 to vector<16xi32>
          %add3A_864 = arith.addi %mul3A_130, %add3A_863 : vector<16xi32>
          %add3A_865 = arith.constant 64 : i32
          %add3A_866 = arith.addi %mul3A_234, %add3A_865 : i32
          %add3A_867 = arith.constant 0 : i32
          %add3A_868 = arith.addi %add3A_866, %add3A_867 : i32
          %get3A_869 = arith.constant 6 : i32
          %get3A_870 = arith.index_cast %get3A_869 : i32 to index
          %get3A_871 = arith.index_cast %add3A_868 : i32 to index
          %get3A_872 = tpu.vector_load %arg5[%get3A_870, %get3A_871] {strides = array<i32>} : memref<16x1025xf32, #tpu.memory_space<vmem>>, vector<16xf32>,
          %add3A_873 = arith.constant 8 : i32
          %add3A_874 = arith.addi %mul3A_236, %add3A_873 : i32
          %add3A_875 = arith.constant 0 : i32
          %add3A_876 = arith.addi %add3A_874, %add3A_875 : i32
          %add3A_877 = vector.broadcast %add3A_876 : i32 to vector<16xi32>
          %add3A_878 = arith.addi %select_n3A_161, %add3A_877 : vector<16xi32>
          tpu.vector_store_idx %arg7[%add3A_878, %add3A_864], %get3A_872 : memref<128x128xf32, #tpu.memory_space<vmem>>[vector<16xi32>, vector<16xi32>], vector<16xf32>,
          %add3A_879 = arith.constant 64 : i32
          %add3A_880 = arith.addi %mul3A_234, %add3A_879 : i32
          %add3A_881 = arith.constant 16 : i32
          %add3A_882 = arith.addi %add3A_880, %add3A_881 : i32
          %get3A_883 = arith.constant 6 : i32
          %get3A_884 = arith.index_cast %get3A_883 : i32 to index
          %get3A_885 = arith.index_cast %add3A_882 : i32 to index
          %get3A_886 = tpu.vector_load %arg5[%get3A_884, %get3A_885] {strides = array<i32>} : memref<16x1025xf32, #tpu.memory_space<vmem>>, vector<16xf32>,
          %add3A_887 = arith.constant 8 : i32
          %add3A_888 = arith.addi %mul3A_236, %add3A_887 : i32
          %add3A_889 = arith.constant 2 : i32
          %add3A_890 = arith.addi %add3A_888, %add3A_889 : i32
          %add3A_891 = vector.broadcast %add3A_890 : i32 to vector<16xi32>
          %add3A_892 = arith.addi %select_n3A_161, %add3A_891 : vector<16xi32>
          tpu.vector_store_idx %arg7[%add3A_892, %add3A_864], %get3A_886 : memref<128x128xf32, #tpu.memory_space<vmem>>[vector<16xi32>, vector<16xi32>], vector<16xf32>,
          %add3A_893 = arith.constant 64 : i32
          %add3A_894 = arith.addi %mul3A_234, %add3A_893 : i32
          %add3A_895 = arith.constant 32 : i32
          %add3A_896 = arith.addi %add3A_894, %add3A_895 : i32
          %get3A_897 = arith.constant 6 : i32
          %get3A_898 = arith.index_cast %get3A_897 : i32 to index
          %get3A_899 = arith.index_cast %add3A_896 : i32 to index
          %get3A_900 = tpu.vector_load %arg5[%get3A_898, %get3A_899] {strides = array<i32>} : memref<16x1025xf32, #tpu.memory_space<vmem>>, vector<16xf32>,
          %add3A_901 = arith.constant 8 : i32
          %add3A_902 = arith.addi %mul3A_236, %add3A_901 : i32
          %add3A_903 = arith.constant 4 : i32
          %add3A_904 = arith.addi %add3A_902, %add3A_903 : i32
          %add3A_905 = vector.broadcast %add3A_904 : i32 to vector<16xi32>
          %add3A_906 = arith.addi %select_n3A_161, %add3A_905 : vector<16xi32>
          tpu.vector_store_idx %arg7[%add3A_906, %add3A_864], %get3A_900 : memref<128x128xf32, #tpu.memory_space<vmem>>[vector<16xi32>, vector<16xi32>], vector<16xf32>,
          %add3A_907 = arith.constant 64 : i32
          %add3A_908 = arith.addi %mul3A_234, %add3A_907 : i32
          %add3A_909 = arith.constant 48 : i32
          %add3A_910 = arith.addi %add3A_908, %add3A_909 : i32
          %get3A_911 = arith.constant 6 : i32
          %get3A_912 = arith.index_cast %get3A_911 : i32 to index
          %get3A_913 = arith.index_cast %add3A_910 : i32 to index
          %get3A_914 = tpu.vector_load %arg5[%get3A_912, %get3A_913] {strides = array<i32>} : memref<16x1025xf32, #tpu.memory_space<vmem>>, vector<16xf32>,
          %add3A_915 = arith.constant 8 : i32
          %add3A_916 = arith.addi %mul3A_236, %add3A_915 : i32
          %add3A_917 = arith.constant 6 : i32
          %add3A_918 = arith.addi %add3A_916, %add3A_917 : i32
          %add3A_919 = vector.broadcast %add3A_918 : i32 to vector<16xi32>
          %add3A_920 = arith.addi %select_n3A_161, %add3A_919 : vector<16xi32>
          tpu.vector_store_idx %arg7[%add3A_920, %add3A_864], %get3A_914 : memref<128x128xf32, #tpu.memory_space<vmem>>[vector<16xi32>, vector<16xi32>], vector<16xf32>,
          %add3A_921 = arith.constant 7 : i32
          %add3A_922 = vector.broadcast %add3A_921 : i32 to vector<16xi32>
          %add3A_923 = arith.addi %mul3A_130, %add3A_922 : vector<16xi32>
          %add3A_924 = arith.constant 64 : i32
          %add3A_925 = arith.addi %mul3A_234, %add3A_924 : i32
          %add3A_926 = arith.constant 0 : i32
          %add3A_927 = arith.addi %add3A_925, %add3A_926 : i32
          %get3A_928 = arith.constant 7 : i32
          %get3A_929 = arith.index_cast %get3A_928 : i32 to index
          %get3A_930 = arith.index_cast %add3A_927 : i32 to index
          %get3A_931 = tpu.vector_load %arg5[%get3A_929, %get3A_930] {strides = array<i32>} : memref<16x1025xf32, #tpu.memory_space<vmem>>, vector<16xf32>,
          %add3A_932 = arith.constant 8 : i32
          %add3A_933 = arith.addi %mul3A_236, %add3A_932 : i32
          %add3A_934 = arith.constant 0 : i32
          %add3A_935 = arith.addi %add3A_933, %add3A_934 : i32
          %add3A_936 = vector.broadcast %add3A_935 : i32 to vector<16xi32>
          %add3A_937 = arith.addi %select_n3A_161, %add3A_936 : vector<16xi32>
          tpu.vector_store_idx %arg7[%add3A_937, %add3A_923], %get3A_931 : memref<128x128xf32, #tpu.memory_space<vmem>>[vector<16xi32>, vector<16xi32>], vector<16xf32>,
          %add3A_938 = arith.constant 64 : i32
          %add3A_939 = arith.addi %mul3A_234, %add3A_938 : i32
          %add3A_940 = arith.constant 16 : i32
          %add3A_941 = arith.addi %add3A_939, %add3A_940 : i32
          %get3A_942 = arith.constant 7 : i32
          %get3A_943 = arith.index_cast %get3A_942 : i32 to index
          %get3A_944 = arith.index_cast %add3A_941 : i32 to index
          %get3A_945 = tpu.vector_load %arg5[%get3A_943, %get3A_944] {strides = array<i32>} : memref<16x1025xf32, #tpu.memory_space<vmem>>, vector<16xf32>,
          %add3A_946 = arith.constant 8 : i32
          %add3A_947 = arith.addi %mul3A_236, %add3A_946 : i32
          %add3A_948 = arith.constant 2 : i32
          %add3A_949 = arith.addi %add3A_947, %add3A_948 : i32
          %add3A_950 = vector.broadcast %add3A_949 : i32 to vector<16xi32>
          %add3A_951 = arith.addi %select_n3A_161, %add3A_950 : vector<16xi32>
          tpu.vector_store_idx %arg7[%add3A_951, %add3A_923], %get3A_945 : memref<128x128xf32, #tpu.memory_space<vmem>>[vector<16xi32>, vector<16xi32>], vector<16xf32>,
          %add3A_952 = arith.constant 64 : i32
          %add3A_953 = arith.addi %mul3A_234, %add3A_952 : i32
          %add3A_954 = arith.constant 32 : i32
          %add3A_955 = arith.addi %add3A_953, %add3A_954 : i32
          %get3A_956 = arith.constant 7 : i32
          %get3A_957 = arith.index_cast %get3A_956 : i32 to index
          %get3A_958 = arith.index_cast %add3A_955 : i32 to index
          %get3A_959 = tpu.vector_load %arg5[%get3A_957, %get3A_958] {strides = array<i32>} : memref<16x1025xf32, #tpu.memory_space<vmem>>, vector<16xf32>,
          %add3A_960 = arith.constant 8 : i32
          %add3A_961 = arith.addi %mul3A_236, %add3A_960 : i32
          %add3A_962 = arith.constant 4 : i32
          %add3A_963 = arith.addi %add3A_961, %add3A_962 : i32
          %add3A_964 = vector.broadcast %add3A_963 : i32 to vector<16xi32>
          %add3A_965 = arith.addi %select_n3A_161, %add3A_964 : vector<16xi32>
          tpu.vector_store_idx %arg7[%add3A_965, %add3A_923], %get3A_959 : memref<128x128xf32, #tpu.memory_space<vmem>>[vector<16xi32>, vector<16xi32>], vector<16xf32>,
          %add3A_966 = arith.constant 64 : i32
          %add3A_967 = arith.addi %mul3A_234, %add3A_966 : i32
          %add3A_968 = arith.constant 48 : i32
          %add3A_969 = arith.addi %add3A_967, %add3A_968 : i32
          %get3A_970 = arith.constant 7 : i32
          %get3A_971 = arith.index_cast %get3A_970 : i32 to index
          %get3A_972 = arith.index_cast %add3A_969 : i32 to index
          %get3A_973 = tpu.vector_load %arg5[%get3A_971, %get3A_972] {strides = array<i32>} : memref<16x1025xf32, #tpu.memory_space<vmem>>, vector<16xf32>,
          %add3A_974 = arith.constant 8 : i32
          %add3A_975 = arith.addi %mul3A_236, %add3A_974 : i32
          %add3A_976 = arith.constant 6 : i32
          %add3A_977 = arith.addi %add3A_975, %add3A_976 : i32
          %add3A_978 = vector.broadcast %add3A_977 : i32 to vector<16xi32>
          %add3A_979 = arith.addi %select_n3A_161, %add3A_978 : vector<16xi32>
          tpu.vector_store_idx %arg7[%add3A_979, %add3A_923], %get3A_973 : memref<128x128xf32, #tpu.memory_space<vmem>>[vector<16xi32>, vector<16xi32>], vector<16xf32>,
          %add3A_980 = arith.constant 2 : i32
          %add3A_981 = arith.addi %mul3A_236, %add3A_980 : i32
          %add3A_982 = arith.constant 0 : i32
          %add3A_983 = arith.addi %add3A_981, %add3A_982 : i32
          %swap3A_984 = arith.index_cast %add3A_983 : i32 to index
          %swap3A_985 = arith.constant 0 : index
          %swap3A_986 = tpu.vector_load %arg7[%swap3A_984, %swap3A_985] {strides = array<i32>} : memref<128x128xf32, #tpu.memory_space<vmem>>, vector<16xf32>,
          tpu.vector_store %arg7[%swap3A_984, %swap3A_985], %gather3A_653 {strides = array<i32>} : memref<128x128xf32, #tpu.memory_space<vmem>>, vector<16xf32>,
          %add3A_987 = arith.constant 0 : i32
          %add3A_988 = arith.addi %add3A_981, %add3A_987 : i32
          %swap3A_989 = arith.index_cast %add3A_988 : i32 to index
          %swap3A_990 = arith.constant 16 : index
          %swap3A_991 = tpu.vector_load %arg7[%swap3A_989, %swap3A_990] {strides = array<i32>} : memref<128x128xf32, #tpu.memory_space<vmem>>, vector<16xf32>,
          tpu.vector_store %arg7[%swap3A_989, %swap3A_990], %gather3A_659 {strides = array<i32>} : memref<128x128xf32, #tpu.memory_space<vmem>>, vector<16xf32>,
          %add3A_992 = arith.constant 0 : i32
          %add3A_993 = arith.addi %add3A_981, %add3A_992 : i32
          %swap3A_994 = arith.index_cast %add3A_993 : i32 to index
          %swap3A_995 = arith.constant 32 : index
          %swap3A_996 = tpu.vector_load %arg7[%swap3A_994, %swap3A_995] {strides = array<i32>} : memref<128x128xf32, #tpu.memory_space<vmem>>, vector<16xf32>,
          tpu.vector_store %arg7[%swap3A_994, %swap3A_995], %gather3A_665 {strides = array<i32>} : memref<128x128xf32, #tpu.memory_space<vmem>>, vector<16xf32>,
          %add3A_997 = arith.constant 0 : i32
          %add3A_998 = arith.addi %add3A_981, %add3A_997 : i32
          %swap3A_999 = arith.index_cast %add3A_998 : i32 to index
          %swap3A_1000 = arith.constant 48 : index
          %swap3A_1001 = tpu.vector_load %arg7[%swap3A_999, %swap3A_1000] {strides = array<i32>} : memref<128x128xf32, #tpu.memory_space<vmem>>, vector<16xf32>,
          tpu.vector_store %arg7[%swap3A_999, %swap3A_1000], %gather3A_671 {strides = array<i32>} : memref<128x128xf32, #tpu.memory_space<vmem>>, vector<16xf32>,
          %add3A_1002 = arith.constant 0 : i32
          %add3A_1003 = arith.addi %add3A_981, %add3A_1002 : i32
          %swap3A_1004 = arith.index_cast %add3A_1003 : i32 to index
          %swap3A_1005 = arith.constant 64 : index
          %swap3A_1006 = tpu.vector_load %arg7[%swap3A_1004, %swap3A_1005] {strides = array<i32>} : memref<128x128xf32, #tpu.memory_space<vmem>>, vector<16xf32>,
          tpu.vector_store %arg7[%swap3A_1004, %swap3A_1005], %gather3A_677 {strides = array<i32>} : memref<128x128xf32, #tpu.memory_space<vmem>>, vector<16xf32>,
          %add3A_1007 = arith.constant 0 : i32
          %add3A_1008 = arith.addi %add3A_981, %add3A_1007 : i32
          %swap3A_1009 = arith.index_cast %add3A_1008 : i32 to index
          %swap3A_1010 = arith.constant 80 : index
          %swap3A_1011 = tpu.vector_load %arg7[%swap3A_1009, %swap3A_1010] {strides = array<i32>} : memref<128x128xf32, #tpu.memory_space<vmem>>, vector<16xf32>,
          tpu.vector_store %arg7[%swap3A_1009, %swap3A_1010], %gather3A_683 {strides = array<i32>} : memref<128x128xf32, #tpu.memory_space<vmem>>, vector<16xf32>,
          %add3A_1012 = arith.constant 0 : i32
          %add3A_1013 = arith.addi %add3A_981, %add3A_1012 : i32
          %swap3A_1014 = arith.index_cast %add3A_1013 : i32 to index
          %swap3A_1015 = arith.constant 96 : index
          %swap3A_1016 = tpu.vector_load %arg7[%swap3A_1014, %swap3A_1015] {strides = array<i32>} : memref<128x128xf32, #tpu.memory_space<vmem>>, vector<16xf32>,
          tpu.vector_store %arg7[%swap3A_1014, %swap3A_1015], %gather3A_689 {strides = array<i32>} : memref<128x128xf32, #tpu.memory_space<vmem>>, vector<16xf32>,
          %add3A_1017 = arith.constant 0 : i32
          %add3A_1018 = arith.addi %add3A_981, %add3A_1017 : i32
          %swap3A_1019 = arith.index_cast %add3A_1018 : i32 to index
          %swap3A_1020 = arith.constant 112 : index
          %swap3A_1021 = tpu.vector_load %arg7[%swap3A_1019, %swap3A_1020] {strides = array<i32>} : memref<128x128xf32, #tpu.memory_space<vmem>>, vector<16xf32>,
          tpu.vector_store %arg7[%swap3A_1019, %swap3A_1020], %gather3A_695 {strides = array<i32>} : memref<128x128xf32, #tpu.memory_space<vmem>>, vector<16xf32>,
          %add3A_1022 = arith.constant 1 : i32
          %add3A_1023 = arith.addi %add3A_981, %add3A_1022 : i32
          %swap3A_1024 = arith.index_cast %add3A_1023 : i32 to index
          %swap3A_1025 = arith.constant 0 : index
          %swap3A_1026 = tpu.vector_load %arg7[%swap3A_1024, %swap3A_1025] {strides = array<i32>} : memref<128x128xf32, #tpu.memory_space<vmem>>, vector<16xf32>,
          tpu.vector_store %arg7[%swap3A_1024, %swap3A_1025], %gather3A_701 {strides = array<i32>} : memref<128x128xf32, #tpu.memory_space<vmem>>, vector<16xf32>,
          %add3A_1027 = arith.constant 1 : i32
          %add3A_1028 = arith.addi %add3A_981, %add3A_1027 : i32
          %swap3A_1029 = arith.index_cast %add3A_1028 : i32 to index
          %swap3A_1030 = arith.constant 16 : index
          %swap3A_1031 = tpu.vector_load %arg7[%swap3A_1029, %swap3A_1030] {strides = array<i32>} : memref<128x128xf32, #tpu.memory_space<vmem>>, vector<16xf32>,
          tpu.vector_store %arg7[%swap3A_1029, %swap3A_1030], %gather3A_707 {strides = array<i32>} : memref<128x128xf32, #tpu.memory_space<vmem>>, vector<16xf32>,
          %add3A_1032 = arith.constant 1 : i32
          %add3A_1033 = arith.addi %add3A_981, %add3A_1032 : i32
          %swap3A_1034 = arith.index_cast %add3A_1033 : i32 to index
          %swap3A_1035 = arith.constant 32 : index
          %swap3A_1036 = tpu.vector_load %arg7[%swap3A_1034, %swap3A_1035] {strides = array<i32>} : memref<128x128xf32, #tpu.memory_space<vmem>>, vector<16xf32>,
          tpu.vector_store %arg7[%swap3A_1034, %swap3A_1035], %gather3A_713 {strides = array<i32>} : memref<128x128xf32, #tpu.memory_space<vmem>>, vector<16xf32>,
          %add3A_1037 = arith.constant 1 : i32
          %add3A_1038 = arith.addi %add3A_981, %add3A_1037 : i32
          %swap3A_1039 = arith.index_cast %add3A_1038 : i32 to index
          %swap3A_1040 = arith.constant 48 : index
          %swap3A_1041 = tpu.vector_load %arg7[%swap3A_1039, %swap3A_1040] {strides = array<i32>} : memref<128x128xf32, #tpu.memory_space<vmem>>, vector<16xf32>,
          tpu.vector_store %arg7[%swap3A_1039, %swap3A_1040], %gather3A_719 {strides = array<i32>} : memref<128x128xf32, #tpu.memory_space<vmem>>, vector<16xf32>,
          %add3A_1042 = arith.constant 1 : i32
          %add3A_1043 = arith.addi %add3A_981, %add3A_1042 : i32
          %swap3A_1044 = arith.index_cast %add3A_1043 : i32 to index
          %swap3A_1045 = arith.constant 64 : index
          %swap3A_1046 = tpu.vector_load %arg7[%swap3A_1044, %swap3A_1045] {strides = array<i32>} : memref<128x128xf32, #tpu.memory_space<vmem>>, vector<16xf32>,
          tpu.vector_store %arg7[%swap3A_1044, %swap3A_1045], %gather3A_725 {strides = array<i32>} : memref<128x128xf32, #tpu.memory_space<vmem>>, vector<16xf32>,
          %add3A_1047 = arith.constant 1 : i32
          %add3A_1048 = arith.addi %add3A_981, %add3A_1047 : i32
          %swap3A_1049 = arith.index_cast %add3A_1048 : i32 to index
          %swap3A_1050 = arith.constant 80 : index
          %swap3A_1051 = tpu.vector_load %arg7[%swap3A_1049, %swap3A_1050] {strides = array<i32>} : memref<128x128xf32, #tpu.memory_space<vmem>>, vector<16xf32>,
          tpu.vector_store %arg7[%swap3A_1049, %swap3A_1050], %gather3A_731 {strides = array<i32>} : memref<128x128xf32, #tpu.memory_space<vmem>>, vector<16xf32>,
          %add3A_1052 = arith.constant 1 : i32
          %add3A_1053 = arith.addi %add3A_981, %add3A_1052 : i32
          %swap3A_1054 = arith.index_cast %add3A_1053 : i32 to index
          %swap3A_1055 = arith.constant 96 : index
          %swap3A_1056 = tpu.vector_load %arg7[%swap3A_1054, %swap3A_1055] {strides = array<i32>} : memref<128x128xf32, #tpu.memory_space<vmem>>, vector<16xf32>,
          tpu.vector_store %arg7[%swap3A_1054, %swap3A_1055], %gather3A_737 {strides = array<i32>} : memref<128x128xf32, #tpu.memory_space<vmem>>, vector<16xf32>,
          %add3A_1057 = arith.constant 1 : i32
          %add3A_1058 = arith.addi %add3A_981, %add3A_1057 : i32
          %swap3A_1059 = arith.index_cast %add3A_1058 : i32 to index
          %swap3A_1060 = arith.constant 112 : index
          %swap3A_1061 = tpu.vector_load %arg7[%swap3A_1059, %swap3A_1060] {strides = array<i32>} : memref<128x128xf32, #tpu.memory_space<vmem>>, vector<16xf32>,
          tpu.vector_store %arg7[%swap3A_1059, %swap3A_1060], %gather3A_743 {strides = array<i32>} : memref<128x128xf32, #tpu.memory_space<vmem>>, vector<16xf32>,
          %add3A_1062 = arith.constant 32 : i32
          %add3A_1063 = arith.addi %mul3A_234, %add3A_1062 : i32
          %add3A_1064 = arith.constant 0 : i32
          %add3A_1065 = arith.addi %add3A_1063, %add3A_1064 : i32
          %broadcast_in_dim3A_1066 = vector.broadcast %add3A_1065 : i32 to vector<16xi32>
          %gather3A_1067 = tpu.vector_load_idx %arg5[%iota3A, %broadcast_in_dim3A_1066] : memref<16x1025xf32, #tpu.memory_space<vmem>>[vector<16xi32>, vector<16xi32>], vector<16xf32>,
          %add3A_1068 = arith.constant 32 : i32
          %add3A_1069 = arith.addi %mul3A_234, %add3A_1068 : i32
          %add3A_1070 = arith.constant 1 : i32
          %add3A_1071 = arith.addi %add3A_1069, %add3A_1070 : i32
          %broadcast_in_dim3A_1072 = vector.broadcast %add3A_1071 : i32 to vector<16xi32>
          %gather3A_1073 = tpu.vector_load_idx %arg5[%iota3A, %broadcast_in_dim3A_1072] : memref<16x1025xf32, #tpu.memory_space<vmem>>[vector<16xi32>, vector<16xi32>], vector<16xf32>,
          %add3A_1074 = arith.constant 32 : i32
          %add3A_1075 = arith.addi %mul3A_234, %add3A_1074 : i32
          %add3A_1076 = arith.constant 2 : i32
          %add3A_1077 = arith.addi %add3A_1075, %add3A_1076 : i32
          %broadcast_in_dim3A_1078 = vector.broadcast %add3A_1077 : i32 to vector<16xi32>
          %gather3A_1079 = tpu.vector_load_idx %arg5[%iota3A, %broadcast_in_dim3A_1078] : memref<16x1025xf32, #tpu.memory_space<vmem>>[vector<16xi32>, vector<16xi32>], vector<16xf32>,
          %add3A_1080 = arith.constant 32 : i32
          %add3A_1081 = arith.addi %mul3A_234, %add3A_1080 : i32
          %add3A_1082 = arith.constant 3 : i32
          %add3A_1083 = arith.addi %add3A_1081, %add3A_1082 : i32
          %broadcast_in_dim3A_1084 = vector.broadcast %add3A_1083 : i32 to vector<16xi32>
          %gather3A_1085 = tpu.vector_load_idx %arg5[%iota3A, %broadcast_in_dim3A_1084] : memref<16x1025xf32, #tpu.memory_space<vmem>>[vector<16xi32>, vector<16xi32>], vector<16xf32>,
          %add3A_1086 = arith.constant 32 : i32
          %add3A_1087 = arith.addi %mul3A_234, %add3A_1086 : i32
          %add3A_1088 = arith.constant 4 : i32
          %add3A_1089 = arith.addi %add3A_1087, %add3A_1088 : i32
          %broadcast_in_dim3A_1090 = vector.broadcast %add3A_1089 : i32 to vector<16xi32>
          %gather3A_1091 = tpu.vector_load_idx %arg5[%iota3A, %broadcast_in_dim3A_1090] : memref<16x1025xf32, #tpu.memory_space<vmem>>[vector<16xi32>, vector<16xi32>], vector<16xf32>,
          %add3A_1092 = arith.constant 32 : i32
          %add3A_1093 = arith.addi %mul3A_234, %add3A_1092 : i32
          %add3A_1094 = arith.constant 5 : i32
          %add3A_1095 = arith.addi %add3A_1093, %add3A_1094 : i32
          %broadcast_in_dim3A_1096 = vector.broadcast %add3A_1095 : i32 to vector<16xi32>
          %gather3A_1097 = tpu.vector_load_idx %arg5[%iota3A, %broadcast_in_dim3A_1096] : memref<16x1025xf32, #tpu.memory_space<vmem>>[vector<16xi32>, vector<16xi32>], vector<16xf32>,
          %add3A_1098 = arith.constant 32 : i32
          %add3A_1099 = arith.addi %mul3A_234, %add3A_1098 : i32
          %add3A_1100 = arith.constant 6 : i32
          %add3A_1101 = arith.addi %add3A_1099, %add3A_1100 : i32
          %broadcast_in_dim3A_1102 = vector.broadcast %add3A_1101 : i32 to vector<16xi32>
          %gather3A_1103 = tpu.vector_load_idx %arg5[%iota3A, %broadcast_in_dim3A_1102] : memref<16x1025xf32, #tpu.memory_space<vmem>>[vector<16xi32>, vector<16xi32>], vector<16xf32>,
          %add3A_1104 = arith.constant 32 : i32
          %add3A_1105 = arith.addi %mul3A_234, %add3A_1104 : i32
          %add3A_1106 = arith.constant 7 : i32
          %add3A_1107 = arith.addi %add3A_1105, %add3A_1106 : i32
          %broadcast_in_dim3A_1108 = vector.broadcast %add3A_1107 : i32 to vector<16xi32>
          %gather3A_1109 = tpu.vector_load_idx %arg5[%iota3A, %broadcast_in_dim3A_1108] : memref<16x1025xf32, #tpu.memory_space<vmem>>[vector<16xi32>, vector<16xi32>], vector<16xf32>,
          %add3A_1110 = arith.constant 32 : i32
          %add3A_1111 = arith.addi %mul3A_234, %add3A_1110 : i32
          %add3A_1112 = arith.constant 8 : i32
          %add3A_1113 = arith.addi %add3A_1111, %add3A_1112 : i32
          %broadcast_in_dim3A_1114 = vector.broadcast %add3A_1113 : i32 to vector<16xi32>
          %gather3A_1115 = tpu.vector_load_idx %arg5[%iota3A, %broadcast_in_dim3A_1114] : memref<16x1025xf32, #tpu.memory_space<vmem>>[vector<16xi32>, vector<16xi32>], vector<16xf32>,
          %add3A_1116 = arith.constant 32 : i32
          %add3A_1117 = arith.addi %mul3A_234, %add3A_1116 : i32
          %add3A_1118 = arith.constant 9 : i32
          %add3A_1119 = arith.addi %add3A_1117, %add3A_1118 : i32
          %broadcast_in_dim3A_1120 = vector.broadcast %add3A_1119 : i32 to vector<16xi32>
          %gather3A_1121 = tpu.vector_load_idx %arg5[%iota3A, %broadcast_in_dim3A_1120] : memref<16x1025xf32, #tpu.memory_space<vmem>>[vector<16xi32>, vector<16xi32>], vector<16xf32>,
          %add3A_1122 = arith.constant 32 : i32
          %add3A_1123 = arith.addi %mul3A_234, %add3A_1122 : i32
          %add3A_1124 = arith.constant 10 : i32
          %add3A_1125 = arith.addi %add3A_1123, %add3A_1124 : i32
          %broadcast_in_dim3A_1126 = vector.broadcast %add3A_1125 : i32 to vector<16xi32>
          %gather3A_1127 = tpu.vector_load_idx %arg5[%iota3A, %broadcast_in_dim3A_1126] : memref<16x1025xf32, #tpu.memory_space<vmem>>[vector<16xi32>, vector<16xi32>], vector<16xf32>,
          %add3A_1128 = arith.constant 32 : i32
          %add3A_1129 = arith.addi %mul3A_234, %add3A_1128 : i32
          %add3A_1130 = arith.constant 11 : i32
          %add3A_1131 = arith.addi %add3A_1129, %add3A_1130 : i32
          %broadcast_in_dim3A_1132 = vector.broadcast %add3A_1131 : i32 to vector<16xi32>
          %gather3A_1133 = tpu.vector_load_idx %arg5[%iota3A, %broadcast_in_dim3A_1132] : memref<16x1025xf32, #tpu.memory_space<vmem>>[vector<16xi32>, vector<16xi32>], vector<16xf32>,
          %add3A_1134 = arith.constant 32 : i32
          %add3A_1135 = arith.addi %mul3A_234, %add3A_1134 : i32
          %add3A_1136 = arith.constant 12 : i32
          %add3A_1137 = arith.addi %add3A_1135, %add3A_1136 : i32
          %broadcast_in_dim3A_1138 = vector.broadcast %add3A_1137 : i32 to vector<16xi32>
          %gather3A_1139 = tpu.vector_load_idx %arg5[%iota3A, %broadcast_in_dim3A_1138] : memref<16x1025xf32, #tpu.memory_space<vmem>>[vector<16xi32>, vector<16xi32>], vector<16xf32>,
          %add3A_1140 = arith.constant 32 : i32
          %add3A_1141 = arith.addi %mul3A_234, %add3A_1140 : i32
          %add3A_1142 = arith.constant 13 : i32
          %add3A_1143 = arith.addi %add3A_1141, %add3A_1142 : i32
          %broadcast_in_dim3A_1144 = vector.broadcast %add3A_1143 : i32 to vector<16xi32>
          %gather3A_1145 = tpu.vector_load_idx %arg5[%iota3A, %broadcast_in_dim3A_1144] : memref<16x1025xf32, #tpu.memory_space<vmem>>[vector<16xi32>, vector<16xi32>], vector<16xf32>,
          %add3A_1146 = arith.constant 32 : i32
          %add3A_1147 = arith.addi %mul3A_234, %add3A_1146 : i32
          %add3A_1148 = arith.constant 14 : i32
          %add3A_1149 = arith.addi %add3A_1147, %add3A_1148 : i32
          %broadcast_in_dim3A_1150 = vector.broadcast %add3A_1149 : i32 to vector<16xi32>
          %gather3A_1151 = tpu.vector_load_idx %arg5[%iota3A, %broadcast_in_dim3A_1150] : memref<16x1025xf32, #tpu.memory_space<vmem>>[vector<16xi32>, vector<16xi32>], vector<16xf32>,
          %add3A_1152 = arith.constant 32 : i32
          %add3A_1153 = arith.addi %mul3A_234, %add3A_1152 : i32
          %add3A_1154 = arith.constant 15 : i32
          %add3A_1155 = arith.addi %add3A_1153, %add3A_1154 : i32
          %broadcast_in_dim3A_1156 = vector.broadcast %add3A_1155 : i32 to vector<16xi32>
          %gather3A_1157 = tpu.vector_load_idx %arg5[%iota3A, %broadcast_in_dim3A_1156] : memref<16x1025xf32, #tpu.memory_space<vmem>>[vector<16xi32>, vector<16xi32>], vector<16xf32>,
          %add3A_1158 = arith.constant 8 : i32
          %add3A_1159 = vector.broadcast %add3A_1158 : i32 to vector<16xi32>
          %add3A_1160 = arith.addi %mul3A_130, %add3A_1159 : vector<16xi32>
          %add3A_1161 = arith.constant 64 : i32
          %add3A_1162 = arith.addi %mul3A_234, %add3A_1161 : i32
          %add3A_1163 = arith.constant 0 : i32
          %add3A_1164 = arith.addi %add3A_1162, %add3A_1163 : i32
          %get3A_1165 = arith.constant 8 : i32
          %get3A_1166 = arith.index_cast %get3A_1165 : i32 to index
          %get3A_1167 = arith.index_cast %add3A_1164 : i32 to index
          %get3A_1168 = tpu.vector_load %arg5[%get3A_1166, %get3A_1167] {strides = array<i32>} : memref<16x1025xf32, #tpu.memory_space<vmem>>, vector<16xf32>,
          %add3A_1169 = arith.constant 8 : i32
          %add3A_1170 = arith.addi %mul3A_236, %add3A_1169 : i32
          %add3A_1171 = arith.constant 0 : i32
          %add3A_1172 = arith.addi %add3A_1170, %add3A_1171 : i32
          %add3A_1173 = vector.broadcast %add3A_1172 : i32 to vector<16xi32>
          %add3A_1174 = arith.addi %select_n3A_161, %add3A_1173 : vector<16xi32>
          tpu.vector_store_idx %arg7[%add3A_1174, %add3A_1160], %get3A_1168 : memref<128x128xf32, #tpu.memory_space<vmem>>[vector<16xi32>, vector<16xi32>], vector<16xf32>,
          %add3A_1175 = arith.constant 64 : i32
          %add3A_1176 = arith.addi %mul3A_234, %add3A_1175 : i32
          %add3A_1177 = arith.constant 16 : i32
          %add3A_1178 = arith.addi %add3A_1176, %add3A_1177 : i32
          %get3A_1179 = arith.constant 8 : i32
          %get3A_1180 = arith.index_cast %get3A_1179 : i32 to index
          %get3A_1181 = arith.index_cast %add3A_1178 : i32 to index
          %get3A_1182 = tpu.vector_load %arg5[%get3A_1180, %get3A_1181] {strides = array<i32>} : memref<16x1025xf32, #tpu.memory_space<vmem>>, vector<16xf32>,
          %add3A_1183 = arith.constant 8 : i32
          %add3A_1184 = arith.addi %mul3A_236, %add3A_1183 : i32
          %add3A_1185 = arith.constant 2 : i32
          %add3A_1186 = arith.addi %add3A_1184, %add3A_1185 : i32
          %add3A_1187 = vector.broadcast %add3A_1186 : i32 to vector<16xi32>
          %add3A_1188 = arith.addi %select_n3A_161, %add3A_1187 : vector<16xi32>
          tpu.vector_store_idx %arg7[%add3A_1188, %add3A_1160], %get3A_1182 : memref<128x128xf32, #tpu.memory_space<vmem>>[vector<16xi32>, vector<16xi32>], vector<16xf32>,
          %add3A_1189 = arith.constant 64 : i32
          %add3A_1190 = arith.addi %mul3A_234, %add3A_1189 : i32
          %add3A_1191 = arith.constant 32 : i32
          %add3A_1192 = arith.addi %add3A_1190, %add3A_1191 : i32
          %get3A_1193 = arith.constant 8 : i32
          %get3A_1194 = arith.index_cast %get3A_1193 : i32 to index
          %get3A_1195 = arith.index_cast %add3A_1192 : i32 to index
          %get3A_1196 = tpu.vector_load %arg5[%get3A_1194, %get3A_1195] {strides = array<i32>} : memref<16x1025xf32, #tpu.memory_space<vmem>>, vector<16xf32>,
          %add3A_1197 = arith.constant 8 : i32
          %add3A_1198 = arith.addi %mul3A_236, %add3A_1197 : i32
          %add3A_1199 = arith.constant 4 : i32
          %add3A_1200 = arith.addi %add3A_1198, %add3A_1199 : i32
          %add3A_1201 = vector.broadcast %add3A_1200 : i32 to vector<16xi32>
          %add3A_1202 = arith.addi %select_n3A_161, %add3A_1201 : vector<16xi32>
          tpu.vector_store_idx %arg7[%add3A_1202, %add3A_1160], %get3A_1196 : memref<128x128xf32, #tpu.memory_space<vmem>>[vector<16xi32>, vector<16xi32>], vector<16xf32>,
          %add3A_1203 = arith.constant 64 : i32
          %add3A_1204 = arith.addi %mul3A_234, %add3A_1203 : i32
          %add3A_1205 = arith.constant 48 : i32
          %add3A_1206 = arith.addi %add3A_1204, %add3A_1205 : i32
          %get3A_1207 = arith.constant 8 : i32
          %get3A_1208 = arith.index_cast %get3A_1207 : i32 to index
          %get3A_1209 = arith.index_cast %add3A_1206 : i32 to index
          %get3A_1210 = tpu.vector_load %arg5[%get3A_1208, %get3A_1209] {strides = array<i32>} : memref<16x1025xf32, #tpu.memory_space<vmem>>, vector<16xf32>,
          %add3A_1211 = arith.constant 8 : i32
          %add3A_1212 = arith.addi %mul3A_236, %add3A_1211 : i32
          %add3A_1213 = arith.constant 6 : i32
          %add3A_1214 = arith.addi %add3A_1212, %add3A_1213 : i32
          %add3A_1215 = vector.broadcast %add3A_1214 : i32 to vector<16xi32>
          %add3A_1216 = arith.addi %select_n3A_161, %add3A_1215 : vector<16xi32>
          tpu.vector_store_idx %arg7[%add3A_1216, %add3A_1160], %get3A_1210 : memref<128x128xf32, #tpu.memory_space<vmem>>[vector<16xi32>, vector<16xi32>], vector<16xf32>,
          %add3A_1217 = arith.constant 9 : i32
          %add3A_1218 = vector.broadcast %add3A_1217 : i32 to vector<16xi32>
          %add3A_1219 = arith.addi %mul3A_130, %add3A_1218 : vector<16xi32>
          %add3A_1220 = arith.constant 64 : i32
          %add3A_1221 = arith.addi %mul3A_234, %add3A_1220 : i32
          %add3A_1222 = arith.constant 0 : i32
          %add3A_1223 = arith.addi %add3A_1221, %add3A_1222 : i32
          %get3A_1224 = arith.constant 9 : i32
          %get3A_1225 = arith.index_cast %get3A_1224 : i32 to index
          %get3A_1226 = arith.index_cast %add3A_1223 : i32 to index
          %get3A_1227 = tpu.vector_load %arg5[%get3A_1225, %get3A_1226] {strides = array<i32>} : memref<16x1025xf32, #tpu.memory_space<vmem>>, vector<16xf32>,
          %add3A_1228 = arith.constant 8 : i32
          %add3A_1229 = arith.addi %mul3A_236, %add3A_1228 : i32
          %add3A_1230 = arith.constant 0 : i32
          %add3A_1231 = arith.addi %add3A_1229, %add3A_1230 : i32
          %add3A_1232 = vector.broadcast %add3A_1231 : i32 to vector<16xi32>
          %add3A_1233 = arith.addi %select_n3A_161, %add3A_1232 : vector<16xi32>
          tpu.vector_store_idx %arg7[%add3A_1233, %add3A_1219], %get3A_1227 : memref<128x128xf32, #tpu.memory_space<vmem>>[vector<16xi32>, vector<16xi32>], vector<16xf32>,
          %add3A_1234 = arith.constant 64 : i32
          %add3A_1235 = arith.addi %mul3A_234, %add3A_1234 : i32
          %add3A_1236 = arith.constant 16 : i32
          %add3A_1237 = arith.addi %add3A_1235, %add3A_1236 : i32
          %get3A_1238 = arith.constant 9 : i32
          %get3A_1239 = arith.index_cast %get3A_1238 : i32 to index
          %get3A_1240 = arith.index_cast %add3A_1237 : i32 to index
          %get3A_1241 = tpu.vector_load %arg5[%get3A_1239, %get3A_1240] {strides = array<i32>} : memref<16x1025xf32, #tpu.memory_space<vmem>>, vector<16xf32>,
          %add3A_1242 = arith.constant 8 : i32
          %add3A_1243 = arith.addi %mul3A_236, %add3A_1242 : i32
          %add3A_1244 = arith.constant 2 : i32
          %add3A_1245 = arith.addi %add3A_1243, %add3A_1244 : i32
          %add3A_1246 = vector.broadcast %add3A_1245 : i32 to vector<16xi32>
          %add3A_1247 = arith.addi %select_n3A_161, %add3A_1246 : vector<16xi32>
          tpu.vector_store_idx %arg7[%add3A_1247, %add3A_1219], %get3A_1241 : memref<128x128xf32, #tpu.memory_space<vmem>>[vector<16xi32>, vector<16xi32>], vector<16xf32>,
          %add3A_1248 = arith.constant 64 : i32
          %add3A_1249 = arith.addi %mul3A_234, %add3A_1248 : i32
          %add3A_1250 = arith.constant 32 : i32
          %add3A_1251 = arith.addi %add3A_1249, %add3A_1250 : i32
          %get3A_1252 = arith.constant 9 : i32
          %get3A_1253 = arith.index_cast %get3A_1252 : i32 to index
          %get3A_1254 = arith.index_cast %add3A_1251 : i32 to index
          %get3A_1255 = tpu.vector_load %arg5[%get3A_1253, %get3A_1254] {strides = array<i32>} : memref<16x1025xf32, #tpu.memory_space<vmem>>, vector<16xf32>,
          %add3A_1256 = arith.constant 8 : i32
          %add3A_1257 = arith.addi %mul3A_236, %add3A_1256 : i32
          %add3A_1258 = arith.constant 4 : i32
          %add3A_1259 = arith.addi %add3A_1257, %add3A_1258 : i32
          %add3A_1260 = vector.broadcast %add3A_1259 : i32 to vector<16xi32>
          %add3A_1261 = arith.addi %select_n3A_161, %add3A_1260 : vector<16xi32>
          tpu.vector_store_idx %arg7[%add3A_1261, %add3A_1219], %get3A_1255 : memref<128x128xf32, #tpu.memory_space<vmem>>[vector<16xi32>, vector<16xi32>], vector<16xf32>,
          %add3A_1262 = arith.constant 64 : i32
          %add3A_1263 = arith.addi %mul3A_234, %add3A_1262 : i32
          %add3A_1264 = arith.constant 48 : i32
          %add3A_1265 = arith.addi %add3A_1263, %add3A_1264 : i32
          %get3A_1266 = arith.constant 9 : i32
          %get3A_1267 = arith.index_cast %get3A_1266 : i32 to index
          %get3A_1268 = arith.index_cast %add3A_1265 : i32 to index
          %get3A_1269 = tpu.vector_load %arg5[%get3A_1267, %get3A_1268] {strides = array<i32>} : memref<16x1025xf32, #tpu.memory_space<vmem>>, vector<16xf32>,
          %add3A_1270 = arith.constant 8 : i32
          %add3A_1271 = arith.addi %mul3A_236, %add3A_1270 : i32
          %add3A_1272 = arith.constant 6 : i32
          %add3A_1273 = arith.addi %add3A_1271, %add3A_1272 : i32
          %add3A_1274 = vector.broadcast %add3A_1273 : i32 to vector<16xi32>
          %add3A_1275 = arith.addi %select_n3A_161, %add3A_1274 : vector<16xi32>
          tpu.vector_store_idx %arg7[%add3A_1275, %add3A_1219], %get3A_1269 : memref<128x128xf32, #tpu.memory_space<vmem>>[vector<16xi32>, vector<16xi32>], vector<16xf32>,
          %add3A_1276 = arith.constant 10 : i32
          %add3A_1277 = vector.broadcast %add3A_1276 : i32 to vector<16xi32>
          %add3A_1278 = arith.addi %mul3A_130, %add3A_1277 : vector<16xi32>
          %add3A_1279 = arith.constant 64 : i32
          %add3A_1280 = arith.addi %mul3A_234, %add3A_1279 : i32
          %add3A_1281 = arith.constant 0 : i32
          %add3A_1282 = arith.addi %add3A_1280, %add3A_1281 : i32
          %get3A_1283 = arith.constant 10 : i32
          %get3A_1284 = arith.index_cast %get3A_1283 : i32 to index
          %get3A_1285 = arith.index_cast %add3A_1282 : i32 to index
          %get3A_1286 = tpu.vector_load %arg5[%get3A_1284, %get3A_1285] {strides = array<i32>} : memref<16x1025xf32, #tpu.memory_space<vmem>>, vector<16xf32>,
          %add3A_1287 = arith.constant 8 : i32
          %add3A_1288 = arith.addi %mul3A_236, %add3A_1287 : i32
          %add3A_1289 = arith.constant 0 : i32
          %add3A_1290 = arith.addi %add3A_1288, %add3A_1289 : i32
          %add3A_1291 = vector.broadcast %add3A_1290 : i32 to vector<16xi32>
          %add3A_1292 = arith.addi %select_n3A_161, %add3A_1291 : vector<16xi32>
          tpu.vector_store_idx %arg7[%add3A_1292, %add3A_1278], %get3A_1286 : memref<128x128xf32, #tpu.memory_space<vmem>>[vector<16xi32>, vector<16xi32>], vector<16xf32>,
          %add3A_1293 = arith.constant 64 : i32
          %add3A_1294 = arith.addi %mul3A_234, %add3A_1293 : i32
          %add3A_1295 = arith.constant 16 : i32
          %add3A_1296 = arith.addi %add3A_1294, %add3A_1295 : i32
          %get3A_1297 = arith.constant 10 : i32
          %get3A_1298 = arith.index_cast %get3A_1297 : i32 to index
          %get3A_1299 = arith.index_cast %add3A_1296 : i32 to index
          %get3A_1300 = tpu.vector_load %arg5[%get3A_1298, %get3A_1299] {strides = array<i32>} : memref<16x1025xf32, #tpu.memory_space<vmem>>, vector<16xf32>,
          %add3A_1301 = arith.constant 8 : i32
          %add3A_1302 = arith.addi %mul3A_236, %add3A_1301 : i32
          %add3A_1303 = arith.constant 2 : i32
          %add3A_1304 = arith.addi %add3A_1302, %add3A_1303 : i32
          %add3A_1305 = vector.broadcast %add3A_1304 : i32 to vector<16xi32>
          %add3A_1306 = arith.addi %select_n3A_161, %add3A_1305 : vector<16xi32>
          tpu.vector_store_idx %arg7[%add3A_1306, %add3A_1278], %get3A_1300 : memref<128x128xf32, #tpu.memory_space<vmem>>[vector<16xi32>, vector<16xi32>], vector<16xf32>,
          %add3A_1307 = arith.constant 64 : i32
          %add3A_1308 = arith.addi %mul3A_234, %add3A_1307 : i32
          %add3A_1309 = arith.constant 32 : i32
          %add3A_1310 = arith.addi %add3A_1308, %add3A_1309 : i32
          %get3A_1311 = arith.constant 10 : i32
          %get3A_1312 = arith.index_cast %get3A_1311 : i32 to index
          %get3A_1313 = arith.index_cast %add3A_1310 : i32 to index
          %get3A_1314 = tpu.vector_load %arg5[%get3A_1312, %get3A_1313] {strides = array<i32>} : memref<16x1025xf32, #tpu.memory_space<vmem>>, vector<16xf32>,
          %add3A_1315 = arith.constant 8 : i32
          %add3A_1316 = arith.addi %mul3A_236, %add3A_1315 : i32
          %add3A_1317 = arith.constant 4 : i32
          %add3A_1318 = arith.addi %add3A_1316, %add3A_1317 : i32
          %add3A_1319 = vector.broadcast %add3A_1318 : i32 to vector<16xi32>
          %add3A_1320 = arith.addi %select_n3A_161, %add3A_1319 : vector<16xi32>
          tpu.vector_store_idx %arg7[%add3A_1320, %add3A_1278], %get3A_1314 : memref<128x128xf32, #tpu.memory_space<vmem>>[vector<16xi32>, vector<16xi32>], vector<16xf32>,
          %add3A_1321 = arith.constant 64 : i32
          %add3A_1322 = arith.addi %mul3A_234, %add3A_1321 : i32
          %add3A_1323 = arith.constant 48 : i32
          %add3A_1324 = arith.addi %add3A_1322, %add3A_1323 : i32
          %get3A_1325 = arith.constant 10 : i32
          %get3A_1326 = arith.index_cast %get3A_1325 : i32 to index
          %get3A_1327 = arith.index_cast %add3A_1324 : i32 to index
          %get3A_1328 = tpu.vector_load %arg5[%get3A_1326, %get3A_1327] {strides = array<i32>} : memref<16x1025xf32, #tpu.memory_space<vmem>>, vector<16xf32>,
          %add3A_1329 = arith.constant 8 : i32
          %add3A_1330 = arith.addi %mul3A_236, %add3A_1329 : i32
          %add3A_1331 = arith.constant 6 : i32
          %add3A_1332 = arith.addi %add3A_1330, %add3A_1331 : i32
          %add3A_1333 = vector.broadcast %add3A_1332 : i32 to vector<16xi32>
          %add3A_1334 = arith.addi %select_n3A_161, %add3A_1333 : vector<16xi32>
          tpu.vector_store_idx %arg7[%add3A_1334, %add3A_1278], %get3A_1328 : memref<128x128xf32, #tpu.memory_space<vmem>>[vector<16xi32>, vector<16xi32>], vector<16xf32>,
          %add3A_1335 = arith.constant 11 : i32
          %add3A_1336 = vector.broadcast %add3A_1335 : i32 to vector<16xi32>
          %add3A_1337 = arith.addi %mul3A_130, %add3A_1336 : vector<16xi32>
          %add3A_1338 = arith.constant 64 : i32
          %add3A_1339 = arith.addi %mul3A_234, %add3A_1338 : i32
          %add3A_1340 = arith.constant 0 : i32
          %add3A_1341 = arith.addi %add3A_1339, %add3A_1340 : i32
          %get3A_1342 = arith.constant 11 : i32
          %get3A_1343 = arith.index_cast %get3A_1342 : i32 to index
          %get3A_1344 = arith.index_cast %add3A_1341 : i32 to index
          %get3A_1345 = tpu.vector_load %arg5[%get3A_1343, %get3A_1344] {strides = array<i32>} : memref<16x1025xf32, #tpu.memory_space<vmem>>, vector<16xf32>,
          %add3A_1346 = arith.constant 8 : i32
          %add3A_1347 = arith.addi %mul3A_236, %add3A_1346 : i32
          %add3A_1348 = arith.constant 0 : i32
          %add3A_1349 = arith.addi %add3A_1347, %add3A_1348 : i32
          %add3A_1350 = vector.broadcast %add3A_1349 : i32 to vector<16xi32>
          %add3A_1351 = arith.addi %select_n3A_161, %add3A_1350 : vector<16xi32>
          tpu.vector_store_idx %arg7[%add3A_1351, %add3A_1337], %get3A_1345 : memref<128x128xf32, #tpu.memory_space<vmem>>[vector<16xi32>, vector<16xi32>], vector<16xf32>,
          %add3A_1352 = arith.constant 64 : i32
          %add3A_1353 = arith.addi %mul3A_234, %add3A_1352 : i32
          %add3A_1354 = arith.constant 16 : i32
          %add3A_1355 = arith.addi %add3A_1353, %add3A_1354 : i32
          %get3A_1356 = arith.constant 11 : i32
          %get3A_1357 = arith.index_cast %get3A_1356 : i32 to index
          %get3A_1358 = arith.index_cast %add3A_1355 : i32 to index
          %get3A_1359 = tpu.vector_load %arg5[%get3A_1357, %get3A_1358] {strides = array<i32>} : memref<16x1025xf32, #tpu.memory_space<vmem>>, vector<16xf32>,
          %add3A_1360 = arith.constant 8 : i32
          %add3A_1361 = arith.addi %mul3A_236, %add3A_1360 : i32
          %add3A_1362 = arith.constant 2 : i32
          %add3A_1363 = arith.addi %add3A_1361, %add3A_1362 : i32
          %add3A_1364 = vector.broadcast %add3A_1363 : i32 to vector<16xi32>
          %add3A_1365 = arith.addi %select_n3A_161, %add3A_1364 : vector<16xi32>
          tpu.vector_store_idx %arg7[%add3A_1365, %add3A_1337], %get3A_1359 : memref<128x128xf32, #tpu.memory_space<vmem>>[vector<16xi32>, vector<16xi32>], vector<16xf32>,
          %add3A_1366 = arith.constant 64 : i32
          %add3A_1367 = arith.addi %mul3A_234, %add3A_1366 : i32
          %add3A_1368 = arith.constant 32 : i32
          %add3A_1369 = arith.addi %add3A_1367, %add3A_1368 : i32
          %get3A_1370 = arith.constant 11 : i32
          %get3A_1371 = arith.index_cast %get3A_1370 : i32 to index
          %get3A_1372 = arith.index_cast %add3A_1369 : i32 to index
          %get3A_1373 = tpu.vector_load %arg5[%get3A_1371, %get3A_1372] {strides = array<i32>} : memref<16x1025xf32, #tpu.memory_space<vmem>>, vector<16xf32>,
          %add3A_1374 = arith.constant 8 : i32
          %add3A_1375 = arith.addi %mul3A_236, %add3A_1374 : i32
          %add3A_1376 = arith.constant 4 : i32
          %add3A_1377 = arith.addi %add3A_1375, %add3A_1376 : i32
          %add3A_1378 = vector.broadcast %add3A_1377 : i32 to vector<16xi32>
          %add3A_1379 = arith.addi %select_n3A_161, %add3A_1378 : vector<16xi32>
          tpu.vector_store_idx %arg7[%add3A_1379, %add3A_1337], %get3A_1373 : memref<128x128xf32, #tpu.memory_space<vmem>>[vector<16xi32>, vector<16xi32>], vector<16xf32>,
          %add3A_1380 = arith.constant 64 : i32
          %add3A_1381 = arith.addi %mul3A_234, %add3A_1380 : i32
          %add3A_1382 = arith.constant 48 : i32
          %add3A_1383 = arith.addi %add3A_1381, %add3A_1382 : i32
          %get3A_1384 = arith.constant 11 : i32
          %get3A_1385 = arith.index_cast %get3A_1384 : i32 to index
          %get3A_1386 = arith.index_cast %add3A_1383 : i32 to index
          %get3A_1387 = tpu.vector_load %arg5[%get3A_1385, %get3A_1386] {strides = array<i32>} : memref<16x1025xf32, #tpu.memory_space<vmem>>, vector<16xf32>,
          %add3A_1388 = arith.constant 8 : i32
          %add3A_1389 = arith.addi %mul3A_236, %add3A_1388 : i32
          %add3A_1390 = arith.constant 6 : i32
          %add3A_1391 = arith.addi %add3A_1389, %add3A_1390 : i32
          %add3A_1392 = vector.broadcast %add3A_1391 : i32 to vector<16xi32>
          %add3A_1393 = arith.addi %select_n3A_161, %add3A_1392 : vector<16xi32>
          tpu.vector_store_idx %arg7[%add3A_1393, %add3A_1337], %get3A_1387 : memref<128x128xf32, #tpu.memory_space<vmem>>[vector<16xi32>, vector<16xi32>], vector<16xf32>,
          %add3A_1394 = arith.constant 4 : i32
          %add3A_1395 = arith.addi %mul3A_236, %add3A_1394 : i32
          %add3A_1396 = arith.constant 0 : i32
          %add3A_1397 = arith.addi %add3A_1395, %add3A_1396 : i32
          %swap3A_1398 = arith.index_cast %add3A_1397 : i32 to index
          %swap3A_1399 = arith.constant 0 : index
          %swap3A_1400 = tpu.vector_load %arg7[%swap3A_1398, %swap3A_1399] {strides = array<i32>} : memref<128x128xf32, #tpu.memory_space<vmem>>, vector<16xf32>,
          tpu.vector_store %arg7[%swap3A_1398, %swap3A_1399], %gather3A_1067 {strides = array<i32>} : memref<128x128xf32, #tpu.memory_space<vmem>>, vector<16xf32>,
          %add3A_1401 = arith.constant 0 : i32
          %add3A_1402 = arith.addi %add3A_1395, %add3A_1401 : i32
          %swap3A_1403 = arith.index_cast %add3A_1402 : i32 to index
          %swap3A_1404 = arith.constant 16 : index
          %swap3A_1405 = tpu.vector_load %arg7[%swap3A_1403, %swap3A_1404] {strides = array<i32>} : memref<128x128xf32, #tpu.memory_space<vmem>>, vector<16xf32>,
          tpu.vector_store %arg7[%swap3A_1403, %swap3A_1404], %gather3A_1073 {strides = array<i32>} : memref<128x128xf32, #tpu.memory_space<vmem>>, vector<16xf32>,
          %add3A_1406 = arith.constant 0 : i32
          %add3A_1407 = arith.addi %add3A_1395, %add3A_1406 : i32
          %swap3A_1408 = arith.index_cast %add3A_1407 : i32 to index
          %swap3A_1409 = arith.constant 32 : index
          %swap3A_1410 = tpu.vector_load %arg7[%swap3A_1408, %swap3A_1409] {strides = array<i32>} : memref<128x128xf32, #tpu.memory_space<vmem>>, vector<16xf32>,
          tpu.vector_store %arg7[%swap3A_1408, %swap3A_1409], %gather3A_1079 {strides = array<i32>} : memref<128x128xf32, #tpu.memory_space<vmem>>, vector<16xf32>,
          %add3A_1411 = arith.constant 0 : i32
          %add3A_1412 = arith.addi %add3A_1395, %add3A_1411 : i32
          %swap3A_1413 = arith.index_cast %add3A_1412 : i32 to index
          %swap3A_1414 = arith.constant 48 : index
          %swap3A_1415 = tpu.vector_load %arg7[%swap3A_1413, %swap3A_1414] {strides = array<i32>} : memref<128x128xf32, #tpu.memory_space<vmem>>, vector<16xf32>,
          tpu.vector_store %arg7[%swap3A_1413, %swap3A_1414], %gather3A_1085 {strides = array<i32>} : memref<128x128xf32, #tpu.memory_space<vmem>>, vector<16xf32>,
          %add3A_1416 = arith.constant 0 : i32
          %add3A_1417 = arith.addi %add3A_1395, %add3A_1416 : i32
          %swap3A_1418 = arith.index_cast %add3A_1417 : i32 to index
          %swap3A_1419 = arith.constant 64 : index
          %swap3A_1420 = tpu.vector_load %arg7[%swap3A_1418, %swap3A_1419] {strides = array<i32>} : memref<128x128xf32, #tpu.memory_space<vmem>>, vector<16xf32>,
          tpu.vector_store %arg7[%swap3A_1418, %swap3A_1419], %gather3A_1091 {strides = array<i32>} : memref<128x128xf32, #tpu.memory_space<vmem>>, vector<16xf32>,
          %add3A_1421 = arith.constant 0 : i32
          %add3A_1422 = arith.addi %add3A_1395, %add3A_1421 : i32
          %swap3A_1423 = arith.index_cast %add3A_1422 : i32 to index
          %swap3A_1424 = arith.constant 80 : index
          %swap3A_1425 = tpu.vector_load %arg7[%swap3A_1423, %swap3A_1424] {strides = array<i32>} : memref<128x128xf32, #tpu.memory_space<vmem>>, vector<16xf32>,
          tpu.vector_store %arg7[%swap3A_1423, %swap3A_1424], %gather3A_1097 {strides = array<i32>} : memref<128x128xf32, #tpu.memory_space<vmem>>, vector<16xf32>,
          %add3A_1426 = arith.constant 0 : i32
          %add3A_1427 = arith.addi %add3A_1395, %add3A_1426 : i32
          %swap3A_1428 = arith.index_cast %add3A_1427 : i32 to index
          %swap3A_1429 = arith.constant 96 : index
          %swap3A_1430 = tpu.vector_load %arg7[%swap3A_1428, %swap3A_1429] {strides = array<i32>} : memref<128x128xf32, #tpu.memory_space<vmem>>, vector<16xf32>,
          tpu.vector_store %arg7[%swap3A_1428, %swap3A_1429], %gather3A_1103 {strides = array<i32>} : memref<128x128xf32, #tpu.memory_space<vmem>>, vector<16xf32>,
          %add3A_1431 = arith.constant 0 : i32
          %add3A_1432 = arith.addi %add3A_1395, %add3A_1431 : i32
          %swap3A_1433 = arith.index_cast %add3A_1432 : i32 to index
          %swap3A_1434 = arith.constant 112 : index
          %swap3A_1435 = tpu.vector_load %arg7[%swap3A_1433, %swap3A_1434] {strides = array<i32>} : memref<128x128xf32, #tpu.memory_space<vmem>>, vector<16xf32>,
          tpu.vector_store %arg7[%swap3A_1433, %swap3A_1434], %gather3A_1109 {strides = array<i32>} : memref<128x128xf32, #tpu.memory_space<vmem>>, vector<16xf32>,
          %add3A_1436 = arith.constant 1 : i32
          %add3A_1437 = arith.addi %add3A_1395, %add3A_1436 : i32
          %swap3A_1438 = arith.index_cast %add3A_1437 : i32 to index
          %swap3A_1439 = arith.constant 0 : index
          %swap3A_1440 = tpu.vector_load %arg7[%swap3A_1438, %swap3A_1439] {strides = array<i32>} : memref<128x128xf32, #tpu.memory_space<vmem>>, vector<16xf32>,
          tpu.vector_store %arg7[%swap3A_1438, %swap3A_1439], %gather3A_1115 {strides = array<i32>} : memref<128x128xf32, #tpu.memory_space<vmem>>, vector<16xf32>,
          %add3A_1441 = arith.constant 1 : i32
          %add3A_1442 = arith.addi %add3A_1395, %add3A_1441 : i32
          %swap3A_1443 = arith.index_cast %add3A_1442 : i32 to index
          %swap3A_1444 = arith.constant 16 : index
          %swap3A_1445 = tpu.vector_load %arg7[%swap3A_1443, %swap3A_1444] {strides = array<i32>} : memref<128x128xf32, #tpu.memory_space<vmem>>, vector<16xf32>,
          tpu.vector_store %arg7[%swap3A_1443, %swap3A_1444], %gather3A_1121 {strides = array<i32>} : memref<128x128xf32, #tpu.memory_space<vmem>>, vector<16xf32>,
          %add3A_1446 = arith.constant 1 : i32
          %add3A_1447 = arith.addi %add3A_1395, %add3A_1446 : i32
          %swap3A_1448 = arith.index_cast %add3A_1447 : i32 to index
          %swap3A_1449 = arith.constant 32 : index
          %swap3A_1450 = tpu.vector_load %arg7[%swap3A_1448, %swap3A_1449] {strides = array<i32>} : memref<128x128xf32, #tpu.memory_space<vmem>>, vector<16xf32>,
          tpu.vector_store %arg7[%swap3A_1448, %swap3A_1449], %gather3A_1127 {strides = array<i32>} : memref<128x128xf32, #tpu.memory_space<vmem>>, vector<16xf32>,
          %add3A_1451 = arith.constant 1 : i32
          %add3A_1452 = arith.addi %add3A_1395, %add3A_1451 : i32
          %swap3A_1453 = arith.index_cast %add3A_1452 : i32 to index
          %swap3A_1454 = arith.constant 48 : index
          %swap3A_1455 = tpu.vector_load %arg7[%swap3A_1453, %swap3A_1454] {strides = array<i32>} : memref<128x128xf32, #tpu.memory_space<vmem>>, vector<16xf32>,
          tpu.vector_store %arg7[%swap3A_1453, %swap3A_1454], %gather3A_1133 {strides = array<i32>} : memref<128x128xf32, #tpu.memory_space<vmem>>, vector<16xf32>,
          %add3A_1456 = arith.constant 1 : i32
          %add3A_1457 = arith.addi %add3A_1395, %add3A_1456 : i32
          %swap3A_1458 = arith.index_cast %add3A_1457 : i32 to index
          %swap3A_1459 = arith.constant 64 : index
          %swap3A_1460 = tpu.vector_load %arg7[%swap3A_1458, %swap3A_1459] {strides = array<i32>} : memref<128x128xf32, #tpu.memory_space<vmem>>, vector<16xf32>,
          tpu.vector_store %arg7[%swap3A_1458, %swap3A_1459], %gather3A_1139 {strides = array<i32>} : memref<128x128xf32, #tpu.memory_space<vmem>>, vector<16xf32>,
          %add3A_1461 = arith.constant 1 : i32
          %add3A_1462 = arith.addi %add3A_1395, %add3A_1461 : i32
          %swap3A_1463 = arith.index_cast %add3A_1462 : i32 to index
          %swap3A_1464 = arith.constant 80 : index
          %swap3A_1465 = tpu.vector_load %arg7[%swap3A_1463, %swap3A_1464] {strides = array<i32>} : memref<128x128xf32, #tpu.memory_space<vmem>>, vector<16xf32>,
          tpu.vector_store %arg7[%swap3A_1463, %swap3A_1464], %gather3A_1145 {strides = array<i32>} : memref<128x128xf32, #tpu.memory_space<vmem>>, vector<16xf32>,
          %add3A_1466 = arith.constant 1 : i32
          %add3A_1467 = arith.addi %add3A_1395, %add3A_1466 : i32
          %swap3A_1468 = arith.index_cast %add3A_1467 : i32 to index
          %swap3A_1469 = arith.constant 96 : index
          %swap3A_1470 = tpu.vector_load %arg7[%swap3A_1468, %swap3A_1469] {strides = array<i32>} : memref<128x128xf32, #tpu.memory_space<vmem>>, vector<16xf32>,
          tpu.vector_store %arg7[%swap3A_1468, %swap3A_1469], %gather3A_1151 {strides = array<i32>} : memref<128x128xf32, #tpu.memory_space<vmem>>, vector<16xf32>,
          %add3A_1471 = arith.constant 1 : i32
          %add3A_1472 = arith.addi %add3A_1395, %add3A_1471 : i32
          %swap3A_1473 = arith.index_cast %add3A_1472 : i32 to index
          %swap3A_1474 = arith.constant 112 : index
          %swap3A_1475 = tpu.vector_load %arg7[%swap3A_1473, %swap3A_1474] {strides = array<i32>} : memref<128x128xf32, #tpu.memory_space<vmem>>, vector<16xf32>,
          tpu.vector_store %arg7[%swap3A_1473, %swap3A_1474], %gather3A_1157 {strides = array<i32>} : memref<128x128xf32, #tpu.memory_space<vmem>>, vector<16xf32>,
          %add3A_1476 = arith.constant 48 : i32
          %add3A_1477 = arith.addi %mul3A_234, %add3A_1476 : i32
          %add3A_1478 = arith.constant 0 : i32
          %add3A_1479 = arith.addi %add3A_1477, %add3A_1478 : i32
          %broadcast_in_dim3A_1480 = vector.broadcast %add3A_1479 : i32 to vector<16xi32>
          %gather3A_1481 = tpu.vector_load_idx %arg5[%iota3A, %broadcast_in_dim3A_1480] : memref<16x1025xf32, #tpu.memory_space<vmem>>[vector<16xi32>, vector<16xi32>], vector<16xf32>,
          %add3A_1482 = arith.constant 48 : i32
          %add3A_1483 = arith.addi %mul3A_234, %add3A_1482 : i32
          %add3A_1484 = arith.constant 1 : i32
          %add3A_1485 = arith.addi %add3A_1483, %add3A_1484 : i32
          %broadcast_in_dim3A_1486 = vector.broadcast %add3A_1485 : i32 to vector<16xi32>
          %gather3A_1487 = tpu.vector_load_idx %arg5[%iota3A, %broadcast_in_dim3A_1486] : memref<16x1025xf32, #tpu.memory_space<vmem>>[vector<16xi32>, vector<16xi32>], vector<16xf32>,
          %add3A_1488 = arith.constant 48 : i32
          %add3A_1489 = arith.addi %mul3A_234, %add3A_1488 : i32
          %add3A_1490 = arith.constant 2 : i32
          %add3A_1491 = arith.addi %add3A_1489, %add3A_1490 : i32
          %broadcast_in_dim3A_1492 = vector.broadcast %add3A_1491 : i32 to vector<16xi32>
          %gather3A_1493 = tpu.vector_load_idx %arg5[%iota3A, %broadcast_in_dim3A_1492] : memref<16x1025xf32, #tpu.memory_space<vmem>>[vector<16xi32>, vector<16xi32>], vector<16xf32>,
          %add3A_1494 = arith.constant 48 : i32
          %add3A_1495 = arith.addi %mul3A_234, %add3A_1494 : i32
          %add3A_1496 = arith.constant 3 : i32
          %add3A_1497 = arith.addi %add3A_1495, %add3A_1496 : i32
          %broadcast_in_dim3A_1498 = vector.broadcast %add3A_1497 : i32 to vector<16xi32>
          %gather3A_1499 = tpu.vector_load_idx %arg5[%iota3A, %broadcast_in_dim3A_1498] : memref<16x1025xf32, #tpu.memory_space<vmem>>[vector<16xi32>, vector<16xi32>], vector<16xf32>,
          %add3A_1500 = arith.constant 48 : i32
          %add3A_1501 = arith.addi %mul3A_234, %add3A_1500 : i32
          %add3A_1502 = arith.constant 4 : i32
          %add3A_1503 = arith.addi %add3A_1501, %add3A_1502 : i32
          %broadcast_in_dim3A_1504 = vector.broadcast %add3A_1503 : i32 to vector<16xi32>
          %gather3A_1505 = tpu.vector_load_idx %arg5[%iota3A, %broadcast_in_dim3A_1504] : memref<16x1025xf32, #tpu.memory_space<vmem>>[vector<16xi32>, vector<16xi32>], vector<16xf32>,
          %add3A_1506 = arith.constant 48 : i32
          %add3A_1507 = arith.addi %mul3A_234, %add3A_1506 : i32
          %add3A_1508 = arith.constant 5 : i32
          %add3A_1509 = arith.addi %add3A_1507, %add3A_1508 : i32
          %broadcast_in_dim3A_1510 = vector.broadcast %add3A_1509 : i32 to vector<16xi32>
          %gather3A_1511 = tpu.vector_load_idx %arg5[%iota3A, %broadcast_in_dim3A_1510] : memref<16x1025xf32, #tpu.memory_space<vmem>>[vector<16xi32>, vector<16xi32>], vector<16xf32>,
          %add3A_1512 = arith.constant 48 : i32
          %add3A_1513 = arith.addi %mul3A_234, %add3A_1512 : i32
          %add3A_1514 = arith.constant 6 : i32
          %add3A_1515 = arith.addi %add3A_1513, %add3A_1514 : i32
          %broadcast_in_dim3A_1516 = vector.broadcast %add3A_1515 : i32 to vector<16xi32>
          %gather3A_1517 = tpu.vector_load_idx %arg5[%iota3A, %broadcast_in_dim3A_1516] : memref<16x1025xf32, #tpu.memory_space<vmem>>[vector<16xi32>, vector<16xi32>], vector<16xf32>,
          %add3A_1518 = arith.constant 48 : i32
          %add3A_1519 = arith.addi %mul3A_234, %add3A_1518 : i32
          %add3A_1520 = arith.constant 7 : i32
          %add3A_1521 = arith.addi %add3A_1519, %add3A_1520 : i32
          %broadcast_in_dim3A_1522 = vector.broadcast %add3A_1521 : i32 to vector<16xi32>
          %gather3A_1523 = tpu.vector_load_idx %arg5[%iota3A, %broadcast_in_dim3A_1522] : memref<16x1025xf32, #tpu.memory_space<vmem>>[vector<16xi32>, vector<16xi32>], vector<16xf32>,
          %add3A_1524 = arith.constant 48 : i32
          %add3A_1525 = arith.addi %mul3A_234, %add3A_1524 : i32
          %add3A_1526 = arith.constant 8 : i32
          %add3A_1527 = arith.addi %add3A_1525, %add3A_1526 : i32
          %broadcast_in_dim3A_1528 = vector.broadcast %add3A_1527 : i32 to vector<16xi32>
          %gather3A_1529 = tpu.vector_load_idx %arg5[%iota3A, %broadcast_in_dim3A_1528] : memref<16x1025xf32, #tpu.memory_space<vmem>>[vector<16xi32>, vector<16xi32>], vector<16xf32>,
          %add3A_1530 = arith.constant 48 : i32
          %add3A_1531 = arith.addi %mul3A_234, %add3A_1530 : i32
          %add3A_1532 = arith.constant 9 : i32
          %add3A_1533 = arith.addi %add3A_1531, %add3A_1532 : i32
          %broadcast_in_dim3A_1534 = vector.broadcast %add3A_1533 : i32 to vector<16xi32>
          %gather3A_1535 = tpu.vector_load_idx %arg5[%iota3A, %broadcast_in_dim3A_1534] : memref<16x1025xf32, #tpu.memory_space<vmem>>[vector<16xi32>, vector<16xi32>], vector<16xf32>,
          %add3A_1536 = arith.constant 48 : i32
          %add3A_1537 = arith.addi %mul3A_234, %add3A_1536 : i32
          %add3A_1538 = arith.constant 10 : i32
          %add3A_1539 = arith.addi %add3A_1537, %add3A_1538 : i32
          %broadcast_in_dim3A_1540 = vector.broadcast %add3A_1539 : i32 to vector<16xi32>
          %gather3A_1541 = tpu.vector_load_idx %arg5[%iota3A, %broadcast_in_dim3A_1540] : memref<16x1025xf32, #tpu.memory_space<vmem>>[vector<16xi32>, vector<16xi32>], vector<16xf32>,
          %add3A_1542 = arith.constant 48 : i32
          %add3A_1543 = arith.addi %mul3A_234, %add3A_1542 : i32
          %add3A_1544 = arith.constant 11 : i32
          %add3A_1545 = arith.addi %add3A_1543, %add3A_1544 : i32
          %broadcast_in_dim3A_1546 = vector.broadcast %add3A_1545 : i32 to vector<16xi32>
          %gather3A_1547 = tpu.vector_load_idx %arg5[%iota3A, %broadcast_in_dim3A_1546] : memref<16x1025xf32, #tpu.memory_space<vmem>>[vector<16xi32>, vector<16xi32>], vector<16xf32>,
          %add3A_1548 = arith.constant 48 : i32
          %add3A_1549 = arith.addi %mul3A_234, %add3A_1548 : i32
          %add3A_1550 = arith.constant 12 : i32
          %add3A_1551 = arith.addi %add3A_1549, %add3A_1550 : i32
          %broadcast_in_dim3A_1552 = vector.broadcast %add3A_1551 : i32 to vector<16xi32>
          %gather3A_1553 = tpu.vector_load_idx %arg5[%iota3A, %broadcast_in_dim3A_1552] : memref<16x1025xf32, #tpu.memory_space<vmem>>[vector<16xi32>, vector<16xi32>], vector<16xf32>,
          %add3A_1554 = arith.constant 48 : i32
          %add3A_1555 = arith.addi %mul3A_234, %add3A_1554 : i32
          %add3A_1556 = arith.constant 13 : i32
          %add3A_1557 = arith.addi %add3A_1555, %add3A_1556 : i32
          %broadcast_in_dim3A_1558 = vector.broadcast %add3A_1557 : i32 to vector<16xi32>
          %gather3A_1559 = tpu.vector_load_idx %arg5[%iota3A, %broadcast_in_dim3A_1558] : memref<16x1025xf32, #tpu.memory_space<vmem>>[vector<16xi32>, vector<16xi32>], vector<16xf32>,
          %add3A_1560 = arith.constant 48 : i32
          %add3A_1561 = arith.addi %mul3A_234, %add3A_1560 : i32
          %add3A_1562 = arith.constant 14 : i32
          %add3A_1563 = arith.addi %add3A_1561, %add3A_1562 : i32
          %broadcast_in_dim3A_1564 = vector.broadcast %add3A_1563 : i32 to vector<16xi32>
          %gather3A_1565 = tpu.vector_load_idx %arg5[%iota3A, %broadcast_in_dim3A_1564] : memref<16x1025xf32, #tpu.memory_space<vmem>>[vector<16xi32>, vector<16xi32>], vector<16xf32>,
          %add3A_1566 = arith.constant 48 : i32
          %add3A_1567 = arith.addi %mul3A_234, %add3A_1566 : i32
          %add3A_1568 = arith.constant 15 : i32
          %add3A_1569 = arith.addi %add3A_1567, %add3A_1568 : i32
          %broadcast_in_dim3A_1570 = vector.broadcast %add3A_1569 : i32 to vector<16xi32>
          %gather3A_1571 = tpu.vector_load_idx %arg5[%iota3A, %broadcast_in_dim3A_1570] : memref<16x1025xf32, #tpu.memory_space<vmem>>[vector<16xi32>, vector<16xi32>], vector<16xf32>,
          %add3A_1572 = arith.constant 12 : i32
          %add3A_1573 = vector.broadcast %add3A_1572 : i32 to vector<16xi32>
          %add3A_1574 = arith.addi %mul3A_130, %add3A_1573 : vector<16xi32>
          %add3A_1575 = arith.constant 64 : i32
          %add3A_1576 = arith.addi %mul3A_234, %add3A_1575 : i32
          %add3A_1577 = arith.constant 0 : i32
          %add3A_1578 = arith.addi %add3A_1576, %add3A_1577 : i32
          %get3A_1579 = arith.constant 12 : i32
          %get3A_1580 = arith.index_cast %get3A_1579 : i32 to index
          %get3A_1581 = arith.index_cast %add3A_1578 : i32 to index
          %get3A_1582 = tpu.vector_load %arg5[%get3A_1580, %get3A_1581] {strides = array<i32>} : memref<16x1025xf32, #tpu.memory_space<vmem>>, vector<16xf32>,
          %add3A_1583 = arith.constant 8 : i32
          %add3A_1584 = arith.addi %mul3A_236, %add3A_1583 : i32
          %add3A_1585 = arith.constant 0 : i32
          %add3A_1586 = arith.addi %add3A_1584, %add3A_1585 : i32
          %add3A_1587 = vector.broadcast %add3A_1586 : i32 to vector<16xi32>
          %add3A_1588 = arith.addi %select_n3A_161, %add3A_1587 : vector<16xi32>
          tpu.vector_store_idx %arg7[%add3A_1588, %add3A_1574], %get3A_1582 : memref<128x128xf32, #tpu.memory_space<vmem>>[vector<16xi32>, vector<16xi32>], vector<16xf32>,
          %add3A_1589 = arith.constant 64 : i32
          %add3A_1590 = arith.addi %mul3A_234, %add3A_1589 : i32
          %add3A_1591 = arith.constant 16 : i32
          %add3A_1592 = arith.addi %add3A_1590, %add3A_1591 : i32
          %get3A_1593 = arith.constant 12 : i32
          %get3A_1594 = arith.index_cast %get3A_1593 : i32 to index
          %get3A_1595 = arith.index_cast %add3A_1592 : i32 to index
          %get3A_1596 = tpu.vector_load %arg5[%get3A_1594, %get3A_1595] {strides = array<i32>} : memref<16x1025xf32, #tpu.memory_space<vmem>>, vector<16xf32>,
          %add3A_1597 = arith.constant 8 : i32
          %add3A_1598 = arith.addi %mul3A_236, %add3A_1597 : i32
          %add3A_1599 = arith.constant 2 : i32
          %add3A_1600 = arith.addi %add3A_1598, %add3A_1599 : i32
          %add3A_1601 = vector.broadcast %add3A_1600 : i32 to vector<16xi32>
          %add3A_1602 = arith.addi %select_n3A_161, %add3A_1601 : vector<16xi32>
          tpu.vector_store_idx %arg7[%add3A_1602, %add3A_1574], %get3A_1596 : memref<128x128xf32, #tpu.memory_space<vmem>>[vector<16xi32>, vector<16xi32>], vector<16xf32>,
          %add3A_1603 = arith.constant 64 : i32
          %add3A_1604 = arith.addi %mul3A_234, %add3A_1603 : i32
          %add3A_1605 = arith.constant 32 : i32
          %add3A_1606 = arith.addi %add3A_1604, %add3A_1605 : i32
          %get3A_1607 = arith.constant 12 : i32
          %get3A_1608 = arith.index_cast %get3A_1607 : i32 to index
          %get3A_1609 = arith.index_cast %add3A_1606 : i32 to index
          %get3A_1610 = tpu.vector_load %arg5[%get3A_1608, %get3A_1609] {strides = array<i32>} : memref<16x1025xf32, #tpu.memory_space<vmem>>, vector<16xf32>,
          %add3A_1611 = arith.constant 8 : i32
          %add3A_1612 = arith.addi %mul3A_236, %add3A_1611 : i32
          %add3A_1613 = arith.constant 4 : i32
          %add3A_1614 = arith.addi %add3A_1612, %add3A_1613 : i32
          %add3A_1615 = vector.broadcast %add3A_1614 : i32 to vector<16xi32>
          %add3A_1616 = arith.addi %select_n3A_161, %add3A_1615 : vector<16xi32>
          tpu.vector_store_idx %arg7[%add3A_1616, %add3A_1574], %get3A_1610 : memref<128x128xf32, #tpu.memory_space<vmem>>[vector<16xi32>, vector<16xi32>], vector<16xf32>,
          %add3A_1617 = arith.constant 64 : i32
          %add3A_1618 = arith.addi %mul3A_234, %add3A_1617 : i32
          %add3A_1619 = arith.constant 48 : i32
          %add3A_1620 = arith.addi %add3A_1618, %add3A_1619 : i32
          %get3A_1621 = arith.constant 12 : i32
          %get3A_1622 = arith.index_cast %get3A_1621 : i32 to index
          %get3A_1623 = arith.index_cast %add3A_1620 : i32 to index
          %get3A_1624 = tpu.vector_load %arg5[%get3A_1622, %get3A_1623] {strides = array<i32>} : memref<16x1025xf32, #tpu.memory_space<vmem>>, vector<16xf32>,
          %add3A_1625 = arith.constant 8 : i32
          %add3A_1626 = arith.addi %mul3A_236, %add3A_1625 : i32
          %add3A_1627 = arith.constant 6 : i32
          %add3A_1628 = arith.addi %add3A_1626, %add3A_1627 : i32
          %add3A_1629 = vector.broadcast %add3A_1628 : i32 to vector<16xi32>
          %add3A_1630 = arith.addi %select_n3A_161, %add3A_1629 : vector<16xi32>
          tpu.vector_store_idx %arg7[%add3A_1630, %add3A_1574], %get3A_1624 : memref<128x128xf32, #tpu.memory_space<vmem>>[vector<16xi32>, vector<16xi32>], vector<16xf32>,
          %add3A_1631 = arith.constant 13 : i32
          %add3A_1632 = vector.broadcast %add3A_1631 : i32 to vector<16xi32>
          %add3A_1633 = arith.addi %mul3A_130, %add3A_1632 : vector<16xi32>
          %add3A_1634 = arith.constant 64 : i32
          %add3A_1635 = arith.addi %mul3A_234, %add3A_1634 : i32
          %add3A_1636 = arith.constant 0 : i32
          %add3A_1637 = arith.addi %add3A_1635, %add3A_1636 : i32
          %get3A_1638 = arith.constant 13 : i32
          %get3A_1639 = arith.index_cast %get3A_1638 : i32 to index
          %get3A_1640 = arith.index_cast %add3A_1637 : i32 to index
          %get3A_1641 = tpu.vector_load %arg5[%get3A_1639, %get3A_1640] {strides = array<i32>} : memref<16x1025xf32, #tpu.memory_space<vmem>>, vector<16xf32>,
          %add3A_1642 = arith.constant 8 : i32
          %add3A_1643 = arith.addi %mul3A_236, %add3A_1642 : i32
          %add3A_1644 = arith.constant 0 : i32
          %add3A_1645 = arith.addi %add3A_1643, %add3A_1644 : i32
          %add3A_1646 = vector.broadcast %add3A_1645 : i32 to vector<16xi32>
          %add3A_1647 = arith.addi %select_n3A_161, %add3A_1646 : vector<16xi32>
          tpu.vector_store_idx %arg7[%add3A_1647, %add3A_1633], %get3A_1641 : memref<128x128xf32, #tpu.memory_space<vmem>>[vector<16xi32>, vector<16xi32>], vector<16xf32>,
          %add3A_1648 = arith.constant 64 : i32
          %add3A_1649 = arith.addi %mul3A_234, %add3A_1648 : i32
          %add3A_1650 = arith.constant 16 : i32
          %add3A_1651 = arith.addi %add3A_1649, %add3A_1650 : i32
          %get3A_1652 = arith.constant 13 : i32
          %get3A_1653 = arith.index_cast %get3A_1652 : i32 to index
          %get3A_1654 = arith.index_cast %add3A_1651 : i32 to index
          %get3A_1655 = tpu.vector_load %arg5[%get3A_1653, %get3A_1654] {strides = array<i32>} : memref<16x1025xf32, #tpu.memory_space<vmem>>, vector<16xf32>,
          %add3A_1656 = arith.constant 8 : i32
          %add3A_1657 = arith.addi %mul3A_236, %add3A_1656 : i32
          %add3A_1658 = arith.constant 2 : i32
          %add3A_1659 = arith.addi %add3A_1657, %add3A_1658 : i32
          %add3A_1660 = vector.broadcast %add3A_1659 : i32 to vector<16xi32>
          %add3A_1661 = arith.addi %select_n3A_161, %add3A_1660 : vector<16xi32>
          tpu.vector_store_idx %arg7[%add3A_1661, %add3A_1633], %get3A_1655 : memref<128x128xf32, #tpu.memory_space<vmem>>[vector<16xi32>, vector<16xi32>], vector<16xf32>,
          %add3A_1662 = arith.constant 64 : i32
          %add3A_1663 = arith.addi %mul3A_234, %add3A_1662 : i32
          %add3A_1664 = arith.constant 32 : i32
          %add3A_1665 = arith.addi %add3A_1663, %add3A_1664 : i32
          %get3A_1666 = arith.constant 13 : i32
          %get3A_1667 = arith.index_cast %get3A_1666 : i32 to index
          %get3A_1668 = arith.index_cast %add3A_1665 : i32 to index
          %get3A_1669 = tpu.vector_load %arg5[%get3A_1667, %get3A_1668] {strides = array<i32>} : memref<16x1025xf32, #tpu.memory_space<vmem>>, vector<16xf32>,
          %add3A_1670 = arith.constant 8 : i32
          %add3A_1671 = arith.addi %mul3A_236, %add3A_1670 : i32
          %add3A_1672 = arith.constant 4 : i32
          %add3A_1673 = arith.addi %add3A_1671, %add3A_1672 : i32
          %add3A_1674 = vector.broadcast %add3A_1673 : i32 to vector<16xi32>
          %add3A_1675 = arith.addi %select_n3A_161, %add3A_1674 : vector<16xi32>
          tpu.vector_store_idx %arg7[%add3A_1675, %add3A_1633], %get3A_1669 : memref<128x128xf32, #tpu.memory_space<vmem>>[vector<16xi32>, vector<16xi32>], vector<16xf32>,
          %add3A_1676 = arith.constant 64 : i32
          %add3A_1677 = arith.addi %mul3A_234, %add3A_1676 : i32
          %add3A_1678 = arith.constant 48 : i32
          %add3A_1679 = arith.addi %add3A_1677, %add3A_1678 : i32
          %get3A_1680 = arith.constant 13 : i32
          %get3A_1681 = arith.index_cast %get3A_1680 : i32 to index
          %get3A_1682 = arith.index_cast %add3A_1679 : i32 to index
          %get3A_1683 = tpu.vector_load %arg5[%get3A_1681, %get3A_1682] {strides = array<i32>} : memref<16x1025xf32, #tpu.memory_space<vmem>>, vector<16xf32>,
          %add3A_1684 = arith.constant 8 : i32
          %add3A_1685 = arith.addi %mul3A_236, %add3A_1684 : i32
          %add3A_1686 = arith.constant 6 : i32
          %add3A_1687 = arith.addi %add3A_1685, %add3A_1686 : i32
          %add3A_1688 = vector.broadcast %add3A_1687 : i32 to vector<16xi32>
          %add3A_1689 = arith.addi %select_n3A_161, %add3A_1688 : vector<16xi32>
          tpu.vector_store_idx %arg7[%add3A_1689, %add3A_1633], %get3A_1683 : memref<128x128xf32, #tpu.memory_space<vmem>>[vector<16xi32>, vector<16xi32>], vector<16xf32>,
          %add3A_1690 = arith.constant 14 : i32
          %add3A_1691 = vector.broadcast %add3A_1690 : i32 to vector<16xi32>
          %add3A_1692 = arith.addi %mul3A_130, %add3A_1691 : vector<16xi32>
          %add3A_1693 = arith.constant 64 : i32
          %add3A_1694 = arith.addi %mul3A_234, %add3A_1693 : i32
          %add3A_1695 = arith.constant 0 : i32
          %add3A_1696 = arith.addi %add3A_1694, %add3A_1695 : i32
          %get3A_1697 = arith.constant 14 : i32
          %get3A_1698 = arith.index_cast %get3A_1697 : i32 to index
          %get3A_1699 = arith.index_cast %add3A_1696 : i32 to index
          %get3A_1700 = tpu.vector_load %arg5[%get3A_1698, %get3A_1699] {strides = array<i32>} : memref<16x1025xf32, #tpu.memory_space<vmem>>, vector<16xf32>,
          %add3A_1701 = arith.constant 8 : i32
          %add3A_1702 = arith.addi %mul3A_236, %add3A_1701 : i32
          %add3A_1703 = arith.constant 0 : i32
          %add3A_1704 = arith.addi %add3A_1702, %add3A_1703 : i32
          %add3A_1705 = vector.broadcast %add3A_1704 : i32 to vector<16xi32>
          %add3A_1706 = arith.addi %select_n3A_161, %add3A_1705 : vector<16xi32>
          tpu.vector_store_idx %arg7[%add3A_1706, %add3A_1692], %get3A_1700 : memref<128x128xf32, #tpu.memory_space<vmem>>[vector<16xi32>, vector<16xi32>], vector<16xf32>,
          %add3A_1707 = arith.constant 64 : i32
          %add3A_1708 = arith.addi %mul3A_234, %add3A_1707 : i32
          %add3A_1709 = arith.constant 16 : i32
          %add3A_1710 = arith.addi %add3A_1708, %add3A_1709 : i32
          %get3A_1711 = arith.constant 14 : i32
          %get3A_1712 = arith.index_cast %get3A_1711 : i32 to index
          %get3A_1713 = arith.index_cast %add3A_1710 : i32 to index
          %get3A_1714 = tpu.vector_load %arg5[%get3A_1712, %get3A_1713] {strides = array<i32>} : memref<16x1025xf32, #tpu.memory_space<vmem>>, vector<16xf32>,
          %add3A_1715 = arith.constant 8 : i32
          %add3A_1716 = arith.addi %mul3A_236, %add3A_1715 : i32
          %add3A_1717 = arith.constant 2 : i32
          %add3A_1718 = arith.addi %add3A_1716, %add3A_1717 : i32
          %add3A_1719 = vector.broadcast %add3A_1718 : i32 to vector<16xi32>
          %add3A_1720 = arith.addi %select_n3A_161, %add3A_1719 : vector<16xi32>
          tpu.vector_store_idx %arg7[%add3A_1720, %add3A_1692], %get3A_1714 : memref<128x128xf32, #tpu.memory_space<vmem>>[vector<16xi32>, vector<16xi32>], vector<16xf32>,
          %add3A_1721 = arith.constant 64 : i32
          %add3A_1722 = arith.addi %mul3A_234, %add3A_1721 : i32
          %add3A_1723 = arith.constant 32 : i32
          %add3A_1724 = arith.addi %add3A_1722, %add3A_1723 : i32
          %get3A_1725 = arith.constant 14 : i32
          %get3A_1726 = arith.index_cast %get3A_1725 : i32 to index
          %get3A_1727 = arith.index_cast %add3A_1724 : i32 to index
          %get3A_1728 = tpu.vector_load %arg5[%get3A_1726, %get3A_1727] {strides = array<i32>} : memref<16x1025xf32, #tpu.memory_space<vmem>>, vector<16xf32>,
          %add3A_1729 = arith.constant 8 : i32
          %add3A_1730 = arith.addi %mul3A_236, %add3A_1729 : i32
          %add3A_1731 = arith.constant 4 : i32
          %add3A_1732 = arith.addi %add3A_1730, %add3A_1731 : i32
          %add3A_1733 = vector.broadcast %add3A_1732 : i32 to vector<16xi32>
          %add3A_1734 = arith.addi %select_n3A_161, %add3A_1733 : vector<16xi32>
          tpu.vector_store_idx %arg7[%add3A_1734, %add3A_1692], %get3A_1728 : memref<128x128xf32, #tpu.memory_space<vmem>>[vector<16xi32>, vector<16xi32>], vector<16xf32>,
          %add3A_1735 = arith.constant 64 : i32
          %add3A_1736 = arith.addi %mul3A_234, %add3A_1735 : i32
          %add3A_1737 = arith.constant 48 : i32
          %add3A_1738 = arith.addi %add3A_1736, %add3A_1737 : i32
          %get3A_1739 = arith.constant 14 : i32
          %get3A_1740 = arith.index_cast %get3A_1739 : i32 to index
          %get3A_1741 = arith.index_cast %add3A_1738 : i32 to index
          %get3A_1742 = tpu.vector_load %arg5[%get3A_1740, %get3A_1741] {strides = array<i32>} : memref<16x1025xf32, #tpu.memory_space<vmem>>, vector<16xf32>,
          %add3A_1743 = arith.constant 8 : i32
          %add3A_1744 = arith.addi %mul3A_236, %add3A_1743 : i32
          %add3A_1745 = arith.constant 6 : i32
          %add3A_1746 = arith.addi %add3A_1744, %add3A_1745 : i32
          %add3A_1747 = vector.broadcast %add3A_1746 : i32 to vector<16xi32>
          %add3A_1748 = arith.addi %select_n3A_161, %add3A_1747 : vector<16xi32>
          tpu.vector_store_idx %arg7[%add3A_1748, %add3A_1692], %get3A_1742 : memref<128x128xf32, #tpu.memory_space<vmem>>[vector<16xi32>, vector<16xi32>], vector<16xf32>,
          %add3A_1749 = arith.constant 15 : i32
          %add3A_1750 = vector.broadcast %add3A_1749 : i32 to vector<16xi32>
          %add3A_1751 = arith.addi %mul3A_130, %add3A_1750 : vector<16xi32>
          %add3A_1752 = arith.constant 64 : i32
          %add3A_1753 = arith.addi %mul3A_234, %add3A_1752 : i32
          %add3A_1754 = arith.constant 0 : i32
          %add3A_1755 = arith.addi %add3A_1753, %add3A_1754 : i32
          %get3A_1756 = arith.constant 15 : i32
          %get3A_1757 = arith.index_cast %get3A_1756 : i32 to index
          %get3A_1758 = arith.index_cast %add3A_1755 : i32 to index
          %get3A_1759 = tpu.vector_load %arg5[%get3A_1757, %get3A_1758] {strides = array<i32>} : memref<16x1025xf32, #tpu.memory_space<vmem>>, vector<16xf32>,
          %add3A_1760 = arith.constant 8 : i32
          %add3A_1761 = arith.addi %mul3A_236, %add3A_1760 : i32
          %add3A_1762 = arith.constant 0 : i32
          %add3A_1763 = arith.addi %add3A_1761, %add3A_1762 : i32
          %add3A_1764 = vector.broadcast %add3A_1763 : i32 to vector<16xi32>
          %add3A_1765 = arith.addi %select_n3A_161, %add3A_1764 : vector<16xi32>
          tpu.vector_store_idx %arg7[%add3A_1765, %add3A_1751], %get3A_1759 : memref<128x128xf32, #tpu.memory_space<vmem>>[vector<16xi32>, vector<16xi32>], vector<16xf32>,
          %add3A_1766 = arith.constant 64 : i32
          %add3A_1767 = arith.addi %mul3A_234, %add3A_1766 : i32
          %add3A_1768 = arith.constant 16 : i32
          %add3A_1769 = arith.addi %add3A_1767, %add3A_1768 : i32
          %get3A_1770 = arith.constant 15 : i32
          %get3A_1771 = arith.index_cast %get3A_1770 : i32 to index
          %get3A_1772 = arith.index_cast %add3A_1769 : i32 to index
          %get3A_1773 = tpu.vector_load %arg5[%get3A_1771, %get3A_1772] {strides = array<i32>} : memref<16x1025xf32, #tpu.memory_space<vmem>>, vector<16xf32>,
          %add3A_1774 = arith.constant 8 : i32
          %add3A_1775 = arith.addi %mul3A_236, %add3A_1774 : i32
          %add3A_1776 = arith.constant 2 : i32
          %add3A_1777 = arith.addi %add3A_1775, %add3A_1776 : i32
          %add3A_1778 = vector.broadcast %add3A_1777 : i32 to vector<16xi32>
          %add3A_1779 = arith.addi %select_n3A_161, %add3A_1778 : vector<16xi32>
          tpu.vector_store_idx %arg7[%add3A_1779, %add3A_1751], %get3A_1773 : memref<128x128xf32, #tpu.memory_space<vmem>>[vector<16xi32>, vector<16xi32>], vector<16xf32>,
          %add3A_1780 = arith.constant 64 : i32
          %add3A_1781 = arith.addi %mul3A_234, %add3A_1780 : i32
          %add3A_1782 = arith.constant 32 : i32
          %add3A_1783 = arith.addi %add3A_1781, %add3A_1782 : i32
          %get3A_1784 = arith.constant 15 : i32
          %get3A_1785 = arith.index_cast %get3A_1784 : i32 to index
          %get3A_1786 = arith.index_cast %add3A_1783 : i32 to index
          %get3A_1787 = tpu.vector_load %arg5[%get3A_1785, %get3A_1786] {strides = array<i32>} : memref<16x1025xf32, #tpu.memory_space<vmem>>, vector<16xf32>,
          %add3A_1788 = arith.constant 8 : i32
          %add3A_1789 = arith.addi %mul3A_236, %add3A_1788 : i32
          %add3A_1790 = arith.constant 4 : i32
          %add3A_1791 = arith.addi %add3A_1789, %add3A_1790 : i32
          %add3A_1792 = vector.broadcast %add3A_1791 : i32 to vector<16xi32>
          %add3A_1793 = arith.addi %select_n3A_161, %add3A_1792 : vector<16xi32>
          tpu.vector_store_idx %arg7[%add3A_1793, %add3A_1751], %get3A_1787 : memref<128x128xf32, #tpu.memory_space<vmem>>[vector<16xi32>, vector<16xi32>], vector<16xf32>,
          %add3A_1794 = arith.constant 64 : i32
          %add3A_1795 = arith.addi %mul3A_234, %add3A_1794 : i32
          %add3A_1796 = arith.constant 48 : i32
          %add3A_1797 = arith.addi %add3A_1795, %add3A_1796 : i32
          %get3A_1798 = arith.constant 15 : i32
          %get3A_1799 = arith.index_cast %get3A_1798 : i32 to index
          %get3A_1800 = arith.index_cast %add3A_1797 : i32 to index
          %get3A_1801 = tpu.vector_load %arg5[%get3A_1799, %get3A_1800] {strides = array<i32>} : memref<16x1025xf32, #tpu.memory_space<vmem>>, vector<16xf32>,
          %add3A_1802 = arith.constant 8 : i32
          %add3A_1803 = arith.addi %mul3A_236, %add3A_1802 : i32
          %add3A_1804 = arith.constant 6 : i32
          %add3A_1805 = arith.addi %add3A_1803, %add3A_1804 : i32
          %add3A_1806 = vector.broadcast %add3A_1805 : i32 to vector<16xi32>
          %add3A_1807 = arith.addi %select_n3A_161, %add3A_1806 : vector<16xi32>
          tpu.vector_store_idx %arg7[%add3A_1807, %add3A_1751], %get3A_1801 : memref<128x128xf32, #tpu.memory_space<vmem>>[vector<16xi32>, vector<16xi32>], vector<16xf32>,
          %add3A_1808 = arith.constant 6 : i32
          %add3A_1809 = arith.addi %mul3A_236, %add3A_1808 : i32
          %add3A_1810 = arith.constant 0 : i32
          %add3A_1811 = arith.addi %add3A_1809, %add3A_1810 : i32
          %swap3A_1812 = arith.index_cast %add3A_1811 : i32 to index
          %swap3A_1813 = arith.constant 0 : index
          %swap3A_1814 = tpu.vector_load %arg7[%swap3A_1812, %swap3A_1813] {strides = array<i32>} : memref<128x128xf32, #tpu.memory_space<vmem>>, vector<16xf32>,
          tpu.vector_store %arg7[%swap3A_1812, %swap3A_1813], %gather3A_1481 {strides = array<i32>} : memref<128x128xf32, #tpu.memory_space<vmem>>, vector<16xf32>,
          %add3A_1815 = arith.constant 0 : i32
          %add3A_1816 = arith.addi %add3A_1809, %add3A_1815 : i32
          %swap3A_1817 = arith.index_cast %add3A_1816 : i32 to index
          %swap3A_1818 = arith.constant 16 : index
          %swap3A_1819 = tpu.vector_load %arg7[%swap3A_1817, %swap3A_1818] {strides = array<i32>} : memref<128x128xf32, #tpu.memory_space<vmem>>, vector<16xf32>,
          tpu.vector_store %arg7[%swap3A_1817, %swap3A_1818], %gather3A_1487 {strides = array<i32>} : memref<128x128xf32, #tpu.memory_space<vmem>>, vector<16xf32>,
          %add3A_1820 = arith.constant 0 : i32
          %add3A_1821 = arith.addi %add3A_1809, %add3A_1820 : i32
          %swap3A_1822 = arith.index_cast %add3A_1821 : i32 to index
          %swap3A_1823 = arith.constant 32 : index
          %swap3A_1824 = tpu.vector_load %arg7[%swap3A_1822, %swap3A_1823] {strides = array<i32>} : memref<128x128xf32, #tpu.memory_space<vmem>>, vector<16xf32>,
          tpu.vector_store %arg7[%swap3A_1822, %swap3A_1823], %gather3A_1493 {strides = array<i32>} : memref<128x128xf32, #tpu.memory_space<vmem>>, vector<16xf32>,
          %add3A_1825 = arith.constant 0 : i32
          %add3A_1826 = arith.addi %add3A_1809, %add3A_1825 : i32
          %swap3A_1827 = arith.index_cast %add3A_1826 : i32 to index
          %swap3A_1828 = arith.constant 48 : index
          %swap3A_1829 = tpu.vector_load %arg7[%swap3A_1827, %swap3A_1828] {strides = array<i32>} : memref<128x128xf32, #tpu.memory_space<vmem>>, vector<16xf32>,
          tpu.vector_store %arg7[%swap3A_1827, %swap3A_1828], %gather3A_1499 {strides = array<i32>} : memref<128x128xf32, #tpu.memory_space<vmem>>, vector<16xf32>,
          %add3A_1830 = arith.constant 0 : i32
          %add3A_1831 = arith.addi %add3A_1809, %add3A_1830 : i32
          %swap3A_1832 = arith.index_cast %add3A_1831 : i32 to index
          %swap3A_1833 = arith.constant 64 : index
          %swap3A_1834 = tpu.vector_load %arg7[%swap3A_1832, %swap3A_1833] {strides = array<i32>} : memref<128x128xf32, #tpu.memory_space<vmem>>, vector<16xf32>,
          tpu.vector_store %arg7[%swap3A_1832, %swap3A_1833], %gather3A_1505 {strides = array<i32>} : memref<128x128xf32, #tpu.memory_space<vmem>>, vector<16xf32>,
          %add3A_1835 = arith.constant 0 : i32
          %add3A_1836 = arith.addi %add3A_1809, %add3A_1835 : i32
          %swap3A_1837 = arith.index_cast %add3A_1836 : i32 to index
          %swap3A_1838 = arith.constant 80 : index
          %swap3A_1839 = tpu.vector_load %arg7[%swap3A_1837, %swap3A_1838] {strides = array<i32>} : memref<128x128xf32, #tpu.memory_space<vmem>>, vector<16xf32>,
          tpu.vector_store %arg7[%swap3A_1837, %swap3A_1838], %gather3A_1511 {strides = array<i32>} : memref<128x128xf32, #tpu.memory_space<vmem>>, vector<16xf32>,
          %add3A_1840 = arith.constant 0 : i32
          %add3A_1841 = arith.addi %add3A_1809, %add3A_1840 : i32
          %swap3A_1842 = arith.index_cast %add3A_1841 : i32 to index
          %swap3A_1843 = arith.constant 96 : index
          %swap3A_1844 = tpu.vector_load %arg7[%swap3A_1842, %swap3A_1843] {strides = array<i32>} : memref<128x128xf32, #tpu.memory_space<vmem>>, vector<16xf32>,
          tpu.vector_store %arg7[%swap3A_1842, %swap3A_1843], %gather3A_1517 {strides = array<i32>} : memref<128x128xf32, #tpu.memory_space<vmem>>, vector<16xf32>,
          %add3A_1845 = arith.constant 0 : i32
          %add3A_1846 = arith.addi %add3A_1809, %add3A_1845 : i32
          %swap3A_1847 = arith.index_cast %add3A_1846 : i32 to index
          %swap3A_1848 = arith.constant 112 : index
          %swap3A_1849 = tpu.vector_load %arg7[%swap3A_1847, %swap3A_1848] {strides = array<i32>} : memref<128x128xf32, #tpu.memory_space<vmem>>, vector<16xf32>,
          tpu.vector_store %arg7[%swap3A_1847, %swap3A_1848], %gather3A_1523 {strides = array<i32>} : memref<128x128xf32, #tpu.memory_space<vmem>>, vector<16xf32>,
          %add3A_1850 = arith.constant 1 : i32
          %add3A_1851 = arith.addi %add3A_1809, %add3A_1850 : i32
          %swap3A_1852 = arith.index_cast %add3A_1851 : i32 to index
          %swap3A_1853 = arith.constant 0 : index
          %swap3A_1854 = tpu.vector_load %arg7[%swap3A_1852, %swap3A_1853] {strides = array<i32>} : memref<128x128xf32, #tpu.memory_space<vmem>>, vector<16xf32>,
          tpu.vector_store %arg7[%swap3A_1852, %swap3A_1853], %gather3A_1529 {strides = array<i32>} : memref<128x128xf32, #tpu.memory_space<vmem>>, vector<16xf32>,
          %add3A_1855 = arith.constant 1 : i32
          %add3A_1856 = arith.addi %add3A_1809, %add3A_1855 : i32
          %swap3A_1857 = arith.index_cast %add3A_1856 : i32 to index
          %swap3A_1858 = arith.constant 16 : index
          %swap3A_1859 = tpu.vector_load %arg7[%swap3A_1857, %swap3A_1858] {strides = array<i32>} : memref<128x128xf32, #tpu.memory_space<vmem>>, vector<16xf32>,
          tpu.vector_store %arg7[%swap3A_1857, %swap3A_1858], %gather3A_1535 {strides = array<i32>} : memref<128x128xf32, #tpu.memory_space<vmem>>, vector<16xf32>,
          %add3A_1860 = arith.constant 1 : i32
          %add3A_1861 = arith.addi %add3A_1809, %add3A_1860 : i32
          %swap3A_1862 = arith.index_cast %add3A_1861 : i32 to index
          %swap3A_1863 = arith.constant 32 : index
          %swap3A_1864 = tpu.vector_load %arg7[%swap3A_1862, %swap3A_1863] {strides = array<i32>} : memref<128x128xf32, #tpu.memory_space<vmem>>, vector<16xf32>,
          tpu.vector_store %arg7[%swap3A_1862, %swap3A_1863], %gather3A_1541 {strides = array<i32>} : memref<128x128xf32, #tpu.memory_space<vmem>>, vector<16xf32>,
          %add3A_1865 = arith.constant 1 : i32
          %add3A_1866 = arith.addi %add3A_1809, %add3A_1865 : i32
          %swap3A_1867 = arith.index_cast %add3A_1866 : i32 to index
          %swap3A_1868 = arith.constant 48 : index
          %swap3A_1869 = tpu.vector_load %arg7[%swap3A_1867, %swap3A_1868] {strides = array<i32>} : memref<128x128xf32, #tpu.memory_space<vmem>>, vector<16xf32>,
          tpu.vector_store %arg7[%swap3A_1867, %swap3A_1868], %gather3A_1547 {strides = array<i32>} : memref<128x128xf32, #tpu.memory_space<vmem>>, vector<16xf32>,
          %add3A_1870 = arith.constant 1 : i32
          %add3A_1871 = arith.addi %add3A_1809, %add3A_1870 : i32
          %swap3A_1872 = arith.index_cast %add3A_1871 : i32 to index
          %swap3A_1873 = arith.constant 64 : index
          %swap3A_1874 = tpu.vector_load %arg7[%swap3A_1872, %swap3A_1873] {strides = array<i32>} : memref<128x128xf32, #tpu.memory_space<vmem>>, vector<16xf32>,
          tpu.vector_store %arg7[%swap3A_1872, %swap3A_1873], %gather3A_1553 {strides = array<i32>} : memref<128x128xf32, #tpu.memory_space<vmem>>, vector<16xf32>,
          %add3A_1875 = arith.constant 1 : i32
          %add3A_1876 = arith.addi %add3A_1809, %add3A_1875 : i32
          %swap3A_1877 = arith.index_cast %add3A_1876 : i32 to index
          %swap3A_1878 = arith.constant 80 : index
          %swap3A_1879 = tpu.vector_load %arg7[%swap3A_1877, %swap3A_1878] {strides = array<i32>} : memref<128x128xf32, #tpu.memory_space<vmem>>, vector<16xf32>,
          tpu.vector_store %arg7[%swap3A_1877, %swap3A_1878], %gather3A_1559 {strides = array<i32>} : memref<128x128xf32, #tpu.memory_space<vmem>>, vector<16xf32>,
          %add3A_1880 = arith.constant 1 : i32
          %add3A_1881 = arith.addi %add3A_1809, %add3A_1880 : i32
          %swap3A_1882 = arith.index_cast %add3A_1881 : i32 to index
          %swap3A_1883 = arith.constant 96 : index
          %swap3A_1884 = tpu.vector_load %arg7[%swap3A_1882, %swap3A_1883] {strides = array<i32>} : memref<128x128xf32, #tpu.memory_space<vmem>>, vector<16xf32>,
          tpu.vector_store %arg7[%swap3A_1882, %swap3A_1883], %gather3A_1565 {strides = array<i32>} : memref<128x128xf32, #tpu.memory_space<vmem>>, vector<16xf32>,
          %add3A_1885 = arith.constant 1 : i32
          %add3A_1886 = arith.addi %add3A_1809, %add3A_1885 : i32
          %swap3A_1887 = arith.index_cast %add3A_1886 : i32 to index
          %swap3A_1888 = arith.constant 112 : index
          %swap3A_1889 = tpu.vector_load %arg7[%swap3A_1887, %swap3A_1888] {strides = array<i32>} : memref<128x128xf32, #tpu.memory_space<vmem>>, vector<16xf32>,
          tpu.vector_store %arg7[%swap3A_1887, %swap3A_1888], %gather3A_1571 {strides = array<i32>} : memref<128x128xf32, #tpu.memory_space<vmem>>, vector<16xf32>,
        }
        %scan3A_167 = arith.constant 8 : i32
        %jit3A_168 = arith.constant 98 : i32
        %div3A_169 = arith.divsi %add3A_76, %jit3A_168 : i32
        %sign3A_170 = arith.constant 0 : i32
        %sign3A_171 = arith.cmpi sgt, %add3A_76, %sign3A_170 : i32
        %sign3A_172 = arith.extui %sign3A_171 : i1 to i32
        %sign3A_173 = arith.constant 0 : i32
        %sign3A_174 = arith.cmpi slt, %add3A_76, %sign3A_173 : i32
        %sign3A_175 = arith.extui %sign3A_174 : i1 to i32
        %sign3A_176 = arith.subi %sign3A_172, %sign3A_175 : i32
        %sign3A_177 = arith.constant 0 : i32
        %sign3A_178 = arith.cmpi sgt, %jit3A_168, %sign3A_177 : i32
        %sign3A_179 = arith.extui %sign3A_178 : i1 to i32
        %sign3A_180 = arith.constant 0 : i32
        %sign3A_181 = arith.cmpi slt, %jit3A_168, %sign3A_180 : i32
        %sign3A_182 = arith.extui %sign3A_181 : i1 to i32
        %sign3A_183 = arith.subi %sign3A_179, %sign3A_182 : i32
        %ne3A_184 = arith.cmpi ne, %sign3A_176, %sign3A_183 : i32
        %rem3A_185 = arith.remsi %add3A_76, %jit3A_168 : i32
        %ne3A_186 = arith.constant 0 : i32
        %ne3A_187 = arith.cmpi ne, %rem3A_185, %ne3A_186 : i32
        %and3A_188 = arith.andi %ne3A_184, %ne3A_187 : i1
        %sub3A_189 = arith.constant 1 : i32
        %sub3A_190 = arith.subi %div3A_169, %sub3A_189 : i32
        %select_n3A_191 = arith.select %and3A_188, %sub3A_190, %div3A_169 : i32
        %mul3A_192 = arith.constant 98 : i32
        %mul3A_193 = arith.muli %select_n3A_191, %mul3A_192 : i32
        %sub3A_194 = arith.subi %add3A_76, %mul3A_193 : i32
        %mul3A_195 = arith.constant 1024 : i32
        %mul3A_196 = arith.muli %sub3A_194, %mul3A_195 : i32
        %min3A_197 = arith.constant 99072 : i32
        %min3A_198 = arith.minsi %mul3A_196, %min3A_197 : i32
        %multiple_of3A_199 = tpu.assume_multiple %min3A_198, 128 : i32
        %mul3A_200 = arith.constant 12512 : i32
        %mul3A_201 = arith.muli %select_n3A_191, %mul3A_200 : i32
        %jit3A_202 = arith.constant 8 : i32
        %div3A_203 = arith.divsi %multiple_of3A_199, %jit3A_202 : i32
        %sign3A_204 = arith.constant 0 : i32
        %sign3A_205 = arith.cmpi sgt, %multiple_of3A_199, %sign3A_204 : i32
        %sign3A_206 = arith.extui %sign3A_205 : i1 to i32
        %sign3A_207 = arith.constant 0 : i32
        %sign3A_208 = arith.cmpi slt, %multiple_of3A_199, %sign3A_207 : i32
        %sign3A_209 = arith.extui %sign3A_208 : i1 to i32
        %sign3A_210 = arith.subi %sign3A_206, %sign3A_209 : i32
        %sign3A_211 = arith.constant 0 : i32
        %sign3A_212 = arith.cmpi sgt, %jit3A_202, %sign3A_211 : i32
        %sign3A_213 = arith.extui %sign3A_212 : i1 to i32
        %sign3A_214 = arith.constant 0 : i32
        %sign3A_215 = arith.cmpi slt, %jit3A_202, %sign3A_214 : i32
        %sign3A_216 = arith.extui %sign3A_215 : i1 to i32
        %sign3A_217 = arith.subi %sign3A_213, %sign3A_216 : i32
        %ne3A_218 = arith.cmpi ne, %sign3A_210, %sign3A_217 : i32
        %rem3A_219 = arith.remsi %multiple_of3A_199, %jit3A_202 : i32
        %ne3A_220 = arith.constant 0 : i32
        %ne3A_221 = arith.cmpi ne, %rem3A_219, %ne3A_220 : i32
        %and3A_222 = arith.andi %ne3A_218, %ne3A_221 : i1
        %sub3A_223 = arith.constant 1 : i32
        %sub3A_224 = arith.subi %div3A_203, %sub3A_223 : i32
        %select_n3A_225 = arith.select %and3A_222, %sub3A_224, %div3A_203 : i32
        %add3A_226 = arith.addi %mul3A_201, %select_n3A_225 : i32
        %multiple_of3A_227 = tpu.assume_multiple %add3A_226, 8 : i32
        %dma_start3A_228 = arith.constant 0 : i32
        %dma_start3A_229 = tpu.memref_slice %arg3[%multiple_of3A_227, %dma_start3A_228] : memref<325312x128xf32, #tpu.memory_space<hbm>> -> memref<128x128xf32, #tpu.memory_space<hbm>>
        %dma_start3A_230 = arith.constant 0 : i32
        %dma_start3A_231 = tpu.memref_slice %arg3[%multiple_of3A_227, %dma_start3A_230] : memref<325312x128xf32, #tpu.memory_space<hbm>> -> memref<128x128xf32, #tpu.memory_space<hbm>>
        tpu.enqueue_dma source(%arg7 : memref<128x128xf32, #tpu.memory_space<vmem>>) target(%dma_start3A_231 : memref<128x128xf32, #tpu.memory_space<hbm>>) target_semaphore(%arg11 : memref<!tpu.dma_semaphore, #tpu.memory_space<semaphore_mem>>)
      } else {
      }
    }
    %scan3A_39 = arith.constant 40 : i32
    %add3A_40 = arith.constant 0 : i32
    %add3A_41 = arith.addi %add3A, %add3A_40 : i32
    %gt3A = arith.constant 2548 : i32
    %gt3A_42 = arith.cmpi sgt, %gt3A, %add3A_41 : i32
    %convert_element_type3A = arith.extui %gt3A_42 : i1 to i32
    %cond3A = arith.constant 0 : i32
    %cond3A_43 = arith.cmpi ne, %convert_element_type3A, %cond3A : i32
    scf.if %cond3A_43 {
      %dma_wait3A = arith.constant 0 : i32
      %dma_wait3A_51 = arith.constant 0 : i32
      %dma_wait3A_52 = tpu.memref_slice %arg3[%dma_wait3A, %dma_wait3A_51] : memref<325312x128xf32, #tpu.memory_space<hbm>> -> memref<128x128xf32, #tpu.memory_space<hbm>>
      %dma_wait3A_53 = arith.constant 0 : i32
      %dma_wait3A_54 = arith.constant 0 : i32
      %dma_wait3A_55 = tpu.memref_slice %arg3[%dma_wait3A_53, %dma_wait3A_54] : memref<325312x128xf32, #tpu.memory_space<hbm>> -> memref<128x128xf32, #tpu.memory_space<hbm>>
      tpu.wait_dma2 semaphore(%arg10 : memref<!tpu.dma_semaphore, #tpu.memory_space<semaphore_mem>>) src(%arg6 : memref<128x128xf32, #tpu.memory_space<vmem>>) dst(%dma_wait3A_55 : memref<128x128xf32, #tpu.memory_space<hbm>>)
    } else {
    }
    %add3A_44 = arith.constant 32 : i32
    %add3A_45 = arith.addi %add3A, %add3A_44 : i32
    %gt3A_46 = arith.constant 2548 : i32
    %gt3A_47 = arith.cmpi sgt, %gt3A_46, %add3A_45 : i32
    %convert_element_type3A_48 = arith.extui %gt3A_47 : i1 to i32
    %cond3A_49 = arith.constant 0 : i32
    %cond3A_50 = arith.cmpi ne, %convert_element_type3A_48, %cond3A_49 : i32
    scf.if %cond3A_50 {
      %dma_wait3A = arith.constant 0 : i32
      %dma_wait3A_51 = arith.constant 0 : i32
      %dma_wait3A_52 = tpu.memref_slice %arg3[%dma_wait3A, %dma_wait3A_51] : memref<325312x128xf32, #tpu.memory_space<hbm>> -> memref<128x128xf32, #tpu.memory_space<hbm>>
      %dma_wait3A_53 = arith.constant 0 : i32
      %dma_wait3A_54 = arith.constant 0 : i32
      %dma_wait3A_55 = tpu.memref_slice %arg3[%dma_wait3A_53, %dma_wait3A_54] : memref<325312x128xf32, #tpu.memory_space<hbm>> -> memref<128x128xf32, #tpu.memory_space<hbm>>
      tpu.wait_dma2 semaphore(%arg11 : memref<!tpu.dma_semaphore, #tpu.memory_space<semaphore_mem>>) src(%arg7 : memref<128x128xf32, #tpu.memory_space<vmem>>) dst(%dma_wait3A_55 : memref<128x128xf32, #tpu.memory_space<hbm>>)
    } else {
    }
    return
  }
}

</mosaic_0001>

<sc_bundles>
// kernel: _relayout.3.cloned.1.call-start
scs
__scs_entry_jumppad:
0x0: {  	(pc) =	sbr.rel $0x88, $3  }
0x1: {  	(tag) =	ssettag $0x0;
	lr =	simm.s32 $0x1  }
0x2: {  	[smem:$0x3FA0] =	sst lr;
	_ =	strace $0xD0000000  }
0x3: {  	_ = 	snop  }
0x4: {  	_ = 	snop  }
0x5: {  	_ = 	snop  }
0x6: {  	_ = 	snop  }
0x7: {  	_ = 	snop  }
__scs_overlays_trampoline_lowered:
0x8: {  	[smem:$0x3FAF] =	sst s0  }
0x9: {  	[smem:$0x3FB0] =	sst s1  }
0xa: {  	[smem:$0x3FB1] =	sst s2  }
0xb: {  	[smem:$0x3FB2] =	sst s3  }
0xc: {  	[smem:$0x3FB3] =	sst s4  }
0xd: {  	[smem:$0x3FB4] =	sst s5  }
0xe: {  	[smem:$0x3FB5] =	sst s6  }
0xf: {  	[smem:$0x3FB6] =	sst s7  }
0x10: {  	[smem:$0x3FB7] =	sst s8  }
0x11: {  	[smem:$0x3FB8] =	sst s9;
	s0 =	simm.s32 @!p0 $0x0  }
0x12: {  	s1 =	sld [smem:$0x3F9E];
	s0 =	simm.s32 @p0 $0x1  }
0x13: {  	[smem:$0x3FB9] =	sst s0;
	s0 =	simm.s32 @!p1 $0x0  }
0x14: {  	s2 =	sld [smem:$0x3F9D];
	s0 =	simm.s32 @p1 $0x1  }
0x15: {  	[smem:$0x3FBA] =	sst s0;
	s0 =	simm.s32 @!p2 $0x0  }
0x16: {  	s3 =	sld [smem:$0x3FDB];
	s0 =	simm.s32 @p2 $0x1  }
0x17: {  	s4 =	simm.s32 $0x1BF5;
	[smem:$0x3FBC] =	sst s0  }
0x18: {  	s0 =	sld [smem:$0x3F9F];
	_ =	swait.ge [sflag:s4], $0x0  }
0x19: {  	s7 =	sld [smem:$0x3FA0]  }
0x1a: {  	s8 =	sadd.s32 $0xFFFFE003, lr  }
0x1b: {  	s9 =	sadd.s32 $0xFFFFFEF7, lr;
	s5 =	simm.s32 $0xFFFFFFFF;
	p2 =	slt.u32 s8, $0xFFFFF086  }
0x1c: {  	p1 =	slt.u32 s9, $0xF7A;
	s5 =	simm.s32 @!p2 $0x0  }
0x1d: {  	s5 =	simm.s32 @p1 $0x1;
	p0 =	seq.s32 s7, s2  }
0x1e: {  	s7 =	smul.u32 @!p0 $0xF7A, s2;
	p2 =	seq.s32 @!p0 s5, $0x0  }
0x1f: {  	s9 =	smul.u32 $0xF7A, s1;
	s8 =	simm.s32 @!p0 $0x1BF5;
	p2 =	por !p2, p0  }
0x20: {  	[sflag:s8] =	ssyncset.s32 @!p0 $0xFFFFF086;
	s6 =	sadd.s32 @!p0 s3, s7;
	s7 =	simm.s32 @!p0 $0x108  }
0x21: {  	s3 =	sadd.s32 s3, s9;
	s6 =	sadd.s32 @!p0 $0x88, s6;
	s7 =	simm.s32 @p2 $0x1082  }
0x22: {  	[simem:s7], [sflag:s8] =	dma.local @!p0 [hbm:s6], $0xF7A  }
0x23: {  	s9 =	sor.u32 $0xD0000000, s2;
	s6 =	simm.s32 $0x108;
	_ =	swait.ge @!p0 [sflag:s8], $0x0  }
0x24: {  	s3 =	sadd.s32 $0x88, s3;
	s6 =	simm.s32 @!p1 $0x1082;
	[sflag:s4] =	ssyncset.s32 $0xFFFFF086  }
0x25: {  	[simem:s6], [sflag:s4] =	dma.local [hbm:s3], $0xF7A  }
0x26: {  	[smem:$0x3FA0] =	sst s1;
	(tag) =	ssettag s2;
	_ =	strace s9  }
0x27: {  	s1 =	sld [smem:$0x3FB0]  }
0x28: {  	s2 =	sld [smem:$0x3FB1]  }
0x29: {  	s4 =	sld [smem:$0x3FB3]  }
0x2a: {  	p0 =	seq.s32 s5, $0x0;
	s5 =	sld [smem:$0x3FB4]  }
0x2b: {  	s6 =	sld [smem:$0x3FB5]  }
0x2c: {  	s7 =	sld [smem:$0x3FB6]  }
0x2d: {  	s3 =	simm.s32 $0x108;
	s8 =	sld [smem:$0x3FB7]  }
0x2e: {  	s3 =	simm.s32 @!p0 $0x1082;
	s9 =	sld [smem:$0x3FB8]  }
0x2f: {  	lr =	sadd.s32 s0, s3;
	s0 =	sld [smem:$0x3FAF]  }
0x30: {  	s3 =	sld [smem:$0x3FB2]  }
0x31: {  	[smem:$0x3FBB] =	sst s10  }
0x32: {  	s10 =	sld [smem:$0x3FB9];
	_ =	sdelay $0x3  }
0x33: {  	p0 =	seq.s32 s10, $0x1;
	s10 =	sld [smem:$0x3FBB];
	_ =	sdelay $0x3  }
0x34: {  	[smem:$0x3FBB] =	sst s10  }
0x35: {  	s10 =	sld [smem:$0x3FBA];
	_ =	sdelay $0x3  }
0x36: {  	p1 =	seq.s32 s10, $0x1;
	s10 =	sld [smem:$0x3FBB];
	_ =	sdelay $0x3  }
0x37: {  	[smem:$0x3FBB] =	sst s10  }
0x38: {  	s10 =	sld [smem:$0x3FBC]  }
0x39: {  	_ = 	snop;
	(pc) =	sbr.ind lr, $3  }
0x3a: {  	_ = 	snop  }
0x3b: {  	_ = 	snop  }
0x3c: {  	p2 =	seq.s32 s10, $0x1;
	s10 =	sld [smem:$0x3FBB]  }
0x3d: {  	_ =	shalt  }
0x3e: {  	_ =	shalt  }
0x3f: {  	_ =	shalt  }
0x40: {  	_ =	shalt  }
0x41: {  	_ =	shalt  }
0x42: {  	_ =	shalt  }
0x43: {  	_ =	shalt  }
0x44: {  	_ =	shalt  }
0x45: {  	_ =	shalt  }
0x46: {  	_ =	shalt  }
0x47: {  	_ =	shalt  }
0x48: {  	_ =	shalt  }
0x49: {  	_ =	shalt  }
0x4a: {  	_ =	shalt  }
0x4b: {  	_ =	shalt  }
0x4c: {  	_ =	shalt  }
0x4d: {  	_ =	shalt  }
0x4e: {  	_ =	shalt  }
0x4f: {  	_ =	shalt  }
0x50: {  	_ =	shalt  }
0x51: {  	_ =	shalt  }
0x52: {  	_ =	shalt  }
0x53: {  	_ =	shalt  }
0x54: {  	_ =	shalt  }
0x55: {  	_ =	shalt  }
0x56: {  	_ =	shalt  }
0x57: {  	_ =	shalt  }
0x58: {  	_ =	shalt  }
0x59: {  	_ =	shalt  }
0x5a: {  	_ =	shalt  }
0x5b: {  	_ =	shalt  }
0x5c: {  	_ =	shalt  }
0x5d: {  	_ =	shalt  }
0x5e: {  	_ =	shalt  }
0x5f: {  	_ =	shalt  }
0x60: {  	_ =	shalt  }
0x61: {  	_ =	shalt  }
0x62: {  	_ =	shalt  }
0x63: {  	_ =	shalt  }
0x64: {  	_ =	shalt  }
0x65: {  	_ =	shalt  }
0x66: {  	_ =	shalt  }
0x67: {  	_ =	shalt  }
0x68: {  	_ =	shalt  }
0x69: {  	_ =	shalt  }
0x6a: {  	_ =	shalt  }
0x6b: {  	_ =	shalt  }
0x6c: {  	_ =	shalt  }
0x6d: {  	_ =	shalt  }
0x6e: {  	_ =	shalt  }
0x6f: {  	_ =	shalt  }
0x70: {  	_ =	shalt  }
0x71: {  	_ =	shalt  }
0x72: {  	_ =	shalt  }
0x73: {  	_ =	shalt  }
0x74: {  	_ =	shalt  }
0x75: {  	_ =	shalt  }
0x76: {  	_ =	shalt  }
0x77: {  	_ =	shalt  }
0x78: {  	_ =	shalt  }
0x79: {  	_ =	shalt  }
0x7a: {  	_ =	shalt  }
0x7b: {  	_ =	shalt  }
0x7c: {  	_ =	shalt  }
0x7d: {  	_ =	shalt  }
0x7e: {  	_ =	shalt  }
0x7f: {  	_ =	shalt  }
0x80: {  	_ =	shalt  }
0x81: {  	_ =	shalt  }
0x82: {  	_ =	shalt  }
0x83: {  	_ =	shalt  }
0x84: {  	_ =	shalt  }
0x85: {  	_ =	shalt  }
0x86: {  	_ =	shalt  }
0x87: {  	_ =	shalt  }
.Lfunc_end0:
.L_simem_size_0:
called_computation_lowered:
.L_overlay_start_0:
0x88: {  	s2 =	sld [smem:$0x3FD9]  }
0x89: {  	s3 =	sld [smem:$0x3FFE];
	_ =	sdelay $0x1  }
0x8a: {  	s1 =	srdreg.scid  }
0x8b: {  	s0 =	sand.u32 $0x1, s1  }
0x8c: {  	s18 =	sshll.u32 s0, $0xA;
	s2 =	sadd.s32 s3, s2  }
0x8d: {  	s2 =	sadd.s32 s2, s18  }
0x8e: {  	[smem:$0x3FC7] =	sst s2  }
0x8f: {  	_ = 	snop  }
0x90: {  	s2 =	sld [smem:$0x3FC9]  }
0x91: {  	s19 =	sld [smem:$0x3FD0];
	(tm) =	ssettm $0x1  }
0x92: {  	s4 =	sld [smem:$0x3FFB];
	_ =	sdelay $0x3  }
0x93: {  	_ =	strace s4  }
0x94: {  	s4 =	sld [smem:$0x3FFC];
	_ =	sdelay $0x3  }
0x95: {  	_ =	strace s4  }
0x96: {  	s4 =	sld [smem:$0x3FFD];
	_ =	sdelay $0x3  }
0x97: {  	_ =	strace s4  }
0x98: {  	_ =	strace $0x8FFFFFFF  }
0x99: {  	s20 =	sld [smem:$0x3FDB];
	_ =	sdelay $0x1  }
0x9a: {  	s5 =	simm.s32 $_scs_section_size  }
0x9b: {  	s6 =	simm.s32 $_size__tile_overlayer_lowered;
	s7 =	simm.s32 $_tile_overlayer_lowered  }
0x9c: {  	s23 =	simm.s32 $0x1BFF;
	s22 =	sshll.u32 s7, $0x1;
	s4 =	sadd.s32 s5, s20  }
0x9d: {  	s8 =	simm.s32 $0x0;
	s21 =	sshll.u32 s6, $0x1;
	s6 =	sadd.s32 s22, s4  }
0x9e: {  	[timem:s8], [sflag:s23] =	dma.local [hbm:s6], s21  }
0x9f: {  	_ =	swait.ge [sflag:s23], s21  }
0xa0: {  	s5 =	ssub.s32 $0x0, s21;
	[sflag:s23] =	ssyncset.done $0x0  }
0xa1: {  	[sflag:s23] =	ssyncadd.s32 s5;
	_ =	sdelay $0x1  }
0xa2: {  	s24 =	simm.s32 $0x1B8B  }
0xa3: {  	_ =	swait.ge [sflag:s24], $0x1  }
0xa4: {  	[sflag:s24] =	ssyncset.done $0x0  }
0xa5: {  	s25 =	simm.s32 $0x1B8E;
	[sflag:s24] =	ssyncadd.s32 $0xFFFFFFFF  }
0xa6: {  	s26 =	simm.s32 $execute0_lowered;
	[smem:$0x3FD2] =	sst s25  }
0xa7: {  	s5 =	sshll.u32 s26, $0x1;
	_ =	strace $0x80000046;
	[dreg:$0x1] =	wrdreg $0xFFFFFFFF  }
0xa8: {  	s28 =	simm.s32 $_size_execute0_lowered;
	s4 =	sadd.s32 s4, s5;
	[dreg:$0x0] =	wrdreg $0x0  }
0xa9: {  	s5 =	sshll.u32 s28, $0x1;
	[dreg:$0x2] =	wrdreg s4  }
0xaa: {  	[dreg:$0x3] =	wrdreg s5  }
0xab: {  	[dreg:$0x4] =	wrdreg $0xC0  }
0xac: {  	_ =	task [dreg:s8], $0x5FFFF  }
0xad: {  	[dreg:$0x1] =	wrdreg $0xFFFFFFFF  }
0xae: {  	[dreg:$0x0] =	wrdreg $0x60  }
0xaf: {  	[dreg:$0x2] =	wrdreg s2  }
0xb0: {  	[dreg:$0x3] =	wrdreg s19  }
0xb1: {  	[dreg:$0x4] =	wrdreg $0x9  }
0xb2: {  	_ =	task.clear_ibuf [dreg:s8], $0x5FFFF;
	_ =	strace $0x90000046  }
0xb3: {  	s29 =	simm.s32 $0x9;
	_ =	strace $0x80000048  }
0xb4: {  	_ =	swait.ge [sflag:s29], $0x1  }
0xb5: {  	[sflag:s29] =	ssyncadd.s32 $0xFFFFFFFF  }
0xb6: {  	_ =	strace $0x90000048  }
0xb7: {  	_ =	sfence  }
0xb8: {  	s30 =	sld [smem:$0x0];
	_ =	sdelay $0x2  }
0xb9: {  	s31 =	sshll.u32 s1, $0xD;
	s1 =	sshrl.u32 s1, $0x2  }
0xba: {  	s3 =	sand.u32 $0x4000, s31;
	s1 =	sadd.s32 s1, s30  }
0xbb: {  	s0 =	sor.u32 s3, s0;
	s1 =	sshll.u32 s1, $0x11  }
0xbc: {  	s0 =	sor.u32 s1, s0  }
0xbd: {  	s0 =	sadd.s32 $0x8F2B, s0  }
0xbe: {  	[sflag:s0] =	ssyncadd.remote.s32 $0x1  }
0xbf: {  	_ =	sfence.sel $0xFFFF  }
0xc0: {  	[dreg:$0x0] =	wrdreg $0xFFFFFFFF;
	(pc) =	sbr.abs _section_cstart, $3  }
0xc1: {  	[dreg:$0x1] =	wrdreg $0xFFFFFFFF  }
0xc2: {  	_ =	task.clear_ibuf [dreg:s8], $0x2FFFF;
	_ =	strace $0x9FFFFFFF  }
0xc3: {  	(tm) =	ssettm $0x7FFFFFFF  }
tec
execute0_lowered:
.L_overlay_start_1:
0x0: {  	(tag) =	ssettag $0x1  }
0x1: {  	v0 =	vimm.s32 $0x2780;
	vm14 =	vcmask $0x300  }
0x2: {  	vm13 =	vcmask $0x704;
	v0 =	vsel vm14, $0x0, v0  }
0x3: {  	vm12 =	vcmask $0xB08;
	v0 =	vsel vm13, $0x80, v0  }
0x4: {  	vm11 =	vcmask $0xF0C;
	v0 =	vsel vm12, $0x100, v0  }
0x5: {  	vm10 =	vcmask $0x1310;
	v0 =	vsel vm11, $0x180, v0  }
0x6: {  	vm9 =	vcmask $0x1714;
	v0 =	vsel vm10, $0x200, v0  }
0x7: {  	vm8 =	vcmask $0x1B18;
	v0 =	vsel vm9, $0x280, v0  }
0x8: {  	vm7 =	vcmask $0x1F1C;
	v0 =	vsel vm8, $0x300, v0  }
0x9: {  	vm6 =	vcmask $0x2320;
	v0 =	vsel vm7, $0x380, v0  }
0xa: {  	vm5 =	vcmask $0x2724;
	v0 =	vsel vm6, $0x2400, v0  }
0xb: {  	vm4 =	vcmask $0x2B28;
	v0 =	vsel vm5, $0x2480, v0  }
0xc: {  	vm3 =	vcmask $0x2F2C;
	v0 =	vsel vm4, $0x2500, v0  }
0xd: {  	vm2 =	vcmask $0x3330;
	v0 =	vsel vm3, $0x2580, v0  }
0xe: {  	vm1 =	vcmask $0x3734;
	v1 =	vimm.s32 $0x2781;
	v0 =	vsel vm2, $0x2600, v0  }
0xf: {  	vm0 =	vcmask $0x3B38;
	v1 =	vsel vm14, $0x1, v1;
	v0 =	vsel vm1, $0x2680, v0  }
0x10: {  	v41 =	vsel vm0, $0x2700, v0;
	v0 =	vsel vm13, $0x81, v1;
	v1 =	vimm.s32 $0x2782  }
0x11: {  	v2 =	vimm.s32 $0x2783;
	v0 =	vsel vm12, $0x101, v0;
	v1 =	vsel vm14, $0x2, v1  }
0x12: {  	v2 =	vsel vm14, $0x3, v2;
	v0 =	vsel vm11, $0x181, v0;
	v1 =	vsel vm13, $0x82, v1  }
0x13: {  	v2 =	vsel vm13, $0x83, v2;
	v0 =	vsel vm10, $0x201, v0;
	v1 =	vsel vm12, $0x102, v1  }
0x14: {  	v2 =	vsel vm12, $0x103, v2;
	v0 =	vsel vm9, $0x281, v0;
	v1 =	vsel vm11, $0x182, v1  }
0x15: {  	v2 =	vsel vm11, $0x183, v2;
	v0 =	vsel vm8, $0x301, v0;
	v1 =	vsel vm10, $0x202, v1  }
0x16: {  	v2 =	vsel vm10, $0x203, v2;
	v0 =	vsel vm7, $0x381, v0;
	v1 =	vsel vm9, $0x282, v1  }
0x17: {  	v2 =	vsel vm9, $0x283, v2;
	v0 =	vsel vm6, $0x2401, v0;
	v1 =	vsel vm8, $0x302, v1  }
0x18: {  	v2 =	vsel vm8, $0x303, v2;
	v0 =	vsel vm5, $0x2481, v0;
	v1 =	vsel vm7, $0x382, v1  }
0x19: {  	v2 =	vsel vm7, $0x383, v2;
	v0 =	vsel vm4, $0x2501, v0;
	v1 =	vsel vm6, $0x2402, v1  }
0x1a: {  	v2 =	vsel vm6, $0x2403, v2;
	v0 =	vsel vm3, $0x2581, v0;
	v1 =	vsel vm5, $0x2482, v1  }
0x1b: {  	v2 =	vsel vm5, $0x2483, v2;
	v0 =	vsel vm2, $0x2601, v0;
	v1 =	vsel vm4, $0x2502, v1  }
0x1c: {  	v2 =	vsel vm4, $0x2503, v2;
	v0 =	vsel vm1, $0x2681, v0;
	v1 =	vsel vm3, $0x2582, v1  }
0x1d: {  	v42 =	vsel vm0, $0x2701, v0;
	v0 =	vsel vm2, $0x2602, v1;
	v1 =	vsel vm3, $0x2583, v2  }
0x1e: {  	v2 =	vimm.s32 $0x2784;
	v0 =	vsel vm1, $0x2682, v0;
	v1 =	vsel vm2, $0x2603, v1  }
0x1f: {  	v43 =	vsel vm0, $0x2702, v0;
	v0 =	vsel vm1, $0x2683, v1;
	v1 =	vsel vm14, $0x4, v2  }
0x20: {  	v44 =	vsel vm0, $0x2703, v0;
	v0 =	vsel vm13, $0x84, v1;
	v1 =	vimm.s32 $0x2785  }
0x21: {  	v2 =	vimm.s32 $0x2786;
	v0 =	vsel vm12, $0x104, v0;
	v1 =	vsel vm14, $0x5, v1  }
0x22: {  	v2 =	vsel vm14, $0x6, v2;
	v0 =	vsel vm11, $0x184, v0;
	v1 =	vsel vm13, $0x85, v1  }
0x23: {  	v2 =	vsel vm13, $0x86, v2;
	v0 =	vsel vm10, $0x204, v0;
	v1 =	vsel vm12, $0x105, v1  }
0x24: {  	v2 =	vsel vm12, $0x106, v2;
	v0 =	vsel vm9, $0x284, v0;
	v1 =	vsel vm11, $0x185, v1  }
0x25: {  	v2 =	vsel vm11, $0x186, v2;
	v0 =	vsel vm8, $0x304, v0;
	v1 =	vsel vm10, $0x205, v1  }
0x26: {  	v2 =	vsel vm10, $0x206, v2;
	v0 =	vsel vm7, $0x384, v0;
	v1 =	vsel vm9, $0x285, v1  }
0x27: {  	v2 =	vsel vm9, $0x286, v2;
	v0 =	vsel vm6, $0x2404, v0;
	v1 =	vsel vm8, $0x305, v1  }
0x28: {  	v2 =	vsel vm8, $0x306, v2;
	v0 =	vsel vm5, $0x2484, v0;
	v1 =	vsel vm7, $0x385, v1  }
0x29: {  	v2 =	vsel vm7, $0x386, v2;
	v0 =	vsel vm4, $0x2504, v0;
	v1 =	vsel vm6, $0x2405, v1  }
0x2a: {  	v2 =	vsel vm6, $0x2406, v2;
	v0 =	vsel vm3, $0x2584, v0;
	v1 =	vsel vm5, $0x2485, v1  }
0x2b: {  	v2 =	vsel vm5, $0x2486, v2;
	v0 =	vsel vm2, $0x2604, v0;
	v1 =	vsel vm4, $0x2505, v1  }
0x2c: {  	v2 =	vsel vm4, $0x2506, v2;
	v0 =	vsel vm1, $0x2684, v0;
	v1 =	vsel vm3, $0x2585, v1  }
0x2d: {  	v45 =	vsel vm0, $0x2704, v0;
	v0 =	vsel vm2, $0x2605, v1;
	v1 =	vsel vm3, $0x2586, v2  }
0x2e: {  	v2 =	vimm.s32 $0x2787;
	v0 =	vsel vm1, $0x2685, v0;
	v1 =	vsel vm2, $0x2606, v1  }
0x2f: {  	v46 =	vsel vm0, $0x2705, v0;
	v0 =	vsel vm1, $0x2686, v1;
	v1 =	vsel vm14, $0x7, v2  }
0x30: {  	v47 =	vsel vm0, $0x2706, v0;
	v0 =	vsel vm13, $0x87, v1;
	v1 =	vimm.s32 $0x2788  }
0x31: {  	v2 =	vimm.s32 $0x2789;
	v0 =	vsel vm12, $0x107, v0;
	v1 =	vsel vm14, $0x8, v1  }
0x32: {  	v2 =	vsel vm14, $0x9, v2;
	v0 =	vsel vm11, $0x187, v0;
	v1 =	vsel vm13, $0x88, v1  }
0x33: {  	v2 =	vsel vm13, $0x89, v2;
	v0 =	vsel vm10, $0x207, v0;
	v1 =	vsel vm12, $0x108, v1  }
0x34: {  	v2 =	vsel vm12, $0x109, v2;
	v0 =	vsel vm9, $0x287, v0;
	v1 =	vsel vm11, $0x188, v1  }
0x35: {  	v2 =	vsel vm11, $0x189, v2;
	v0 =	vsel vm8, $0x307, v0;
	v1 =	vsel vm10, $0x208, v1  }
0x36: {  	v2 =	vsel vm10, $0x209, v2;
	v0 =	vsel vm7, $0x387, v0;
	v1 =	vsel vm9, $0x288, v1  }
0x37: {  	v2 =	vsel vm9, $0x289, v2;
	v0 =	vsel vm6, $0x2407, v0;
	v1 =	vsel vm8, $0x308, v1  }
0x38: {  	v2 =	vsel vm8, $0x309, v2;
	v0 =	vsel vm5, $0x2487, v0;
	v1 =	vsel vm7, $0x388, v1  }
0x39: {  	v2 =	vsel vm7, $0x389, v2;
	v0 =	vsel vm4, $0x2507, v0;
	v1 =	vsel vm6, $0x2408, v1  }
0x3a: {  	v2 =	vsel vm6, $0x2409, v2;
	v0 =	vsel vm3, $0x2587, v0;
	v1 =	vsel vm5, $0x2488, v1  }
0x3b: {  	v2 =	vsel vm5, $0x2489, v2;
	v0 =	vsel vm2, $0x2607, v0;
	v1 =	vsel vm4, $0x2508, v1  }
0x3c: {  	v2 =	vsel vm4, $0x2509, v2;
	v0 =	vsel vm1, $0x2687, v0;
	v1 =	vsel vm3, $0x2588, v1  }
0x3d: {  	v48 =	vsel vm0, $0x2707, v0;
	v0 =	vsel vm2, $0x2608, v1;
	v1 =	vsel vm3, $0x2589, v2  }
0x3e: {  	v2 =	vimm.s32 $0x278A;
	v0 =	vsel vm1, $0x2688, v0;
	v1 =	vsel vm2, $0x2609, v1  }
0x3f: {  	v49 =	vsel vm0, $0x2708, v0;
	v0 =	vsel vm1, $0x2689, v1;
	v1 =	vsel vm14, $0xA, v2  }
0x40: {  	v50 =	vsel vm0, $0x2709, v0;
	v0 =	vsel vm13, $0x8A, v1;
	v1 =	vimm.s32 $0x278B  }
0x41: {  	v2 =	vimm.s32 $0x278C;
	v0 =	vsel vm12, $0x10A, v0;
	v1 =	vsel vm14, $0xB, v1  }
0x42: {  	v2 =	vsel vm14, $0xC, v2;
	v0 =	vsel vm11, $0x18A, v0;
	v1 =	vsel vm13, $0x8B, v1  }
0x43: {  	v2 =	vsel vm13, $0x8C, v2;
	v0 =	vsel vm10, $0x20A, v0;
	v1 =	vsel vm12, $0x10B, v1  }
0x44: {  	v2 =	vsel vm12, $0x10C, v2;
	v0 =	vsel vm9, $0x28A, v0;
	v1 =	vsel vm11, $0x18B, v1  }
0x45: {  	v2 =	vsel vm11, $0x18C, v2;
	v0 =	vsel vm8, $0x30A, v0;
	v1 =	vsel vm10, $0x20B, v1  }
0x46: {  	v2 =	vsel vm10, $0x20C, v2;
	v0 =	vsel vm7, $0x38A, v0;
	v1 =	vsel vm9, $0x28B, v1  }
0x47: {  	v2 =	vsel vm9, $0x28C, v2;
	v0 =	vsel vm6, $0x240A, v0;
	v1 =	vsel vm8, $0x30B, v1  }
0x48: {  	v2 =	vsel vm8, $0x30C, v2;
	v0 =	vsel vm5, $0x248A, v0;
	v1 =	vsel vm7, $0x38B, v1  }
0x49: {  	v2 =	vsel vm7, $0x38C, v2;
	v0 =	vsel vm4, $0x250A, v0;
	v1 =	vsel vm6, $0x240B, v1  }
0x4a: {  	v2 =	vsel vm6, $0x240C, v2;
	v0 =	vsel vm3, $0x258A, v0;
	v1 =	vsel vm5, $0x248B, v1  }
0x4b: {  	v2 =	vsel vm5, $0x248C, v2;
	v0 =	vsel vm2, $0x260A, v0;
	v1 =	vsel vm4, $0x250B, v1  }
0x4c: {  	v2 =	vsel vm4, $0x250C, v2;
	v0 =	vsel vm1, $0x268A, v0;
	v1 =	vsel vm3, $0x258B, v1  }
0x4d: {  	v51 =	vsel vm0, $0x270A, v0;
	v0 =	vsel vm2, $0x260B, v1;
	v1 =	vsel vm3, $0x258C, v2  }
0x4e: {  	v2 =	vimm.s32 $0x278D;
	v0 =	vsel vm1, $0x268B, v0;
	v1 =	vsel vm2, $0x260C, v1  }
0x4f: {  	v52 =	vsel vm0, $0x270B, v0;
	v0 =	vsel vm1, $0x268C, v1;
	v1 =	vsel vm14, $0xD, v2  }
0x50: {  	v53 =	vsel vm0, $0x270C, v0;
	v0 =	vsel vm13, $0x8D, v1;
	v1 =	vimm.s32 $0x278E  }
0x51: {  	v2 =	vimm.s32 $0x278F;
	v0 =	vsel vm12, $0x10D, v0;
	v1 =	vsel vm14, $0xE, v1  }
0x52: {  	v2 =	vsel vm14, $0xF, v2;
	v0 =	vsel vm11, $0x18D, v0;
	v1 =	vsel vm13, $0x8E, v1  }
0x53: {  	v2 =	vsel vm13, $0x8F, v2;
	v0 =	vsel vm10, $0x20D, v0;
	v1 =	vsel vm12, $0x10E, v1  }
0x54: {  	v2 =	vsel vm12, $0x10F, v2;
	v0 =	vsel vm9, $0x28D, v0;
	v1 =	vsel vm11, $0x18E, v1  }
0x55: {  	v2 =	vsel vm11, $0x18F, v2;
	v0 =	vsel vm8, $0x30D, v0;
	v1 =	vsel vm10, $0x20E, v1  }
0x56: {  	v2 =	vsel vm10, $0x20F, v2;
	v0 =	vsel vm7, $0x38D, v0;
	v1 =	vsel vm9, $0x28E, v1  }
0x57: {  	v2 =	vsel vm9, $0x28F, v2;
	v0 =	vsel vm6, $0x240D, v0;
	v1 =	vsel vm8, $0x30E, v1  }
0x58: {  	v2 =	vsel vm8, $0x30F, v2;
	v0 =	vsel vm5, $0x248D, v0;
	v1 =	vsel vm7, $0x38E, v1  }
0x59: {  	v2 =	vsel vm7, $0x38F, v2;
	v0 =	vsel vm4, $0x250D, v0;
	v1 =	vsel vm6, $0x240E, v1  }
0x5a: {  	v2 =	vsel vm6, $0x240F, v2;
	v0 =	vsel vm3, $0x258D, v0;
	v1 =	vsel vm5, $0x248E, v1  }
0x5b: {  	v2 =	vsel vm5, $0x248F, v2;
	v0 =	vsel vm2, $0x260D, v0;
	v1 =	vsel vm4, $0x250E, v1  }
0x5c: {  	v2 =	vsel vm4, $0x250F, v2;
	v0 =	vsel vm1, $0x268D, v0;
	v1 =	vsel vm3, $0x258E, v1  }
0x5d: {  	v54 =	vsel vm0, $0x270D, v0;
	v0 =	vsel vm2, $0x260E, v1;
	v1 =	vsel vm3, $0x258F, v2  }
0x5e: {  	v0 =	vsel vm1, $0x268E, v0;
	v1 =	vsel vm2, $0x260F, v1  }
0x5f: {  	v2 =	vlaneseq.u32;
	v55 =	vsel vm0, $0x270E, v0;
	v0 =	vsel vm1, $0x268F, v1  }
0x60: {  	v56 =	vsel vm0, $0x270F, v0;
	v0 =	vand.u32 $0x7, v2  }
0x61: {  	v1 =	vshrl.u32 v2, $0x3;
	v17 =	vmul.u32 $0x10, v0;
	v0 =	vimm.s32 $0x2790  }
0x62: {  	v16 =	vmul.u32 $0x80, v1;
	v2 =	vimm.s32 $0x2792;
	v0 =	vsel vm14, $0x10, v0  }
0x63: {  	v1 =	vimm.s32 $0x2791;
	v2 =	vsel vm14, $0x12, v2;
	v0 =	vsel vm13, $0x90, v0  }
0x64: {  	v1 =	vsel vm14, $0x11, v1;
	v2 =	vsel vm13, $0x92, v2;
	v0 =	vsel vm12, $0x110, v0  }
0x65: {  	v1 =	vsel vm13, $0x91, v1;
	v2 =	vsel vm12, $0x112, v2;
	v0 =	vsel vm11, $0x190, v0  }
0x66: {  	v1 =	vsel vm12, $0x111, v1;
	v2 =	vsel vm11, $0x192, v2;
	v0 =	vsel vm10, $0x210, v0  }
0x67: {  	v1 =	vsel vm11, $0x191, v1;
	v2 =	vsel vm10, $0x212, v2;
	v0 =	vsel vm9, $0x290, v0  }
0x68: {  	v1 =	vsel vm10, $0x211, v1;
	v2 =	vsel vm9, $0x292, v2;
	v0 =	vsel vm8, $0x310, v0  }
0x69: {  	v1 =	vsel vm9, $0x291, v1;
	v2 =	vsel vm8, $0x312, v2;
	v0 =	vsel vm7, $0x390, v0  }
0x6a: {  	v1 =	vsel vm8, $0x311, v1;
	v2 =	vsel vm7, $0x392, v2;
	v0 =	vsel vm6, $0x2410, v0  }
0x6b: {  	v1 =	vsel vm7, $0x391, v1;
	v2 =	vsel vm6, $0x2412, v2;
	v0 =	vsel vm5, $0x2490, v0  }
0x6c: {  	v1 =	vsel vm6, $0x2411, v1;
	v2 =	vsel vm5, $0x2492, v2;
	v0 =	vsel vm4, $0x2510, v0  }
0x6d: {  	v1 =	vsel vm5, $0x2491, v1;
	v2 =	vsel vm4, $0x2512, v2;
	v0 =	vsel vm3, $0x2590, v0  }
0x6e: {  	v1 =	vsel vm4, $0x2511, v1;
	v2 =	vsel vm3, $0x2592, v2;
	v0 =	vsel vm2, $0x2610, v0  }
0x6f: {  	v1 =	vsel vm3, $0x2591, v1;
	v2 =	vsel vm2, $0x2612, v2;
	v0 =	vsel vm1, $0x2690, v0  }
0x70: {  	v1 =	vsel vm2, $0x2611, v1;
	v19 =	vsel vm0, $0x2710, v0;
	v0 =	vsel vm1, $0x2692, v2  }
0x71: {  	v1 =	vsel vm1, $0x2691, v1;
	v21 =	vsel vm0, $0x2712, v0;
	v0 =	vimm.s32 $0x2793  }
0x72: {  	v20 =	vsel vm0, $0x2711, v1;
	v2 =	vimm.s32 $0x2795;
	v0 =	vsel vm14, $0x13, v0  }
0x73: {  	v1 =	vimm.s32 $0x2794;
	v2 =	vsel vm14, $0x15, v2;
	v0 =	vsel vm13, $0x93, v0  }
0x74: {  	v1 =	vsel vm14, $0x14, v1;
	v2 =	vsel vm13, $0x95, v2;
	v0 =	vsel vm12, $0x113, v0  }
0x75: {  	v1 =	vsel vm13, $0x94, v1;
	v2 =	vsel vm12, $0x115, v2;
	v0 =	vsel vm11, $0x193, v0  }
0x76: {  	v1 =	vsel vm12, $0x114, v1;
	v2 =	vsel vm11, $0x195, v2;
	v0 =	vsel vm10, $0x213, v0  }
0x77: {  	v1 =	vsel vm11, $0x194, v1;
	v2 =	vsel vm10, $0x215, v2;
	v0 =	vsel vm9, $0x293, v0  }
0x78: {  	v1 =	vsel vm10, $0x214, v1;
	v2 =	vsel vm9, $0x295, v2;
	v0 =	vsel vm8, $0x313, v0  }
0x79: {  	v1 =	vsel vm9, $0x294, v1;
	v2 =	vsel vm8, $0x315, v2;
	v0 =	vsel vm7, $0x393, v0  }
0x7a: {  	v1 =	vsel vm8, $0x314, v1;
	v2 =	vsel vm7, $0x395, v2;
	v0 =	vsel vm6, $0x2413, v0  }
0x7b: {  	v1 =	vsel vm7, $0x394, v1;
	v2 =	vsel vm6, $0x2415, v2;
	v0 =	vsel vm5, $0x2493, v0  }
0x7c: {  	v1 =	vsel vm6, $0x2414, v1;
	v2 =	vsel vm5, $0x2495, v2;
	v0 =	vsel vm4, $0x2513, v0  }
0x7d: {  	v1 =	vsel vm5, $0x2494, v1;
	v2 =	vsel vm4, $0x2515, v2;
	v0 =	vsel vm3, $0x2593, v0  }
0x7e: {  	v1 =	vsel vm4, $0x2514, v1;
	v2 =	vsel vm3, $0x2595, v2;
	v0 =	vsel vm2, $0x2613, v0  }
0x7f: {  	v1 =	vsel vm3, $0x2594, v1;
	v2 =	vsel vm2, $0x2615, v2;
	v0 =	vsel vm1, $0x2693, v0  }
0x80: {  	v1 =	vsel vm2, $0x2614, v1;
	v60 =	vsel vm0, $0x2713, v0;
	v0 =	vsel vm1, $0x2695, v2  }
0x81: {  	v1 =	vsel vm1, $0x2694, v1;
	v58 =	vsel vm0, $0x2715, v0;
	v0 =	vimm.s32 $0x2796  }
0x82: {  	v59 =	vsel vm0, $0x2714, v1;
	v2 =	vimm.s32 $0x2798;
	v0 =	vsel vm14, $0x16, v0  }
0x83: {  	v1 =	vimm.s32 $0x2797;
	v2 =	vsel vm14, $0x18, v2;
	v0 =	vsel vm13, $0x96, v0  }
0x84: {  	v1 =	vsel vm14, $0x17, v1;
	v2 =	vsel vm13, $0x98, v2;
	v0 =	vsel vm12, $0x116, v0  }
0x85: {  	v1 =	vsel vm13, $0x97, v1;
	v2 =	vsel vm12, $0x118, v2;
	v0 =	vsel vm11, $0x196, v0  }
0x86: {  	v1 =	vsel vm12, $0x117, v1;
	v2 =	vsel vm11, $0x198, v2;
	v0 =	vsel vm10, $0x216, v0  }
0x87: {  	v1 =	vsel vm11, $0x197, v1;
	v2 =	vsel vm10, $0x218, v2;
	v0 =	vsel vm9, $0x296, v0  }
0x88: {  	v1 =	vsel vm10, $0x217, v1;
	v2 =	vsel vm9, $0x298, v2;
	v0 =	vsel vm8, $0x316, v0  }
0x89: {  	v1 =	vsel vm9, $0x297, v1;
	v2 =	vsel vm8, $0x318, v2;
	v0 =	vsel vm7, $0x396, v0  }
0x8a: {  	v1 =	vsel vm8, $0x317, v1;
	v2 =	vsel vm7, $0x398, v2;
	v0 =	vsel vm6, $0x2416, v0  }
0x8b: {  	v1 =	vsel vm7, $0x397, v1;
	v2 =	vsel vm6, $0x2418, v2;
	v0 =	vsel vm5, $0x2496, v0  }
0x8c: {  	v1 =	vsel vm6, $0x2417, v1;
	v2 =	vsel vm5, $0x2498, v2;
	v0 =	vsel vm4, $0x2516, v0  }
0x8d: {  	v1 =	vsel vm5, $0x2497, v1;
	v2 =	vsel vm4, $0x2518, v2;
	v0 =	vsel vm3, $0x2596, v0  }
0x8e: {  	v1 =	vsel vm4, $0x2517, v1;
	v2 =	vsel vm3, $0x2598, v2;
	v0 =	vsel vm2, $0x2616, v0  }
0x8f: {  	v1 =	vsel vm3, $0x2597, v1;
	v2 =	vsel vm2, $0x2618, v2;
	v0 =	vsel vm1, $0x2696, v0  }
0x90: {  	v1 =	vsel vm2, $0x2617, v1;
	v25 =	vsel vm0, $0x2716, v0;
	v0 =	vsel vm1, $0x2698, v2  }
0x91: {  	v1 =	vsel vm1, $0x2697, v1;
	v4 =	vsel vm0, $0x2718, v0;
	v0 =	vimm.s32 $0x2799  }
0x92: {  	v26 =	vsel vm0, $0x2717, v1;
	v2 =	vimm.s32 $0x279B;
	v0 =	vsel vm14, $0x19, v0  }
0x93: {  	v1 =	vimm.s32 $0x279A;
	v2 =	vsel vm14, $0x1B, v2;
	v0 =	vsel vm13, $0x99, v0  }
0x94: {  	v1 =	vsel vm14, $0x1A, v1;
	v2 =	vsel vm13, $0x9B, v2;
	v0 =	vsel vm12, $0x119, v0  }
0x95: {  	v1 =	vsel vm13, $0x9A, v1;
	v2 =	vsel vm12, $0x11B, v2;
	v0 =	vsel vm11, $0x199, v0  }
0x96: {  	v1 =	vsel vm12, $0x11A, v1;
	v2 =	vsel vm11, $0x19B, v2;
	v0 =	vsel vm10, $0x219, v0  }
0x97: {  	v1 =	vsel vm11, $0x19A, v1;
	v2 =	vsel vm10, $0x21B, v2;
	v0 =	vsel vm9, $0x299, v0  }
0x98: {  	v1 =	vsel vm10, $0x21A, v1;
	v2 =	vsel vm9, $0x29B, v2;
	v0 =	vsel vm8, $0x319, v0  }
0x99: {  	v1 =	vsel vm9, $0x29A, v1;
	v2 =	vsel vm8, $0x31B, v2;
	v0 =	vsel vm7, $0x399, v0  }
0x9a: {  	v1 =	vsel vm8, $0x31A, v1;
	v2 =	vsel vm7, $0x39B, v2;
	v0 =	vsel vm6, $0x2419, v0  }
0x9b: {  	v1 =	vsel vm7, $0x39A, v1;
	v2 =	vsel vm6, $0x241B, v2;
	v0 =	vsel vm5, $0x2499, v0  }
0x9c: {  	v1 =	vsel vm6, $0x241A, v1;
	v2 =	vsel vm5, $0x249B, v2;
	v0 =	vsel vm4, $0x2519, v0  }
0x9d: {  	v1 =	vsel vm5, $0x249A, v1;
	v2 =	vsel vm4, $0x251B, v2;
	v0 =	vsel vm3, $0x2599, v0  }
0x9e: {  	v1 =	vsel vm4, $0x251A, v1;
	v2 =	vsel vm3, $0x259B, v2;
	v0 =	vsel vm2, $0x2619, v0  }
0x9f: {  	v1 =	vsel vm3, $0x259A, v1;
	v2 =	vsel vm2, $0x261B, v2;
	v0 =	vsel vm1, $0x2699, v0  }
0xa0: {  	v1 =	vsel vm2, $0x261A, v1;
	v38 =	vsel vm0, $0x2719, v0;
	v0 =	vsel vm1, $0x269B, v2  }
0xa1: {  	v1 =	vsel vm1, $0x269A, v1;
	v40 =	vsel vm0, $0x271B, v0;
	v0 =	vimm.s32 $0x279C  }
0xa2: {  	v39 =	vsel vm0, $0x271A, v1;
	v1 =	vimm.s32 $0x279D;
	v0 =	vsel vm14, $0x1C, v0  }
0xa3: {  	v1 =	vsel vm14, $0x1D, v1;
	v0 =	vsel vm13, $0x9C, v0  }
0xa4: {  	v1 =	vsel vm13, $0x9D, v1;
	v2 =	vimm.s32 $0x279E;
	v0 =	vsel vm12, $0x11C, v0  }
0xa5: {  	v1 =	vsel vm12, $0x11D, v1;
	v2 =	vsel vm14, $0x1E, v2;
	v0 =	vsel vm11, $0x19C, v0  }
0xa6: {  	v1 =	vsel vm11, $0x19D, v1;
	v2 =	vsel vm13, $0x9E, v2;
	v0 =	vsel vm10, $0x21C, v0  }
0xa7: {  	v1 =	vsel vm10, $0x21D, v1;
	v2 =	vsel vm12, $0x11E, v2;
	v0 =	vsel vm9, $0x29C, v0  }
0xa8: {  	v1 =	vsel vm9, $0x29D, v1;
	v2 =	vsel vm11, $0x19E, v2;
	v0 =	vsel vm8, $0x31C, v0  }
0xa9: {  	v1 =	vsel vm8, $0x31D, v1;
	v2 =	vsel vm10, $0x21E, v2;
	v0 =	vsel vm7, $0x39C, v0  }
0xaa: {  	v1 =	vsel vm7, $0x39D, v1;
	v2 =	vsel vm9, $0x29E, v2;
	v0 =	vsel vm6, $0x241C, v0  }
0xab: {  	v1 =	vsel vm6, $0x241D, v1;
	v2 =	vsel vm8, $0x31E, v2;
	v0 =	vsel vm5, $0x249C, v0  }
0xac: {  	v1 =	vsel vm5, $0x249D, v1;
	v2 =	vsel vm7, $0x39E, v2;
	v0 =	vsel vm4, $0x251C, v0  }
0xad: {  	v1 =	vsel vm4, $0x251D, v1;
	v2 =	vsel vm6, $0x241E, v2;
	v0 =	vsel vm3, $0x259C, v0  }
0xae: {  	v1 =	vsel vm3, $0x259D, v1;
	v2 =	vsel vm5, $0x249E, v2;
	v0 =	vsel vm2, $0x261C, v0  }
0xaf: {  	v1 =	vsel vm2, $0x261D, v1;
	v2 =	vsel vm4, $0x251E, v2;
	v0 =	vsel vm1, $0x269C, v0  }
0xb0: {  	v1 =	vsel vm1, $0x269D, v1;
	v2 =	vsel vm3, $0x259E, v2;
	v0 =	vsel vm0, $0x271C, v0  }
0xb1: {  	v2 =	vsel vm2, $0x261E, v2;
	[tilespmem:$0x1FD00] =	vst v0;
	v0 =	vsel vm0, $0x271D, v1  }
0xb2: {  	[tilespmem:$0x1FD10] =	vst v0;
	v0 =	vsel vm1, $0x269E, v2  }
0xb3: {  	v0 =	vsel vm0, $0x271E, v0  }
0xb4: {  	[tilespmem:$0x1FD20] =	vst v0;
	v0 =	vimm.s32 $0x279F  }
0xb5: {  	v1 =	vimm.s32 $0x27A0;
	v0 =	vsel vm14, $0x1F, v0  }
0xb6: {  	v1 =	vsel vm14, $0x20, v1;
	v0 =	vsel vm13, $0x9F, v0  }
0xb7: {  	v2 =	vimm.s32 $0x27A1;
	v1 =	vsel vm13, $0xA0, v1;
	v0 =	vsel vm12, $0x11F, v0  }
0xb8: {  	v2 =	vsel vm14, $0x21, v2;
	v1 =	vsel vm12, $0x120, v1;
	v0 =	vsel vm11, $0x19F, v0  }
0xb9: {  	v2 =	vsel vm13, $0xA1, v2;
	v1 =	vsel vm11, $0x1A0, v1;
	v0 =	vsel vm10, $0x21F, v0  }
0xba: {  	v2 =	vsel vm12, $0x121, v2;
	v1 =	vsel vm10, $0x220, v1;
	v0 =	vsel vm9, $0x29F, v0  }
0xbb: {  	v2 =	vsel vm11, $0x1A1, v2;
	v1 =	vsel vm9, $0x2A0, v1;
	v0 =	vsel vm8, $0x31F, v0  }
0xbc: {  	v2 =	vsel vm10, $0x221, v2;
	v1 =	vsel vm8, $0x320, v1;
	v0 =	vsel vm7, $0x39F, v0  }
0xbd: {  	v2 =	vsel vm9, $0x2A1, v2;
	v1 =	vsel vm7, $0x3A0, v1;
	v0 =	vsel vm6, $0x241F, v0  }
0xbe: {  	v2 =	vsel vm8, $0x321, v2;
	v1 =	vsel vm6, $0x2420, v1;
	v0 =	vsel vm5, $0x249F, v0  }
0xbf: {  	v2 =	vsel vm7, $0x3A1, v2;
	v1 =	vsel vm5, $0x24A0, v1;
	v0 =	vsel vm4, $0x251F, v0  }
0xc0: {  	v2 =	vsel vm6, $0x2421, v2;
	v1 =	vsel vm4, $0x2520, v1;
	v0 =	vsel vm3, $0x259F, v0  }
0xc1: {  	v2 =	vsel vm5, $0x24A1, v2;
	v1 =	vsel vm3, $0x25A0, v1;
	v0 =	vsel vm2, $0x261F, v0  }
0xc2: {  	v2 =	vsel vm4, $0x2521, v2;
	v1 =	vsel vm2, $0x2620, v1;
	v0 =	vsel vm1, $0x269F, v0  }
0xc3: {  	v2 =	vsel vm3, $0x25A1, v2;
	v1 =	vsel vm1, $0x26A0, v1;
	v0 =	vsel vm0, $0x271F, v0  }
0xc4: {  	v2 =	vsel vm2, $0x2621, v2;
	[tilespmem:$0x1FD30] =	vst v0;
	v0 =	vsel vm0, $0x2720, v1  }
0xc5: {  	[tilespmem:$0x1FD40] =	vst v0;
	v0 =	vsel vm1, $0x26A1, v2  }
0xc6: {  	v0 =	vsel vm0, $0x2721, v0  }
0xc7: {  	[tilespmem:$0x1FD50] =	vst v0;
	v0 =	vimm.s32 $0x27A2  }
0xc8: {  	v1 =	vimm.s32 $0x27A3;
	v0 =	vsel vm14, $0x22, v0  }
0xc9: {  	v1 =	vsel vm14, $0x23, v1;
	v0 =	vsel vm13, $0xA2, v0  }
0xca: {  	v2 =	vimm.s32 $0x27A4;
	v1 =	vsel vm13, $0xA3, v1;
	v0 =	vsel vm12, $0x122, v0  }
0xcb: {  	v2 =	vsel vm14, $0x24, v2;
	v1 =	vsel vm12, $0x123, v1;
	v0 =	vsel vm11, $0x1A2, v0  }
0xcc: {  	v2 =	vsel vm13, $0xA4, v2;
	v1 =	vsel vm11, $0x1A3, v1;
	v0 =	vsel vm10, $0x222, v0  }
0xcd: {  	v2 =	vsel vm12, $0x124, v2;
	v1 =	vsel vm10, $0x223, v1;
	v0 =	vsel vm9, $0x2A2, v0  }
0xce: {  	v2 =	vsel vm11, $0x1A4, v2;
	v1 =	vsel vm9, $0x2A3, v1;
	v0 =	vsel vm8, $0x322, v0  }
0xcf: {  	v2 =	vsel vm10, $0x224, v2;
	v1 =	vsel vm8, $0x323, v1;
	v0 =	vsel vm7, $0x3A2, v0  }
0xd0: {  	v2 =	vsel vm9, $0x2A4, v2;
	v1 =	vsel vm7, $0x3A3, v1;
	v0 =	vsel vm6, $0x2422, v0  }
0xd1: {  	v2 =	vsel vm8, $0x324, v2;
	v1 =	vsel vm6, $0x2423, v1;
	v0 =	vsel vm5, $0x24A2, v0  }
0xd2: {  	v2 =	vsel vm7, $0x3A4, v2;
	v1 =	vsel vm5, $0x24A3, v1;
	v0 =	vsel vm4, $0x2522, v0  }
0xd3: {  	v2 =	vsel vm6, $0x2424, v2;
	v1 =	vsel vm4, $0x2523, v1;
	v0 =	vsel vm3, $0x25A2, v0  }
0xd4: {  	v2 =	vsel vm5, $0x24A4, v2;
	v1 =	vsel vm3, $0x25A3, v1;
	v0 =	vsel vm2, $0x2622, v0  }
0xd5: {  	v2 =	vsel vm4, $0x2524, v2;
	v1 =	vsel vm2, $0x2623, v1;
	v0 =	vsel vm1, $0x26A2, v0  }
0xd6: {  	v2 =	vsel vm3, $0x25A4, v2;
	v1 =	vsel vm1, $0x26A3, v1;
	v0 =	vsel vm0, $0x2722, v0  }
0xd7: {  	v2 =	vsel vm2, $0x2624, v2;
	[tilespmem:$0x1FD60] =	vst v0;
	v0 =	vsel vm0, $0x2723, v1  }
0xd8: {  	[tilespmem:$0x1FD70] =	vst v0;
	v0 =	vsel vm1, $0x26A4, v2  }
0xd9: {  	v0 =	vsel vm0, $0x2724, v0  }
0xda: {  	[tilespmem:$0x1FD80] =	vst v0;
	v0 =	vimm.s32 $0x27A5  }
0xdb: {  	v1 =	vimm.s32 $0x27A6;
	v0 =	vsel vm14, $0x25, v0  }
0xdc: {  	v1 =	vsel vm14, $0x26, v1;
	v0 =	vsel vm13, $0xA5, v0  }
0xdd: {  	v2 =	vimm.s32 $0x27A7;
	v1 =	vsel vm13, $0xA6, v1;
	v0 =	vsel vm12, $0x125, v0  }
0xde: {  	v2 =	vsel vm14, $0x27, v2;
	v1 =	vsel vm12, $0x126, v1;
	v0 =	vsel vm11, $0x1A5, v0  }
0xdf: {  	v2 =	vsel vm13, $0xA7, v2;
	v1 =	vsel vm11, $0x1A6, v1;
	v0 =	vsel vm10, $0x225, v0  }
0xe0: {  	v2 =	vsel vm12, $0x127, v2;
	v1 =	vsel vm10, $0x226, v1;
	v0 =	vsel vm9, $0x2A5, v0  }
0xe1: {  	v2 =	vsel vm11, $0x1A7, v2;
	v1 =	vsel vm9, $0x2A6, v1;
	v0 =	vsel vm8, $0x325, v0  }
0xe2: {  	v2 =	vsel vm10, $0x227, v2;
	v1 =	vsel vm8, $0x326, v1;
	v0 =	vsel vm7, $0x3A5, v0  }
0xe3: {  	v2 =	vsel vm9, $0x2A7, v2;
	v1 =	vsel vm7, $0x3A6, v1;
	v0 =	vsel vm6, $0x2425, v0  }
0xe4: {  	v2 =	vsel vm8, $0x327, v2;
	v1 =	vsel vm6, $0x2426, v1;
	v0 =	vsel vm5, $0x24A5, v0  }
0xe5: {  	v2 =	vsel vm7, $0x3A7, v2;
	v1 =	vsel vm5, $0x24A6, v1;
	v0 =	vsel vm4, $0x2525, v0  }
0xe6: {  	v2 =	vsel vm6, $0x2427, v2;
	v1 =	vsel vm4, $0x2526, v1;
	v0 =	vsel vm3, $0x25A5, v0  }
0xe7: {  	v2 =	vsel vm5, $0x24A7, v2;
	v1 =	vsel vm3, $0x25A6, v1;
	v0 =	vsel vm2, $0x2625, v0  }
0xe8: {  	v2 =	vsel vm4, $0x2527, v2;
	v1 =	vsel vm2, $0x2626, v1;
	v0 =	vsel vm1, $0x26A5, v0  }
0xe9: {  	v2 =	vsel vm3, $0x25A7, v2;
	v1 =	vsel vm1, $0x26A6, v1;
	v0 =	vsel vm0, $0x2725, v0  }
0xea: {  	v2 =	vsel vm2, $0x2627, v2;
	[tilespmem:$0x1FD90] =	vst v0;
	v0 =	vsel vm0, $0x2726, v1  }
0xeb: {  	[tilespmem:$0x1FDA0] =	vst v0;
	v0 =	vsel vm1, $0x26A7, v2  }
0xec: {  	v0 =	vsel vm0, $0x2727, v0  }
0xed: {  	[tilespmem:$0x1FDB0] =	vst v0;
	v0 =	vimm.s32 $0x27A8  }
0xee: {  	v1 =	vimm.s32 $0x27A9;
	v0 =	vsel vm14, $0x28, v0  }
0xef: {  	v1 =	vsel vm14, $0x29, v1;
	v0 =	vsel vm13, $0xA8, v0  }
0xf0: {  	v2 =	vimm.s32 $0x27AA;
	v1 =	vsel vm13, $0xA9, v1;
	v0 =	vsel vm12, $0x128, v0  }
0xf1: {  	v2 =	vsel vm14, $0x2A, v2;
	v1 =	vsel vm12, $0x129, v1;
	v0 =	vsel vm11, $0x1A8, v0  }
0xf2: {  	v2 =	vsel vm13, $0xAA, v2;
	v1 =	vsel vm11, $0x1A9, v1;
	v0 =	vsel vm10, $0x228, v0  }
0xf3: {  	v2 =	vsel vm12, $0x12A, v2;
	v1 =	vsel vm10, $0x229, v1;
	v0 =	vsel vm9, $0x2A8, v0  }
0xf4: {  	v2 =	vsel vm11, $0x1AA, v2;
	v1 =	vsel vm9, $0x2A9, v1;
	v0 =	vsel vm8, $0x328, v0  }
0xf5: {  	v2 =	vsel vm10, $0x22A, v2;
	v1 =	vsel vm8, $0x329, v1;
	v0 =	vsel vm7, $0x3A8, v0  }
0xf6: {  	v2 =	vsel vm9, $0x2AA, v2;
	v1 =	vsel vm7, $0x3A9, v1;
	v0 =	vsel vm6, $0x2428, v0  }
0xf7: {  	v2 =	vsel vm8, $0x32A, v2;
	v1 =	vsel vm6, $0x2429, v1;
	v0 =	vsel vm5, $0x24A8, v0  }
0xf8: {  	v2 =	vsel vm7, $0x3AA, v2;
	v1 =	vsel vm5, $0x24A9, v1;
	v0 =	vsel vm4, $0x2528, v0  }
0xf9: {  	v2 =	vsel vm6, $0x242A, v2;
	v1 =	vsel vm4, $0x2529, v1;
	v0 =	vsel vm3, $0x25A8, v0  }
0xfa: {  	v2 =	vsel vm5, $0x24AA, v2;
	v1 =	vsel vm3, $0x25A9, v1;
	v0 =	vsel vm2, $0x2628, v0  }
0xfb: {  	v2 =	vsel vm4, $0x252A, v2;
	v1 =	vsel vm2, $0x2629, v1;
	v0 =	vsel vm1, $0x26A8, v0  }
0xfc: {  	v2 =	vsel vm3, $0x25AA, v2;
	v1 =	vsel vm1, $0x26A9, v1;
	v0 =	vsel vm0, $0x2728, v0  }
0xfd: {  	v2 =	vsel vm2, $0x262A, v2;
	[tilespmem:$0x1FDC0] =	vst v0;
	v0 =	vsel vm0, $0x2729, v1  }
0xfe: {  	[tilespmem:$0x1FDD0] =	vst v0;
	v0 =	vsel vm1, $0x26AA, v2  }
0xff: {  	v0 =	vsel vm0, $0x272A, v0  }
0x100: {  	[tilespmem:$0x1FDE0] =	vst v0;
	v0 =	vimm.s32 $0x27AB  }
0x101: {  	v1 =	vimm.s32 $0x27AC;
	v0 =	vsel vm14, $0x2B, v0  }
0x102: {  	v1 =	vsel vm14, $0x2C, v1;
	v0 =	vsel vm13, $0xAB, v0  }
0x103: {  	v2 =	vimm.s32 $0x27AD;
	v1 =	vsel vm13, $0xAC, v1;
	v0 =	vsel vm12, $0x12B, v0  }
0x104: {  	v2 =	vsel vm14, $0x2D, v2;
	v1 =	vsel vm12, $0x12C, v1;
	v0 =	vsel vm11, $0x1AB, v0  }
0x105: {  	v2 =	vsel vm13, $0xAD, v2;
	v1 =	vsel vm11, $0x1AC, v1;
	v0 =	vsel vm10, $0x22B, v0  }
0x106: {  	v2 =	vsel vm12, $0x12D, v2;
	v1 =	vsel vm10, $0x22C, v1;
	v0 =	vsel vm9, $0x2AB, v0  }
0x107: {  	v2 =	vsel vm11, $0x1AD, v2;
	v1 =	vsel vm9, $0x2AC, v1;
	v0 =	vsel vm8, $0x32B, v0  }
0x108: {  	v2 =	vsel vm10, $0x22D, v2;
	v1 =	vsel vm8, $0x32C, v1;
	v0 =	vsel vm7, $0x3AB, v0  }
0x109: {  	v2 =	vsel vm9, $0x2AD, v2;
	v1 =	vsel vm7, $0x3AC, v1;
	v0 =	vsel vm6, $0x242B, v0  }
0x10a: {  	v2 =	vsel vm8, $0x32D, v2;
	v1 =	vsel vm6, $0x242C, v1;
	v0 =	vsel vm5, $0x24AB, v0  }
0x10b: {  	v2 =	vsel vm7, $0x3AD, v2;
	v1 =	vsel vm5, $0x24AC, v1;
	v0 =	vsel vm4, $0x252B, v0  }
0x10c: {  	v2 =	vsel vm6, $0x242D, v2;
	v1 =	vsel vm4, $0x252C, v1;
	v0 =	vsel vm3, $0x25AB, v0  }
0x10d: {  	v2 =	vsel vm5, $0x24AD, v2;
	v1 =	vsel vm3, $0x25AC, v1;
	v0 =	vsel vm2, $0x262B, v0  }
0x10e: {  	v2 =	vsel vm4, $0x252D, v2;
	v1 =	vsel vm2, $0x262C, v1;
	v0 =	vsel vm1, $0x26AB, v0  }
0x10f: {  	v2 =	vsel vm3, $0x25AD, v2;
	v1 =	vsel vm1, $0x26AC, v1;
	v0 =	vsel vm0, $0x272B, v0  }
0x110: {  	v2 =	vsel vm2, $0x262D, v2;
	[tilespmem:$0x1FDF0] =	vst v0;
	v0 =	vsel vm0, $0x272C, v1  }
0x111: {  	[tilespmem:$0x1FE00] =	vst v0;
	v0 =	vsel vm1, $0x26AD, v2  }
0x112: {  	v0 =	vsel vm0, $0x272D, v0  }
0x113: {  	[tilespmem:$0x1FE10] =	vst v0;
	v0 =	vimm.s32 $0x27AE  }
0x114: {  	v1 =	vimm.s32 $0x27AF;
	v0 =	vsel vm14, $0x2E, v0  }
0x115: {  	v1 =	vsel vm14, $0x2F, v1;
	v0 =	vsel vm13, $0xAE, v0  }
0x116: {  	v2 =	vimm.s32 $0x27B0;
	v1 =	vsel vm13, $0xAF, v1;
	v0 =	vsel vm12, $0x12E, v0  }
0x117: {  	v2 =	vsel vm14, $0x30, v2;
	v1 =	vsel vm12, $0x12F, v1;
	v0 =	vsel vm11, $0x1AE, v0  }
0x118: {  	v2 =	vsel vm13, $0xB0, v2;
	v1 =	vsel vm11, $0x1AF, v1;
	v0 =	vsel vm10, $0x22E, v0  }
0x119: {  	v2 =	vsel vm12, $0x130, v2;
	v1 =	vsel vm10, $0x22F, v1;
	v0 =	vsel vm9, $0x2AE, v0  }
0x11a: {  	v2 =	vsel vm11, $0x1B0, v2;
	v1 =	vsel vm9, $0x2AF, v1;
	v0 =	vsel vm8, $0x32E, v0  }
0x11b: {  	v2 =	vsel vm10, $0x230, v2;
	v1 =	vsel vm8, $0x32F, v1;
	v0 =	vsel vm7, $0x3AE, v0  }
0x11c: {  	v2 =	vsel vm9, $0x2B0, v2;
	v1 =	vsel vm7, $0x3AF, v1;
	v0 =	vsel vm6, $0x242E, v0  }
0x11d: {  	v2 =	vsel vm8, $0x330, v2;
	v1 =	vsel vm6, $0x242F, v1;
	v0 =	vsel vm5, $0x24AE, v0  }
0x11e: {  	v2 =	vsel vm7, $0x3B0, v2;
	v1 =	vsel vm5, $0x24AF, v1;
	v0 =	vsel vm4, $0x252E, v0  }
0x11f: {  	v2 =	vsel vm6, $0x2430, v2;
	v1 =	vsel vm4, $0x252F, v1;
	v0 =	vsel vm3, $0x25AE, v0  }
0x120: {  	v2 =	vsel vm5, $0x24B0, v2;
	v1 =	vsel vm3, $0x25AF, v1;
	v0 =	vsel vm2, $0x262E, v0  }
0x121: {  	v2 =	vsel vm4, $0x2530, v2;
	v1 =	vsel vm2, $0x262F, v1;
	v0 =	vsel vm1, $0x26AE, v0  }
0x122: {  	v2 =	vsel vm3, $0x25B0, v2;
	v1 =	vsel vm1, $0x26AF, v1;
	v0 =	vsel vm0, $0x272E, v0  }
0x123: {  	v2 =	vsel vm2, $0x2630, v2;
	[tilespmem:$0x1FE20] =	vst v0;
	v0 =	vsel vm0, $0x272F, v1  }
0x124: {  	[tilespmem:$0x1FE30] =	vst v0;
	v0 =	vsel vm1, $0x26B0, v2  }
0x125: {  	v57 =	vsel vm0, $0x2730, v0;
	v0 =	vimm.s32 $0x27B1  }
0x126: {  	v1 =	vimm.s32 $0x27B2;
	v0 =	vsel vm14, $0x31, v0  }
0x127: {  	v1 =	vsel vm14, $0x32, v1;
	v0 =	vsel vm13, $0xB1, v0  }
0x128: {  	v2 =	vimm.s32 $0x27B3;
	v1 =	vsel vm13, $0xB2, v1;
	v0 =	vsel vm12, $0x131, v0  }
0x129: {  	v2 =	vsel vm14, $0x33, v2;
	v1 =	vsel vm12, $0x132, v1;
	v0 =	vsel vm11, $0x1B1, v0  }
0x12a: {  	v2 =	vsel vm13, $0xB3, v2;
	v1 =	vsel vm11, $0x1B2, v1;
	v0 =	vsel vm10, $0x231, v0  }
0x12b: {  	v2 =	vsel vm12, $0x133, v2;
	v1 =	vsel vm10, $0x232, v1;
	v0 =	vsel vm9, $0x2B1, v0  }
0x12c: {  	v2 =	vsel vm11, $0x1B3, v2;
	v1 =	vsel vm9, $0x2B2, v1;
	v0 =	vsel vm8, $0x331, v0  }
0x12d: {  	v2 =	vsel vm10, $0x233, v2;
	v1 =	vsel vm8, $0x332, v1;
	v0 =	vsel vm7, $0x3B1, v0  }
0x12e: {  	v2 =	vsel vm9, $0x2B3, v2;
	v1 =	vsel vm7, $0x3B2, v1;
	v0 =	vsel vm6, $0x2431, v0  }
0x12f: {  	v2 =	vsel vm8, $0x333, v2;
	v1 =	vsel vm6, $0x2432, v1;
	v0 =	vsel vm5, $0x24B1, v0  }
0x130: {  	v2 =	vsel vm7, $0x3B3, v2;
	v1 =	vsel vm5, $0x24B2, v1;
	v0 =	vsel vm4, $0x2531, v0  }
0x131: {  	v2 =	vsel vm6, $0x2433, v2;
	v1 =	vsel vm4, $0x2532, v1;
	v0 =	vsel vm3, $0x25B1, v0  }
0x132: {  	v2 =	vsel vm5, $0x24B3, v2;
	v1 =	vsel vm3, $0x25B2, v1;
	v0 =	vsel vm2, $0x2631, v0  }
0x133: {  	v2 =	vsel vm4, $0x2533, v2;
	v1 =	vsel vm2, $0x2632, v1;
	v0 =	vsel vm1, $0x26B1, v0  }
0x134: {  	v2 =	vsel vm3, $0x25B3, v2;
	v1 =	vsel vm1, $0x26B2, v1;
	v0 =	vsel vm0, $0x2731, v0  }
0x135: {  	v2 =	vsel vm2, $0x2633, v2;
	[tilespmem:$0x1FE40] =	vst v0;
	v0 =	vsel vm0, $0x2732, v1  }
0x136: {  	[tilespmem:$0x1FE50] =	vst v0;
	v0 =	vsel vm1, $0x26B3, v2  }
0x137: {  	v0 =	vsel vm0, $0x2733, v0  }
0x138: {  	[tilespmem:$0x1FE60] =	vst v0;
	v0 =	vimm.s32 $0x27B4  }
0x139: {  	v1 =	vimm.s32 $0x27B5;
	v0 =	vsel vm14, $0x34, v0  }
0x13a: {  	v1 =	vsel vm14, $0x35, v1;
	v0 =	vsel vm13, $0xB4, v0  }
0x13b: {  	v2 =	vimm.s32 $0x27B6;
	v1 =	vsel vm13, $0xB5, v1;
	v0 =	vsel vm12, $0x134, v0  }
0x13c: {  	v2 =	vsel vm14, $0x36, v2;
	v1 =	vsel vm12, $0x135, v1;
	v0 =	vsel vm11, $0x1B4, v0  }
0x13d: {  	v2 =	vsel vm13, $0xB6, v2;
	v1 =	vsel vm11, $0x1B5, v1;
	v0 =	vsel vm10, $0x234, v0  }
0x13e: {  	v2 =	vsel vm12, $0x136, v2;
	v1 =	vsel vm10, $0x235, v1;
	v0 =	vsel vm9, $0x2B4, v0  }
0x13f: {  	v2 =	vsel vm11, $0x1B6, v2;
	v1 =	vsel vm9, $0x2B5, v1;
	v0 =	vsel vm8, $0x334, v0  }
0x140: {  	v2 =	vsel vm10, $0x236, v2;
	v1 =	vsel vm8, $0x335, v1;
	v0 =	vsel vm7, $0x3B4, v0  }
0x141: {  	v2 =	vsel vm9, $0x2B6, v2;
	v1 =	vsel vm7, $0x3B5, v1;
	v0 =	vsel vm6, $0x2434, v0  }
0x142: {  	v2 =	vsel vm8, $0x336, v2;
	v1 =	vsel vm6, $0x2435, v1;
	v0 =	vsel vm5, $0x24B4, v0  }
0x143: {  	v2 =	vsel vm7, $0x3B6, v2;
	v1 =	vsel vm5, $0x24B5, v1;
	v0 =	vsel vm4, $0x2534, v0  }
0x144: {  	v2 =	vsel vm6, $0x2436, v2;
	v1 =	vsel vm4, $0x2535, v1;
	v0 =	vsel vm3, $0x25B4, v0  }
0x145: {  	v2 =	vsel vm5, $0x24B6, v2;
	v1 =	vsel vm3, $0x25B5, v1;
	v0 =	vsel vm2, $0x2634, v0  }
0x146: {  	v2 =	vsel vm4, $0x2536, v2;
	v1 =	vsel vm2, $0x2635, v1;
	v0 =	vsel vm1, $0x26B4, v0  }
0x147: {  	v2 =	vsel vm3, $0x25B6, v2;
	v1 =	vsel vm1, $0x26B5, v1;
	v0 =	vsel vm0, $0x2734, v0  }
0x148: {  	v2 =	vsel vm2, $0x2636, v2;
	[tilespmem:$0x1FE70] =	vst v0;
	v0 =	vsel vm0, $0x2735, v1  }
0x149: {  	[tilespmem:$0x1FE80] =	vst v0;
	v0 =	vsel vm1, $0x26B6, v2  }
0x14a: {  	v0 =	vsel vm0, $0x2736, v0  }
0x14b: {  	[tilespmem:$0x1FE90] =	vst v0;
	v0 =	vimm.s32 $0x27B7  }
0x14c: {  	v1 =	vimm.s32 $0x27B8;
	v0 =	vsel vm14, $0x37, v0  }
0x14d: {  	v1 =	vsel vm14, $0x38, v1;
	v0 =	vsel vm13, $0xB7, v0  }
0x14e: {  	v2 =	vimm.s32 $0x27B9;
	v1 =	vsel vm13, $0xB8, v1;
	v0 =	vsel vm12, $0x137, v0  }
0x14f: {  	v2 =	vsel vm14, $0x39, v2;
	v1 =	vsel vm12, $0x138, v1;
	v0 =	vsel vm11, $0x1B7, v0  }
0x150: {  	v2 =	vsel vm13, $0xB9, v2;
	v1 =	vsel vm11, $0x1B8, v1;
	v0 =	vsel vm10, $0x237, v0  }
0x151: {  	v2 =	vsel vm12, $0x139, v2;
	v1 =	vsel vm10, $0x238, v1;
	v0 =	vsel vm9, $0x2B7, v0  }
0x152: {  	v2 =	vsel vm11, $0x1B9, v2;
	v1 =	vsel vm9, $0x2B8, v1;
	v0 =	vsel vm8, $0x337, v0  }
0x153: {  	v2 =	vsel vm10, $0x239, v2;
	v1 =	vsel vm8, $0x338, v1;
	v0 =	vsel vm7, $0x3B7, v0  }
0x154: {  	v2 =	vsel vm9, $0x2B9, v2;
	v1 =	vsel vm7, $0x3B8, v1;
	v0 =	vsel vm6, $0x2437, v0  }
0x155: {  	v2 =	vsel vm8, $0x339, v2;
	v1 =	vsel vm6, $0x2438, v1;
	v0 =	vsel vm5, $0x24B7, v0  }
0x156: {  	v2 =	vsel vm7, $0x3B9, v2;
	v1 =	vsel vm5, $0x24B8, v1;
	v0 =	vsel vm4, $0x2537, v0  }
0x157: {  	v2 =	vsel vm6, $0x2439, v2;
	v1 =	vsel vm4, $0x2538, v1;
	v0 =	vsel vm3, $0x25B7, v0  }
0x158: {  	v2 =	vsel vm5, $0x24B9, v2;
	v1 =	vsel vm3, $0x25B8, v1;
	v0 =	vsel vm2, $0x2637, v0  }
0x159: {  	v2 =	vsel vm4, $0x2539, v2;
	v1 =	vsel vm2, $0x2638, v1;
	v0 =	vsel vm1, $0x26B7, v0  }
0x15a: {  	v2 =	vsel vm3, $0x25B9, v2;
	v1 =	vsel vm1, $0x26B8, v1;
	v0 =	vsel vm0, $0x2737, v0  }
0x15b: {  	v2 =	vsel vm2, $0x2639, v2;
	[tilespmem:$0x1FEA0] =	vst v0;
	v0 =	vsel vm0, $0x2738, v1  }
0x15c: {  	[tilespmem:$0x1FEB0] =	vst v0;
	v0 =	vsel vm1, $0x26B9, v2  }
0x15d: {  	v0 =	vsel vm0, $0x2739, v0  }
0x15e: {  	[tilespmem:$0x1FEC0] =	vst v0;
	v0 =	vimm.s32 $0x27BA  }
0x15f: {  	v1 =	vimm.s32 $0x27BB;
	v0 =	vsel vm14, $0x3A, v0  }
0x160: {  	v1 =	vsel vm14, $0x3B, v1;
	v0 =	vsel vm13, $0xBA, v0  }
0x161: {  	v2 =	vimm.s32 $0x27BC;
	v1 =	vsel vm13, $0xBB, v1;
	v0 =	vsel vm12, $0x13A, v0  }
0x162: {  	v2 =	vsel vm14, $0x3C, v2;
	v1 =	vsel vm12, $0x13B, v1;
	v0 =	vsel vm11, $0x1BA, v0  }
0x163: {  	v2 =	vsel vm13, $0xBC, v2;
	v1 =	vsel vm11, $0x1BB, v1;
	v0 =	vsel vm10, $0x23A, v0  }
0x164: {  	v2 =	vsel vm12, $0x13C, v2;
	v1 =	vsel vm10, $0x23B, v1;
	v0 =	vsel vm9, $0x2BA, v0  }
0x165: {  	v2 =	vsel vm11, $0x1BC, v2;
	v1 =	vsel vm9, $0x2BB, v1;
	v0 =	vsel vm8, $0x33A, v0  }
0x166: {  	v2 =	vsel vm10, $0x23C, v2;
	v1 =	vsel vm8, $0x33B, v1;
	v0 =	vsel vm7, $0x3BA, v0  }
0x167: {  	v2 =	vsel vm9, $0x2BC, v2;
	v1 =	vsel vm7, $0x3BB, v1;
	v0 =	vsel vm6, $0x243A, v0  }
0x168: {  	v2 =	vsel vm8, $0x33C, v2;
	v1 =	vsel vm6, $0x243B, v1;
	v0 =	vsel vm5, $0x24BA, v0  }
0x169: {  	v2 =	vsel vm7, $0x3BC, v2;
	v1 =	vsel vm5, $0x24BB, v1;
	v0 =	vsel vm4, $0x253A, v0  }
0x16a: {  	v2 =	vsel vm6, $0x243C, v2;
	v1 =	vsel vm4, $0x253B, v1;
	v0 =	vsel vm3, $0x25BA, v0  }
0x16b: {  	v2 =	vsel vm5, $0x24BC, v2;
	v1 =	vsel vm3, $0x25BB, v1;
	v0 =	vsel vm2, $0x263A, v0  }
0x16c: {  	v2 =	vsel vm4, $0x253C, v2;
	v1 =	vsel vm2, $0x263B, v1;
	v0 =	vsel vm1, $0x26BA, v0  }
0x16d: {  	v2 =	vsel vm3, $0x25BC, v2;
	v1 =	vsel vm1, $0x26BB, v1;
	v0 =	vsel vm0, $0x273A, v0  }
0x16e: {  	v2 =	vsel vm2, $0x263C, v2;
	[tilespmem:$0x1FED0] =	vst v0;
	v0 =	vsel vm0, $0x273B, v1  }
0x16f: {  	[tilespmem:$0x1FEE0] =	vst v0;
	v0 =	vsel vm1, $0x26BC, v2  }
0x170: {  	v0 =	vsel vm0, $0x273C, v0  }
0x171: {  	[tilespmem:$0x1FEF0] =	vst v0;
	v0 =	vimm.s32 $0x27BD  }
0x172: {  	v1 =	vimm.s32 $0x27BE;
	v0 =	vsel vm14, $0x3D, v0  }
0x173: {  	v1 =	vsel vm14, $0x3E, v1;
	v2 =	vimm.s32 $0x27BF;
	v0 =	vsel vm13, $0xBD, v0  }
0x174: {  	v1 =	vsel vm13, $0xBE, v1;
	v2 =	vsel vm14, $0x3F, v2;
	v0 =	vsel vm12, $0x13D, v0  }
0x175: {  	v1 =	vsel vm12, $0x13E, v1;
	v2 =	vsel vm13, $0xBF, v2;
	v0 =	vsel vm11, $0x1BD, v0  }
0x176: {  	v1 =	vsel vm11, $0x1BE, v1;
	v2 =	vsel vm12, $0x13F, v2;
	v0 =	vsel vm10, $0x23D, v0  }
0x177: {  	v1 =	vsel vm10, $0x23E, v1;
	v2 =	vsel vm11, $0x1BF, v2;
	v0 =	vsel vm9, $0x2BD, v0  }
0x178: {  	v1 =	vsel vm9, $0x2BE, v1;
	v2 =	vsel vm10, $0x23F, v2;
	v0 =	vsel vm8, $0x33D, v0  }
0x179: {  	v1 =	vsel vm8, $0x33E, v1;
	v2 =	vsel vm9, $0x2BF, v2;
	v0 =	vsel vm7, $0x3BD, v0  }
0x17a: {  	v1 =	vsel vm7, $0x3BE, v1;
	v2 =	vsel vm8, $0x33F, v2;
	v0 =	vsel vm6, $0x243D, v0  }
0x17b: {  	v1 =	vsel vm6, $0x243E, v1;
	v2 =	vsel vm7, $0x3BF, v2;
	v0 =	vsel vm5, $0x24BD, v0  }
0x17c: {  	v1 =	vsel vm5, $0x24BE, v1;
	v2 =	vsel vm6, $0x243F, v2;
	v0 =	vsel vm4, $0x253D, v0  }
0x17d: {  	v1 =	vsel vm4, $0x253E, v1;
	v2 =	vsel vm5, $0x24BF, v2;
	v0 =	vsel vm3, $0x25BD, v0  }
0x17e: {  	s0 =	rddreg [dreg:$0x0];
	v1 =	vsel vm3, $0x25BE, v1;
	v2 =	vsel vm4, $0x253F, v2;
	v0 =	vsel vm2, $0x263D, v0  }
0x17f: {  	s2 =	srdreg.scid;
	s1 =	stileid.u32;
	v1 =	vsel vm2, $0x263E, v1;
	v2 =	vsel vm3, $0x25BF, v2;
	v0 =	vsel vm1, $0x26BD, v0  }
0x180: {  	s3 =	rddreg [dreg:$0x1];
	s4 =	sand.u32 $0x1, s2;
	s5 =	sshll.u32 s1, $0x1;
	v1 =	vsel vm1, $0x26BE, v1;
	v2 =	vsel vm2, $0x263F, v2;
	v0 =	vsel vm0, $0x273D, v0  }
0x181: {  	s6 =	ssub.s32 $0x2, s4;
	s4 =	sor.u32 s4, s5;
	s5 =	simm.s32 $0x0;
	[tilespmem:$0x1FF00] =	vst v0;
	v0 =	vsel vm0, $0x273E, v1;
	v1 =	vsel vm1, $0x26BF, v2  }
0x182: {  	[smem:$0x7FF] =	sst s5;
	[tilespmem:$0x1FF10] =	vst v0;
	v0 =	vsel vm0, $0x273F, v1  }
0x183: {  	s2 =	rddreg [dreg:$0x2];
	_ =	strace $0x80000047;
	[tilespmem:$0x1FF20] =	vst v0  }
0x184: {  	[tilespmem:$0x1FF30] =	vst v57  }
0x185: {  	[tilespmem:$0x1FF50] =	vst v26  }
0x186: {  	[tilespmem:$0x1FF60] =	vst v25  }
0x187: {  	[tilespmem:$0x1FF70] =	vst v58  }
0x188: {  	[tilespmem:$0x1FF80] =	vst v59  }
0x189: {  	[tilespmem:$0x1FF90] =	vst v60  }
0x18a: {  	[tilespmem:$0x1FFA0] =	vst v21  }
0x18b: {  	s9 =	simm.s32 $0x2400;
	[tilespmem:$0x1FFB0] =	vst v20  }
.Ltmp0:
0x18c: {  	s10 =	simm.s32 $0x1;
	s11 =	simm.s32 $0x9000;
	[tilespmem:$0x1FFC0] =	vst v19;
	(pc) =	sbr.rel .LBB2_1-.Ltmp0, $4  }
0x18d: {  	s12 =	simm.s32 $0x2;
	s13 =	simm.s32 $0x4800;
	s14 =	simm.s32 $0xD000;
	v3 =	vor.u32 $0x2, v17;
	v5 =	vor.u32 $0x4, v17;
	[tilespmem:$0x1FFD0] =	vst v38  }
0x18e: {  	s15 =	simm.s32 $0x3;
	s7 =	sshrl.u32 s6, $0x1;
	s8 =	sshll.u32 s4, $0xA;
	v6 =	vor.u32 $0x5, v17;
	v7 =	vor.u32 $0x6, v17;
	v8 =	vor.u32 $0x7, v17;
	[tilespmem:$0x1FFE0] =	vst v39  }
0x18f: {  	s16 =	simm.s32 $0x4;
	s7 =	ssub.s32 s6, s7;
	s6 =	sadd.s32 s0, s8;
	v9 =	vor.u32 $0x8, v17;
	v10 =	vor.u32 $0x9, v17;
	v11 =	vor.u32 $0xA, v17;
	[tilespmem:$0x1FFF0] =	vst v40;
	v1 =	vmovc v4  }
0x190: {  	s17 =	simm.s32 $0x0;
	s7 =	smax.u32 s7, $0x1;
	s8 =	sadd.s32 $0x18700, s6;
	v12 =	vor.u32 $0xB, v17;
	v2 =	vor.u32 $0x1, v17;
	v4 =	vor.u32 $0x3, v17;
	[tilespmem:$0x1FF40] =	vst v1  }
.LBB2_11:
0x191: {  	s17 =	sadd.s32 $0x1, s17  }
0x192: {  	_ =	swait.ge [sflag:s15], $0x4000;
	p0 =	sne.s32 s17, s7  }
.Ltmp1:
0x193: {  	[sflag:s15] =	ssyncset.done $0x0;
	(pc) =	sbr.rel @!p0 .LBB2_12-.Ltmp1, $4  }
0x194: {  	[sflag:s15] =	ssyncadd.s32 $0xFFFFC000  }
0x195: {  	_ =	swait.ge [sflag:s16], $0x4000  }
0x196: {  	[sflag:s16] =	ssyncset.done $0x0  }
0x197: {  	[sflag:s16] =	ssyncadd.s32 $0xFFFFC000  }
.LBB2_1:
.Ltmp2:
0x198: {  	(pc) =	sbr.rel .LBB2_2-.Ltmp2, $4  }
0x199: {  	_ = 	snop  }
0x19a: {  	[tilespmem:s5], [sflag:$0x1] =	stream.linear.gather [hbm4b:s6+s5], $0x2000, $0x38;
	[tilespmem:$0x11000] =	vst v63  }
0x19b: {  	s18 =	simm.s32 $0x0  }
0x19c: {  	[tilespmem:s9], [sflag:$0x1] =	stream.linear.gather [hbm4b:s8+s5], $0x2000, $0x38;
	[tilespmem:$0x11000] =	vst v63  }
.LBB2_10:
0x19d: {  	s18 =	sadd.s32 $0x1, s18  }
0x19e: {  	p0 =	sne.s32 s18, $0x28  }
.Ltmp3:
0x19f: {  	_ = 	snop;
	(pc) =	sbr.rel @!p0 .LBB2_11-.Ltmp3, $2  }
0x1a0: {  	_ =	sdelay $0x2  }
0x1a1: {  	v38 =	vmov v63;
	v39 =	vmov v62;
	v40 =	vmov v61  }
.LBB2_2:
0x1a2: {  	s19 =	sshll.u32 s18, $0x6  }
0x1a3: {  	s20 =	sor.u32 s4, s19  }
0x1a4: {  	s19 =	sor.u32 $0x20, s20  }
0x1a5: {  	p1 =	sgt.u32 s19, $0x9F3  }
0x1a6: {  	s21 =	sand.u32 @!p1 $0xFFFE, s19  }
0x1a7: {  	s21 =	sshrl.u32 @!p1 s21, $0x1  }
0x1a8: {  	s21 =	smul.u32 @!p1 $0xA73, s21;
	_ =	sdelay $0x1  }
0x1a9: {  	s21 =	sshrl.u32 @!p1 s21, $0x11  }
0x1aa: {  	s22 =	smul.u32 @!p1 $0x3FFF9E, s21;
	_ =	sdelay $0x1  }
0x1ab: {  	s22 =	sadd.s32 @!p1 s19, s22  }
0x1ac: {  	s22 =	sshll.u32 @!p1 s22, $0xA  }
0x1ad: {  	p0 =	slt.s32 @!p1 s22, $0x18300  }
0x1ae: {  	s21 =	smul.u32 @!p1 $0x30E00, s21;
	p0 =	por !p0, p1  }
0x1af: {  	s22 =	simm.s32 @p0 $0x18300  }
0x1b0: {  	s21 =	sadd.s32 @!p1 s21, s22  }
0x1b1: {  	s21 =	sand.u32 @!p1 $0x1FFFFF00, s21  }
0x1b2: {  	s23 =	simm.s32 @!p1 $0x4800;
	s22 =	simm.s32 @!p1 $0x0;
	s21 =	sadd.s32 @!p1 s0, s21  }
0x1b3: {  	[tilespmem:s23], [sflag:$0x2] =	stream.linear.gather @!p1 [hbm4b:s21+s22], $0x2000, $0x38;
	[tilespmem:$0x11000] =	vst v63  }
0x1b4: {  	s21 =	sadd.s32 @!p1 $0x18700, s21;
	s23 =	simm.s32 @!p1 $0x6C00  }
0x1b5: {  	[tilespmem:s23], [sflag:$0x2] =	stream.linear.gather @!p1 [hbm4b:s21+s22], $0x2000, $0x38;
	[tilespmem:$0x11000] =	vst v63  }
0x1b6: {  	_ =	swait.ge [sflag:s10], $0x4000  }
0x1b7: {  	p0 =	seq.s32 s18, $0x0;
	[sflag:s10] =	ssyncset.done $0x0  }
0x1b8: {  	s21 =	simm.s32 @!p0 $0x3;
	[sflag:s10] =	ssyncadd.s32 $0xFFFFC000  }
0x1b9: {  	_ =	swait.ge @!p0 [sflag:s21], $0x4000  }
0x1ba: {  	s24 =	simm.s32 $0x27F0;
	s22 =	simm.s32 $0x0;
	[sflag:s21] =	ssyncset.done @!p0 $0x0  }
0x1bb: {  	v57 =	vmov v25;
	v0 =	vmov v26;
	s23 =	simm.s32 $0x9200;
	[sflag:s21] =	ssyncadd.s32 @!p0 $0xFFFFC000;
	s21 =	simm.s32 $0xE  }
.LBB2_3:
0x1bc: {  	v13 =	vmov s22  }
0x1bd: {  	v13 =	vshrl.u32 v13, $0x7  }
0x1be: {  	v13 =	vshll.u32 v13, $0xA  }
0x1bf: {  	v13 =	vbroadcast v13, $0x0;
	_ =	sdelay $0x1  }
0x1c0: {  	v14 =	vadd.s32 v41, v13  }
0x1c1: {  	v15 =	vadd.s32 v42, v13  }
0x1c2: {  	v19 =	vadd.s32 v44, v13  }
0x1c3: {  	v20 =	vadd.s32 v45, v13  }
0x1c4: {  	v33 =	vld [tilespmem:s24+$0xFFFFD850];
	v18 =	vadd.s32 v43, v13  }
0x1c5: {  	v21 =	vadd.s32 v46, v13;
	v14 =	vld.idx.msk [tilespmem:v14+s5+$0x0], $0xffff  }
0x1c6: {  	v22 =	vadd.s32 v47, v13;
	v15 =	vld.idx.msk [tilespmem:v15+s5+$0x0], $0xffff  }
0x1c7: {  	v24 =	vld.idx.msk [tilespmem:v19+s5+$0x0], $0xffff;
	v19 =	vadd.s32 v49, v13  }
0x1c8: {  	v25 =	vld.idx.msk [tilespmem:v20+s5+$0x0], $0xffff;
	v20 =	vadd.s32 v50, v13  }
0x1c9: {  	v23 =	vadd.s32 v48, v13;
	v18 =	vld.idx.msk [tilespmem:v18+s5+$0x0], $0xffff  }
0x1ca: {  	v36 =	vadd.s32 v51, v13;
	v26 =	vld.idx.msk [tilespmem:v21+s5+$0x0], $0xffff  }
0x1cb: {  	s25 =	sadd.s32 $0xFFFFFFFA, s21;
	v37 =	vadd.s32 v52, v13;
	v27 =	vld.idx.msk [tilespmem:v22+s5+$0x0], $0xffff  }
0x1cc: {  	v29 =	vadd.s32 v53, v13;
	v28 =	vld.idx.msk [tilespmem:v19+s5+$0x0], $0xffff;
	v19 =	vmov s25  }
0x1cd: {  	v30 =	vld.idx.msk [tilespmem:v20+s5+$0x0], $0xffff;
	v20 =	vadd.s32 v54, v13;
	v19 =	vshll.u32 v19, $0x7  }
0x1ce: {  	v61 =	vadd.s32 v55, v13;
	v23 =	vld.idx.msk [tilespmem:v23+s5+$0x0], $0xffff;
	v19 =	vor.u32 v16, v19  }
0x1cf: {  	v62 =	vadd.s32 v56, v13;
	v31 =	vld.idx.msk [tilespmem:v36+s5+$0x0], $0xffff;
	v34 =	vor.u32 v17, v19  }
0x1d0: {  	v32 =	vld.idx.msk [tilespmem:v37+s5+$0x0], $0xffff  }
0x1d1: {  	s30 =	sadd.s32 $0xFFFFFFFC, s21;
	v29 =	vld.idx.msk [tilespmem:v29+s5+$0x0], $0xffff  }
0x1d2: {  	v35 =	vld.idx.msk [tilespmem:v20+s5+$0x0], $0xffff;
	v20 =	vmov s30  }
0x1d3: {  	v36 =	vld.idx.msk [tilespmem:v61+s5+$0x0], $0xffff;
	v20 =	vshll.u32 v20, $0x7  }
0x1d4: {  	v37 =	vld.idx.msk [tilespmem:v62+s5+$0x0], $0xffff;
	v20 =	vor.u32 v16, v20;
	[tilespmem:v34+s11+$0x0] =	vst.idx.msk $0xffff, v33  }
0x1d5: {  	v61 =	vor.u32 v17, v20;
	v63 =	vld [tilespmem:s24+$0xFFFFD860];
	_ =	sdelay $0x1  }
0x1d6: {  	s31 =	sadd.s32 $0xFFFFFFFE, s21  }
0x1d7: {  	v62 =	vmov s31  }
0x1d8: {  	v33 =	vshll.u32 v62, $0x7  }
0x1d9: {  	v21 =	vor.u32 v16, v33;
	[tilespmem:v61+s11+$0x0] =	vst.idx.msk $0xffff, v63  }
0x1da: {  	v33 =	vor.u32 v17, v21;
	v22 =	vld [tilespmem:s24+$0xFFFFD870];
	_ =	sdelay $0x2  }
0x1db: {  	v63 =	vmov s21  }
0x1dc: {  	v34 =	vshll.u32 v63, $0x7  }
0x1dd: {  	[tilespmem:v33+s11+$0x0] =	vst.idx.msk $0xffff, v22;
	v22 =	vor.u32 v16, v34  }
0x1de: {  	v33 =	vld [tilespmem:s24+$0xFFFFD880];
	v34 =	vor.u32 v17, v22;
	_ =	sdelay $0x4  }
0x1df: {  	[tilespmem:v34+s11+$0x0] =	vst.idx.msk $0xffff, v33  }
0x1e0: {  	v61 =	vor.u32 v2, v19;
	v33 =	vld [tilespmem:s24+$0xFFFFD8D0];
	_ =	sdelay $0x4  }
0x1e1: {  	[tilespmem:v61+s11+$0x0] =	vst.idx.msk $0xffff, v33  }
0x1e2: {  	v62 =	vor.u32 v2, v20;
	v33 =	vld [tilespmem:s24+$0xFFFFD8E0];
	_ =	sdelay $0x4  }
0x1e3: {  	[tilespmem:v62+s11+$0x0] =	vst.idx.msk $0xffff, v33  }
0x1e4: {  	v63 =	vor.u32 v2, v21;
	v33 =	vld [tilespmem:s24+$0xFFFFD8F0];
	_ =	sdelay $0x4  }
0x1e5: {  	[tilespmem:v63+s11+$0x0] =	vst.idx.msk $0xffff, v33  }
0x1e6: {  	v61 =	vor.u32 v2, v22;
	v33 =	vld [tilespmem:s24+$0xFFFFD900];
	_ =	sdelay $0x4  }
0x1e7: {  	[tilespmem:v61+s11+$0x0] =	vst.idx.msk $0xffff, v33  }
0x1e8: {  	v62 =	vor.u32 v3, v19;
	v33 =	vld [tilespmem:s24+$0xFFFFD950];
	_ =	sdelay $0x4  }
0x1e9: {  	[tilespmem:v62+s11+$0x0] =	vst.idx.msk $0xffff, v33  }
0x1ea: {  	v63 =	vor.u32 v3, v20;
	v33 =	vld [tilespmem:s24+$0xFFFFD960];
	_ =	sdelay $0x4  }
0x1eb: {  	[tilespmem:v63+s11+$0x0] =	vst.idx.msk $0xffff, v33  }
0x1ec: {  	v61 =	vor.u32 v3, v21;
	v33 =	vld [tilespmem:s24+$0xFFFFD970];
	_ =	sdelay $0x4  }
0x1ed: {  	[tilespmem:v61+s11+$0x0] =	vst.idx.msk $0xffff, v33  }
0x1ee: {  	v62 =	vor.u32 v3, v22;
	v33 =	vld [tilespmem:s24+$0xFFFFD980];
	_ =	sdelay $0x4  }
0x1ef: {  	[tilespmem:v62+s11+$0x0] =	vst.idx.msk $0xffff, v33  }
0x1f0: {  	v63 =	vor.u32 v4, v19;
	v33 =	vld [tilespmem:s24+$0xFFFFD9D0];
	_ =	sdelay $0x4  }
0x1f1: {  	[tilespmem:v63+s11+$0x0] =	vst.idx.msk $0xffff, v33  }
0x1f2: {  	v61 =	vor.u32 v4, v20;
	v33 =	vld [tilespmem:s24+$0xFFFFD9E0];
	_ =	sdelay $0x4  }
0x1f3: {  	[tilespmem:v61+s11+$0x0] =	vst.idx.msk $0xffff, v33  }
0x1f4: {  	v62 =	vor.u32 v4, v21;
	v33 =	vld [tilespmem:s24+$0xFFFFD9F0];
	_ =	sdelay $0x4  }
0x1f5: {  	[tilespmem:v62+s11+$0x0] =	vst.idx.msk $0xffff, v33  }
0x1f6: {  	v63 =	vor.u32 v4, v22;
	v33 =	vld [tilespmem:s24+$0xFFFFDA00];
	_ =	sdelay $0x4  }
0x1f7: {  	[tilespmem:v63+s11+$0x0] =	vst.idx.msk $0xffff, v33  }
0x1f8: {  	[tilespmem:s23+$0xFFFFFE00] =	vst v14  }
0x1f9: {  	[tilespmem:s23+$0xFFFFFE10] =	vst v15  }
0x1fa: {  	[tilespmem:s23+$0xFFFFFE20] =	vst v18  }
0x1fb: {  	[tilespmem:s23+$0xFFFFFE30] =	vst v24  }
0x1fc: {  	[tilespmem:s23+$0xFFFFFE40] =	vst v25  }
0x1fd: {  	[tilespmem:s23+$0xFFFFFE50] =	vst v26  }
0x1fe: {  	[tilespmem:s23+$0xFFFFFE60] =	vst v27  }
0x1ff: {  	[tilespmem:s23+$0xFFFFFE70] =	vst v23  }
0x200: {  	[tilespmem:s23+$0xFFFFFE80] =	vst v28  }
0x201: {  	[tilespmem:s23+$0xFFFFFE90] =	vst v30  }
0x202: {  	[tilespmem:s23+$0xFFFFFEA0] =	vst v31  }
0x203: {  	v34 =	vadd.s32 v58, v13;
	[tilespmem:s23+$0xFFFFFEB0] =	vst v32  }
0x204: {  	v61 =	vadd.s32 v38, v13;
	[tilespmem:s23+$0xFFFFFEC0] =	vst v29  }
0x205: {  	v62 =	vadd.s32 v39, v13;
	v14 =	vld [tilespmem:$0x1FFC0];
	[tilespmem:s23+$0xFFFFFED0] =	vst v35  }
0x206: {  	v15 =	vld [tilespmem:$0x1FFB0];
	[tilespmem:s23+$0xFFFFFEE0] =	vst v36  }
0x207: {  	v18 =	vld [tilespmem:$0x1FFA0];
	[tilespmem:s23+$0xFFFFFEF0] =	vst v37  }
0x208: {  	v33 =	vadd.s32 v59, v13;
	v25 =	vld.idx.msk [tilespmem:v34+s5+$0x0], $0xffff  }
0x209: {  	v63 =	vadd.s32 v40, v13;
	v29 =	vld.idx.msk [tilespmem:v61+s5+$0x0], $0xffff  }
0x20a: {  	v36 =	vadd.s32 v0, v13;
	v30 =	vld.idx.msk [tilespmem:v62+s5+$0x0], $0xffff  }
0x20b: {  	v37 =	vadd.s32 v1, v13;
	v61 =	vld [tilespmem:$0x1FD20]  }
0x20c: {  	v62 =	vld [tilespmem:$0x1FD30]  }
0x20d: {  	v24 =	vld.idx.msk [tilespmem:v33+s5+$0x0], $0xffff  }
0x20e: {  	v32 =	vadd.s32 v60, v13;
	v31 =	vld.idx.msk [tilespmem:v63+s5+$0x0], $0xffff  }
0x20f: {  	v35 =	vadd.s32 v57, v13;
	v27 =	vld.idx.msk [tilespmem:v36+s5+$0x0], $0xffff  }
0x210: {  	v14 =	vadd.s32 v14, v13;
	v28 =	vld.idx.msk [tilespmem:v37+s5+$0x0], $0xffff  }
0x211: {  	v15 =	vadd.s32 v15, v13;
	v36 =	vld [tilespmem:$0x1FD00]  }
0x212: {  	v37 =	vld [tilespmem:$0x1FD10]  }
0x213: {  	v18 =	vadd.s32 v18, v13;
	v23 =	vld.idx.msk [tilespmem:v32+s5+$0x0], $0xffff  }
0x214: {  	v26 =	vld.idx.msk [tilespmem:v35+s5+$0x0], $0xffff;
	v34 =	vadd.s32 v61, v13  }
0x215: {  	v35 =	vadd.s32 v62, v13;
	v14 =	vld.idx.msk [tilespmem:v14+s5+$0x0], $0xffff  }
0x216: {  	v15 =	vld.idx.msk [tilespmem:v15+s5+$0x0], $0xffff;
	v32 =	vadd.s32 v36, v13  }
0x217: {  	v63 =	vor.u32 v5, v19;
	v33 =	vadd.s32 v37, v13;
	v36 =	vld [tilespmem:s24+$0xFFFFDA50]  }
0x218: {  	v18 =	vld.idx.msk [tilespmem:v18+s5+$0x0], $0xffff  }
0x219: {  	v34 =	vld.idx.msk [tilespmem:v34+s5+$0x0], $0xffff  }
0x21a: {  	v35 =	vld.idx.msk [tilespmem:v35+s5+$0x0], $0xffff  }
0x21b: {  	v32 =	vld.idx.msk [tilespmem:v32+s5+$0x0], $0xffff  }
0x21c: {  	v33 =	vld.idx.msk [tilespmem:v33+s5+$0x0], $0xffff;
	[tilespmem:v63+s11+$0x0] =	vst.idx.msk $0xffff, v36  }
0x21d: {  	v61 =	vor.u32 v5, v20;
	v36 =	vld [tilespmem:s24+$0xFFFFDA60];
	_ =	sdelay $0x4  }
0x21e: {  	[tilespmem:v61+s11+$0x0] =	vst.idx.msk $0xffff, v36  }
0x21f: {  	v62 =	vor.u32 v5, v21;
	v36 =	vld [tilespmem:s24+$0xFFFFDA70];
	_ =	sdelay $0x4  }
0x220: {  	[tilespmem:v62+s11+$0x0] =	vst.idx.msk $0xffff, v36  }
0x221: {  	v63 =	vor.u32 v5, v22;
	v36 =	vld [tilespmem:s24+$0xFFFFDA80];
	_ =	sdelay $0x4  }
0x222: {  	[tilespmem:v63+s11+$0x0] =	vst.idx.msk $0xffff, v36  }
0x223: {  	v61 =	vor.u32 v6, v19;
	v36 =	vld [tilespmem:s24+$0xFFFFDAD0];
	_ =	sdelay $0x4  }
0x224: {  	[tilespmem:v61+s11+$0x0] =	vst.idx.msk $0xffff, v36  }
0x225: {  	v62 =	vor.u32 v6, v20;
	v36 =	vld [tilespmem:s24+$0xFFFFDAE0];
	_ =	sdelay $0x4  }
0x226: {  	[tilespmem:v62+s11+$0x0] =	vst.idx.msk $0xffff, v36  }
0x227: {  	v63 =	vor.u32 v6, v21;
	v36 =	vld [tilespmem:s24+$0xFFFFDAF0];
	_ =	sdelay $0x4  }
0x228: {  	[tilespmem:v63+s11+$0x0] =	vst.idx.msk $0xffff, v36  }
0x229: {  	v61 =	vor.u32 v6, v22;
	v36 =	vld [tilespmem:s24+$0xFFFFDB00];
	_ =	sdelay $0x4  }
0x22a: {  	[tilespmem:v61+s11+$0x0] =	vst.idx.msk $0xffff, v36  }
0x22b: {  	v62 =	vor.u32 v7, v19;
	v36 =	vld [tilespmem:s24+$0xFFFFDB50];
	_ =	sdelay $0x4  }
0x22c: {  	[tilespmem:v62+s11+$0x0] =	vst.idx.msk $0xffff, v36  }
0x22d: {  	v63 =	vor.u32 v7, v20;
	v36 =	vld [tilespmem:s24+$0xFFFFDB60];
	_ =	sdelay $0x4  }
0x22e: {  	[tilespmem:v63+s11+$0x0] =	vst.idx.msk $0xffff, v36  }
0x22f: {  	v61 =	vor.u32 v7, v21;
	v36 =	vld [tilespmem:s24+$0xFFFFDB70];
	_ =	sdelay $0x4  }
0x230: {  	[tilespmem:v61+s11+$0x0] =	vst.idx.msk $0xffff, v36  }
0x231: {  	v62 =	vor.u32 v7, v22;
	v36 =	vld [tilespmem:s24+$0xFFFFDB80];
	_ =	sdelay $0x4  }
0x232: {  	[tilespmem:v62+s11+$0x0] =	vst.idx.msk $0xffff, v36  }
0x233: {  	v63 =	vor.u32 v8, v19;
	v36 =	vld [tilespmem:s24+$0xFFFFDBD0];
	_ =	sdelay $0x4  }
0x234: {  	[tilespmem:v63+s11+$0x0] =	vst.idx.msk $0xffff, v36  }
0x235: {  	v61 =	vor.u32 v8, v20;
	v36 =	vld [tilespmem:s24+$0xFFFFDBE0];
	_ =	sdelay $0x4  }
0x236: {  	[tilespmem:v61+s11+$0x0] =	vst.idx.msk $0xffff, v36  }
0x237: {  	v62 =	vor.u32 v8, v21;
	v36 =	vld [tilespmem:s24+$0xFFFFDBF0];
	_ =	sdelay $0x4  }
0x238: {  	[tilespmem:v62+s11+$0x0] =	vst.idx.msk $0xffff, v36  }
0x239: {  	v63 =	vor.u32 v8, v22;
	v36 =	vld [tilespmem:s24+$0xFFFFDC00];
	_ =	sdelay $0x4  }
0x23a: {  	[tilespmem:v63+s11+$0x0] =	vst.idx.msk $0xffff, v36  }
0x23b: {  	v37 =	vld [tilespmem:$0x1FE10];
	[tilespmem:s23+$0xFFFFFF00] =	vst v14  }
0x23c: {  	v61 =	vld [tilespmem:$0x1FE20];
	[tilespmem:s23+$0xFFFFFF10] =	vst v15  }
0x23d: {  	v62 =	vld [tilespmem:$0x1FE30];
	[tilespmem:s23+$0xFFFFFF20] =	vst v18  }
0x23e: {  	v36 =	vld [tilespmem:$0x1FE00];
	[tilespmem:s23+$0xFFFFFF30] =	vst v23  }
0x23f: {  	[tilespmem:s23+$0xFFFFFF40] =	vst v24;
	v14 =	vld [tilespmem:$0x1FD40]  }
0x240: {  	[tilespmem:s23+$0xFFFFFF50] =	vst v25;
	v15 =	vld [tilespmem:$0x1FD50]  }
0x241: {  	[tilespmem:s23+$0xFFFFFF60] =	vst v26;
	v18 =	vld [tilespmem:$0x1FD60]  }
0x242: {  	[tilespmem:s23+$0xFFFFFF70] =	vst v27;
	v27 =	vld [tilespmem:$0x1FD70]  }
0x243: {  	[tilespmem:s23+$0xFFFFFF80] =	vst v28;
	v28 =	vld [tilespmem:$0x1FD80]  }
0x244: {  	[tilespmem:s23+$0xFFFFFF90] =	vst v29;
	v29 =	vld [tilespmem:$0x1FD90]  }
0x245: {  	[tilespmem:s23+$0xFFFFFFA0] =	vst v30;
	v30 =	vld [tilespmem:$0x1FDA0]  }
0x246: {  	[tilespmem:s23+$0xFFFFFFC0] =	vst v32;
	v32 =	vld [tilespmem:$0x1FDC0]  }
0x247: {  	[tilespmem:s23+$0xFFFFFFB0] =	vst v31;
	v31 =	vld [tilespmem:$0x1FDB0];
	v14 =	vadd.s32 v14, v13  }
0x248: {  	[tilespmem:s23+$0xFFFFFFD0] =	vst v33;
	v33 =	vld [tilespmem:$0x1FDD0];
	v15 =	vadd.s32 v15, v13  }
0x249: {  	[tilespmem:s23+$0xFFFFFFE0] =	vst v34;
	v34 =	vld [tilespmem:$0x1FDE0];
	v18 =	vadd.s32 v18, v13  }
0x24a: {  	[tilespmem:s23+$0xFFFFFFF0] =	vst v35;
	v35 =	vld [tilespmem:$0x1FDF0];
	v23 =	vadd.s32 v27, v13  }
0x24b: {  	v24 =	vadd.s32 v28, v13;
	v28 =	vadd.s32 v32, v13;
	v32 =	vadd.s32 v36, v13;
	v36 =	vld [tilespmem:s24+$0xFFFFFC50]  }
0x24c: {  	v25 =	vadd.s32 v29, v13;
	v14 =	vld.idx.msk [tilespmem:v14+s5+$0x0], $0xffff  }
0x24d: {  	v26 =	vadd.s32 v30, v13;
	v15 =	vld.idx.msk [tilespmem:v15+s5+$0x0], $0xffff  }
0x24e: {  	v27 =	vadd.s32 v31, v13;
	v18 =	vld.idx.msk [tilespmem:v18+s5+$0x0], $0xffff  }
0x24f: {  	v23 =	vld.idx.msk [tilespmem:v23+s5+$0x0], $0xffff  }
0x250: {  	v29 =	vadd.s32 v33, v13;
	v24 =	vld.idx.msk [tilespmem:v24+s5+$0x0], $0xffff  }
0x251: {  	v30 =	vadd.s32 v34, v13;
	v25 =	vld.idx.msk [tilespmem:v25+s5+$0x0], $0xffff  }
0x252: {  	v31 =	vadd.s32 v35, v13;
	v26 =	vld.idx.msk [tilespmem:v26+s5+$0x0], $0xffff  }
0x253: {  	v27 =	vld.idx.msk [tilespmem:v27+s5+$0x0], $0xffff  }
0x254: {  	v33 =	vadd.s32 v37, v13;
	v28 =	vld.idx.msk [tilespmem:v28+s5+$0x0], $0xffff  }
0x255: {  	v34 =	vadd.s32 v61, v13;
	v29 =	vld.idx.msk [tilespmem:v29+s5+$0x0], $0xffff  }
0x256: {  	v63 =	vor.u32 v9, v19;
	v35 =	vadd.s32 v62, v13;
	v30 =	vld.idx.msk [tilespmem:v30+s5+$0x0], $0xffff  }
0x257: {  	v31 =	vld.idx.msk [tilespmem:v31+s5+$0x0], $0xffff  }
0x258: {  	v32 =	vld.idx.msk [tilespmem:v32+s5+$0x0], $0xffff  }
0x259: {  	v33 =	vld.idx.msk [tilespmem:v33+s5+$0x0], $0xffff  }
0x25a: {  	v34 =	vld.idx.msk [tilespmem:v34+s5+$0x0], $0xffff  }
0x25b: {  	v35 =	vld.idx.msk [tilespmem:v35+s5+$0x0], $0xffff;
	[tilespmem:v63+s11+$0x0] =	vst.idx.msk $0xffff, v36  }
0x25c: {  	v61 =	vor.u32 v9, v20;
	v36 =	vld [tilespmem:s24+$0xFFFFFC60];
	_ =	sdelay $0x4  }
0x25d: {  	[tilespmem:v61+s11+$0x0] =	vst.idx.msk $0xffff, v36  }
0x25e: {  	v62 =	vor.u32 v9, v21;
	v36 =	vld [tilespmem:s24+$0xFFFFFC70];
	_ =	sdelay $0x4  }
0x25f: {  	[tilespmem:v62+s11+$0x0] =	vst.idx.msk $0xffff, v36  }
0x260: {  	v63 =	vor.u32 v9, v22;
	v36 =	vld [tilespmem:s24+$0xFFFFFC80];
	_ =	sdelay $0x4  }
0x261: {  	[tilespmem:v63+s11+$0x0] =	vst.idx.msk $0xffff, v36  }
0x262: {  	v61 =	vor.u32 v10, v19;
	v36 =	vld [tilespmem:s24+$0xFFFFFCD0];
	_ =	sdelay $0x4  }
0x263: {  	[tilespmem:v61+s11+$0x0] =	vst.idx.msk $0xffff, v36  }
0x264: {  	v62 =	vor.u32 v10, v20;
	v36 =	vld [tilespmem:s24+$0xFFFFFCE0];
	_ =	sdelay $0x4  }
0x265: {  	[tilespmem:v62+s11+$0x0] =	vst.idx.msk $0xffff, v36  }
0x266: {  	v63 =	vor.u32 v10, v21;
	v36 =	vld [tilespmem:s24+$0xFFFFFCF0];
	_ =	sdelay $0x4  }
0x267: {  	[tilespmem:v63+s11+$0x0] =	vst.idx.msk $0xffff, v36  }
0x268: {  	v61 =	vor.u32 v10, v22;
	v36 =	vld [tilespmem:s24+$0xFFFFFD00];
	_ =	sdelay $0x4  }
0x269: {  	[tilespmem:v61+s11+$0x0] =	vst.idx.msk $0xffff, v36  }
0x26a: {  	v62 =	vor.u32 v11, v19;
	v36 =	vld [tilespmem:s24+$0xFFFFFD50];
	_ =	sdelay $0x4  }
0x26b: {  	[tilespmem:v62+s11+$0x0] =	vst.idx.msk $0xffff, v36  }
0x26c: {  	v63 =	vor.u32 v11, v20;
	v36 =	vld [tilespmem:s24+$0xFFFFFD60];
	_ =	sdelay $0x4  }
0x26d: {  	[tilespmem:v63+s11+$0x0] =	vst.idx.msk $0xffff, v36  }
0x26e: {  	v61 =	vor.u32 v11, v21;
	v36 =	vld [tilespmem:s24+$0xFFFFFD70];
	_ =	sdelay $0x4  }
0x26f: {  	[tilespmem:v61+s11+$0x0] =	vst.idx.msk $0xffff, v36  }
0x270: {  	v62 =	vor.u32 v11, v22;
	v36 =	vld [tilespmem:s24+$0xFFFFFD80];
	_ =	sdelay $0x4  }
0x271: {  	[tilespmem:v62+s11+$0x0] =	vst.idx.msk $0xffff, v36  }
0x272: {  	v63 =	vor.u32 v12, v19;
	v36 =	vld [tilespmem:s24+$0xFFFFFDD0];
	_ =	sdelay $0x4  }
0x273: {  	[tilespmem:v63+s11+$0x0] =	vst.idx.msk $0xffff, v36  }
0x274: {  	v61 =	vor.u32 v12, v20;
	v36 =	vld [tilespmem:s24+$0xFFFFFDE0];
	_ =	sdelay $0x4  }
0x275: {  	[tilespmem:v61+s11+$0x0] =	vst.idx.msk $0xffff, v36  }
0x276: {  	v62 =	vor.u32 v12, v21;
	v36 =	vld [tilespmem:s24+$0xFFFFFDF0];
	_ =	sdelay $0x4  }
0x277: {  	[tilespmem:v62+s11+$0x0] =	vst.idx.msk $0xffff, v36  }
0x278: {  	v63 =	vor.u32 v12, v22;
	v36 =	vld [tilespmem:s24+$0xFFFFFE00];
	_ =	sdelay $0x4  }
0x279: {  	[tilespmem:v63+s11+$0x0] =	vst.idx.msk $0xffff, v36  }
0x27a: {  	[tilespmem:s23+$0x0] =	vst v14  }
0x27b: {  	[tilespmem:s23+$0x10] =	vst v15  }
0x27c: {  	[tilespmem:s23+$0x20] =	vst v18  }
0x27d: {  	[tilespmem:s23+$0x30] =	vst v23  }
0x27e: {  	[tilespmem:s23+$0x40] =	vst v24  }
0x27f: {  	[tilespmem:s23+$0x50] =	vst v25  }
0x280: {  	[tilespmem:s23+$0x60] =	vst v26;
	v14 =	vld [tilespmem:$0x1FF30]  }
0x281: {  	[tilespmem:s23+$0x70] =	vst v27  }
0x282: {  	[tilespmem:s23+$0x80] =	vst v28;
	v15 =	vld [tilespmem:$0x1FE40]  }
0x283: {  	[tilespmem:s23+$0x90] =	vst v29  }
0x284: {  	[tilespmem:s23+$0xA0] =	vst v30  }
0x285: {  	[tilespmem:s23+$0xB0] =	vst v31;
	v14 =	vadd.s32 v14, v13  }
0x286: {  	[tilespmem:s23+$0xC0] =	vst v32  }
0x287: {  	[tilespmem:s23+$0xD0] =	vst v33;
	v15 =	vadd.s32 v15, v13  }
0x288: {  	[tilespmem:s23+$0xE0] =	vst v34  }
0x289: {  	v18 =	vld [tilespmem:$0x1FE50];
	[tilespmem:s23+$0xF0] =	vst v35  }
0x28a: {  	v25 =	vld.idx.msk [tilespmem:v14+s5+$0x0], $0xffff  }
0x28b: {  	v14 =	vld [tilespmem:$0x1FE80]  }
0x28c: {  	v26 =	vld.idx.msk [tilespmem:v15+s5+$0x0], $0xffff  }
0x28d: {  	v15 =	vld [tilespmem:$0x1FE90]  }
0x28e: {  	v18 =	vadd.s32 v18, v13;
	_ =	sdelay $0x1  }
0x28f: {  	v14 =	vadd.s32 v14, v13;
	_ =	sdelay $0x1  }
0x290: {  	v15 =	vadd.s32 v15, v13  }
0x291: {  	v27 =	vld.idx.msk [tilespmem:v18+s5+$0x0], $0xffff  }
0x292: {  	v18 =	vld [tilespmem:$0x1FEA0]  }
0x293: {  	v30 =	vld.idx.msk [tilespmem:v14+s5+$0x0], $0xffff  }
0x294: {  	v14 =	vld [tilespmem:$0x1FED0]  }
0x295: {  	v31 =	vld.idx.msk [tilespmem:v15+s5+$0x0], $0xffff  }
0x296: {  	v15 =	vld [tilespmem:$0x1FEE0]  }
0x297: {  	v37 =	vld [tilespmem:$0x1FE70];
	v18 =	vadd.s32 v18, v13  }
0x298: {  	v61 =	vld [tilespmem:$0x1FEB0]  }
0x299: {  	v62 =	vld [tilespmem:$0x1FEC0];
	v14 =	vadd.s32 v14, v13  }
0x29a: {  	v36 =	vld [tilespmem:$0x1FE60]  }
0x29b: {  	v63 =	vld [tilespmem:$0x1FF00];
	v15 =	vadd.s32 v15, v13  }
0x29c: {  	v32 =	vld.idx.msk [tilespmem:v18+s5+$0x0], $0xffff  }
0x29d: {  	v18 =	vld [tilespmem:$0x1FEF0]  }
0x29e: {  	v34 =	vld.idx.msk [tilespmem:v14+s5+$0x0], $0xffff  }
0x29f: {  	v14 =	vld [tilespmem:$0x1FF10]  }
0x2a0: {  	v24 =	vadd.s32 v37, v13;
	v35 =	vld.idx.msk [tilespmem:v15+s5+$0x0], $0xffff  }
0x2a1: {  	v28 =	vadd.s32 v61, v13;
	v15 =	vld [tilespmem:$0x1FF20]  }
0x2a2: {  	v29 =	vadd.s32 v62, v13  }
0x2a3: {  	v23 =	vadd.s32 v36, v13  }
0x2a4: {  	v33 =	vadd.s32 v63, v13;
	v36 =	vld [tilespmem:s24+$0xFFFFFE50]  }
0x2a5: {  	v24 =	vld.idx.msk [tilespmem:v24+s5+$0x0], $0xffff;
	v18 =	vadd.s32 v18, v13  }
0x2a6: {  	v28 =	vld.idx.msk [tilespmem:v28+s5+$0x0], $0xffff;
	v14 =	vadd.s32 v14, v13;
	v15 =	vadd.s32 v15, v13;
	v13 =	vor.u32 $0xC, v17  }
0x2a7: {  	v29 =	vld.idx.msk [tilespmem:v29+s5+$0x0], $0xffff;
	v37 =	vor.u32 v13, v19  }
0x2a8: {  	v23 =	vld.idx.msk [tilespmem:v23+s5+$0x0], $0xffff  }
0x2a9: {  	v33 =	vld.idx.msk [tilespmem:v33+s5+$0x0], $0xffff  }
0x2aa: {  	v63 =	vmov v38;
	v38 =	vld.idx.msk [tilespmem:v18+s5+$0x0], $0xffff  }
0x2ab: {  	v62 =	vmov v39;
	v39 =	vld.idx.msk [tilespmem:v14+s5+$0x0], $0xffff  }
0x2ac: {  	v61 =	vmov v40;
	v40 =	vld.idx.msk [tilespmem:v15+s5+$0x0], $0xffff;
	[tilespmem:v37+s11+$0x0] =	vst.idx.msk $0xffff, v36  }
0x2ad: {  	v15 =	vor.u32 v13, v20;
	v14 =	vld [tilespmem:s24+$0xFFFFFE60];
	_ =	sdelay $0x4  }
0x2ae: {  	[tilespmem:v15+s11+$0x0] =	vst.idx.msk $0xffff, v14  }
0x2af: {  	v15 =	vor.u32 v13, v21;
	v14 =	vld [tilespmem:s24+$0xFFFFFE70];
	_ =	sdelay $0x4  }
0x2b0: {  	[tilespmem:v15+s11+$0x0] =	vst.idx.msk $0xffff, v14  }
0x2b1: {  	v15 =	vor.u32 v13, v22;
	v14 =	vld [tilespmem:s24+$0xFFFFFE80];
	_ =	sdelay $0x4  }
0x2b2: {  	[tilespmem:v15+s11+$0x0] =	vst.idx.msk $0xffff, v14;
	v14 =	vor.u32 $0xD, v17  }
0x2b3: {  	v15 =	vld [tilespmem:s24+$0xFFFFFED0];
	v18 =	vor.u32 v14, v19;
	_ =	sdelay $0x4  }
0x2b4: {  	[tilespmem:v18+s11+$0x0] =	vst.idx.msk $0xffff, v15  }
0x2b5: {  	v18 =	vor.u32 v14, v20;
	v15 =	vld [tilespmem:s24+$0xFFFFFEE0];
	_ =	sdelay $0x4  }
0x2b6: {  	[tilespmem:v18+s11+$0x0] =	vst.idx.msk $0xffff, v15  }
0x2b7: {  	v18 =	vor.u32 v14, v21;
	v15 =	vld [tilespmem:s24+$0xFFFFFEF0];
	_ =	sdelay $0x4  }
0x2b8: {  	[tilespmem:v18+s11+$0x0] =	vst.idx.msk $0xffff, v15  }
0x2b9: {  	v18 =	vor.u32 v14, v22;
	v15 =	vld [tilespmem:s24+$0xFFFFFF00];
	_ =	sdelay $0x4  }
0x2ba: {  	[tilespmem:v18+s11+$0x0] =	vst.idx.msk $0xffff, v15;
	v15 =	vor.u32 $0xE, v17  }
0x2bb: {  	v18 =	vld [tilespmem:s24+$0xFFFFFF50];
	v36 =	vor.u32 v15, v19;
	_ =	sdelay $0x4  }
0x2bc: {  	[tilespmem:v36+s11+$0x0] =	vst.idx.msk $0xffff, v18  }
0x2bd: {  	v36 =	vor.u32 v15, v20;
	v18 =	vld [tilespmem:s24+$0xFFFFFF60];
	_ =	sdelay $0x4  }
0x2be: {  	[tilespmem:v36+s11+$0x0] =	vst.idx.msk $0xffff, v18  }
0x2bf: {  	v36 =	vor.u32 v15, v21;
	v18 =	vld [tilespmem:s24+$0xFFFFFF70];
	_ =	sdelay $0x4  }
0x2c0: {  	[tilespmem:v36+s11+$0x0] =	vst.idx.msk $0xffff, v18  }
0x2c1: {  	v36 =	vor.u32 v15, v22;
	v18 =	vld [tilespmem:s24+$0xFFFFFF80];
	_ =	sdelay $0x4  }
0x2c2: {  	[tilespmem:v36+s11+$0x0] =	vst.idx.msk $0xffff, v18;
	v18 =	vor.u32 $0xF, v17  }
0x2c3: {  	v36 =	vld [tilespmem:s24+$0xFFFFFFD0];
	v19 =	vor.u32 v18, v19;
	_ =	sdelay $0x4  }
0x2c4: {  	[tilespmem:v19+s11+$0x0] =	vst.idx.msk $0xffff, v36  }
0x2c5: {  	v20 =	vor.u32 v18, v20;
	v19 =	vld [tilespmem:s24+$0xFFFFFFE0];
	_ =	sdelay $0x4  }
0x2c6: {  	[tilespmem:v20+s11+$0x0] =	vst.idx.msk $0xffff, v19  }
0x2c7: {  	v20 =	vor.u32 v18, v21;
	v19 =	vld [tilespmem:s24+$0xFFFFFFF0];
	_ =	sdelay $0x4  }
0x2c8: {  	[tilespmem:v20+s11+$0x0] =	vst.idx.msk $0xffff, v19  }
0x2c9: {  	v20 =	vor.u32 v18, v22;
	v19 =	vld [tilespmem:s24+$0x0];
	_ =	sdelay $0x4  }
0x2ca: {  	[tilespmem:v20+s11+$0x0] =	vst.idx.msk $0xffff, v19  }
0x2cb: {  	[tilespmem:s23+$0x100] =	vst v25  }
0x2cc: {  	[tilespmem:s23+$0x110] =	vst v26  }
0x2cd: {  	[tilespmem:s23+$0x120] =	vst v27  }
0x2ce: {  	[tilespmem:s23+$0x130] =	vst v23  }
0x2cf: {  	[tilespmem:s23+$0x140] =	vst v24  }
0x2d0: {  	[tilespmem:s23+$0x150] =	vst v30  }
0x2d1: {  	[tilespmem:s23+$0x160] =	vst v31  }
0x2d2: {  	[tilespmem:s23+$0x170] =	vst v32  }
0x2d3: {  	[tilespmem:s23+$0x180] =	vst v28  }
0x2d4: {  	[tilespmem:s23+$0x190] =	vst v29  }
0x2d5: {  	p2 =	sne.s32 s21, $0x7E;
	[tilespmem:s23+$0x1A0] =	vst v34  }
.Ltmp4:
0x2d6: {  	[tilespmem:s23+$0x1B0] =	vst v35;
	(pc) =	sbr.rel @p2 .LBB2_3-.Ltmp4, $4  }
0x2d7: {  	[tilespmem:s23+$0x1C0] =	vst v38  }
0x2d8: {  	[tilespmem:s23+$0x1D0] =	vst v33  }
0x2d9: {  	s22 =	sadd.s32 $0x80, s22;
	[tilespmem:s23+$0x1E0] =	vst v39  }
0x2da: {  	s21 =	sadd.s32 $0x10, s21;
	s24 =	sadd.s32 $0x400, s24;
	v38 =	vmov v63;
	v39 =	vmov v62;
	[tilespmem:s23+$0x1F0] =	vst v40;
	v40 =	vmov v61;
	s23 =	sadd.s32 $0x800, s23  }
0x2db: {  	s21 =	smulhi.u32 $0x5397829D, s20;
	_ =	sdelay $0x1  }
0x2dc: {  	s21 =	sshrl.u32 s21, $0x5  }
0x2dd: {  	s22 =	smul.u32 $0x3FFF9E, s21;
	_ =	sdelay $0x1  }
0x2de: {  	s22 =	sadd.s32 s20, s22  }
0x2df: {  	s22 =	sshll.u32 s22, $0xA  }
0x2e0: {  	p2 =	slt.s32 s22, $0x18300  }
0x2e1: {  	s21 =	smul.u32 $0x30E0, s21;
	s22 =	simm.s32 @!p2 $0x18300;
	p2 =	sgt.u32 s19, $0x9D3  }
.Ltmp5:
0x2e2: {  	s22 =	sshrl.u32 s22, $0x3;
	(pc) =	sbr.rel @p2 .LBB2_6-.Ltmp5, $4  }
0x2e3: {  	s21 =	sadd.s32 s21, s22  }
0x2e4: {  	s21 =	sshll.u32 s21, $0x4  }
0x2e5: {  	s21 =	sadd.s32 s3, s21  }
0x2e6: {  	[hbm4b:s21+s5] =	stream.linear.scatter [tilespmem:s11], [sflag:$0x3], $0x4000, $0x38;
	[tilespmem:$0x11000] =	vst v63  }
0x2e7: {  	s20 =	sadd.s32 $0x40, s20  }
0x2e8: {  	s21 =	sand.u32 $0xFFFE, s20  }
0x2e9: {  	s21 =	sshrl.u32 s21, $0x1  }
0x2ea: {  	s21 =	smul.u32 $0xA73, s21;
	_ =	sdelay $0x1  }
0x2eb: {  	s21 =	sshrl.u32 s21, $0x11  }
0x2ec: {  	s22 =	smul.u32 $0x3FFF9E, s21;
	_ =	sdelay $0x1  }
0x2ed: {  	s20 =	sadd.s32 s20, s22  }
0x2ee: {  	s20 =	sshll.u32 s20, $0xA  }
0x2ef: {  	s21 =	smul.u32 $0x30E00, s21;
	p1 =	slt.s32 s20, $0x18300  }
0x2f0: {  	s20 =	simm.s32 @!p1 $0x18300  }
0x2f1: {  	s20 =	sadd.s32 s21, s20  }
.Ltmp6:
0x2f2: {  	s20 =	sand.u32 $0x1FFFFF00, s20;
	(pc) =	sbr.rel .LBB2_7-.Ltmp6, $4  }
0x2f3: {  	s20 =	sadd.s32 s0, s20  }
0x2f4: {  	[tilespmem:s5], [sflag:$0x1] =	stream.linear.gather [hbm4b:s20+s5], $0x2000, $0x38;
	[tilespmem:$0x11000] =	vst v63  }
0x2f5: {  	s20 =	sadd.s32 $0x18700, s20  }
0x2f6: {  	[tilespmem:s9], [sflag:$0x1] =	stream.linear.gather [hbm4b:s20+s5], $0x2000, $0x38;
	[tilespmem:$0x11000] =	vst v63  }
.LBB2_6:
.Ltmp7:
0x2f7: {  	(pc) =	sbr.rel @p1 .LBB2_10-.Ltmp7, $2  }
0x2f8: {  	_ =	sdelay $0x2  }
0x2f9: {  	v26 =	vmov v0;
	v25 =	vmov v57  }
.LBB2_7:
0x2fa: {  	_ =	swait.ge [sflag:s12], $0x4000  }
0x2fb: {  	[sflag:s12] =	ssyncset.done $0x0  }
0x2fc: {  	s20 =	simm.s32 @!p0 $0x4;
	[sflag:s12] =	ssyncadd.s32 $0xFFFFC000  }
0x2fd: {  	_ =	swait.ge @!p0 [sflag:s20], $0x4000  }
0x2fe: {  	v59 =	vld [tilespmem:$0x1FEE0]  }
0x2ff: {  	v58 =	vld [tilespmem:$0x1FEF0]  }
0x300: {  	v0 =	vld [tilespmem:$0x1FF00]  }
0x301: {  	s21 =	simm.s32 $0x0;
	s22 =	simm.s32 $0xD200;
	[sflag:s20] =	ssyncset.done @!p0 $0x0;
	v1 =	vld [tilespmem:$0x1FF10]  }
0x302: {  	s23 =	simm.s32 $0x6FF0;
	v60 =	vld [tilespmem:$0x1FF20];
	[sflag:s20] =	ssyncadd.s32 @!p0 $0xFFFFC000;
	s20 =	simm.s32 $0xE  }
.LBB2_8:
0x303: {  	v19 =	vmov s21  }
0x304: {  	v19 =	vshrl.u32 v19, $0x7  }
0x305: {  	v19 =	vshll.u32 v19, $0xA  }
0x306: {  	v21 =	vbroadcast v19, $0x0;
	_ =	sdelay $0x1  }
0x307: {  	v19 =	vadd.s32 v41, v21  }
0x308: {  	v20 =	vadd.s32 v42, v21;
	_ =	sdelay $0x2  }
0x309: {  	v22 =	vadd.s32 v43, v21  }
0x30a: {  	v25 =	vld.idx.msk [tilespmem:v19+s13+$0x0], $0xffff;
	v19 =	vadd.s32 v46, v21  }
0x30b: {  	v26 =	vld.idx.msk [tilespmem:v20+s13+$0x0], $0xffff;
	v20 =	vadd.s32 v47, v21  }
0x30c: {  	v23 =	vadd.s32 v44, v21  }
0x30d: {  	v37 =	vld [tilespmem:s23+$0xFFFFD850];
	v38 =	vadd.s32 v48, v21  }
0x30e: {  	v39 =	vadd.s32 v49, v21;
	v27 =	vld.idx.msk [tilespmem:v22+s13+$0x0], $0xffff  }
0x30f: {  	v30 =	vld.idx.msk [tilespmem:v19+s13+$0x0], $0xffff;
	v19 =	vadd.s32 v51, v21  }
0x310: {  	v31 =	vld.idx.msk [tilespmem:v20+s13+$0x0], $0xffff;
	v20 =	vadd.s32 v52, v21  }
0x311: {  	v40 =	vadd.s32 v53, v21;
	v28 =	vld.idx.msk [tilespmem:v23+s13+$0x0], $0xffff  }
0x312: {  	s24 =	sadd.s32 $0xFFFFFFFA, s20;
	v57 =	vadd.s32 v54, v21;
	v32 =	vld.idx.msk [tilespmem:v38+s13+$0x0], $0xffff  }
0x313: {  	v34 =	vmov s24;
	v24 =	vadd.s32 v45, v21;
	v33 =	vld.idx.msk [tilespmem:v39+s13+$0x0], $0xffff  }
0x314: {  	v29 =	vadd.s32 v50, v21;
	v35 =	vld.idx.msk [tilespmem:v19+s13+$0x0], $0xffff;
	v19 =	vshll.u32 v34, $0x7  }
0x315: {  	v34 =	vld.idx.msk [tilespmem:v20+s13+$0x0], $0xffff;
	v20 =	vadd.s32 v56, v21;
	v19 =	vor.u32 v16, v19  }
0x316: {  	s30 =	sadd.s32 $0xFFFFFFFC, s20;
	v36 =	vadd.s32 v55, v21;
	v39 =	vld.idx.msk [tilespmem:v40+s13+$0x0], $0xffff;
	v38 =	vor.u32 v17, v19  }
0x317: {  	v40 =	vld.idx.msk [tilespmem:v57+s13+$0x0], $0xffff;
	v22 =	vmov s30;
	v57 =	vmov v56;
	v56 =	vmov v55  }
0x318: {  	v24 =	vld.idx.msk [tilespmem:v24+s13+$0x0], $0xffff;
	v55 =	vmovc v54;
	v54 =	vmovc v53;
	v53 =	vmov v52;
	v52 =	vmov v51;
	v51 =	vmov v50  }
0x319: {  	v29 =	vld.idx.msk [tilespmem:v29+s13+$0x0], $0xffff;
	v50 =	vmovc v49;
	v49 =	vmovc v48;
	v48 =	vmov v47;
	v47 =	vmov v46;
	v46 =	vmov v45  }
0x31a: {  	v45 =	vmovc v44;
	v44 =	vmovc v43;
	v43 =	vmov v42;
	v42 =	vmov v41;
	v41 =	vld.idx.msk [tilespmem:v20+s13+$0x0], $0xffff;
	v20 =	vshll.u32 v22, $0x7  }
0x31b: {  	v36 =	vld.idx.msk [tilespmem:v36+s13+$0x0], $0xffff;
	v20 =	vor.u32 v16, v20;
	[tilespmem:v38+s14+$0x0] =	vst.idx.msk $0xffff, v37  }
0x31c: {  	v23 =	vor.u32 v17, v20;
	v22 =	vld [tilespmem:s23+$0xFFFFD860];
	_ =	sdelay $0x1  }
0x31d: {  	s31 =	sadd.s32 $0xFFFFFFFE, s20  }
0x31e: {  	v37 =	vmov s31  }
0x31f: {  	v37 =	vshll.u32 v37, $0x7  }
0x320: {  	[tilespmem:v23+s14+$0x0] =	vst.idx.msk $0xffff, v22;
	v22 =	vor.u32 v16, v37  }
0x321: {  	v23 =	vld [tilespmem:s23+$0xFFFFD870];
	v37 =	vor.u32 v17, v22;
	_ =	sdelay $0x2  }
0x322: {  	v38 =	vmov s20  }
0x323: {  	v38 =	vshll.u32 v38, $0x7  }
0x324: {  	[tilespmem:v37+s14+$0x0] =	vst.idx.msk $0xffff, v23;
	v23 =	vor.u32 v16, v38  }
0x325: {  	v37 =	vld [tilespmem:s23+$0xFFFFD880];
	v38 =	vor.u32 v17, v23;
	_ =	sdelay $0x4  }
0x326: {  	[tilespmem:v38+s14+$0x0] =	vst.idx.msk $0xffff, v37  }
0x327: {  	v38 =	vor.u32 v2, v19;
	v37 =	vld [tilespmem:s23+$0xFFFFD8D0];
	_ =	sdelay $0x4  }
0x328: {  	[tilespmem:v38+s14+$0x0] =	vst.idx.msk $0xffff, v37  }
0x329: {  	v38 =	vor.u32 v2, v20;
	v37 =	vld [tilespmem:s23+$0xFFFFD8E0];
	_ =	sdelay $0x4  }
0x32a: {  	[tilespmem:v38+s14+$0x0] =	vst.idx.msk $0xffff, v37  }
0x32b: {  	v38 =	vor.u32 v2, v22;
	v37 =	vld [tilespmem:s23+$0xFFFFD8F0];
	_ =	sdelay $0x4  }
0x32c: {  	[tilespmem:v38+s14+$0x0] =	vst.idx.msk $0xffff, v37  }
0x32d: {  	v38 =	vor.u32 v2, v23;
	v37 =	vld [tilespmem:s23+$0xFFFFD900];
	_ =	sdelay $0x4  }
0x32e: {  	[tilespmem:v38+s14+$0x0] =	vst.idx.msk $0xffff, v37  }
0x32f: {  	v38 =	vor.u32 v3, v19;
	v37 =	vld [tilespmem:s23+$0xFFFFD950];
	_ =	sdelay $0x4  }
0x330: {  	[tilespmem:v38+s14+$0x0] =	vst.idx.msk $0xffff, v37  }
0x331: {  	v38 =	vor.u32 v3, v20;
	v37 =	vld [tilespmem:s23+$0xFFFFD960];
	_ =	sdelay $0x4  }
0x332: {  	[tilespmem:v38+s14+$0x0] =	vst.idx.msk $0xffff, v37  }
0x333: {  	v38 =	vor.u32 v3, v22;
	v37 =	vld [tilespmem:s23+$0xFFFFD970];
	_ =	sdelay $0x4  }
0x334: {  	[tilespmem:v38+s14+$0x0] =	vst.idx.msk $0xffff, v37  }
0x335: {  	v38 =	vor.u32 v3, v23;
	v37 =	vld [tilespmem:s23+$0xFFFFD980];
	_ =	sdelay $0x4  }
0x336: {  	[tilespmem:v38+s14+$0x0] =	vst.idx.msk $0xffff, v37  }
0x337: {  	v38 =	vor.u32 v4, v19;
	v37 =	vld [tilespmem:s23+$0xFFFFD9D0];
	_ =	sdelay $0x4  }
0x338: {  	[tilespmem:v38+s14+$0x0] =	vst.idx.msk $0xffff, v37  }
0x339: {  	v38 =	vor.u32 v4, v20;
	v37 =	vld [tilespmem:s23+$0xFFFFD9E0];
	_ =	sdelay $0x4  }
0x33a: {  	[tilespmem:v38+s14+$0x0] =	vst.idx.msk $0xffff, v37  }
0x33b: {  	v38 =	vor.u32 v4, v22;
	v37 =	vld [tilespmem:s23+$0xFFFFD9F0];
	_ =	sdelay $0x4  }
0x33c: {  	[tilespmem:v38+s14+$0x0] =	vst.idx.msk $0xffff, v37  }
0x33d: {  	v38 =	vor.u32 v4, v23;
	v37 =	vld [tilespmem:s23+$0xFFFFDA00];
	_ =	sdelay $0x4  }
0x33e: {  	[tilespmem:v38+s14+$0x0] =	vst.idx.msk $0xffff, v37  }
0x33f: {  	[tilespmem:s22+$0xFFFFFE90] =	vst v29;
	v29 =	vld [tilespmem:$0x1FFC0]  }
0x340: {  	[tilespmem:s22+$0xFFFFFE50] =	vst v30;
	v30 =	vld [tilespmem:$0x1FFB0]  }
0x341: {  	[tilespmem:s22+$0xFFFFFE60] =	vst v31;
	v31 =	vld [tilespmem:$0x1FFA0]  }
0x342: {  	[tilespmem:s22+$0xFFFFFE70] =	vst v32;
	v32 =	vld [tilespmem:$0x1FF90]  }
0x343: {  	[tilespmem:s22+$0xFFFFFE80] =	vst v33;
	v33 =	vld [tilespmem:$0x1FF80]  }
0x344: {  	[tilespmem:s22+$0xFFFFFEB0] =	vst v34;
	v34 =	vld [tilespmem:$0x1FF70]  }
0x345: {  	[tilespmem:s22+$0xFFFFFEA0] =	vst v35;
	v35 =	vld [tilespmem:$0x1FF60]  }
0x346: {  	[tilespmem:s22+$0xFFFFFEE0] =	vst v36;
	v36 =	vld [tilespmem:$0x1FF50]  }
0x347: {  	[tilespmem:s22+$0xFFFFFED0] =	vst v40;
	v40 =	vld [tilespmem:$0x1FFF0]  }
0x348: {  	[tilespmem:s22+$0xFFFFFEF0] =	vst v41;
	v41 =	vld [tilespmem:$0x1FD00]  }
0x349: {  	[tilespmem:s22+$0xFFFFFEC0] =	vst v39;
	v39 =	vld [tilespmem:$0x1FFE0]  }
0x34a: {  	v37 =	vld [tilespmem:$0x1FF40];
	[tilespmem:s22+$0xFFFFFE40] =	vst v24;
	v24 =	vadd.s32 v29, v21  }
0x34b: {  	v38 =	vld [tilespmem:$0x1FFD0];
	[tilespmem:s22+$0xFFFFFE00] =	vst v25;
	v25 =	vadd.s32 v30, v21  }
0x34c: {  	[tilespmem:s22+$0xFFFFFE10] =	vst v26;
	v26 =	vadd.s32 v31, v21;
	v30 =	vadd.s32 v35, v21;
	v35 =	vadd.s32 v40, v21;
	v40 =	vld [tilespmem:$0x1FD10]  }
0x34d: {  	[tilespmem:s22+$0xFFFFFE20] =	vst v27;
	v27 =	vadd.s32 v32, v21;
	v31 =	vadd.s32 v36, v21;
	v36 =	vadd.s32 v41, v21;
	v41 =	vld [tilespmem:$0x1FD20]  }
0x34e: {  	[tilespmem:s22+$0xFFFFFE30] =	vst v28;
	v28 =	vadd.s32 v33, v21;
	v29 =	vadd.s32 v34, v21;
	v34 =	vadd.s32 v39, v21;
	v39 =	vld [tilespmem:$0x1FD30]  }
0x34f: {  	v24 =	vld.idx.msk [tilespmem:v24+s13+$0x0], $0xffff  }
0x350: {  	v25 =	vld.idx.msk [tilespmem:v25+s13+$0x0], $0xffff  }
0x351: {  	v26 =	vld.idx.msk [tilespmem:v26+s13+$0x0], $0xffff  }
0x352: {  	v32 =	vadd.s32 v37, v21;
	v27 =	vld.idx.msk [tilespmem:v27+s13+$0x0], $0xffff  }
0x353: {  	v33 =	vadd.s32 v38, v21;
	v28 =	vld.idx.msk [tilespmem:v28+s13+$0x0], $0xffff  }
0x354: {  	v29 =	vld.idx.msk [tilespmem:v29+s13+$0x0], $0xffff  }
0x355: {  	v30 =	vld.idx.msk [tilespmem:v30+s13+$0x0], $0xffff  }
0x356: {  	v31 =	vld.idx.msk [tilespmem:v31+s13+$0x0], $0xffff  }
0x357: {  	v32 =	vld.idx.msk [tilespmem:v32+s13+$0x0], $0xffff  }
0x358: {  	v33 =	vld.idx.msk [tilespmem:v33+s13+$0x0], $0xffff;
	v37 =	vadd.s32 v40, v21  }
0x359: {  	v34 =	vld.idx.msk [tilespmem:v34+s13+$0x0], $0xffff;
	v38 =	vadd.s32 v41, v21  }
0x35a: {  	v39 =	vadd.s32 v39, v21;
	v40 =	vld [tilespmem:s23+$0xFFFFDA50];
	v41 =	vor.u32 v5, v19  }
0x35b: {  	v35 =	vld.idx.msk [tilespmem:v35+s13+$0x0], $0xffff  }
0x35c: {  	v36 =	vld.idx.msk [tilespmem:v36+s13+$0x0], $0xffff  }
0x35d: {  	v37 =	vld.idx.msk [tilespmem:v37+s13+$0x0], $0xffff  }
0x35e: {  	v38 =	vld.idx.msk [tilespmem:v38+s13+$0x0], $0xffff  }
0x35f: {  	v39 =	vld.idx.msk [tilespmem:v39+s13+$0x0], $0xffff;
	[tilespmem:v41+s14+$0x0] =	vst.idx.msk $0xffff, v40  }
0x360: {  	v41 =	vor.u32 v5, v20;
	v40 =	vld [tilespmem:s23+$0xFFFFDA60];
	_ =	sdelay $0x4  }
0x361: {  	[tilespmem:v41+s14+$0x0] =	vst.idx.msk $0xffff, v40  }
0x362: {  	v41 =	vor.u32 v5, v22;
	v40 =	vld [tilespmem:s23+$0xFFFFDA70];
	_ =	sdelay $0x4  }
0x363: {  	[tilespmem:v41+s14+$0x0] =	vst.idx.msk $0xffff, v40  }
0x364: {  	v41 =	vor.u32 v5, v23;
	v40 =	vld [tilespmem:s23+$0xFFFFDA80];
	_ =	sdelay $0x4  }
0x365: {  	[tilespmem:v41+s14+$0x0] =	vst.idx.msk $0xffff, v40  }
0x366: {  	v41 =	vor.u32 v6, v19;
	v40 =	vld [tilespmem:s23+$0xFFFFDAD0];
	_ =	sdelay $0x4  }
0x367: {  	[tilespmem:v41+s14+$0x0] =	vst.idx.msk $0xffff, v40  }
0x368: {  	v41 =	vor.u32 v6, v20;
	v40 =	vld [tilespmem:s23+$0xFFFFDAE0];
	_ =	sdelay $0x4  }
0x369: {  	[tilespmem:v41+s14+$0x0] =	vst.idx.msk $0xffff, v40  }
0x36a: {  	v41 =	vor.u32 v6, v22;
	v40 =	vld [tilespmem:s23+$0xFFFFDAF0];
	_ =	sdelay $0x4  }
0x36b: {  	[tilespmem:v41+s14+$0x0] =	vst.idx.msk $0xffff, v40  }
0x36c: {  	v41 =	vor.u32 v6, v23;
	v40 =	vld [tilespmem:s23+$0xFFFFDB00];
	_ =	sdelay $0x4  }
0x36d: {  	[tilespmem:v41+s14+$0x0] =	vst.idx.msk $0xffff, v40  }
0x36e: {  	v41 =	vor.u32 v7, v19;
	v40 =	vld [tilespmem:s23+$0xFFFFDB50];
	_ =	sdelay $0x4  }
0x36f: {  	[tilespmem:v41+s14+$0x0] =	vst.idx.msk $0xffff, v40  }
0x370: {  	v41 =	vor.u32 v7, v20;
	v40 =	vld [tilespmem:s23+$0xFFFFDB60];
	_ =	sdelay $0x4  }
0x371: {  	[tilespmem:v41+s14+$0x0] =	vst.idx.msk $0xffff, v40  }
0x372: {  	v41 =	vor.u32 v7, v22;
	v40 =	vld [tilespmem:s23+$0xFFFFDB70];
	_ =	sdelay $0x4  }
0x373: {  	[tilespmem:v41+s14+$0x0] =	vst.idx.msk $0xffff, v40  }
0x374: {  	v41 =	vor.u32 v7, v23;
	v40 =	vld [tilespmem:s23+$0xFFFFDB80];
	_ =	sdelay $0x4  }
0x375: {  	[tilespmem:v41+s14+$0x0] =	vst.idx.msk $0xffff, v40  }
0x376: {  	v41 =	vor.u32 v8, v19;
	v40 =	vld [tilespmem:s23+$0xFFFFDBD0];
	_ =	sdelay $0x4  }
0x377: {  	[tilespmem:v41+s14+$0x0] =	vst.idx.msk $0xffff, v40  }
0x378: {  	v41 =	vor.u32 v8, v20;
	v40 =	vld [tilespmem:s23+$0xFFFFDBE0];
	_ =	sdelay $0x4  }
0x379: {  	[tilespmem:v41+s14+$0x0] =	vst.idx.msk $0xffff, v40  }
0x37a: {  	v41 =	vor.u32 v8, v22;
	v40 =	vld [tilespmem:s23+$0xFFFFDBF0];
	_ =	sdelay $0x4  }
0x37b: {  	[tilespmem:v41+s14+$0x0] =	vst.idx.msk $0xffff, v40  }
0x37c: {  	v41 =	vor.u32 v8, v23;
	v40 =	vld [tilespmem:s23+$0xFFFFDC00];
	_ =	sdelay $0x4  }
0x37d: {  	[tilespmem:v41+s14+$0x0] =	vst.idx.msk $0xffff, v40  }
0x37e: {  	v40 =	vld [tilespmem:$0x1FDF0];
	[tilespmem:s22+$0xFFFFFF00] =	vst v24  }
0x37f: {  	v41 =	vld [tilespmem:$0x1FE00];
	[tilespmem:s22+$0xFFFFFF10] =	vst v25  }
0x380: {  	[tilespmem:s22+$0xFFFFFF50] =	vst v29;
	v29 =	vld [tilespmem:$0x1FD40]  }
0x381: {  	[tilespmem:s22+$0xFFFFFF60] =	vst v30;
	v30 =	vld [tilespmem:$0x1FD50]  }
0x382: {  	[tilespmem:s22+$0xFFFFFF70] =	vst v31;
	v31 =	vld [tilespmem:$0x1FD60]  }
0x383: {  	[tilespmem:s22+$0xFFFFFF80] =	vst v32;
	v32 =	vld [tilespmem:$0x1FD70]  }
0x384: {  	[tilespmem:s22+$0xFFFFFF90] =	vst v33;
	v33 =	vld [tilespmem:$0x1FD80]  }
0x385: {  	[tilespmem:s22+$0xFFFFFFA0] =	vst v34;
	v34 =	vld [tilespmem:$0x1FD90]  }
0x386: {  	[tilespmem:s22+$0xFFFFFFB0] =	vst v35;
	v35 =	vld [tilespmem:$0x1FDA0]  }
0x387: {  	[tilespmem:s22+$0xFFFFFFC0] =	vst v36;
	v36 =	vld [tilespmem:$0x1FDB0]  }
0x388: {  	[tilespmem:s22+$0xFFFFFFF0] =	vst v39;
	v39 =	vld [tilespmem:$0x1FDE0]  }
0x389: {  	[tilespmem:s22+$0xFFFFFFD0] =	vst v37;
	v37 =	vld [tilespmem:$0x1FDC0];
	v24 =	vadd.s32 v29, v21  }
0x38a: {  	[tilespmem:s22+$0xFFFFFFE0] =	vst v38;
	v38 =	vld [tilespmem:$0x1FDD0];
	v25 =	vadd.s32 v30, v21  }
0x38b: {  	[tilespmem:s22+$0xFFFFFF20] =	vst v26;
	v26 =	vadd.s32 v31, v21;
	v30 =	vadd.s32 v35, v21;
	v35 =	vadd.s32 v40, v21;
	v40 =	vld [tilespmem:$0x1FE10]  }
0x38c: {  	[tilespmem:s22+$0xFFFFFF30] =	vst v27;
	v27 =	vadd.s32 v32, v21;
	v31 =	vadd.s32 v36, v21;
	v36 =	vadd.s32 v41, v21;
	v41 =	vld [tilespmem:$0x1FE20]  }
0x38d: {  	[tilespmem:s22+$0xFFFFFF40] =	vst v28;
	v28 =	vadd.s32 v33, v21;
	v29 =	vadd.s32 v34, v21;
	v34 =	vadd.s32 v39, v21;
	v39 =	vld [tilespmem:$0x1FE30]  }
0x38e: {  	v24 =	vld.idx.msk [tilespmem:v24+s13+$0x0], $0xffff  }
0x38f: {  	v25 =	vld.idx.msk [tilespmem:v25+s13+$0x0], $0xffff  }
0x390: {  	v26 =	vld.idx.msk [tilespmem:v26+s13+$0x0], $0xffff  }
0x391: {  	v32 =	vadd.s32 v37, v21;
	v27 =	vld.idx.msk [tilespmem:v27+s13+$0x0], $0xffff  }
0x392: {  	v33 =	vadd.s32 v38, v21;
	v28 =	vld.idx.msk [tilespmem:v28+s13+$0x0], $0xffff  }
0x393: {  	v29 =	vld.idx.msk [tilespmem:v29+s13+$0x0], $0xffff  }
0x394: {  	v30 =	vld.idx.msk [tilespmem:v30+s13+$0x0], $0xffff  }
0x395: {  	v31 =	vld.idx.msk [tilespmem:v31+s13+$0x0], $0xffff  }
0x396: {  	v32 =	vld.idx.msk [tilespmem:v32+s13+$0x0], $0xffff  }
0x397: {  	v33 =	vld.idx.msk [tilespmem:v33+s13+$0x0], $0xffff;
	v37 =	vadd.s32 v40, v21  }
0x398: {  	v34 =	vld.idx.msk [tilespmem:v34+s13+$0x0], $0xffff;
	v38 =	vadd.s32 v41, v21  }
0x399: {  	v39 =	vadd.s32 v39, v21;
	v40 =	vld [tilespmem:s23+$0xFFFFFC50];
	v41 =	vor.u32 v9, v19  }
0x39a: {  	v35 =	vld.idx.msk [tilespmem:v35+s13+$0x0], $0xffff  }
0x39b: {  	v36 =	vld.idx.msk [tilespmem:v36+s13+$0x0], $0xffff  }
0x39c: {  	v37 =	vld.idx.msk [tilespmem:v37+s13+$0x0], $0xffff  }
0x39d: {  	v38 =	vld.idx.msk [tilespmem:v38+s13+$0x0], $0xffff  }
0x39e: {  	v39 =	vld.idx.msk [tilespmem:v39+s13+$0x0], $0xffff;
	[tilespmem:v41+s14+$0x0] =	vst.idx.msk $0xffff, v40  }
0x39f: {  	v41 =	vor.u32 v9, v20;
	v40 =	vld [tilespmem:s23+$0xFFFFFC60];
	_ =	sdelay $0x4  }
0x3a0: {  	[tilespmem:v41+s14+$0x0] =	vst.idx.msk $0xffff, v40  }
0x3a1: {  	v41 =	vor.u32 v9, v22;
	v40 =	vld [tilespmem:s23+$0xFFFFFC70];
	_ =	sdelay $0x4  }
0x3a2: {  	[tilespmem:v41+s14+$0x0] =	vst.idx.msk $0xffff, v40  }
0x3a3: {  	v41 =	vor.u32 v9, v23;
	v40 =	vld [tilespmem:s23+$0xFFFFFC80];
	_ =	sdelay $0x4  }
0x3a4: {  	[tilespmem:v41+s14+$0x0] =	vst.idx.msk $0xffff, v40  }
0x3a5: {  	v41 =	vor.u32 v10, v19;
	v40 =	vld [tilespmem:s23+$0xFFFFFCD0];
	_ =	sdelay $0x4  }
0x3a6: {  	[tilespmem:v41+s14+$0x0] =	vst.idx.msk $0xffff, v40  }
0x3a7: {  	v41 =	vor.u32 v10, v20;
	v40 =	vld [tilespmem:s23+$0xFFFFFCE0];
	_ =	sdelay $0x4  }
0x3a8: {  	[tilespmem:v41+s14+$0x0] =	vst.idx.msk $0xffff, v40  }
0x3a9: {  	v41 =	vor.u32 v10, v22;
	v40 =	vld [tilespmem:s23+$0xFFFFFCF0];
	_ =	sdelay $0x4  }
0x3aa: {  	[tilespmem:v41+s14+$0x0] =	vst.idx.msk $0xffff, v40  }
0x3ab: {  	v41 =	vor.u32 v10, v23;
	v40 =	vld [tilespmem:s23+$0xFFFFFD00];
	_ =	sdelay $0x4  }
0x3ac: {  	[tilespmem:v41+s14+$0x0] =	vst.idx.msk $0xffff, v40  }
0x3ad: {  	v41 =	vor.u32 v11, v19;
	v40 =	vld [tilespmem:s23+$0xFFFFFD50];
	_ =	sdelay $0x4  }
0x3ae: {  	[tilespmem:v41+s14+$0x0] =	vst.idx.msk $0xffff, v40  }
0x3af: {  	v41 =	vor.u32 v11, v20;
	v40 =	vld [tilespmem:s23+$0xFFFFFD60];
	_ =	sdelay $0x4  }
0x3b0: {  	[tilespmem:v41+s14+$0x0] =	vst.idx.msk $0xffff, v40  }
0x3b1: {  	v41 =	vor.u32 v11, v22;
	v40 =	vld [tilespmem:s23+$0xFFFFFD70];
	_ =	sdelay $0x4  }
0x3b2: {  	[tilespmem:v41+s14+$0x0] =	vst.idx.msk $0xffff, v40  }
0x3b3: {  	v41 =	vor.u32 v11, v23;
	v40 =	vld [tilespmem:s23+$0xFFFFFD80];
	_ =	sdelay $0x4  }
0x3b4: {  	[tilespmem:v41+s14+$0x0] =	vst.idx.msk $0xffff, v40  }
0x3b5: {  	v41 =	vor.u32 v12, v19;
	v40 =	vld [tilespmem:s23+$0xFFFFFDD0];
	_ =	sdelay $0x4  }
0x3b6: {  	[tilespmem:v41+s14+$0x0] =	vst.idx.msk $0xffff, v40  }
0x3b7: {  	v41 =	vor.u32 v12, v20;
	v40 =	vld [tilespmem:s23+$0xFFFFFDE0];
	_ =	sdelay $0x4  }
0x3b8: {  	[tilespmem:v41+s14+$0x0] =	vst.idx.msk $0xffff, v40  }
0x3b9: {  	v41 =	vor.u32 v12, v22;
	v40 =	vld [tilespmem:s23+$0xFFFFFDF0];
	_ =	sdelay $0x4  }
0x3ba: {  	[tilespmem:v41+s14+$0x0] =	vst.idx.msk $0xffff, v40  }
0x3bb: {  	v41 =	vor.u32 v12, v23;
	v40 =	vld [tilespmem:s23+$0xFFFFFE00];
	_ =	sdelay $0x4  }
0x3bc: {  	[tilespmem:v41+s14+$0x0] =	vst.idx.msk $0xffff, v40  }
0x3bd: {  	[tilespmem:s22+$0x0] =	vst v24  }
0x3be: {  	[tilespmem:s22+$0x10] =	vst v25  }
0x3bf: {  	[tilespmem:s22+$0x20] =	vst v26  }
0x3c0: {  	[tilespmem:s22+$0x30] =	vst v27  }
0x3c1: {  	[tilespmem:s22+$0x40] =	vst v28  }
0x3c2: {  	v40 =	vld [tilespmem:$0x1FF30];
	[tilespmem:s22+$0x50] =	vst v29  }
0x3c3: {  	[tilespmem:s22+$0x60] =	vst v30;
	v30 =	vld [tilespmem:$0x1FE40]  }
0x3c4: {  	[tilespmem:s22+$0x70] =	vst v31;
	v31 =	vld [tilespmem:$0x1FE50]  }
0x3c5: {  	[tilespmem:s22+$0x80] =	vst v32;
	v32 =	vld [tilespmem:$0x1FE60]  }
0x3c6: {  	v41 =	vmov v42;
	v42 =	vmov v43;
	[tilespmem:s22+$0x90] =	vst v33;
	v33 =	vld [tilespmem:$0x1FE70]  }
0x3c7: {  	v43 =	vmovc v44;
	v44 =	vmovc v45;
	v45 =	vmov v46;
	v46 =	vmov v47;
	v47 =	vmov v48;
	[tilespmem:s22+$0xA0] =	vst v34;
	v34 =	vld [tilespmem:$0x1FE80]  }
0x3c8: {  	v48 =	vmovc v49;
	v49 =	vmovc v50;
	v50 =	vmov v51;
	v51 =	vmov v52;
	v52 =	vmov v53;
	[tilespmem:s22+$0xF0] =	vst v39;
	v39 =	vld [tilespmem:$0x1FED0]  }
0x3c9: {  	v53 =	vmovc v54;
	v54 =	vmovc v55;
	v55 =	vmov v56;
	v56 =	vmov v57;
	[tilespmem:s22+$0xB0] =	vst v35;
	v35 =	vld [tilespmem:$0x1FE90];
	v57 =	vadd.s32 v40, v21  }
0x3ca: {  	[tilespmem:s22+$0xC0] =	vst v36;
	v36 =	vld [tilespmem:$0x1FEA0];
	v40 =	vadd.s32 v59, v21  }
0x3cb: {  	[tilespmem:s22+$0xD0] =	vst v37;
	v37 =	vld [tilespmem:$0x1FEB0];
	v25 =	vadd.s32 v30, v21  }
0x3cc: {  	[tilespmem:s22+$0xE0] =	vst v38;
	v38 =	vld [tilespmem:$0x1FEC0];
	v26 =	vadd.s32 v31, v21  }
0x3cd: {  	v27 =	vadd.s32 v32, v21;
	v29 =	vadd.s32 v34, v21;
	v34 =	vadd.s32 v39, v21;
	v39 =	vld [tilespmem:s23+$0xFFFFFE50]  }
0x3ce: {  	v28 =	vadd.s32 v33, v21;
	v24 =	vld.idx.msk [tilespmem:v57+s13+$0x0], $0xffff  }
0x3cf: {  	v30 =	vadd.s32 v35, v21;
	v35 =	vld.idx.msk [tilespmem:v40+s13+$0x0], $0xffff  }
0x3d0: {  	v25 =	vld.idx.msk [tilespmem:v25+s13+$0x0], $0xffff  }
0x3d1: {  	v31 =	vadd.s32 v36, v21;
	v26 =	vld.idx.msk [tilespmem:v26+s13+$0x0], $0xffff  }
0x3d2: {  	v32 =	vadd.s32 v37, v21;
	v27 =	vld.idx.msk [tilespmem:v27+s13+$0x0], $0xffff  }
0x3d3: {  	v33 =	vadd.s32 v38, v21;
	v28 =	vld.idx.msk [tilespmem:v28+s13+$0x0], $0xffff  }
0x3d4: {  	v29 =	vld.idx.msk [tilespmem:v29+s13+$0x0], $0xffff  }
0x3d5: {  	v36 =	vadd.s32 v58, v21;
	v30 =	vld.idx.msk [tilespmem:v30+s13+$0x0], $0xffff  }
0x3d6: {  	v37 =	vadd.s32 v0, v21;
	v31 =	vld.idx.msk [tilespmem:v31+s13+$0x0], $0xffff  }
0x3d7: {  	v38 =	vadd.s32 v1, v21;
	v32 =	vld.idx.msk [tilespmem:v32+s13+$0x0], $0xffff  }
0x3d8: {  	v21 =	vadd.s32 v60, v21;
	v57 =	vor.u32 v13, v19;
	v33 =	vld.idx.msk [tilespmem:v33+s13+$0x0], $0xffff  }
0x3d9: {  	v34 =	vld.idx.msk [tilespmem:v34+s13+$0x0], $0xffff  }
0x3da: {  	v36 =	vld.idx.msk [tilespmem:v36+s13+$0x0], $0xffff  }
0x3db: {  	v37 =	vld.idx.msk [tilespmem:v37+s13+$0x0], $0xffff  }
0x3dc: {  	v38 =	vld.idx.msk [tilespmem:v38+s13+$0x0], $0xffff  }
0x3dd: {  	v21 =	vld.idx.msk [tilespmem:v21+s13+$0x0], $0xffff;
	[tilespmem:v57+s14+$0x0] =	vst.idx.msk $0xffff, v39  }
0x3de: {  	v57 =	vor.u32 v13, v20;
	v39 =	vld [tilespmem:s23+$0xFFFFFE60];
	_ =	sdelay $0x4  }
0x3df: {  	[tilespmem:v57+s14+$0x0] =	vst.idx.msk $0xffff, v39  }
0x3e0: {  	v57 =	vor.u32 v13, v22;
	v39 =	vld [tilespmem:s23+$0xFFFFFE70];
	_ =	sdelay $0x4  }
0x3e1: {  	[tilespmem:v57+s14+$0x0] =	vst.idx.msk $0xffff, v39  }
0x3e2: {  	v57 =	vor.u32 v13, v23;
	v39 =	vld [tilespmem:s23+$0xFFFFFE80];
	_ =	sdelay $0x4  }
0x3e3: {  	[tilespmem:v57+s14+$0x0] =	vst.idx.msk $0xffff, v39  }
0x3e4: {  	v57 =	vor.u32 v14, v19;
	v39 =	vld [tilespmem:s23+$0xFFFFFED0];
	_ =	sdelay $0x4  }
0x3e5: {  	[tilespmem:v57+s14+$0x0] =	vst.idx.msk $0xffff, v39  }
0x3e6: {  	v57 =	vor.u32 v14, v20;
	v39 =	vld [tilespmem:s23+$0xFFFFFEE0];
	_ =	sdelay $0x4  }
0x3e7: {  	[tilespmem:v57+s14+$0x0] =	vst.idx.msk $0xffff, v39  }
0x3e8: {  	v57 =	vor.u32 v14, v22;
	v39 =	vld [tilespmem:s23+$0xFFFFFEF0];
	_ =	sdelay $0x4  }
0x3e9: {  	[tilespmem:v57+s14+$0x0] =	vst.idx.msk $0xffff, v39  }
0x3ea: {  	v57 =	vor.u32 v14, v23;
	v39 =	vld [tilespmem:s23+$0xFFFFFF00];
	_ =	sdelay $0x4  }
0x3eb: {  	[tilespmem:v57+s14+$0x0] =	vst.idx.msk $0xffff, v39  }
0x3ec: {  	v57 =	vor.u32 v15, v19;
	v39 =	vld [tilespmem:s23+$0xFFFFFF50];
	_ =	sdelay $0x4  }
0x3ed: {  	[tilespmem:v57+s14+$0x0] =	vst.idx.msk $0xffff, v39  }
0x3ee: {  	v57 =	vor.u32 v15, v20;
	v39 =	vld [tilespmem:s23+$0xFFFFFF60];
	_ =	sdelay $0x4  }
0x3ef: {  	[tilespmem:v57+s14+$0x0] =	vst.idx.msk $0xffff, v39  }
0x3f0: {  	v57 =	vor.u32 v15, v22;
	v39 =	vld [tilespmem:s23+$0xFFFFFF70];
	_ =	sdelay $0x4  }
0x3f1: {  	[tilespmem:v57+s14+$0x0] =	vst.idx.msk $0xffff, v39  }
0x3f2: {  	v57 =	vor.u32 v15, v23;
	v39 =	vld [tilespmem:s23+$0xFFFFFF80];
	_ =	sdelay $0x4  }
0x3f3: {  	[tilespmem:v57+s14+$0x0] =	vst.idx.msk $0xffff, v39  }
0x3f4: {  	v19 =	vor.u32 v18, v19;
	v39 =	vld [tilespmem:s23+$0xFFFFFFD0];
	_ =	sdelay $0x4  }
0x3f5: {  	[tilespmem:v19+s14+$0x0] =	vst.idx.msk $0xffff, v39  }
0x3f6: {  	v20 =	vor.u32 v18, v20;
	v19 =	vld [tilespmem:s23+$0xFFFFFFE0];
	_ =	sdelay $0x4  }
0x3f7: {  	[tilespmem:v20+s14+$0x0] =	vst.idx.msk $0xffff, v19  }
0x3f8: {  	v20 =	vor.u32 v18, v22;
	v19 =	vld [tilespmem:s23+$0xFFFFFFF0];
	_ =	sdelay $0x4  }
0x3f9: {  	[tilespmem:v20+s14+$0x0] =	vst.idx.msk $0xffff, v19  }
0x3fa: {  	v20 =	vor.u32 v18, v23;
	v19 =	vld [tilespmem:s23+$0x0];
	_ =	sdelay $0x4  }
0x3fb: {  	[tilespmem:v20+s14+$0x0] =	vst.idx.msk $0xffff, v19  }
0x3fc: {  	[tilespmem:s22+$0x100] =	vst v24  }
0x3fd: {  	[tilespmem:s22+$0x110] =	vst v25  }
0x3fe: {  	[tilespmem:s22+$0x120] =	vst v26  }
0x3ff: {  	[tilespmem:s22+$0x130] =	vst v27  }
0x400: {  	[tilespmem:s22+$0x140] =	vst v28  }
0x401: {  	[tilespmem:s22+$0x150] =	vst v29  }
0x402: {  	[tilespmem:s22+$0x160] =	vst v30  }
0x403: {  	[tilespmem:s22+$0x170] =	vst v31  }
0x404: {  	[tilespmem:s22+$0x180] =	vst v32  }
0x405: {  	[tilespmem:s22+$0x190] =	vst v33  }
0x406: {  	p0 =	sne.s32 s20, $0x7E;
	[tilespmem:s22+$0x1A0] =	vst v34  }
.Ltmp8:
0x407: {  	[tilespmem:s22+$0x1B0] =	vst v35;
	(pc) =	sbr.rel @p0 .LBB2_8-.Ltmp8, $4  }
0x408: {  	[tilespmem:s22+$0x1C0] =	vst v36  }
0x409: {  	[tilespmem:s22+$0x1D0] =	vst v37  }
0x40a: {  	s21 =	sadd.s32 $0x80, s21;
	[tilespmem:s22+$0x1E0] =	vst v38  }
0x40b: {  	s20 =	sadd.s32 $0x10, s20;
	s23 =	sadd.s32 $0x400, s23;
	[tilespmem:s22+$0x1F0] =	vst v21;
	s22 =	sadd.s32 $0x800, s22  }
0x40c: {  	s20 =	sand.u32 $0xFFFE, s19  }
0x40d: {  	s20 =	sshrl.u32 s20, $0x1  }
0x40e: {  	s20 =	smul.u32 $0xA73, s20;
	_ =	sdelay $0x1  }
0x40f: {  	s20 =	sshrl.u32 s20, $0x11  }
0x410: {  	s21 =	smul.u32 $0x3FFF9E, s20;
	_ =	sdelay $0x1  }
0x411: {  	s31 =	sadd.s32 s19, s21  }
0x412: {  	s19 =	sshll.u32 s31, $0xA  }
0x413: {  	p0 =	slt.s32 s19, $0x18300  }
0x414: {  	v60 =	vld [tilespmem:$0x1FF90];
	s20 =	smul.u32 $0x30E0, s20;
	s19 =	simm.s32 @!p0 $0x18300  }
.Ltmp9:
0x415: {  	v59 =	vld [tilespmem:$0x1FF80];
	s19 =	sshrl.u32 s19, $0x3;
	(pc) =	sbr.rel .LBB2_10-.Ltmp9, $4  }
0x416: {  	v58 =	vld [tilespmem:$0x1FF70];
	s19 =	sadd.s32 s20, s19  }
0x417: {  	v25 =	vld [tilespmem:$0x1FF60];
	s19 =	sshll.u32 s19, $0x4  }
0x418: {  	v26 =	vld [tilespmem:$0x1FF50];
	s19 =	sadd.s32 s3, s19  }
0x419: {  	v1 =	vld [tilespmem:$0x1FF40];
	[hbm4b:s19+s5] =	stream.linear.scatter [tilespmem:s14], [sflag:$0x4], $0x4000, $0x38  }
.LBB2_12:
0x41a: {  	_ =	sfence.sel $0x180000  }
0x41b: {  	[bflag:$0x0] =	sbarrier.arrive $0xFFFF  }
0x41c: {  	p0 =	sne.s32 s1, $0x0;
	_ =	strace $0x90000047  }
0x41d: {  	s0 =	sadd.s32 @!p0 $0x100000, s2;
	[bflag:$0x2] =	sbarrier.arrive $0xFFFF  }
0x41e: {  	[sflag:s0] =	ssyncadd.tile.s32 @!p0 $0x1;
	_ =	shalt  }
.Lfunc_end2:
_tile_overlayer_lowered:
.L_overlay_start_2:
0x41f: {  	(tag) =	ssettag $0x2  }
0x420: {  	s0 =	rddreg [dreg:$0x0];
	s2 =	stileid.u32  }
0x421: {  	s1 =	rddreg [dreg:$0x1];
	p0 =	sne.s32 s2, $0x0  }
0x422: {  	s3 =	rddreg [dreg:$0x2];
	[bflag:$0x3] =	sbarrier.arrive $0xFFFF;
	s2 =	simm.s32 @!p0 $0x1C05  }
0x423: {  	[timem:s3], [sflag:s2] =	dma.local @!p0 [hbm:s0], s1  }
0x424: {  	s0 =	simm.s32 @!p0 $0x5  }
0x425: {  	_ =	swait.ge @!p0 [sflag:s0], s1  }
0x426: {  	s1 =	ssub.s32 @!p0 $0x0, s1;
	[sflag:s0] =	ssyncset.done @!p0 $0x0  }
0x427: {  	[sflag:s0] =	ssyncadd.s32 @!p0 s1  }
0x428: {  	[bflag:$0x3] =	sbarrier.arrive $0xFFFF  }
0x429: {  	_ =	shalt  }

</sc_bundles>
